<compile_context>
chip_gen: v7x
topology: tpu7x:2x2x1
jax: 0.10.2.dev20260603
libtpu: 0.0.44.dev20260713+nightly
codegen_flags: <defaults>
</compile_context>

<pallas_src>
import functools

import jax
import jax.numpy as jnp
from jax import lax
from jax.experimental import pallas as pl
from jax.experimental.pallas import tpu as pltpu
from jax.experimental.pallas import tpu_sc as plsc

NUM_CLASSES = 1000
N_CTX = 16
CTX_DIM = 768
SEQ_LEN = 77
BATCH = 1024

N_SUF = SEQ_LEN - 1 - N_CTX

_info = plsc.get_sparse_core_info()
NC, NS, NL = _info.num_cores, _info.num_subcores, _info.num_lanes
NW = NC * NS
BPW = BATCH // NW

_NRING = 4

_mesh = plsc.VectorSubcoreMesh(core_axis_name="c", subcore_axis_name="s")


@functools.partial(
    pl.kernel,
    out_type=jax.ShapeDtypeStruct((BATCH, N_CTX, CTX_DIM), jnp.float32),
    mesh=_mesh,
    compiler_params=pltpu.CompilerParams(
        use_tc_tiling_on_sc=True, needs_layout_passes=False),
    scratch_types=(
        [pltpu.VMEM((BPW,), jnp.int32)]
        + [pltpu.VMEM((N_CTX, CTX_DIM), jnp.float32)] * _NRING
        + [pltpu.SemaphoreType.DMA] * (2 * _NRING)
    ),
)
def _gather_ctx_sc(label_hbm, ctx_hbm, gctx_hbm, idx_v, *bufs_sems):
    bufs = bufs_sems[:_NRING]
    gsems = bufs_sems[_NRING:2 * _NRING]
    osems = bufs_sems[2 * _NRING:]

    wid = lax.axis_index("s") * NC + lax.axis_index("c")
    base = wid * BPW

    pltpu.sync_copy(label_hbm.at[pl.ds(base, BPW)], idx_v)

    lanes = lax.iota(jnp.int32, NL)
    chunks = [idx_v[pl.ds(k * NL, NL)] for k in range(BPW // NL)]

    def label_of(e):
        v = jnp.where(lanes == (e % NL), chunks[e // NL], 0)
        return lax.reduce_max(v, (0,))

    labels = [label_of(e) for e in range(BPW)]

    def cin(e):
        s = e % _NRING
        return pltpu.make_async_copy(
            ctx_hbm.at[labels[e]], bufs[s], gsems[s])

    def cout(e):
        s = e % _NRING
        return pltpu.make_async_copy(
            bufs[s], gctx_hbm.at[base + e], osems[s])

    for e in range(_NRING):
        cin(e).start()

    for e in range(BPW):
        cin(e).wait()
        cout(e).start()
        if e + _NRING < BPW:
            cout(e).wait()
            cin(e + _NRING).start()
        else:
            cout(e).wait()


B_TC = 8


def _concat_tc(lbl_ref, pre_ref, gctx_ref, *suf_and_out):
    del lbl_ref
    suf_refs = suf_and_out[:B_TC]
    out_ref = suf_and_out[B_TC]
    out_ref[:, 0:1, :] = jnp.broadcast_to(pre_ref[...], (B_TC, 1, CTX_DIM))
    out_ref[:, 1:1 + N_CTX, :] = gctx_ref[...]
    for j in range(B_TC):
        out_ref[j:j + 1, 1 + N_CTX:SEQ_LEN, :] = suf_refs[j][...]


_assemble_tc = pl.pallas_call(
    _concat_tc,
    out_shape=jax.ShapeDtypeStruct((BATCH, SEQ_LEN, CTX_DIM), jnp.float32),
    grid_spec=pltpu.PrefetchScalarGridSpec(
        num_scalar_prefetch=1,
        grid=(BATCH // B_TC,),
        in_specs=[
            pl.BlockSpec((1, 1, CTX_DIM), lambda i, lbl: (0, 0, 0)),
            pl.BlockSpec((B_TC, N_CTX, CTX_DIM), lambda i, lbl: (i, 0, 0)),
        ] + [
            pl.BlockSpec(
                (1, N_SUF, CTX_DIM),
                functools.partial(
                    lambda j, i, lbl: (lbl[i * B_TC + j], 0, 0), j))
            for j in range(B_TC)
        ],
        out_specs=pl.BlockSpec(
            (B_TC, SEQ_LEN, CTX_DIM), lambda i, lbl: (i, 0, 0)),
    ),
)


@jax.jit
def kernel(label, cls_ctx, token_prefix, token_suffix):
    lab = label.astype(jnp.int32)
    gctx = _gather_ctx_sc(lab, cls_ctx)
    return _assemble_tc(
        lab, token_prefix, gctx, *([token_suffix] * B_TC))

# --- scband reference (transcript-rebuilt; emitter-appended) ---
"""Pipeline reference for scband-prompt-learner-18038862643716 (READ-ONLY COPY).

The authoritative reference and input builder live on the scoring server;
editing this copy changes nothing except your own understanding.
"""

import jax, jax.numpy as jnp
import numpy as np

NUM_CLASSES = 1000
N_CTX = 16
CTX_DIM = 768
SEQ_LEN = 77
BATCH = 1024


def setup_inputs(seed: int = 0) -> dict:
    key = jax.random.key(seed)
    k_label, k_ctx, k_pre, k_suf = jax.random.split(key, 4)
    label = jax.random.randint(k_label, (BATCH,), 0, NUM_CLASSES, dtype=jnp.int64 if jax.config.jax_enable_x64 else jnp.int32).astype(jnp.int32)
    # learned per-class context vectors, init std=0.02 as in the torch module
    cls_ctx = jax.random.normal(k_ctx, (NUM_CLASSES, N_CTX, CTX_DIM), dtype=jnp.float32) * 0.02
    # frozen token embeddings: SOS prefix [1, 1, dim] and per-class suffix [num_classes, 77-1-n_ctx, dim]
    token_prefix = jax.random.normal(k_pre, (1, 1, CTX_DIM), dtype=jnp.float32) * 0.02
    token_suffix = jax.random.normal(k_suf, (NUM_CLASSES, SEQ_LEN - 1 - N_CTX, CTX_DIM), dtype=jnp.float32) * 0.02
    return {"label": label, "cls_ctx": cls_ctx, "token_prefix": token_prefix, "token_suffix": token_suffix}


def reference(label, cls_ctx, token_prefix, token_suffix):
    # cls_ctx[label] -> [B, n_ctx, dim]
    ctx = jnp.take(cls_ctx, label, axis=0)
    b = label.shape[0]
    # prefix expand to [B, 1, dim]
    prefix = jnp.broadcast_to(token_prefix, (b, token_prefix.shape[1], token_prefix.shape[2]))
    # suffix gather -> [B, 77 - 1 - n_ctx, dim]
    suffix = jnp.take(token_suffix, label, axis=0)
    prompts = jnp.concatenate([prefix, ctx, suffix], axis=1)
    return prompts

if __name__ == "__main__":
    import jax
    _d = setup_inputs()
    print(jax.jit(kernel)(*tuple(_d.values())))

</pallas_src>

<mosaic_0001>
#map = affine_map<(d0, d1) -> (0)>
#map1 = affine_map<(d0, d1) -> (0, 0, 0)>
module attributes {stable_mosaic.version = 14 : i64} {
  func.func @_gather_ctx_sc(%arg0: i32, %arg1: i32, %arg2: memref<1024xi32, #tpu.memory_space<hbm>>, %arg3: memref<1000x16x768xf32, #tpu.memory_space<hbm>>, %arg4: memref<1024x16x768xf32, #tpu.memory_space<hbm>>, %arg5: memref<32xi32, #tpu.memory_space<vmem>>, %arg6: memref<16x768xf32, #tpu.memory_space<vmem>>, %arg7: memref<16x768xf32, #tpu.memory_space<vmem>>, %arg8: memref<16x768xf32, #tpu.memory_space<vmem>>, %arg9: memref<16x768xf32, #tpu.memory_space<vmem>>, %arg10: memref<!tpu.dma_semaphore, #tpu.memory_space<semaphore_mem>>, %arg11: memref<!tpu.dma_semaphore, #tpu.memory_space<semaphore_mem>>, %arg12: memref<!tpu.dma_semaphore, #tpu.memory_space<semaphore_mem>>, %arg13: memref<!tpu.dma_semaphore, #tpu.memory_space<semaphore_mem>>, %arg14: memref<!tpu.dma_semaphore, #tpu.memory_space<semaphore_mem>>, %arg15: memref<!tpu.dma_semaphore, #tpu.memory_space<semaphore_mem>>, %arg16: memref<!tpu.dma_semaphore, #tpu.memory_space<semaphore_mem>>, %arg17: memref<!tpu.dma_semaphore, #tpu.memory_space<semaphore_mem>>) attributes {dimension_semantics = [#tpu.dimension_semantics<core_parallel>, #tpu.dimension_semantics<subcore_parallel>], iteration_bounds = array<i64: 2, 16>, scalar_prefetch = 0 : i64, scratch_operands = 13 : i64, tpu.core_type = #tpu.core_type<sc_vector_subcore>, window_params = [{transform_indices = #map}, {transform_indices = #map1}, {transform_indices = #map1}]} {
    %mul3A = arith.constant 2 : i32
    %mul3A_0 = arith.muli %arg1, %mul3A : i32
    %add3A = arith.addi %mul3A_0, %arg0 : i32
    %mul3A_1 = arith.constant 32 : i32
    %mul3A_2 = arith.muli %add3A, %mul3A_1 : i32
    "tpu.region"() ({
      %run_scoped3A = tpu.sem_alloc : memref<!tpu.dma_semaphore, #tpu.memory_space<semaphore_mem>>
      %dma_start3A_1599 = tpu.memref_slice %arg2[%mul3A_2] : memref<1024xi32, #tpu.memory_space<hbm>> -> memref<32xi32, #tpu.memory_space<hbm>>
      %dma_start3A_1600 = tpu.memref_slice %arg2[%mul3A_2] : memref<1024xi32, #tpu.memory_space<hbm>> -> memref<32xi32, #tpu.memory_space<hbm>>
      tpu.enqueue_dma source(%dma_start3A_1600 : memref<32xi32, #tpu.memory_space<hbm>>) target(%arg5 : memref<32xi32, #tpu.memory_space<vmem>>) target_semaphore(%run_scoped3A : memref<!tpu.dma_semaphore, #tpu.memory_space<semaphore_mem>>)
      %dma_wait3A_1601 = tpu.memref_slice %arg2[%mul3A_2] : memref<1024xi32, #tpu.memory_space<hbm>> -> memref<32xi32, #tpu.memory_space<hbm>>
      %dma_wait3A_1602 = tpu.memref_slice %arg2[%mul3A_2] : memref<1024xi32, #tpu.memory_space<hbm>> -> memref<32xi32, #tpu.memory_space<hbm>>
      tpu.wait_dma2 semaphore(%run_scoped3A : memref<!tpu.dma_semaphore, #tpu.memory_space<semaphore_mem>>) src(%dma_wait3A_1602 : memref<32xi32, #tpu.memory_space<hbm>>) dst(%arg5 : memref<32xi32, #tpu.memory_space<vmem>>)
      tpu.yield
    }) : () -> ()
    %iota3A = tpu.iota {dimensions = array<i32: 0>} : vector<16xi32>
    %get3A = arith.constant 0 : index
    %get3A_3 = tpu.vector_load %arg5[%get3A] {strides = array<i32>} : memref<32xi32, #tpu.memory_space<vmem>>, vector<16xi32>,
    %get3A_4 = arith.constant 16 : index
    %get3A_5 = tpu.vector_load %arg5[%get3A_4] {strides = array<i32>} : memref<32xi32, #tpu.memory_space<vmem>>, vector<16xi32>,
    %eq3A = arith.constant 0 : i32
    %eq3A_6 = vector.broadcast %eq3A : i32 to vector<16xi32>
    %eq3A_7 = arith.cmpi eq, %iota3A, %eq3A_6 : vector<16xi32>
    %jit3A = arith.constant 0 : i32
    %broadcast_in_dim3A = vector.broadcast %jit3A : i32 to vector<16xi32>
    %select_n3A = arith.select %eq3A_7, %get3A_3, %broadcast_in_dim3A : vector<16xi1>, vector<16xi32>
    %reduce_max3A = arith.constant true
    %reduce_max3A_8 = vector.broadcast %reduce_max3A : i1 to vector<16xi1>
    %reduce_max3A_9 = arith.constant -2147483648 : i32
    %reduce_max3A_10 = vector.broadcast %reduce_max3A_9 : i32 to vector<16xi32>
    %reduce_max3A_11 = arith.xori %select_n3A, %reduce_max3A_10 : vector<16xi32>
    %reduce_max3A_12 = tpu.scan <max>, %reduce_max3A_11 masked %reduce_max3A_8 : vector<16xi32>, vector<16xi1> -> vector<16xi32>
    %reduce_max3A_13 = arith.xori %reduce_max3A_12, %reduce_max3A_10 : vector<16xi32>
    %reduce_max3A_14 = vector.extract %reduce_max3A_13[15] : i32 from vector<16xi32>
    %eq3A_15 = arith.constant 1 : i32
    %eq3A_16 = vector.broadcast %eq3A_15 : i32 to vector<16xi32>
    %eq3A_17 = arith.cmpi eq, %iota3A, %eq3A_16 : vector<16xi32>
    %jit3A_18 = arith.constant 0 : i32
    %broadcast_in_dim3A_19 = vector.broadcast %jit3A_18 : i32 to vector<16xi32>
    %select_n3A_20 = arith.select %eq3A_17, %get3A_3, %broadcast_in_dim3A_19 : vector<16xi1>, vector<16xi32>
    %reduce_max3A_21 = arith.constant true
    %reduce_max3A_22 = vector.broadcast %reduce_max3A_21 : i1 to vector<16xi1>
    %reduce_max3A_23 = arith.constant -2147483648 : i32
    %reduce_max3A_24 = vector.broadcast %reduce_max3A_23 : i32 to vector<16xi32>
    %reduce_max3A_25 = arith.xori %select_n3A_20, %reduce_max3A_24 : vector<16xi32>
    %reduce_max3A_26 = tpu.scan <max>, %reduce_max3A_25 masked %reduce_max3A_22 : vector<16xi32>, vector<16xi1> -> vector<16xi32>
    %reduce_max3A_27 = arith.xori %reduce_max3A_26, %reduce_max3A_24 : vector<16xi32>
    %reduce_max3A_28 = vector.extract %reduce_max3A_27[15] : i32 from vector<16xi32>
    %eq3A_29 = arith.constant 2 : i32
    %eq3A_30 = vector.broadcast %eq3A_29 : i32 to vector<16xi32>
    %eq3A_31 = arith.cmpi eq, %iota3A, %eq3A_30 : vector<16xi32>
    %jit3A_32 = arith.constant 0 : i32
    %broadcast_in_dim3A_33 = vector.broadcast %jit3A_32 : i32 to vector<16xi32>
    %select_n3A_34 = arith.select %eq3A_31, %get3A_3, %broadcast_in_dim3A_33 : vector<16xi1>, vector<16xi32>
    %reduce_max3A_35 = arith.constant true
    %reduce_max3A_36 = vector.broadcast %reduce_max3A_35 : i1 to vector<16xi1>
    %reduce_max3A_37 = arith.constant -2147483648 : i32
    %reduce_max3A_38 = vector.broadcast %reduce_max3A_37 : i32 to vector<16xi32>
    %reduce_max3A_39 = arith.xori %select_n3A_34, %reduce_max3A_38 : vector<16xi32>
    %reduce_max3A_40 = tpu.scan <max>, %reduce_max3A_39 masked %reduce_max3A_36 : vector<16xi32>, vector<16xi1> -> vector<16xi32>
    %reduce_max3A_41 = arith.xori %reduce_max3A_40, %reduce_max3A_38 : vector<16xi32>
    %reduce_max3A_42 = vector.extract %reduce_max3A_41[15] : i32 from vector<16xi32>
    %eq3A_43 = arith.constant 3 : i32
    %eq3A_44 = vector.broadcast %eq3A_43 : i32 to vector<16xi32>
    %eq3A_45 = arith.cmpi eq, %iota3A, %eq3A_44 : vector<16xi32>
    %jit3A_46 = arith.constant 0 : i32
    %broadcast_in_dim3A_47 = vector.broadcast %jit3A_46 : i32 to vector<16xi32>
    %select_n3A_48 = arith.select %eq3A_45, %get3A_3, %broadcast_in_dim3A_47 : vector<16xi1>, vector<16xi32>
    %reduce_max3A_49 = arith.constant true
    %reduce_max3A_50 = vector.broadcast %reduce_max3A_49 : i1 to vector<16xi1>
    %reduce_max3A_51 = arith.constant -2147483648 : i32
    %reduce_max3A_52 = vector.broadcast %reduce_max3A_51 : i32 to vector<16xi32>
    %reduce_max3A_53 = arith.xori %select_n3A_48, %reduce_max3A_52 : vector<16xi32>
    %reduce_max3A_54 = tpu.scan <max>, %reduce_max3A_53 masked %reduce_max3A_50 : vector<16xi32>, vector<16xi1> -> vector<16xi32>
    %reduce_max3A_55 = arith.xori %reduce_max3A_54, %reduce_max3A_52 : vector<16xi32>
    %reduce_max3A_56 = vector.extract %reduce_max3A_55[15] : i32 from vector<16xi32>
    %eq3A_57 = arith.constant 4 : i32
    %eq3A_58 = vector.broadcast %eq3A_57 : i32 to vector<16xi32>
    %eq3A_59 = arith.cmpi eq, %iota3A, %eq3A_58 : vector<16xi32>
    %jit3A_60 = arith.constant 0 : i32
    %broadcast_in_dim3A_61 = vector.broadcast %jit3A_60 : i32 to vector<16xi32>
    %select_n3A_62 = arith.select %eq3A_59, %get3A_3, %broadcast_in_dim3A_61 : vector<16xi1>, vector<16xi32>
    %reduce_max3A_63 = arith.constant true
    %reduce_max3A_64 = vector.broadcast %reduce_max3A_63 : i1 to vector<16xi1>
    %reduce_max3A_65 = arith.constant -2147483648 : i32
    %reduce_max3A_66 = vector.broadcast %reduce_max3A_65 : i32 to vector<16xi32>
    %reduce_max3A_67 = arith.xori %select_n3A_62, %reduce_max3A_66 : vector<16xi32>
    %reduce_max3A_68 = tpu.scan <max>, %reduce_max3A_67 masked %reduce_max3A_64 : vector<16xi32>, vector<16xi1> -> vector<16xi32>
    %reduce_max3A_69 = arith.xori %reduce_max3A_68, %reduce_max3A_66 : vector<16xi32>
    %reduce_max3A_70 = vector.extract %reduce_max3A_69[15] : i32 from vector<16xi32>
    %eq3A_71 = arith.constant 5 : i32
    %eq3A_72 = vector.broadcast %eq3A_71 : i32 to vector<16xi32>
    %eq3A_73 = arith.cmpi eq, %iota3A, %eq3A_72 : vector<16xi32>
    %jit3A_74 = arith.constant 0 : i32
    %broadcast_in_dim3A_75 = vector.broadcast %jit3A_74 : i32 to vector<16xi32>
    %select_n3A_76 = arith.select %eq3A_73, %get3A_3, %broadcast_in_dim3A_75 : vector<16xi1>, vector<16xi32>
    %reduce_max3A_77 = arith.constant true
    %reduce_max3A_78 = vector.broadcast %reduce_max3A_77 : i1 to vector<16xi1>
    %reduce_max3A_79 = arith.constant -2147483648 : i32
    %reduce_max3A_80 = vector.broadcast %reduce_max3A_79 : i32 to vector<16xi32>
    %reduce_max3A_81 = arith.xori %select_n3A_76, %reduce_max3A_80 : vector<16xi32>
    %reduce_max3A_82 = tpu.scan <max>, %reduce_max3A_81 masked %reduce_max3A_78 : vector<16xi32>, vector<16xi1> -> vector<16xi32>
    %reduce_max3A_83 = arith.xori %reduce_max3A_82, %reduce_max3A_80 : vector<16xi32>
    %reduce_max3A_84 = vector.extract %reduce_max3A_83[15] : i32 from vector<16xi32>
    %eq3A_85 = arith.constant 6 : i32
    %eq3A_86 = vector.broadcast %eq3A_85 : i32 to vector<16xi32>
    %eq3A_87 = arith.cmpi eq, %iota3A, %eq3A_86 : vector<16xi32>
    %jit3A_88 = arith.constant 0 : i32
    %broadcast_in_dim3A_89 = vector.broadcast %jit3A_88 : i32 to vector<16xi32>
    %select_n3A_90 = arith.select %eq3A_87, %get3A_3, %broadcast_in_dim3A_89 : vector<16xi1>, vector<16xi32>
    %reduce_max3A_91 = arith.constant true
    %reduce_max3A_92 = vector.broadcast %reduce_max3A_91 : i1 to vector<16xi1>
    %reduce_max3A_93 = arith.constant -2147483648 : i32
    %reduce_max3A_94 = vector.broadcast %reduce_max3A_93 : i32 to vector<16xi32>
    %reduce_max3A_95 = arith.xori %select_n3A_90, %reduce_max3A_94 : vector<16xi32>
    %reduce_max3A_96 = tpu.scan <max>, %reduce_max3A_95 masked %reduce_max3A_92 : vector<16xi32>, vector<16xi1> -> vector<16xi32>
    %reduce_max3A_97 = arith.xori %reduce_max3A_96, %reduce_max3A_94 : vector<16xi32>
    %reduce_max3A_98 = vector.extract %reduce_max3A_97[15] : i32 from vector<16xi32>
    %eq3A_99 = arith.constant 7 : i32
    %eq3A_100 = vector.broadcast %eq3A_99 : i32 to vector<16xi32>
    %eq3A_101 = arith.cmpi eq, %iota3A, %eq3A_100 : vector<16xi32>
    %jit3A_102 = arith.constant 0 : i32
    %broadcast_in_dim3A_103 = vector.broadcast %jit3A_102 : i32 to vector<16xi32>
    %select_n3A_104 = arith.select %eq3A_101, %get3A_3, %broadcast_in_dim3A_103 : vector<16xi1>, vector<16xi32>
    %reduce_max3A_105 = arith.constant true
    %reduce_max3A_106 = vector.broadcast %reduce_max3A_105 : i1 to vector<16xi1>
    %reduce_max3A_107 = arith.constant -2147483648 : i32
    %reduce_max3A_108 = vector.broadcast %reduce_max3A_107 : i32 to vector<16xi32>
    %reduce_max3A_109 = arith.xori %select_n3A_104, %reduce_max3A_108 : vector<16xi32>
    %reduce_max3A_110 = tpu.scan <max>, %reduce_max3A_109 masked %reduce_max3A_106 : vector<16xi32>, vector<16xi1> -> vector<16xi32>
    %reduce_max3A_111 = arith.xori %reduce_max3A_110, %reduce_max3A_108 : vector<16xi32>
    %reduce_max3A_112 = vector.extract %reduce_max3A_111[15] : i32 from vector<16xi32>
    %eq3A_113 = arith.constant 8 : i32
    %eq3A_114 = vector.broadcast %eq3A_113 : i32 to vector<16xi32>
    %eq3A_115 = arith.cmpi eq, %iota3A, %eq3A_114 : vector<16xi32>
    %jit3A_116 = arith.constant 0 : i32
    %broadcast_in_dim3A_117 = vector.broadcast %jit3A_116 : i32 to vector<16xi32>
    %select_n3A_118 = arith.select %eq3A_115, %get3A_3, %broadcast_in_dim3A_117 : vector<16xi1>, vector<16xi32>
    %reduce_max3A_119 = arith.constant true
    %reduce_max3A_120 = vector.broadcast %reduce_max3A_119 : i1 to vector<16xi1>
    %reduce_max3A_121 = arith.constant -2147483648 : i32
    %reduce_max3A_122 = vector.broadcast %reduce_max3A_121 : i32 to vector<16xi32>
    %reduce_max3A_123 = arith.xori %select_n3A_118, %reduce_max3A_122 : vector<16xi32>
    %reduce_max3A_124 = tpu.scan <max>, %reduce_max3A_123 masked %reduce_max3A_120 : vector<16xi32>, vector<16xi1> -> vector<16xi32>
    %reduce_max3A_125 = arith.xori %reduce_max3A_124, %reduce_max3A_122 : vector<16xi32>
    %reduce_max3A_126 = vector.extract %reduce_max3A_125[15] : i32 from vector<16xi32>
    %eq3A_127 = arith.constant 9 : i32
    %eq3A_128 = vector.broadcast %eq3A_127 : i32 to vector<16xi32>
    %eq3A_129 = arith.cmpi eq, %iota3A, %eq3A_128 : vector<16xi32>
    %jit3A_130 = arith.constant 0 : i32
    %broadcast_in_dim3A_131 = vector.broadcast %jit3A_130 : i32 to vector<16xi32>
    %select_n3A_132 = arith.select %eq3A_129, %get3A_3, %broadcast_in_dim3A_131 : vector<16xi1>, vector<16xi32>
    %reduce_max3A_133 = arith.constant true
    %reduce_max3A_134 = vector.broadcast %reduce_max3A_133 : i1 to vector<16xi1>
    %reduce_max3A_135 = arith.constant -2147483648 : i32
    %reduce_max3A_136 = vector.broadcast %reduce_max3A_135 : i32 to vector<16xi32>
    %reduce_max3A_137 = arith.xori %select_n3A_132, %reduce_max3A_136 : vector<16xi32>
    %reduce_max3A_138 = tpu.scan <max>, %reduce_max3A_137 masked %reduce_max3A_134 : vector<16xi32>, vector<16xi1> -> vector<16xi32>
    %reduce_max3A_139 = arith.xori %reduce_max3A_138, %reduce_max3A_136 : vector<16xi32>
    %reduce_max3A_140 = vector.extract %reduce_max3A_139[15] : i32 from vector<16xi32>
    %eq3A_141 = arith.constant 10 : i32
    %eq3A_142 = vector.broadcast %eq3A_141 : i32 to vector<16xi32>
    %eq3A_143 = arith.cmpi eq, %iota3A, %eq3A_142 : vector<16xi32>
    %jit3A_144 = arith.constant 0 : i32
    %broadcast_in_dim3A_145 = vector.broadcast %jit3A_144 : i32 to vector<16xi32>
    %select_n3A_146 = arith.select %eq3A_143, %get3A_3, %broadcast_in_dim3A_145 : vector<16xi1>, vector<16xi32>
    %reduce_max3A_147 = arith.constant true
    %reduce_max3A_148 = vector.broadcast %reduce_max3A_147 : i1 to vector<16xi1>
    %reduce_max3A_149 = arith.constant -2147483648 : i32
    %reduce_max3A_150 = vector.broadcast %reduce_max3A_149 : i32 to vector<16xi32>
    %reduce_max3A_151 = arith.xori %select_n3A_146, %reduce_max3A_150 : vector<16xi32>
    %reduce_max3A_152 = tpu.scan <max>, %reduce_max3A_151 masked %reduce_max3A_148 : vector<16xi32>, vector<16xi1> -> vector<16xi32>
    %reduce_max3A_153 = arith.xori %reduce_max3A_152, %reduce_max3A_150 : vector<16xi32>
    %reduce_max3A_154 = vector.extract %reduce_max3A_153[15] : i32 from vector<16xi32>
    %eq3A_155 = arith.constant 11 : i32
    %eq3A_156 = vector.broadcast %eq3A_155 : i32 to vector<16xi32>
    %eq3A_157 = arith.cmpi eq, %iota3A, %eq3A_156 : vector<16xi32>
    %jit3A_158 = arith.constant 0 : i32
    %broadcast_in_dim3A_159 = vector.broadcast %jit3A_158 : i32 to vector<16xi32>
    %select_n3A_160 = arith.select %eq3A_157, %get3A_3, %broadcast_in_dim3A_159 : vector<16xi1>, vector<16xi32>
    %reduce_max3A_161 = arith.constant true
    %reduce_max3A_162 = vector.broadcast %reduce_max3A_161 : i1 to vector<16xi1>
    %reduce_max3A_163 = arith.constant -2147483648 : i32
    %reduce_max3A_164 = vector.broadcast %reduce_max3A_163 : i32 to vector<16xi32>
    %reduce_max3A_165 = arith.xori %select_n3A_160, %reduce_max3A_164 : vector<16xi32>
    %reduce_max3A_166 = tpu.scan <max>, %reduce_max3A_165 masked %reduce_max3A_162 : vector<16xi32>, vector<16xi1> -> vector<16xi32>
    %reduce_max3A_167 = arith.xori %reduce_max3A_166, %reduce_max3A_164 : vector<16xi32>
    %reduce_max3A_168 = vector.extract %reduce_max3A_167[15] : i32 from vector<16xi32>
    %eq3A_169 = arith.constant 12 : i32
    %eq3A_170 = vector.broadcast %eq3A_169 : i32 to vector<16xi32>
    %eq3A_171 = arith.cmpi eq, %iota3A, %eq3A_170 : vector<16xi32>
    %jit3A_172 = arith.constant 0 : i32
    %broadcast_in_dim3A_173 = vector.broadcast %jit3A_172 : i32 to vector<16xi32>
    %select_n3A_174 = arith.select %eq3A_171, %get3A_3, %broadcast_in_dim3A_173 : vector<16xi1>, vector<16xi32>
    %reduce_max3A_175 = arith.constant true
    %reduce_max3A_176 = vector.broadcast %reduce_max3A_175 : i1 to vector<16xi1>
    %reduce_max3A_177 = arith.constant -2147483648 : i32
    %reduce_max3A_178 = vector.broadcast %reduce_max3A_177 : i32 to vector<16xi32>
    %reduce_max3A_179 = arith.xori %select_n3A_174, %reduce_max3A_178 : vector<16xi32>
    %reduce_max3A_180 = tpu.scan <max>, %reduce_max3A_179 masked %reduce_max3A_176 : vector<16xi32>, vector<16xi1> -> vector<16xi32>
    %reduce_max3A_181 = arith.xori %reduce_max3A_180, %reduce_max3A_178 : vector<16xi32>
    %reduce_max3A_182 = vector.extract %reduce_max3A_181[15] : i32 from vector<16xi32>
    %eq3A_183 = arith.constant 13 : i32
    %eq3A_184 = vector.broadcast %eq3A_183 : i32 to vector<16xi32>
    %eq3A_185 = arith.cmpi eq, %iota3A, %eq3A_184 : vector<16xi32>
    %jit3A_186 = arith.constant 0 : i32
    %broadcast_in_dim3A_187 = vector.broadcast %jit3A_186 : i32 to vector<16xi32>
    %select_n3A_188 = arith.select %eq3A_185, %get3A_3, %broadcast_in_dim3A_187 : vector<16xi1>, vector<16xi32>
    %reduce_max3A_189 = arith.constant true
    %reduce_max3A_190 = vector.broadcast %reduce_max3A_189 : i1 to vector<16xi1>
    %reduce_max3A_191 = arith.constant -2147483648 : i32
    %reduce_max3A_192 = vector.broadcast %reduce_max3A_191 : i32 to vector<16xi32>
    %reduce_max3A_193 = arith.xori %select_n3A_188, %reduce_max3A_192 : vector<16xi32>
    %reduce_max3A_194 = tpu.scan <max>, %reduce_max3A_193 masked %reduce_max3A_190 : vector<16xi32>, vector<16xi1> -> vector<16xi32>
    %reduce_max3A_195 = arith.xori %reduce_max3A_194, %reduce_max3A_192 : vector<16xi32>
    %reduce_max3A_196 = vector.extract %reduce_max3A_195[15] : i32 from vector<16xi32>
    %eq3A_197 = arith.constant 14 : i32
    %eq3A_198 = vector.broadcast %eq3A_197 : i32 to vector<16xi32>
    %eq3A_199 = arith.cmpi eq, %iota3A, %eq3A_198 : vector<16xi32>
    %jit3A_200 = arith.constant 0 : i32
    %broadcast_in_dim3A_201 = vector.broadcast %jit3A_200 : i32 to vector<16xi32>
    %select_n3A_202 = arith.select %eq3A_199, %get3A_3, %broadcast_in_dim3A_201 : vector<16xi1>, vector<16xi32>
    %reduce_max3A_203 = arith.constant true
    %reduce_max3A_204 = vector.broadcast %reduce_max3A_203 : i1 to vector<16xi1>
    %reduce_max3A_205 = arith.constant -2147483648 : i32
    %reduce_max3A_206 = vector.broadcast %reduce_max3A_205 : i32 to vector<16xi32>
    %reduce_max3A_207 = arith.xori %select_n3A_202, %reduce_max3A_206 : vector<16xi32>
    %reduce_max3A_208 = tpu.scan <max>, %reduce_max3A_207 masked %reduce_max3A_204 : vector<16xi32>, vector<16xi1> -> vector<16xi32>
    %reduce_max3A_209 = arith.xori %reduce_max3A_208, %reduce_max3A_206 : vector<16xi32>
    %reduce_max3A_210 = vector.extract %reduce_max3A_209[15] : i32 from vector<16xi32>
    %eq3A_211 = arith.constant 15 : i32
    %eq3A_212 = vector.broadcast %eq3A_211 : i32 to vector<16xi32>
    %eq3A_213 = arith.cmpi eq, %iota3A, %eq3A_212 : vector<16xi32>
    %jit3A_214 = arith.constant 0 : i32
    %broadcast_in_dim3A_215 = vector.broadcast %jit3A_214 : i32 to vector<16xi32>
    %select_n3A_216 = arith.select %eq3A_213, %get3A_3, %broadcast_in_dim3A_215 : vector<16xi1>, vector<16xi32>
    %reduce_max3A_217 = arith.constant true
    %reduce_max3A_218 = vector.broadcast %reduce_max3A_217 : i1 to vector<16xi1>
    %reduce_max3A_219 = arith.constant -2147483648 : i32
    %reduce_max3A_220 = vector.broadcast %reduce_max3A_219 : i32 to vector<16xi32>
    %reduce_max3A_221 = arith.xori %select_n3A_216, %reduce_max3A_220 : vector<16xi32>
    %reduce_max3A_222 = tpu.scan <max>, %reduce_max3A_221 masked %reduce_max3A_218 : vector<16xi32>, vector<16xi1> -> vector<16xi32>
    %reduce_max3A_223 = arith.xori %reduce_max3A_222, %reduce_max3A_220 : vector<16xi32>
    %reduce_max3A_224 = vector.extract %reduce_max3A_223[15] : i32 from vector<16xi32>
    %eq3A_225 = arith.constant 0 : i32
    %eq3A_226 = vector.broadcast %eq3A_225 : i32 to vector<16xi32>
    %eq3A_227 = arith.cmpi eq, %iota3A, %eq3A_226 : vector<16xi32>
    %jit3A_228 = arith.constant 0 : i32
    %broadcast_in_dim3A_229 = vector.broadcast %jit3A_228 : i32 to vector<16xi32>
    %select_n3A_230 = arith.select %eq3A_227, %get3A_5, %broadcast_in_dim3A_229 : vector<16xi1>, vector<16xi32>
    %reduce_max3A_231 = arith.constant true
    %reduce_max3A_232 = vector.broadcast %reduce_max3A_231 : i1 to vector<16xi1>
    %reduce_max3A_233 = arith.constant -2147483648 : i32
    %reduce_max3A_234 = vector.broadcast %reduce_max3A_233 : i32 to vector<16xi32>
    %reduce_max3A_235 = arith.xori %select_n3A_230, %reduce_max3A_234 : vector<16xi32>
    %reduce_max3A_236 = tpu.scan <max>, %reduce_max3A_235 masked %reduce_max3A_232 : vector<16xi32>, vector<16xi1> -> vector<16xi32>
    %reduce_max3A_237 = arith.xori %reduce_max3A_236, %reduce_max3A_234 : vector<16xi32>
    %reduce_max3A_238 = vector.extract %reduce_max3A_237[15] : i32 from vector<16xi32>
    %eq3A_239 = arith.constant 1 : i32
    %eq3A_240 = vector.broadcast %eq3A_239 : i32 to vector<16xi32>
    %eq3A_241 = arith.cmpi eq, %iota3A, %eq3A_240 : vector<16xi32>
    %jit3A_242 = arith.constant 0 : i32
    %broadcast_in_dim3A_243 = vector.broadcast %jit3A_242 : i32 to vector<16xi32>
    %select_n3A_244 = arith.select %eq3A_241, %get3A_5, %broadcast_in_dim3A_243 : vector<16xi1>, vector<16xi32>
    %reduce_max3A_245 = arith.constant true
    %reduce_max3A_246 = vector.broadcast %reduce_max3A_245 : i1 to vector<16xi1>
    %reduce_max3A_247 = arith.constant -2147483648 : i32
    %reduce_max3A_248 = vector.broadcast %reduce_max3A_247 : i32 to vector<16xi32>
    %reduce_max3A_249 = arith.xori %select_n3A_244, %reduce_max3A_248 : vector<16xi32>
    %reduce_max3A_250 = tpu.scan <max>, %reduce_max3A_249 masked %reduce_max3A_246 : vector<16xi32>, vector<16xi1> -> vector<16xi32>
    %reduce_max3A_251 = arith.xori %reduce_max3A_250, %reduce_max3A_248 : vector<16xi32>
    %reduce_max3A_252 = vector.extract %reduce_max3A_251[15] : i32 from vector<16xi32>
    %eq3A_253 = arith.constant 2 : i32
    %eq3A_254 = vector.broadcast %eq3A_253 : i32 to vector<16xi32>
    %eq3A_255 = arith.cmpi eq, %iota3A, %eq3A_254 : vector<16xi32>
    %jit3A_256 = arith.constant 0 : i32
    %broadcast_in_dim3A_257 = vector.broadcast %jit3A_256 : i32 to vector<16xi32>
    %select_n3A_258 = arith.select %eq3A_255, %get3A_5, %broadcast_in_dim3A_257 : vector<16xi1>, vector<16xi32>
    %reduce_max3A_259 = arith.constant true
    %reduce_max3A_260 = vector.broadcast %reduce_max3A_259 : i1 to vector<16xi1>
    %reduce_max3A_261 = arith.constant -2147483648 : i32
    %reduce_max3A_262 = vector.broadcast %reduce_max3A_261 : i32 to vector<16xi32>
    %reduce_max3A_263 = arith.xori %select_n3A_258, %reduce_max3A_262 : vector<16xi32>
    %reduce_max3A_264 = tpu.scan <max>, %reduce_max3A_263 masked %reduce_max3A_260 : vector<16xi32>, vector<16xi1> -> vector<16xi32>
    %reduce_max3A_265 = arith.xori %reduce_max3A_264, %reduce_max3A_262 : vector<16xi32>
    %reduce_max3A_266 = vector.extract %reduce_max3A_265[15] : i32 from vector<16xi32>
    %eq3A_267 = arith.constant 3 : i32
    %eq3A_268 = vector.broadcast %eq3A_267 : i32 to vector<16xi32>
    %eq3A_269 = arith.cmpi eq, %iota3A, %eq3A_268 : vector<16xi32>
    %jit3A_270 = arith.constant 0 : i32
    %broadcast_in_dim3A_271 = vector.broadcast %jit3A_270 : i32 to vector<16xi32>
    %select_n3A_272 = arith.select %eq3A_269, %get3A_5, %broadcast_in_dim3A_271 : vector<16xi1>, vector<16xi32>
    %reduce_max3A_273 = arith.constant true
    %reduce_max3A_274 = vector.broadcast %reduce_max3A_273 : i1 to vector<16xi1>
    %reduce_max3A_275 = arith.constant -2147483648 : i32
    %reduce_max3A_276 = vector.broadcast %reduce_max3A_275 : i32 to vector<16xi32>
    %reduce_max3A_277 = arith.xori %select_n3A_272, %reduce_max3A_276 : vector<16xi32>
    %reduce_max3A_278 = tpu.scan <max>, %reduce_max3A_277 masked %reduce_max3A_274 : vector<16xi32>, vector<16xi1> -> vector<16xi32>
    %reduce_max3A_279 = arith.xori %reduce_max3A_278, %reduce_max3A_276 : vector<16xi32>
    %reduce_max3A_280 = vector.extract %reduce_max3A_279[15] : i32 from vector<16xi32>
    %eq3A_281 = arith.constant 4 : i32
    %eq3A_282 = vector.broadcast %eq3A_281 : i32 to vector<16xi32>
    %eq3A_283 = arith.cmpi eq, %iota3A, %eq3A_282 : vector<16xi32>
    %jit3A_284 = arith.constant 0 : i32
    %broadcast_in_dim3A_285 = vector.broadcast %jit3A_284 : i32 to vector<16xi32>
    %select_n3A_286 = arith.select %eq3A_283, %get3A_5, %broadcast_in_dim3A_285 : vector<16xi1>, vector<16xi32>
    %reduce_max3A_287 = arith.constant true
    %reduce_max3A_288 = vector.broadcast %reduce_max3A_287 : i1 to vector<16xi1>
    %reduce_max3A_289 = arith.constant -2147483648 : i32
    %reduce_max3A_290 = vector.broadcast %reduce_max3A_289 : i32 to vector<16xi32>
    %reduce_max3A_291 = arith.xori %select_n3A_286, %reduce_max3A_290 : vector<16xi32>
    %reduce_max3A_292 = tpu.scan <max>, %reduce_max3A_291 masked %reduce_max3A_288 : vector<16xi32>, vector<16xi1> -> vector<16xi32>
    %reduce_max3A_293 = arith.xori %reduce_max3A_292, %reduce_max3A_290 : vector<16xi32>
    %reduce_max3A_294 = vector.extract %reduce_max3A_293[15] : i32 from vector<16xi32>
    %eq3A_295 = arith.constant 5 : i32
    %eq3A_296 = vector.broadcast %eq3A_295 : i32 to vector<16xi32>
    %eq3A_297 = arith.cmpi eq, %iota3A, %eq3A_296 : vector<16xi32>
    %jit3A_298 = arith.constant 0 : i32
    %broadcast_in_dim3A_299 = vector.broadcast %jit3A_298 : i32 to vector<16xi32>
    %select_n3A_300 = arith.select %eq3A_297, %get3A_5, %broadcast_in_dim3A_299 : vector<16xi1>, vector<16xi32>
    %reduce_max3A_301 = arith.constant true
    %reduce_max3A_302 = vector.broadcast %reduce_max3A_301 : i1 to vector<16xi1>
    %reduce_max3A_303 = arith.constant -2147483648 : i32
    %reduce_max3A_304 = vector.broadcast %reduce_max3A_303 : i32 to vector<16xi32>
    %reduce_max3A_305 = arith.xori %select_n3A_300, %reduce_max3A_304 : vector<16xi32>
    %reduce_max3A_306 = tpu.scan <max>, %reduce_max3A_305 masked %reduce_max3A_302 : vector<16xi32>, vector<16xi1> -> vector<16xi32>
    %reduce_max3A_307 = arith.xori %reduce_max3A_306, %reduce_max3A_304 : vector<16xi32>
    %reduce_max3A_308 = vector.extract %reduce_max3A_307[15] : i32 from vector<16xi32>
    %eq3A_309 = arith.constant 6 : i32
    %eq3A_310 = vector.broadcast %eq3A_309 : i32 to vector<16xi32>
    %eq3A_311 = arith.cmpi eq, %iota3A, %eq3A_310 : vector<16xi32>
    %jit3A_312 = arith.constant 0 : i32
    %broadcast_in_dim3A_313 = vector.broadcast %jit3A_312 : i32 to vector<16xi32>
    %select_n3A_314 = arith.select %eq3A_311, %get3A_5, %broadcast_in_dim3A_313 : vector<16xi1>, vector<16xi32>
    %reduce_max3A_315 = arith.constant true
    %reduce_max3A_316 = vector.broadcast %reduce_max3A_315 : i1 to vector<16xi1>
    %reduce_max3A_317 = arith.constant -2147483648 : i32
    %reduce_max3A_318 = vector.broadcast %reduce_max3A_317 : i32 to vector<16xi32>
    %reduce_max3A_319 = arith.xori %select_n3A_314, %reduce_max3A_318 : vector<16xi32>
    %reduce_max3A_320 = tpu.scan <max>, %reduce_max3A_319 masked %reduce_max3A_316 : vector<16xi32>, vector<16xi1> -> vector<16xi32>
    %reduce_max3A_321 = arith.xori %reduce_max3A_320, %reduce_max3A_318 : vector<16xi32>
    %reduce_max3A_322 = vector.extract %reduce_max3A_321[15] : i32 from vector<16xi32>
    %eq3A_323 = arith.constant 7 : i32
    %eq3A_324 = vector.broadcast %eq3A_323 : i32 to vector<16xi32>
    %eq3A_325 = arith.cmpi eq, %iota3A, %eq3A_324 : vector<16xi32>
    %jit3A_326 = arith.constant 0 : i32
    %broadcast_in_dim3A_327 = vector.broadcast %jit3A_326 : i32 to vector<16xi32>
    %select_n3A_328 = arith.select %eq3A_325, %get3A_5, %broadcast_in_dim3A_327 : vector<16xi1>, vector<16xi32>
    %reduce_max3A_329 = arith.constant true
    %reduce_max3A_330 = vector.broadcast %reduce_max3A_329 : i1 to vector<16xi1>
    %reduce_max3A_331 = arith.constant -2147483648 : i32
    %reduce_max3A_332 = vector.broadcast %reduce_max3A_331 : i32 to vector<16xi32>
    %reduce_max3A_333 = arith.xori %select_n3A_328, %reduce_max3A_332 : vector<16xi32>
    %reduce_max3A_334 = tpu.scan <max>, %reduce_max3A_333 masked %reduce_max3A_330 : vector<16xi32>, vector<16xi1> -> vector<16xi32>
    %reduce_max3A_335 = arith.xori %reduce_max3A_334, %reduce_max3A_332 : vector<16xi32>
    %reduce_max3A_336 = vector.extract %reduce_max3A_335[15] : i32 from vector<16xi32>
    %eq3A_337 = arith.constant 8 : i32
    %eq3A_338 = vector.broadcast %eq3A_337 : i32 to vector<16xi32>
    %eq3A_339 = arith.cmpi eq, %iota3A, %eq3A_338 : vector<16xi32>
    %jit3A_340 = arith.constant 0 : i32
    %broadcast_in_dim3A_341 = vector.broadcast %jit3A_340 : i32 to vector<16xi32>
    %select_n3A_342 = arith.select %eq3A_339, %get3A_5, %broadcast_in_dim3A_341 : vector<16xi1>, vector<16xi32>
    %reduce_max3A_343 = arith.constant true
    %reduce_max3A_344 = vector.broadcast %reduce_max3A_343 : i1 to vector<16xi1>
    %reduce_max3A_345 = arith.constant -2147483648 : i32
    %reduce_max3A_346 = vector.broadcast %reduce_max3A_345 : i32 to vector<16xi32>
    %reduce_max3A_347 = arith.xori %select_n3A_342, %reduce_max3A_346 : vector<16xi32>
    %reduce_max3A_348 = tpu.scan <max>, %reduce_max3A_347 masked %reduce_max3A_344 : vector<16xi32>, vector<16xi1> -> vector<16xi32>
    %reduce_max3A_349 = arith.xori %reduce_max3A_348, %reduce_max3A_346 : vector<16xi32>
    %reduce_max3A_350 = vector.extract %reduce_max3A_349[15] : i32 from vector<16xi32>
    %eq3A_351 = arith.constant 9 : i32
    %eq3A_352 = vector.broadcast %eq3A_351 : i32 to vector<16xi32>
    %eq3A_353 = arith.cmpi eq, %iota3A, %eq3A_352 : vector<16xi32>
    %jit3A_354 = arith.constant 0 : i32
    %broadcast_in_dim3A_355 = vector.broadcast %jit3A_354 : i32 to vector<16xi32>
    %select_n3A_356 = arith.select %eq3A_353, %get3A_5, %broadcast_in_dim3A_355 : vector<16xi1>, vector<16xi32>
    %reduce_max3A_357 = arith.constant true
    %reduce_max3A_358 = vector.broadcast %reduce_max3A_357 : i1 to vector<16xi1>
    %reduce_max3A_359 = arith.constant -2147483648 : i32
    %reduce_max3A_360 = vector.broadcast %reduce_max3A_359 : i32 to vector<16xi32>
    %reduce_max3A_361 = arith.xori %select_n3A_356, %reduce_max3A_360 : vector<16xi32>
    %reduce_max3A_362 = tpu.scan <max>, %reduce_max3A_361 masked %reduce_max3A_358 : vector<16xi32>, vector<16xi1> -> vector<16xi32>
    %reduce_max3A_363 = arith.xori %reduce_max3A_362, %reduce_max3A_360 : vector<16xi32>
    %reduce_max3A_364 = vector.extract %reduce_max3A_363[15] : i32 from vector<16xi32>
    %eq3A_365 = arith.constant 10 : i32
    %eq3A_366 = vector.broadcast %eq3A_365 : i32 to vector<16xi32>
    %eq3A_367 = arith.cmpi eq, %iota3A, %eq3A_366 : vector<16xi32>
    %jit3A_368 = arith.constant 0 : i32
    %broadcast_in_dim3A_369 = vector.broadcast %jit3A_368 : i32 to vector<16xi32>
    %select_n3A_370 = arith.select %eq3A_367, %get3A_5, %broadcast_in_dim3A_369 : vector<16xi1>, vector<16xi32>
    %reduce_max3A_371 = arith.constant true
    %reduce_max3A_372 = vector.broadcast %reduce_max3A_371 : i1 to vector<16xi1>
    %reduce_max3A_373 = arith.constant -2147483648 : i32
    %reduce_max3A_374 = vector.broadcast %reduce_max3A_373 : i32 to vector<16xi32>
    %reduce_max3A_375 = arith.xori %select_n3A_370, %reduce_max3A_374 : vector<16xi32>
    %reduce_max3A_376 = tpu.scan <max>, %reduce_max3A_375 masked %reduce_max3A_372 : vector<16xi32>, vector<16xi1> -> vector<16xi32>
    %reduce_max3A_377 = arith.xori %reduce_max3A_376, %reduce_max3A_374 : vector<16xi32>
    %reduce_max3A_378 = vector.extract %reduce_max3A_377[15] : i32 from vector<16xi32>
    %eq3A_379 = arith.constant 11 : i32
    %eq3A_380 = vector.broadcast %eq3A_379 : i32 to vector<16xi32>
    %eq3A_381 = arith.cmpi eq, %iota3A, %eq3A_380 : vector<16xi32>
    %jit3A_382 = arith.constant 0 : i32
    %broadcast_in_dim3A_383 = vector.broadcast %jit3A_382 : i32 to vector<16xi32>
    %select_n3A_384 = arith.select %eq3A_381, %get3A_5, %broadcast_in_dim3A_383 : vector<16xi1>, vector<16xi32>
    %reduce_max3A_385 = arith.constant true
    %reduce_max3A_386 = vector.broadcast %reduce_max3A_385 : i1 to vector<16xi1>
    %reduce_max3A_387 = arith.constant -2147483648 : i32
    %reduce_max3A_388 = vector.broadcast %reduce_max3A_387 : i32 to vector<16xi32>
    %reduce_max3A_389 = arith.xori %select_n3A_384, %reduce_max3A_388 : vector<16xi32>
    %reduce_max3A_390 = tpu.scan <max>, %reduce_max3A_389 masked %reduce_max3A_386 : vector<16xi32>, vector<16xi1> -> vector<16xi32>
    %reduce_max3A_391 = arith.xori %reduce_max3A_390, %reduce_max3A_388 : vector<16xi32>
    %reduce_max3A_392 = vector.extract %reduce_max3A_391[15] : i32 from vector<16xi32>
    %eq3A_393 = arith.constant 12 : i32
    %eq3A_394 = vector.broadcast %eq3A_393 : i32 to vector<16xi32>
    %eq3A_395 = arith.cmpi eq, %iota3A, %eq3A_394 : vector<16xi32>
    %jit3A_396 = arith.constant 0 : i32
    %broadcast_in_dim3A_397 = vector.broadcast %jit3A_396 : i32 to vector<16xi32>
    %select_n3A_398 = arith.select %eq3A_395, %get3A_5, %broadcast_in_dim3A_397 : vector<16xi1>, vector<16xi32>
    %reduce_max3A_399 = arith.constant true
    %reduce_max3A_400 = vector.broadcast %reduce_max3A_399 : i1 to vector<16xi1>
    %reduce_max3A_401 = arith.constant -2147483648 : i32
    %reduce_max3A_402 = vector.broadcast %reduce_max3A_401 : i32 to vector<16xi32>
    %reduce_max3A_403 = arith.xori %select_n3A_398, %reduce_max3A_402 : vector<16xi32>
    %reduce_max3A_404 = tpu.scan <max>, %reduce_max3A_403 masked %reduce_max3A_400 : vector<16xi32>, vector<16xi1> -> vector<16xi32>
    %reduce_max3A_405 = arith.xori %reduce_max3A_404, %reduce_max3A_402 : vector<16xi32>
    %reduce_max3A_406 = vector.extract %reduce_max3A_405[15] : i32 from vector<16xi32>
    %eq3A_407 = arith.constant 13 : i32
    %eq3A_408 = vector.broadcast %eq3A_407 : i32 to vector<16xi32>
    %eq3A_409 = arith.cmpi eq, %iota3A, %eq3A_408 : vector<16xi32>
    %jit3A_410 = arith.constant 0 : i32
    %broadcast_in_dim3A_411 = vector.broadcast %jit3A_410 : i32 to vector<16xi32>
    %select_n3A_412 = arith.select %eq3A_409, %get3A_5, %broadcast_in_dim3A_411 : vector<16xi1>, vector<16xi32>
    %reduce_max3A_413 = arith.constant true
    %reduce_max3A_414 = vector.broadcast %reduce_max3A_413 : i1 to vector<16xi1>
    %reduce_max3A_415 = arith.constant -2147483648 : i32
    %reduce_max3A_416 = vector.broadcast %reduce_max3A_415 : i32 to vector<16xi32>
    %reduce_max3A_417 = arith.xori %select_n3A_412, %reduce_max3A_416 : vector<16xi32>
    %reduce_max3A_418 = tpu.scan <max>, %reduce_max3A_417 masked %reduce_max3A_414 : vector<16xi32>, vector<16xi1> -> vector<16xi32>
    %reduce_max3A_419 = arith.xori %reduce_max3A_418, %reduce_max3A_416 : vector<16xi32>
    %reduce_max3A_420 = vector.extract %reduce_max3A_419[15] : i32 from vector<16xi32>
    %eq3A_421 = arith.constant 14 : i32
    %eq3A_422 = vector.broadcast %eq3A_421 : i32 to vector<16xi32>
    %eq3A_423 = arith.cmpi eq, %iota3A, %eq3A_422 : vector<16xi32>
    %jit3A_424 = arith.constant 0 : i32
    %broadcast_in_dim3A_425 = vector.broadcast %jit3A_424 : i32 to vector<16xi32>
    %select_n3A_426 = arith.select %eq3A_423, %get3A_5, %broadcast_in_dim3A_425 : vector<16xi1>, vector<16xi32>
    %reduce_max3A_427 = arith.constant true
    %reduce_max3A_428 = vector.broadcast %reduce_max3A_427 : i1 to vector<16xi1>
    %reduce_max3A_429 = arith.constant -2147483648 : i32
    %reduce_max3A_430 = vector.broadcast %reduce_max3A_429 : i32 to vector<16xi32>
    %reduce_max3A_431 = arith.xori %select_n3A_426, %reduce_max3A_430 : vector<16xi32>
    %reduce_max3A_432 = tpu.scan <max>, %reduce_max3A_431 masked %reduce_max3A_428 : vector<16xi32>, vector<16xi1> -> vector<16xi32>
    %reduce_max3A_433 = arith.xori %reduce_max3A_432, %reduce_max3A_430 : vector<16xi32>
    %reduce_max3A_434 = vector.extract %reduce_max3A_433[15] : i32 from vector<16xi32>
    %eq3A_435 = arith.constant 15 : i32
    %eq3A_436 = vector.broadcast %eq3A_435 : i32 to vector<16xi32>
    %eq3A_437 = arith.cmpi eq, %iota3A, %eq3A_436 : vector<16xi32>
    %jit3A_438 = arith.constant 0 : i32
    %broadcast_in_dim3A_439 = vector.broadcast %jit3A_438 : i32 to vector<16xi32>
    %select_n3A_440 = arith.select %eq3A_437, %get3A_5, %broadcast_in_dim3A_439 : vector<16xi1>, vector<16xi32>
    %reduce_max3A_441 = arith.constant true
    %reduce_max3A_442 = vector.broadcast %reduce_max3A_441 : i1 to vector<16xi1>
    %reduce_max3A_443 = arith.constant -2147483648 : i32
    %reduce_max3A_444 = vector.broadcast %reduce_max3A_443 : i32 to vector<16xi32>
    %reduce_max3A_445 = arith.xori %select_n3A_440, %reduce_max3A_444 : vector<16xi32>
    %reduce_max3A_446 = tpu.scan <max>, %reduce_max3A_445 masked %reduce_max3A_442 : vector<16xi32>, vector<16xi1> -> vector<16xi32>
    %reduce_max3A_447 = arith.xori %reduce_max3A_446, %reduce_max3A_444 : vector<16xi32>
    %reduce_max3A_448 = vector.extract %reduce_max3A_447[15] : i32 from vector<16xi32>
    %dma_start3A = arith.constant 0 : i32
    %dma_start3A_449 = arith.constant 0 : i32
    %dma_start3A_450 = tpu.memref_slice %arg3[%reduce_max3A_14, %dma_start3A, %dma_start3A_449] : memref<1000x16x768xf32, #tpu.memory_space<hbm>> -> memref<1x16x768xf32, #tpu.memory_space<hbm>>
    %dma_start3A_451 = tpu.memref_squeeze %dma_start3A_450 : memref<1x16x768xf32, #tpu.memory_space<hbm>> -> memref<16x768xf32, #tpu.memory_space<hbm>>
    %dma_start3A_452 = arith.constant 0 : i32
    %dma_start3A_453 = arith.constant 0 : i32
    %dma_start3A_454 = tpu.memref_slice %arg3[%reduce_max3A_14, %dma_start3A_452, %dma_start3A_453] : memref<1000x16x768xf32, #tpu.memory_space<hbm>> -> memref<1x16x768xf32, #tpu.memory_space<hbm>>
    %dma_start3A_455 = tpu.memref_squeeze %dma_start3A_454 : memref<1x16x768xf32, #tpu.memory_space<hbm>> -> memref<16x768xf32, #tpu.memory_space<hbm>>
    tpu.enqueue_dma source(%dma_start3A_455 : memref<16x768xf32, #tpu.memory_space<hbm>>) target(%arg6 : memref<16x768xf32, #tpu.memory_space<vmem>>) target_semaphore(%arg10 : memref<!tpu.dma_semaphore, #tpu.memory_space<semaphore_mem>>)
    %dma_start3A_456 = arith.constant 0 : i32
    %dma_start3A_457 = arith.constant 0 : i32
    %dma_start3A_458 = tpu.memref_slice %arg3[%reduce_max3A_28, %dma_start3A_456, %dma_start3A_457] : memref<1000x16x768xf32, #tpu.memory_space<hbm>> -> memref<1x16x768xf32, #tpu.memory_space<hbm>>
    %dma_start3A_459 = tpu.memref_squeeze %dma_start3A_458 : memref<1x16x768xf32, #tpu.memory_space<hbm>> -> memref<16x768xf32, #tpu.memory_space<hbm>>
    %dma_start3A_460 = arith.constant 0 : i32
    %dma_start3A_461 = arith.constant 0 : i32
    %dma_start3A_462 = tpu.memref_slice %arg3[%reduce_max3A_28, %dma_start3A_460, %dma_start3A_461] : memref<1000x16x768xf32, #tpu.memory_space<hbm>> -> memref<1x16x768xf32, #tpu.memory_space<hbm>>
    %dma_start3A_463 = tpu.memref_squeeze %dma_start3A_462 : memref<1x16x768xf32, #tpu.memory_space<hbm>> -> memref<16x768xf32, #tpu.memory_space<hbm>>
    tpu.enqueue_dma source(%dma_start3A_463 : memref<16x768xf32, #tpu.memory_space<hbm>>) target(%arg7 : memref<16x768xf32, #tpu.memory_space<vmem>>) target_semaphore(%arg11 : memref<!tpu.dma_semaphore, #tpu.memory_space<semaphore_mem>>)
    %dma_start3A_464 = arith.constant 0 : i32
    %dma_start3A_465 = arith.constant 0 : i32
    %dma_start3A_466 = tpu.memref_slice %arg3[%reduce_max3A_42, %dma_start3A_464, %dma_start3A_465] : memref<1000x16x768xf32, #tpu.memory_space<hbm>> -> memref<1x16x768xf32, #tpu.memory_space<hbm>>
    %dma_start3A_467 = tpu.memref_squeeze %dma_start3A_466 : memref<1x16x768xf32, #tpu.memory_space<hbm>> -> memref<16x768xf32, #tpu.memory_space<hbm>>
    %dma_start3A_468 = arith.constant 0 : i32
    %dma_start3A_469 = arith.constant 0 : i32
    %dma_start3A_470 = tpu.memref_slice %arg3[%reduce_max3A_42, %dma_start3A_468, %dma_start3A_469] : memref<1000x16x768xf32, #tpu.memory_space<hbm>> -> memref<1x16x768xf32, #tpu.memory_space<hbm>>
    %dma_start3A_471 = tpu.memref_squeeze %dma_start3A_470 : memref<1x16x768xf32, #tpu.memory_space<hbm>> -> memref<16x768xf32, #tpu.memory_space<hbm>>
    tpu.enqueue_dma source(%dma_start3A_471 : memref<16x768xf32, #tpu.memory_space<hbm>>) target(%arg8 : memref<16x768xf32, #tpu.memory_space<vmem>>) target_semaphore(%arg12 : memref<!tpu.dma_semaphore, #tpu.memory_space<semaphore_mem>>)
    %dma_start3A_472 = arith.constant 0 : i32
    %dma_start3A_473 = arith.constant 0 : i32
    %dma_start3A_474 = tpu.memref_slice %arg3[%reduce_max3A_56, %dma_start3A_472, %dma_start3A_473] : memref<1000x16x768xf32, #tpu.memory_space<hbm>> -> memref<1x16x768xf32, #tpu.memory_space<hbm>>
    %dma_start3A_475 = tpu.memref_squeeze %dma_start3A_474 : memref<1x16x768xf32, #tpu.memory_space<hbm>> -> memref<16x768xf32, #tpu.memory_space<hbm>>
    %dma_start3A_476 = arith.constant 0 : i32
    %dma_start3A_477 = arith.constant 0 : i32
    %dma_start3A_478 = tpu.memref_slice %arg3[%reduce_max3A_56, %dma_start3A_476, %dma_start3A_477] : memref<1000x16x768xf32, #tpu.memory_space<hbm>> -> memref<1x16x768xf32, #tpu.memory_space<hbm>>
    %dma_start3A_479 = tpu.memref_squeeze %dma_start3A_478 : memref<1x16x768xf32, #tpu.memory_space<hbm>> -> memref<16x768xf32, #tpu.memory_space<hbm>>
    tpu.enqueue_dma source(%dma_start3A_479 : memref<16x768xf32, #tpu.memory_space<hbm>>) target(%arg9 : memref<16x768xf32, #tpu.memory_space<vmem>>) target_semaphore(%arg13 : memref<!tpu.dma_semaphore, #tpu.memory_space<semaphore_mem>>)
    %dma_wait3A = arith.constant 0 : i32
    %dma_wait3A_480 = arith.constant 0 : i32
    %dma_wait3A_481 = tpu.memref_slice %arg3[%reduce_max3A_14, %dma_wait3A, %dma_wait3A_480] : memref<1000x16x768xf32, #tpu.memory_space<hbm>> -> memref<1x16x768xf32, #tpu.memory_space<hbm>>
    %dma_wait3A_482 = tpu.memref_squeeze %dma_wait3A_481 : memref<1x16x768xf32, #tpu.memory_space<hbm>> -> memref<16x768xf32, #tpu.memory_space<hbm>>
    %dma_wait3A_483 = arith.constant 0 : i32
    %dma_wait3A_484 = arith.constant 0 : i32
    %dma_wait3A_485 = tpu.memref_slice %arg3[%reduce_max3A_14, %dma_wait3A_483, %dma_wait3A_484] : memref<1000x16x768xf32, #tpu.memory_space<hbm>> -> memref<1x16x768xf32, #tpu.memory_space<hbm>>
    %dma_wait3A_486 = tpu.memref_squeeze %dma_wait3A_485 : memref<1x16x768xf32, #tpu.memory_space<hbm>> -> memref<16x768xf32, #tpu.memory_space<hbm>>
    tpu.wait_dma2 semaphore(%arg10 : memref<!tpu.dma_semaphore, #tpu.memory_space<semaphore_mem>>) src(%dma_wait3A_486 : memref<16x768xf32, #tpu.memory_space<hbm>>) dst(%arg6 : memref<16x768xf32, #tpu.memory_space<vmem>>)
    %add3A_487 = arith.constant 0 : i32
    %add3A_488 = arith.addi %mul3A_2, %add3A_487 : i32
    %dma_start3A_489 = arith.constant 0 : i32
    %dma_start3A_490 = arith.constant 0 : i32
    %dma_start3A_491 = tpu.memref_slice %arg4[%add3A_488, %dma_start3A_489, %dma_start3A_490] : memref<1024x16x768xf32, #tpu.memory_space<hbm>> -> memref<1x16x768xf32, #tpu.memory_space<hbm>>
    %dma_start3A_492 = tpu.memref_squeeze %dma_start3A_491 : memref<1x16x768xf32, #tpu.memory_space<hbm>> -> memref<16x768xf32, #tpu.memory_space<hbm>>
    %dma_start3A_493 = arith.constant 0 : i32
    %dma_start3A_494 = arith.constant 0 : i32
    %dma_start3A_495 = tpu.memref_slice %arg4[%add3A_488, %dma_start3A_493, %dma_start3A_494] : memref<1024x16x768xf32, #tpu.memory_space<hbm>> -> memref<1x16x768xf32, #tpu.memory_space<hbm>>
    %dma_start3A_496 = tpu.memref_squeeze %dma_start3A_495 : memref<1x16x768xf32, #tpu.memory_space<hbm>> -> memref<16x768xf32, #tpu.memory_space<hbm>>
    tpu.enqueue_dma source(%arg6 : memref<16x768xf32, #tpu.memory_space<vmem>>) target(%dma_start3A_496 : memref<16x768xf32, #tpu.memory_space<hbm>>) target_semaphore(%arg14 : memref<!tpu.dma_semaphore, #tpu.memory_space<semaphore_mem>>)
    %add3A_497 = arith.constant 0 : i32
    %add3A_498 = arith.addi %mul3A_2, %add3A_497 : i32
    %dma_wait3A_499 = arith.constant 0 : i32
    %dma_wait3A_500 = arith.constant 0 : i32
    %dma_wait3A_501 = tpu.memref_slice %arg4[%add3A_498, %dma_wait3A_499, %dma_wait3A_500] : memref<1024x16x768xf32, #tpu.memory_space<hbm>> -> memref<1x16x768xf32, #tpu.memory_space<hbm>>
    %dma_wait3A_502 = tpu.memref_squeeze %dma_wait3A_501 : memref<1x16x768xf32, #tpu.memory_space<hbm>> -> memref<16x768xf32, #tpu.memory_space<hbm>>
    %dma_wait3A_503 = arith.constant 0 : i32
    %dma_wait3A_504 = arith.constant 0 : i32
    %dma_wait3A_505 = tpu.memref_slice %arg4[%add3A_498, %dma_wait3A_503, %dma_wait3A_504] : memref<1024x16x768xf32, #tpu.memory_space<hbm>> -> memref<1x16x768xf32, #tpu.memory_space<hbm>>
    %dma_wait3A_506 = tpu.memref_squeeze %dma_wait3A_505 : memref<1x16x768xf32, #tpu.memory_space<hbm>> -> memref<16x768xf32, #tpu.memory_space<hbm>>
    tpu.wait_dma2 semaphore(%arg14 : memref<!tpu.dma_semaphore, #tpu.memory_space<semaphore_mem>>) src(%arg6 : memref<16x768xf32, #tpu.memory_space<vmem>>) dst(%dma_wait3A_506 : memref<16x768xf32, #tpu.memory_space<hbm>>)
    %dma_start3A_507 = arith.constant 0 : i32
    %dma_start3A_508 = arith.constant 0 : i32
    %dma_start3A_509 = tpu.memref_slice %arg3[%reduce_max3A_70, %dma_start3A_507, %dma_start3A_508] : memref<1000x16x768xf32, #tpu.memory_space<hbm>> -> memref<1x16x768xf32, #tpu.memory_space<hbm>>
    %dma_start3A_510 = tpu.memref_squeeze %dma_start3A_509 : memref<1x16x768xf32, #tpu.memory_space<hbm>> -> memref<16x768xf32, #tpu.memory_space<hbm>>
    %dma_start3A_511 = arith.constant 0 : i32
    %dma_start3A_512 = arith.constant 0 : i32
    %dma_start3A_513 = tpu.memref_slice %arg3[%reduce_max3A_70, %dma_start3A_511, %dma_start3A_512] : memref<1000x16x768xf32, #tpu.memory_space<hbm>> -> memref<1x16x768xf32, #tpu.memory_space<hbm>>
    %dma_start3A_514 = tpu.memref_squeeze %dma_start3A_513 : memref<1x16x768xf32, #tpu.memory_space<hbm>> -> memref<16x768xf32, #tpu.memory_space<hbm>>
    tpu.enqueue_dma source(%dma_start3A_514 : memref<16x768xf32, #tpu.memory_space<hbm>>) target(%arg6 : memref<16x768xf32, #tpu.memory_space<vmem>>) target_semaphore(%arg10 : memref<!tpu.dma_semaphore, #tpu.memory_space<semaphore_mem>>)
    %dma_wait3A_515 = arith.constant 0 : i32
    %dma_wait3A_516 = arith.constant 0 : i32
    %dma_wait3A_517 = tpu.memref_slice %arg3[%reduce_max3A_28, %dma_wait3A_515, %dma_wait3A_516] : memref<1000x16x768xf32, #tpu.memory_space<hbm>> -> memref<1x16x768xf32, #tpu.memory_space<hbm>>
    %dma_wait3A_518 = tpu.memref_squeeze %dma_wait3A_517 : memref<1x16x768xf32, #tpu.memory_space<hbm>> -> memref<16x768xf32, #tpu.memory_space<hbm>>
    %dma_wait3A_519 = arith.constant 0 : i32
    %dma_wait3A_520 = arith.constant 0 : i32
    %dma_wait3A_521 = tpu.memref_slice %arg3[%reduce_max3A_28, %dma_wait3A_519, %dma_wait3A_520] : memref<1000x16x768xf32, #tpu.memory_space<hbm>> -> memref<1x16x768xf32, #tpu.memory_space<hbm>>
    %dma_wait3A_522 = tpu.memref_squeeze %dma_wait3A_521 : memref<1x16x768xf32, #tpu.memory_space<hbm>> -> memref<16x768xf32, #tpu.memory_space<hbm>>
    tpu.wait_dma2 semaphore(%arg11 : memref<!tpu.dma_semaphore, #tpu.memory_space<semaphore_mem>>) src(%dma_wait3A_522 : memref<16x768xf32, #tpu.memory_space<hbm>>) dst(%arg7 : memref<16x768xf32, #tpu.memory_space<vmem>>)
    %add3A_523 = arith.constant 1 : i32
    %add3A_524 = arith.addi %mul3A_2, %add3A_523 : i32
    %dma_start3A_525 = arith.constant 0 : i32
    %dma_start3A_526 = arith.constant 0 : i32
    %dma_start3A_527 = tpu.memref_slice %arg4[%add3A_524, %dma_start3A_525, %dma_start3A_526] : memref<1024x16x768xf32, #tpu.memory_space<hbm>> -> memref<1x16x768xf32, #tpu.memory_space<hbm>>
    %dma_start3A_528 = tpu.memref_squeeze %dma_start3A_527 : memref<1x16x768xf32, #tpu.memory_space<hbm>> -> memref<16x768xf32, #tpu.memory_space<hbm>>
    %dma_start3A_529 = arith.constant 0 : i32
    %dma_start3A_530 = arith.constant 0 : i32
    %dma_start3A_531 = tpu.memref_slice %arg4[%add3A_524, %dma_start3A_529, %dma_start3A_530] : memref<1024x16x768xf32, #tpu.memory_space<hbm>> -> memref<1x16x768xf32, #tpu.memory_space<hbm>>
    %dma_start3A_532 = tpu.memref_squeeze %dma_start3A_531 : memref<1x16x768xf32, #tpu.memory_space<hbm>> -> memref<16x768xf32, #tpu.memory_space<hbm>>
    tpu.enqueue_dma source(%arg7 : memref<16x768xf32, #tpu.memory_space<vmem>>) target(%dma_start3A_532 : memref<16x768xf32, #tpu.memory_space<hbm>>) target_semaphore(%arg15 : memref<!tpu.dma_semaphore, #tpu.memory_space<semaphore_mem>>)
    %add3A_533 = arith.constant 1 : i32
    %add3A_534 = arith.addi %mul3A_2, %add3A_533 : i32
    %dma_wait3A_535 = arith.constant 0 : i32
    %dma_wait3A_536 = arith.constant 0 : i32
    %dma_wait3A_537 = tpu.memref_slice %arg4[%add3A_534, %dma_wait3A_535, %dma_wait3A_536] : memref<1024x16x768xf32, #tpu.memory_space<hbm>> -> memref<1x16x768xf32, #tpu.memory_space<hbm>>
    %dma_wait3A_538 = tpu.memref_squeeze %dma_wait3A_537 : memref<1x16x768xf32, #tpu.memory_space<hbm>> -> memref<16x768xf32, #tpu.memory_space<hbm>>
    %dma_wait3A_539 = arith.constant 0 : i32
    %dma_wait3A_540 = arith.constant 0 : i32
    %dma_wait3A_541 = tpu.memref_slice %arg4[%add3A_534, %dma_wait3A_539, %dma_wait3A_540] : memref<1024x16x768xf32, #tpu.memory_space<hbm>> -> memref<1x16x768xf32, #tpu.memory_space<hbm>>
    %dma_wait3A_542 = tpu.memref_squeeze %dma_wait3A_541 : memref<1x16x768xf32, #tpu.memory_space<hbm>> -> memref<16x768xf32, #tpu.memory_space<hbm>>
    tpu.wait_dma2 semaphore(%arg15 : memref<!tpu.dma_semaphore, #tpu.memory_space<semaphore_mem>>) src(%arg7 : memref<16x768xf32, #tpu.memory_space<vmem>>) dst(%dma_wait3A_542 : memref<16x768xf32, #tpu.memory_space<hbm>>)
    %dma_start3A_543 = arith.constant 0 : i32
    %dma_start3A_544 = arith.constant 0 : i32
    %dma_start3A_545 = tpu.memref_slice %arg3[%reduce_max3A_84, %dma_start3A_543, %dma_start3A_544] : memref<1000x16x768xf32, #tpu.memory_space<hbm>> -> memref<1x16x768xf32, #tpu.memory_space<hbm>>
    %dma_start3A_546 = tpu.memref_squeeze %dma_start3A_545 : memref<1x16x768xf32, #tpu.memory_space<hbm>> -> memref<16x768xf32, #tpu.memory_space<hbm>>
    %dma_start3A_547 = arith.constant 0 : i32
    %dma_start3A_548 = arith.constant 0 : i32
    %dma_start3A_549 = tpu.memref_slice %arg3[%reduce_max3A_84, %dma_start3A_547, %dma_start3A_548] : memref<1000x16x768xf32, #tpu.memory_space<hbm>> -> memref<1x16x768xf32, #tpu.memory_space<hbm>>
    %dma_start3A_550 = tpu.memref_squeeze %dma_start3A_549 : memref<1x16x768xf32, #tpu.memory_space<hbm>> -> memref<16x768xf32, #tpu.memory_space<hbm>>
    tpu.enqueue_dma source(%dma_start3A_550 : memref<16x768xf32, #tpu.memory_space<hbm>>) target(%arg7 : memref<16x768xf32, #tpu.memory_space<vmem>>) target_semaphore(%arg11 : memref<!tpu.dma_semaphore, #tpu.memory_space<semaphore_mem>>)
    %dma_wait3A_551 = arith.constant 0 : i32
    %dma_wait3A_552 = arith.constant 0 : i32
    %dma_wait3A_553 = tpu.memref_slice %arg3[%reduce_max3A_42, %dma_wait3A_551, %dma_wait3A_552] : memref<1000x16x768xf32, #tpu.memory_space<hbm>> -> memref<1x16x768xf32, #tpu.memory_space<hbm>>
    %dma_wait3A_554 = tpu.memref_squeeze %dma_wait3A_553 : memref<1x16x768xf32, #tpu.memory_space<hbm>> -> memref<16x768xf32, #tpu.memory_space<hbm>>
    %dma_wait3A_555 = arith.constant 0 : i32
    %dma_wait3A_556 = arith.constant 0 : i32
    %dma_wait3A_557 = tpu.memref_slice %arg3[%reduce_max3A_42, %dma_wait3A_555, %dma_wait3A_556] : memref<1000x16x768xf32, #tpu.memory_space<hbm>> -> memref<1x16x768xf32, #tpu.memory_space<hbm>>
    %dma_wait3A_558 = tpu.memref_squeeze %dma_wait3A_557 : memref<1x16x768xf32, #tpu.memory_space<hbm>> -> memref<16x768xf32, #tpu.memory_space<hbm>>
    tpu.wait_dma2 semaphore(%arg12 : memref<!tpu.dma_semaphore, #tpu.memory_space<semaphore_mem>>) src(%dma_wait3A_558 : memref<16x768xf32, #tpu.memory_space<hbm>>) dst(%arg8 : memref<16x768xf32, #tpu.memory_space<vmem>>)
    %add3A_559 = arith.constant 2 : i32
    %add3A_560 = arith.addi %mul3A_2, %add3A_559 : i32
    %dma_start3A_561 = arith.constant 0 : i32
    %dma_start3A_562 = arith.constant 0 : i32
    %dma_start3A_563 = tpu.memref_slice %arg4[%add3A_560, %dma_start3A_561, %dma_start3A_562] : memref<1024x16x768xf32, #tpu.memory_space<hbm>> -> memref<1x16x768xf32, #tpu.memory_space<hbm>>
    %dma_start3A_564 = tpu.memref_squeeze %dma_start3A_563 : memref<1x16x768xf32, #tpu.memory_space<hbm>> -> memref<16x768xf32, #tpu.memory_space<hbm>>
    %dma_start3A_565 = arith.constant 0 : i32
    %dma_start3A_566 = arith.constant 0 : i32
    %dma_start3A_567 = tpu.memref_slice %arg4[%add3A_560, %dma_start3A_565, %dma_start3A_566] : memref<1024x16x768xf32, #tpu.memory_space<hbm>> -> memref<1x16x768xf32, #tpu.memory_space<hbm>>
    %dma_start3A_568 = tpu.memref_squeeze %dma_start3A_567 : memref<1x16x768xf32, #tpu.memory_space<hbm>> -> memref<16x768xf32, #tpu.memory_space<hbm>>
    tpu.enqueue_dma source(%arg8 : memref<16x768xf32, #tpu.memory_space<vmem>>) target(%dma_start3A_568 : memref<16x768xf32, #tpu.memory_space<hbm>>) target_semaphore(%arg16 : memref<!tpu.dma_semaphore, #tpu.memory_space<semaphore_mem>>)
    %add3A_569 = arith.constant 2 : i32
    %add3A_570 = arith.addi %mul3A_2, %add3A_569 : i32
    %dma_wait3A_571 = arith.constant 0 : i32
    %dma_wait3A_572 = arith.constant 0 : i32
    %dma_wait3A_573 = tpu.memref_slice %arg4[%add3A_570, %dma_wait3A_571, %dma_wait3A_572] : memref<1024x16x768xf32, #tpu.memory_space<hbm>> -> memref<1x16x768xf32, #tpu.memory_space<hbm>>
    %dma_wait3A_574 = tpu.memref_squeeze %dma_wait3A_573 : memref<1x16x768xf32, #tpu.memory_space<hbm>> -> memref<16x768xf32, #tpu.memory_space<hbm>>
    %dma_wait3A_575 = arith.constant 0 : i32
    %dma_wait3A_576 = arith.constant 0 : i32
    %dma_wait3A_577 = tpu.memref_slice %arg4[%add3A_570, %dma_wait3A_575, %dma_wait3A_576] : memref<1024x16x768xf32, #tpu.memory_space<hbm>> -> memref<1x16x768xf32, #tpu.memory_space<hbm>>
    %dma_wait3A_578 = tpu.memref_squeeze %dma_wait3A_577 : memref<1x16x768xf32, #tpu.memory_space<hbm>> -> memref<16x768xf32, #tpu.memory_space<hbm>>
    tpu.wait_dma2 semaphore(%arg16 : memref<!tpu.dma_semaphore, #tpu.memory_space<semaphore_mem>>) src(%arg8 : memref<16x768xf32, #tpu.memory_space<vmem>>) dst(%dma_wait3A_578 : memref<16x768xf32, #tpu.memory_space<hbm>>)
    %dma_start3A_579 = arith.constant 0 : i32
    %dma_start3A_580 = arith.constant 0 : i32
    %dma_start3A_581 = tpu.memref_slice %arg3[%reduce_max3A_98, %dma_start3A_579, %dma_start3A_580] : memref<1000x16x768xf32, #tpu.memory_space<hbm>> -> memref<1x16x768xf32, #tpu.memory_space<hbm>>
    %dma_start3A_582 = tpu.memref_squeeze %dma_start3A_581 : memref<1x16x768xf32, #tpu.memory_space<hbm>> -> memref<16x768xf32, #tpu.memory_space<hbm>>
    %dma_start3A_583 = arith.constant 0 : i32
    %dma_start3A_584 = arith.constant 0 : i32
    %dma_start3A_585 = tpu.memref_slice %arg3[%reduce_max3A_98, %dma_start3A_583, %dma_start3A_584] : memref<1000x16x768xf32, #tpu.memory_space<hbm>> -> memref<1x16x768xf32, #tpu.memory_space<hbm>>
    %dma_start3A_586 = tpu.memref_squeeze %dma_start3A_585 : memref<1x16x768xf32, #tpu.memory_space<hbm>> -> memref<16x768xf32, #tpu.memory_space<hbm>>
    tpu.enqueue_dma source(%dma_start3A_586 : memref<16x768xf32, #tpu.memory_space<hbm>>) target(%arg8 : memref<16x768xf32, #tpu.memory_space<vmem>>) target_semaphore(%arg12 : memref<!tpu.dma_semaphore, #tpu.memory_space<semaphore_mem>>)
    %dma_wait3A_587 = arith.constant 0 : i32
    %dma_wait3A_588 = arith.constant 0 : i32
    %dma_wait3A_589 = tpu.memref_slice %arg3[%reduce_max3A_56, %dma_wait3A_587, %dma_wait3A_588] : memref<1000x16x768xf32, #tpu.memory_space<hbm>> -> memref<1x16x768xf32, #tpu.memory_space<hbm>>
    %dma_wait3A_590 = tpu.memref_squeeze %dma_wait3A_589 : memref<1x16x768xf32, #tpu.memory_space<hbm>> -> memref<16x768xf32, #tpu.memory_space<hbm>>
    %dma_wait3A_591 = arith.constant 0 : i32
    %dma_wait3A_592 = arith.constant 0 : i32
    %dma_wait3A_593 = tpu.memref_slice %arg3[%reduce_max3A_56, %dma_wait3A_591, %dma_wait3A_592] : memref<1000x16x768xf32, #tpu.memory_space<hbm>> -> memref<1x16x768xf32, #tpu.memory_space<hbm>>
    %dma_wait3A_594 = tpu.memref_squeeze %dma_wait3A_593 : memref<1x16x768xf32, #tpu.memory_space<hbm>> -> memref<16x768xf32, #tpu.memory_space<hbm>>
    tpu.wait_dma2 semaphore(%arg13 : memref<!tpu.dma_semaphore, #tpu.memory_space<semaphore_mem>>) src(%dma_wait3A_594 : memref<16x768xf32, #tpu.memory_space<hbm>>) dst(%arg9 : memref<16x768xf32, #tpu.memory_space<vmem>>)
    %add3A_595 = arith.constant 3 : i32
    %add3A_596 = arith.addi %mul3A_2, %add3A_595 : i32
    %dma_start3A_597 = arith.constant 0 : i32
    %dma_start3A_598 = arith.constant 0 : i32
    %dma_start3A_599 = tpu.memref_slice %arg4[%add3A_596, %dma_start3A_597, %dma_start3A_598] : memref<1024x16x768xf32, #tpu.memory_space<hbm>> -> memref<1x16x768xf32, #tpu.memory_space<hbm>>
    %dma_start3A_600 = tpu.memref_squeeze %dma_start3A_599 : memref<1x16x768xf32, #tpu.memory_space<hbm>> -> memref<16x768xf32, #tpu.memory_space<hbm>>
    %dma_start3A_601 = arith.constant 0 : i32
    %dma_start3A_602 = arith.constant 0 : i32
    %dma_start3A_603 = tpu.memref_slice %arg4[%add3A_596, %dma_start3A_601, %dma_start3A_602] : memref<1024x16x768xf32, #tpu.memory_space<hbm>> -> memref<1x16x768xf32, #tpu.memory_space<hbm>>
    %dma_start3A_604 = tpu.memref_squeeze %dma_start3A_603 : memref<1x16x768xf32, #tpu.memory_space<hbm>> -> memref<16x768xf32, #tpu.memory_space<hbm>>
    tpu.enqueue_dma source(%arg9 : memref<16x768xf32, #tpu.memory_space<vmem>>) target(%dma_start3A_604 : memref<16x768xf32, #tpu.memory_space<hbm>>) target_semaphore(%arg17 : memref<!tpu.dma_semaphore, #tpu.memory_space<semaphore_mem>>)
    %add3A_605 = arith.constant 3 : i32
    %add3A_606 = arith.addi %mul3A_2, %add3A_605 : i32
    %dma_wait3A_607 = arith.constant 0 : i32
    %dma_wait3A_608 = arith.constant 0 : i32
    %dma_wait3A_609 = tpu.memref_slice %arg4[%add3A_606, %dma_wait3A_607, %dma_wait3A_608] : memref<1024x16x768xf32, #tpu.memory_space<hbm>> -> memref<1x16x768xf32, #tpu.memory_space<hbm>>
    %dma_wait3A_610 = tpu.memref_squeeze %dma_wait3A_609 : memref<1x16x768xf32, #tpu.memory_space<hbm>> -> memref<16x768xf32, #tpu.memory_space<hbm>>
    %dma_wait3A_611 = arith.constant 0 : i32
    %dma_wait3A_612 = arith.constant 0 : i32
    %dma_wait3A_613 = tpu.memref_slice %arg4[%add3A_606, %dma_wait3A_611, %dma_wait3A_612] : memref<1024x16x768xf32, #tpu.memory_space<hbm>> -> memref<1x16x768xf32, #tpu.memory_space<hbm>>
    %dma_wait3A_614 = tpu.memref_squeeze %dma_wait3A_613 : memref<1x16x768xf32, #tpu.memory_space<hbm>> -> memref<16x768xf32, #tpu.memory_space<hbm>>
    tpu.wait_dma2 semaphore(%arg17 : memref<!tpu.dma_semaphore, #tpu.memory_space<semaphore_mem>>) src(%arg9 : memref<16x768xf32, #tpu.memory_space<vmem>>) dst(%dma_wait3A_614 : memref<16x768xf32, #tpu.memory_space<hbm>>)
    %dma_start3A_615 = arith.constant 0 : i32
    %dma_start3A_616 = arith.constant 0 : i32
    %dma_start3A_617 = tpu.memref_slice %arg3[%reduce_max3A_112, %dma_start3A_615, %dma_start3A_616] : memref<1000x16x768xf32, #tpu.memory_space<hbm>> -> memref<1x16x768xf32, #tpu.memory_space<hbm>>
    %dma_start3A_618 = tpu.memref_squeeze %dma_start3A_617 : memref<1x16x768xf32, #tpu.memory_space<hbm>> -> memref<16x768xf32, #tpu.memory_space<hbm>>
    %dma_start3A_619 = arith.constant 0 : i32
    %dma_start3A_620 = arith.constant 0 : i32
    %dma_start3A_621 = tpu.memref_slice %arg3[%reduce_max3A_112, %dma_start3A_619, %dma_start3A_620] : memref<1000x16x768xf32, #tpu.memory_space<hbm>> -> memref<1x16x768xf32, #tpu.memory_space<hbm>>
    %dma_start3A_622 = tpu.memref_squeeze %dma_start3A_621 : memref<1x16x768xf32, #tpu.memory_space<hbm>> -> memref<16x768xf32, #tpu.memory_space<hbm>>
    tpu.enqueue_dma source(%dma_start3A_622 : memref<16x768xf32, #tpu.memory_space<hbm>>) target(%arg9 : memref<16x768xf32, #tpu.memory_space<vmem>>) target_semaphore(%arg13 : memref<!tpu.dma_semaphore, #tpu.memory_space<semaphore_mem>>)
    %dma_wait3A_623 = arith.constant 0 : i32
    %dma_wait3A_624 = arith.constant 0 : i32
    %dma_wait3A_625 = tpu.memref_slice %arg3[%reduce_max3A_70, %dma_wait3A_623, %dma_wait3A_624] : memref<1000x16x768xf32, #tpu.memory_space<hbm>> -> memref<1x16x768xf32, #tpu.memory_space<hbm>>
    %dma_wait3A_626 = tpu.memref_squeeze %dma_wait3A_625 : memref<1x16x768xf32, #tpu.memory_space<hbm>> -> memref<16x768xf32, #tpu.memory_space<hbm>>
    %dma_wait3A_627 = arith.constant 0 : i32
    %dma_wait3A_628 = arith.constant 0 : i32
    %dma_wait3A_629 = tpu.memref_slice %arg3[%reduce_max3A_70, %dma_wait3A_627, %dma_wait3A_628] : memref<1000x16x768xf32, #tpu.memory_space<hbm>> -> memref<1x16x768xf32, #tpu.memory_space<hbm>>
    %dma_wait3A_630 = tpu.memref_squeeze %dma_wait3A_629 : memref<1x16x768xf32, #tpu.memory_space<hbm>> -> memref<16x768xf32, #tpu.memory_space<hbm>>
    tpu.wait_dma2 semaphore(%arg10 : memref<!tpu.dma_semaphore, #tpu.memory_space<semaphore_mem>>) src(%dma_wait3A_630 : memref<16x768xf32, #tpu.memory_space<hbm>>) dst(%arg6 : memref<16x768xf32, #tpu.memory_space<vmem>>)
    %add3A_631 = arith.constant 4 : i32
    %add3A_632 = arith.addi %mul3A_2, %add3A_631 : i32
    %dma_start3A_633 = arith.constant 0 : i32
    %dma_start3A_634 = arith.constant 0 : i32
    %dma_start3A_635 = tpu.memref_slice %arg4[%add3A_632, %dma_start3A_633, %dma_start3A_634] : memref<1024x16x768xf32, #tpu.memory_space<hbm>> -> memref<1x16x768xf32, #tpu.memory_space<hbm>>
    %dma_start3A_636 = tpu.memref_squeeze %dma_start3A_635 : memref<1x16x768xf32, #tpu.memory_space<hbm>> -> memref<16x768xf32, #tpu.memory_space<hbm>>
    %dma_start3A_637 = arith.constant 0 : i32
    %dma_start3A_638 = arith.constant 0 : i32
    %dma_start3A_639 = tpu.memref_slice %arg4[%add3A_632, %dma_start3A_637, %dma_start3A_638] : memref<1024x16x768xf32, #tpu.memory_space<hbm>> -> memref<1x16x768xf32, #tpu.memory_space<hbm>>
    %dma_start3A_640 = tpu.memref_squeeze %dma_start3A_639 : memref<1x16x768xf32, #tpu.memory_space<hbm>> -> memref<16x768xf32, #tpu.memory_space<hbm>>
    tpu.enqueue_dma source(%arg6 : memref<16x768xf32, #tpu.memory_space<vmem>>) target(%dma_start3A_640 : memref<16x768xf32, #tpu.memory_space<hbm>>) target_semaphore(%arg14 : memref<!tpu.dma_semaphore, #tpu.memory_space<semaphore_mem>>)
    %add3A_641 = arith.constant 4 : i32
    %add3A_642 = arith.addi %mul3A_2, %add3A_641 : i32
    %dma_wait3A_643 = arith.constant 0 : i32
    %dma_wait3A_644 = arith.constant 0 : i32
    %dma_wait3A_645 = tpu.memref_slice %arg4[%add3A_642, %dma_wait3A_643, %dma_wait3A_644] : memref<1024x16x768xf32, #tpu.memory_space<hbm>> -> memref<1x16x768xf32, #tpu.memory_space<hbm>>
    %dma_wait3A_646 = tpu.memref_squeeze %dma_wait3A_645 : memref<1x16x768xf32, #tpu.memory_space<hbm>> -> memref<16x768xf32, #tpu.memory_space<hbm>>
    %dma_wait3A_647 = arith.constant 0 : i32
    %dma_wait3A_648 = arith.constant 0 : i32
    %dma_wait3A_649 = tpu.memref_slice %arg4[%add3A_642, %dma_wait3A_647, %dma_wait3A_648] : memref<1024x16x768xf32, #tpu.memory_space<hbm>> -> memref<1x16x768xf32, #tpu.memory_space<hbm>>
    %dma_wait3A_650 = tpu.memref_squeeze %dma_wait3A_649 : memref<1x16x768xf32, #tpu.memory_space<hbm>> -> memref<16x768xf32, #tpu.memory_space<hbm>>
    tpu.wait_dma2 semaphore(%arg14 : memref<!tpu.dma_semaphore, #tpu.memory_space<semaphore_mem>>) src(%arg6 : memref<16x768xf32, #tpu.memory_space<vmem>>) dst(%dma_wait3A_650 : memref<16x768xf32, #tpu.memory_space<hbm>>)
    %dma_start3A_651 = arith.constant 0 : i32
    %dma_start3A_652 = arith.constant 0 : i32
    %dma_start3A_653 = tpu.memref_slice %arg3[%reduce_max3A_126, %dma_start3A_651, %dma_start3A_652] : memref<1000x16x768xf32, #tpu.memory_space<hbm>> -> memref<1x16x768xf32, #tpu.memory_space<hbm>>
    %dma_start3A_654 = tpu.memref_squeeze %dma_start3A_653 : memref<1x16x768xf32, #tpu.memory_space<hbm>> -> memref<16x768xf32, #tpu.memory_space<hbm>>
    %dma_start3A_655 = arith.constant 0 : i32
    %dma_start3A_656 = arith.constant 0 : i32
    %dma_start3A_657 = tpu.memref_slice %arg3[%reduce_max3A_126, %dma_start3A_655, %dma_start3A_656] : memref<1000x16x768xf32, #tpu.memory_space<hbm>> -> memref<1x16x768xf32, #tpu.memory_space<hbm>>
    %dma_start3A_658 = tpu.memref_squeeze %dma_start3A_657 : memref<1x16x768xf32, #tpu.memory_space<hbm>> -> memref<16x768xf32, #tpu.memory_space<hbm>>
    tpu.enqueue_dma source(%dma_start3A_658 : memref<16x768xf32, #tpu.memory_space<hbm>>) target(%arg6 : memref<16x768xf32, #tpu.memory_space<vmem>>) target_semaphore(%arg10 : memref<!tpu.dma_semaphore, #tpu.memory_space<semaphore_mem>>)
    %dma_wait3A_659 = arith.constant 0 : i32
    %dma_wait3A_660 = arith.constant 0 : i32
    %dma_wait3A_661 = tpu.memref_slice %arg3[%reduce_max3A_84, %dma_wait3A_659, %dma_wait3A_660] : memref<1000x16x768xf32, #tpu.memory_space<hbm>> -> memref<1x16x768xf32, #tpu.memory_space<hbm>>
    %dma_wait3A_662 = tpu.memref_squeeze %dma_wait3A_661 : memref<1x16x768xf32, #tpu.memory_space<hbm>> -> memref<16x768xf32, #tpu.memory_space<hbm>>
    %dma_wait3A_663 = arith.constant 0 : i32
    %dma_wait3A_664 = arith.constant 0 : i32
    %dma_wait3A_665 = tpu.memref_slice %arg3[%reduce_max3A_84, %dma_wait3A_663, %dma_wait3A_664] : memref<1000x16x768xf32, #tpu.memory_space<hbm>> -> memref<1x16x768xf32, #tpu.memory_space<hbm>>
    %dma_wait3A_666 = tpu.memref_squeeze %dma_wait3A_665 : memref<1x16x768xf32, #tpu.memory_space<hbm>> -> memref<16x768xf32, #tpu.memory_space<hbm>>
    tpu.wait_dma2 semaphore(%arg11 : memref<!tpu.dma_semaphore, #tpu.memory_space<semaphore_mem>>) src(%dma_wait3A_666 : memref<16x768xf32, #tpu.memory_space<hbm>>) dst(%arg7 : memref<16x768xf32, #tpu.memory_space<vmem>>)
    %add3A_667 = arith.constant 5 : i32
    %add3A_668 = arith.addi %mul3A_2, %add3A_667 : i32
    %dma_start3A_669 = arith.constant 0 : i32
    %dma_start3A_670 = arith.constant 0 : i32
    %dma_start3A_671 = tpu.memref_slice %arg4[%add3A_668, %dma_start3A_669, %dma_start3A_670] : memref<1024x16x768xf32, #tpu.memory_space<hbm>> -> memref<1x16x768xf32, #tpu.memory_space<hbm>>
    %dma_start3A_672 = tpu.memref_squeeze %dma_start3A_671 : memref<1x16x768xf32, #tpu.memory_space<hbm>> -> memref<16x768xf32, #tpu.memory_space<hbm>>
    %dma_start3A_673 = arith.constant 0 : i32
    %dma_start3A_674 = arith.constant 0 : i32
    %dma_start3A_675 = tpu.memref_slice %arg4[%add3A_668, %dma_start3A_673, %dma_start3A_674] : memref<1024x16x768xf32, #tpu.memory_space<hbm>> -> memref<1x16x768xf32, #tpu.memory_space<hbm>>
    %dma_start3A_676 = tpu.memref_squeeze %dma_start3A_675 : memref<1x16x768xf32, #tpu.memory_space<hbm>> -> memref<16x768xf32, #tpu.memory_space<hbm>>
    tpu.enqueue_dma source(%arg7 : memref<16x768xf32, #tpu.memory_space<vmem>>) target(%dma_start3A_676 : memref<16x768xf32, #tpu.memory_space<hbm>>) target_semaphore(%arg15 : memref<!tpu.dma_semaphore, #tpu.memory_space<semaphore_mem>>)
    %add3A_677 = arith.constant 5 : i32
    %add3A_678 = arith.addi %mul3A_2, %add3A_677 : i32
    %dma_wait3A_679 = arith.constant 0 : i32
    %dma_wait3A_680 = arith.constant 0 : i32
    %dma_wait3A_681 = tpu.memref_slice %arg4[%add3A_678, %dma_wait3A_679, %dma_wait3A_680] : memref<1024x16x768xf32, #tpu.memory_space<hbm>> -> memref<1x16x768xf32, #tpu.memory_space<hbm>>
    %dma_wait3A_682 = tpu.memref_squeeze %dma_wait3A_681 : memref<1x16x768xf32, #tpu.memory_space<hbm>> -> memref<16x768xf32, #tpu.memory_space<hbm>>
    %dma_wait3A_683 = arith.constant 0 : i32
    %dma_wait3A_684 = arith.constant 0 : i32
    %dma_wait3A_685 = tpu.memref_slice %arg4[%add3A_678, %dma_wait3A_683, %dma_wait3A_684] : memref<1024x16x768xf32, #tpu.memory_space<hbm>> -> memref<1x16x768xf32, #tpu.memory_space<hbm>>
    %dma_wait3A_686 = tpu.memref_squeeze %dma_wait3A_685 : memref<1x16x768xf32, #tpu.memory_space<hbm>> -> memref<16x768xf32, #tpu.memory_space<hbm>>
    tpu.wait_dma2 semaphore(%arg15 : memref<!tpu.dma_semaphore, #tpu.memory_space<semaphore_mem>>) src(%arg7 : memref<16x768xf32, #tpu.memory_space<vmem>>) dst(%dma_wait3A_686 : memref<16x768xf32, #tpu.memory_space<hbm>>)
    %dma_start3A_687 = arith.constant 0 : i32
    %dma_start3A_688 = arith.constant 0 : i32
    %dma_start3A_689 = tpu.memref_slice %arg3[%reduce_max3A_140, %dma_start3A_687, %dma_start3A_688] : memref<1000x16x768xf32, #tpu.memory_space<hbm>> -> memref<1x16x768xf32, #tpu.memory_space<hbm>>
    %dma_start3A_690 = tpu.memref_squeeze %dma_start3A_689 : memref<1x16x768xf32, #tpu.memory_space<hbm>> -> memref<16x768xf32, #tpu.memory_space<hbm>>
    %dma_start3A_691 = arith.constant 0 : i32
    %dma_start3A_692 = arith.constant 0 : i32
    %dma_start3A_693 = tpu.memref_slice %arg3[%reduce_max3A_140, %dma_start3A_691, %dma_start3A_692] : memref<1000x16x768xf32, #tpu.memory_space<hbm>> -> memref<1x16x768xf32, #tpu.memory_space<hbm>>
    %dma_start3A_694 = tpu.memref_squeeze %dma_start3A_693 : memref<1x16x768xf32, #tpu.memory_space<hbm>> -> memref<16x768xf32, #tpu.memory_space<hbm>>
    tpu.enqueue_dma source(%dma_start3A_694 : memref<16x768xf32, #tpu.memory_space<hbm>>) target(%arg7 : memref<16x768xf32, #tpu.memory_space<vmem>>) target_semaphore(%arg11 : memref<!tpu.dma_semaphore, #tpu.memory_space<semaphore_mem>>)
    %dma_wait3A_695 = arith.constant 0 : i32
    %dma_wait3A_696 = arith.constant 0 : i32
    %dma_wait3A_697 = tpu.memref_slice %arg3[%reduce_max3A_98, %dma_wait3A_695, %dma_wait3A_696] : memref<1000x16x768xf32, #tpu.memory_space<hbm>> -> memref<1x16x768xf32, #tpu.memory_space<hbm>>
    %dma_wait3A_698 = tpu.memref_squeeze %dma_wait3A_697 : memref<1x16x768xf32, #tpu.memory_space<hbm>> -> memref<16x768xf32, #tpu.memory_space<hbm>>
    %dma_wait3A_699 = arith.constant 0 : i32
    %dma_wait3A_700 = arith.constant 0 : i32
    %dma_wait3A_701 = tpu.memref_slice %arg3[%reduce_max3A_98, %dma_wait3A_699, %dma_wait3A_700] : memref<1000x16x768xf32, #tpu.memory_space<hbm>> -> memref<1x16x768xf32, #tpu.memory_space<hbm>>
    %dma_wait3A_702 = tpu.memref_squeeze %dma_wait3A_701 : memref<1x16x768xf32, #tpu.memory_space<hbm>> -> memref<16x768xf32, #tpu.memory_space<hbm>>
    tpu.wait_dma2 semaphore(%arg12 : memref<!tpu.dma_semaphore, #tpu.memory_space<semaphore_mem>>) src(%dma_wait3A_702 : memref<16x768xf32, #tpu.memory_space<hbm>>) dst(%arg8 : memref<16x768xf32, #tpu.memory_space<vmem>>)
    %add3A_703 = arith.constant 6 : i32
    %add3A_704 = arith.addi %mul3A_2, %add3A_703 : i32
    %dma_start3A_705 = arith.constant 0 : i32
    %dma_start3A_706 = arith.constant 0 : i32
    %dma_start3A_707 = tpu.memref_slice %arg4[%add3A_704, %dma_start3A_705, %dma_start3A_706] : memref<1024x16x768xf32, #tpu.memory_space<hbm>> -> memref<1x16x768xf32, #tpu.memory_space<hbm>>
    %dma_start3A_708 = tpu.memref_squeeze %dma_start3A_707 : memref<1x16x768xf32, #tpu.memory_space<hbm>> -> memref<16x768xf32, #tpu.memory_space<hbm>>
    %dma_start3A_709 = arith.constant 0 : i32
    %dma_start3A_710 = arith.constant 0 : i32
    %dma_start3A_711 = tpu.memref_slice %arg4[%add3A_704, %dma_start3A_709, %dma_start3A_710] : memref<1024x16x768xf32, #tpu.memory_space<hbm>> -> memref<1x16x768xf32, #tpu.memory_space<hbm>>
    %dma_start3A_712 = tpu.memref_squeeze %dma_start3A_711 : memref<1x16x768xf32, #tpu.memory_space<hbm>> -> memref<16x768xf32, #tpu.memory_space<hbm>>
    tpu.enqueue_dma source(%arg8 : memref<16x768xf32, #tpu.memory_space<vmem>>) target(%dma_start3A_712 : memref<16x768xf32, #tpu.memory_space<hbm>>) target_semaphore(%arg16 : memref<!tpu.dma_semaphore, #tpu.memory_space<semaphore_mem>>)
    %add3A_713 = arith.constant 6 : i32
    %add3A_714 = arith.addi %mul3A_2, %add3A_713 : i32
    %dma_wait3A_715 = arith.constant 0 : i32
    %dma_wait3A_716 = arith.constant 0 : i32
    %dma_wait3A_717 = tpu.memref_slice %arg4[%add3A_714, %dma_wait3A_715, %dma_wait3A_716] : memref<1024x16x768xf32, #tpu.memory_space<hbm>> -> memref<1x16x768xf32, #tpu.memory_space<hbm>>
    %dma_wait3A_718 = tpu.memref_squeeze %dma_wait3A_717 : memref<1x16x768xf32, #tpu.memory_space<hbm>> -> memref<16x768xf32, #tpu.memory_space<hbm>>
    %dma_wait3A_719 = arith.constant 0 : i32
    %dma_wait3A_720 = arith.constant 0 : i32
    %dma_wait3A_721 = tpu.memref_slice %arg4[%add3A_714, %dma_wait3A_719, %dma_wait3A_720] : memref<1024x16x768xf32, #tpu.memory_space<hbm>> -> memref<1x16x768xf32, #tpu.memory_space<hbm>>
    %dma_wait3A_722 = tpu.memref_squeeze %dma_wait3A_721 : memref<1x16x768xf32, #tpu.memory_space<hbm>> -> memref<16x768xf32, #tpu.memory_space<hbm>>
    tpu.wait_dma2 semaphore(%arg16 : memref<!tpu.dma_semaphore, #tpu.memory_space<semaphore_mem>>) src(%arg8 : memref<16x768xf32, #tpu.memory_space<vmem>>) dst(%dma_wait3A_722 : memref<16x768xf32, #tpu.memory_space<hbm>>)
    %dma_start3A_723 = arith.constant 0 : i32
    %dma_start3A_724 = arith.constant 0 : i32
    %dma_start3A_725 = tpu.memref_slice %arg3[%reduce_max3A_154, %dma_start3A_723, %dma_start3A_724] : memref<1000x16x768xf32, #tpu.memory_space<hbm>> -> memref<1x16x768xf32, #tpu.memory_space<hbm>>
    %dma_start3A_726 = tpu.memref_squeeze %dma_start3A_725 : memref<1x16x768xf32, #tpu.memory_space<hbm>> -> memref<16x768xf32, #tpu.memory_space<hbm>>
    %dma_start3A_727 = arith.constant 0 : i32
    %dma_start3A_728 = arith.constant 0 : i32
    %dma_start3A_729 = tpu.memref_slice %arg3[%reduce_max3A_154, %dma_start3A_727, %dma_start3A_728] : memref<1000x16x768xf32, #tpu.memory_space<hbm>> -> memref<1x16x768xf32, #tpu.memory_space<hbm>>
    %dma_start3A_730 = tpu.memref_squeeze %dma_start3A_729 : memref<1x16x768xf32, #tpu.memory_space<hbm>> -> memref<16x768xf32, #tpu.memory_space<hbm>>
    tpu.enqueue_dma source(%dma_start3A_730 : memref<16x768xf32, #tpu.memory_space<hbm>>) target(%arg8 : memref<16x768xf32, #tpu.memory_space<vmem>>) target_semaphore(%arg12 : memref<!tpu.dma_semaphore, #tpu.memory_space<semaphore_mem>>)
    %dma_wait3A_731 = arith.constant 0 : i32
    %dma_wait3A_732 = arith.constant 0 : i32
    %dma_wait3A_733 = tpu.memref_slice %arg3[%reduce_max3A_112, %dma_wait3A_731, %dma_wait3A_732] : memref<1000x16x768xf32, #tpu.memory_space<hbm>> -> memref<1x16x768xf32, #tpu.memory_space<hbm>>
    %dma_wait3A_734 = tpu.memref_squeeze %dma_wait3A_733 : memref<1x16x768xf32, #tpu.memory_space<hbm>> -> memref<16x768xf32, #tpu.memory_space<hbm>>
    %dma_wait3A_735 = arith.constant 0 : i32
    %dma_wait3A_736 = arith.constant 0 : i32
    %dma_wait3A_737 = tpu.memref_slice %arg3[%reduce_max3A_112, %dma_wait3A_735, %dma_wait3A_736] : memref<1000x16x768xf32, #tpu.memory_space<hbm>> -> memref<1x16x768xf32, #tpu.memory_space<hbm>>
    %dma_wait3A_738 = tpu.memref_squeeze %dma_wait3A_737 : memref<1x16x768xf32, #tpu.memory_space<hbm>> -> memref<16x768xf32, #tpu.memory_space<hbm>>
    tpu.wait_dma2 semaphore(%arg13 : memref<!tpu.dma_semaphore, #tpu.memory_space<semaphore_mem>>) src(%dma_wait3A_738 : memref<16x768xf32, #tpu.memory_space<hbm>>) dst(%arg9 : memref<16x768xf32, #tpu.memory_space<vmem>>)
    %add3A_739 = arith.constant 7 : i32
    %add3A_740 = arith.addi %mul3A_2, %add3A_739 : i32
    %dma_start3A_741 = arith.constant 0 : i32
    %dma_start3A_742 = arith.constant 0 : i32
    %dma_start3A_743 = tpu.memref_slice %arg4[%add3A_740, %dma_start3A_741, %dma_start3A_742] : memref<1024x16x768xf32, #tpu.memory_space<hbm>> -> memref<1x16x768xf32, #tpu.memory_space<hbm>>
    %dma_start3A_744 = tpu.memref_squeeze %dma_start3A_743 : memref<1x16x768xf32, #tpu.memory_space<hbm>> -> memref<16x768xf32, #tpu.memory_space<hbm>>
    %dma_start3A_745 = arith.constant 0 : i32
    %dma_start3A_746 = arith.constant 0 : i32
    %dma_start3A_747 = tpu.memref_slice %arg4[%add3A_740, %dma_start3A_745, %dma_start3A_746] : memref<1024x16x768xf32, #tpu.memory_space<hbm>> -> memref<1x16x768xf32, #tpu.memory_space<hbm>>
    %dma_start3A_748 = tpu.memref_squeeze %dma_start3A_747 : memref<1x16x768xf32, #tpu.memory_space<hbm>> -> memref<16x768xf32, #tpu.memory_space<hbm>>
    tpu.enqueue_dma source(%arg9 : memref<16x768xf32, #tpu.memory_space<vmem>>) target(%dma_start3A_748 : memref<16x768xf32, #tpu.memory_space<hbm>>) target_semaphore(%arg17 : memref<!tpu.dma_semaphore, #tpu.memory_space<semaphore_mem>>)
    %add3A_749 = arith.constant 7 : i32
    %add3A_750 = arith.addi %mul3A_2, %add3A_749 : i32
    %dma_wait3A_751 = arith.constant 0 : i32
    %dma_wait3A_752 = arith.constant 0 : i32
    %dma_wait3A_753 = tpu.memref_slice %arg4[%add3A_750, %dma_wait3A_751, %dma_wait3A_752] : memref<1024x16x768xf32, #tpu.memory_space<hbm>> -> memref<1x16x768xf32, #tpu.memory_space<hbm>>
    %dma_wait3A_754 = tpu.memref_squeeze %dma_wait3A_753 : memref<1x16x768xf32, #tpu.memory_space<hbm>> -> memref<16x768xf32, #tpu.memory_space<hbm>>
    %dma_wait3A_755 = arith.constant 0 : i32
    %dma_wait3A_756 = arith.constant 0 : i32
    %dma_wait3A_757 = tpu.memref_slice %arg4[%add3A_750, %dma_wait3A_755, %dma_wait3A_756] : memref<1024x16x768xf32, #tpu.memory_space<hbm>> -> memref<1x16x768xf32, #tpu.memory_space<hbm>>
    %dma_wait3A_758 = tpu.memref_squeeze %dma_wait3A_757 : memref<1x16x768xf32, #tpu.memory_space<hbm>> -> memref<16x768xf32, #tpu.memory_space<hbm>>
    tpu.wait_dma2 semaphore(%arg17 : memref<!tpu.dma_semaphore, #tpu.memory_space<semaphore_mem>>) src(%arg9 : memref<16x768xf32, #tpu.memory_space<vmem>>) dst(%dma_wait3A_758 : memref<16x768xf32, #tpu.memory_space<hbm>>)
    %dma_start3A_759 = arith.constant 0 : i32
    %dma_start3A_760 = arith.constant 0 : i32
    %dma_start3A_761 = tpu.memref_slice %arg3[%reduce_max3A_168, %dma_start3A_759, %dma_start3A_760] : memref<1000x16x768xf32, #tpu.memory_space<hbm>> -> memref<1x16x768xf32, #tpu.memory_space<hbm>>
    %dma_start3A_762 = tpu.memref_squeeze %dma_start3A_761 : memref<1x16x768xf32, #tpu.memory_space<hbm>> -> memref<16x768xf32, #tpu.memory_space<hbm>>
    %dma_start3A_763 = arith.constant 0 : i32
    %dma_start3A_764 = arith.constant 0 : i32
    %dma_start3A_765 = tpu.memref_slice %arg3[%reduce_max3A_168, %dma_start3A_763, %dma_start3A_764] : memref<1000x16x768xf32, #tpu.memory_space<hbm>> -> memref<1x16x768xf32, #tpu.memory_space<hbm>>
    %dma_start3A_766 = tpu.memref_squeeze %dma_start3A_765 : memref<1x16x768xf32, #tpu.memory_space<hbm>> -> memref<16x768xf32, #tpu.memory_space<hbm>>
    tpu.enqueue_dma source(%dma_start3A_766 : memref<16x768xf32, #tpu.memory_space<hbm>>) target(%arg9 : memref<16x768xf32, #tpu.memory_space<vmem>>) target_semaphore(%arg13 : memref<!tpu.dma_semaphore, #tpu.memory_space<semaphore_mem>>)
    %dma_wait3A_767 = arith.constant 0 : i32
    %dma_wait3A_768 = arith.constant 0 : i32
    %dma_wait3A_769 = tpu.memref_slice %arg3[%reduce_max3A_126, %dma_wait3A_767, %dma_wait3A_768] : memref<1000x16x768xf32, #tpu.memory_space<hbm>> -> memref<1x16x768xf32, #tpu.memory_space<hbm>>
    %dma_wait3A_770 = tpu.memref_squeeze %dma_wait3A_769 : memref<1x16x768xf32, #tpu.memory_space<hbm>> -> memref<16x768xf32, #tpu.memory_space<hbm>>
    %dma_wait3A_771 = arith.constant 0 : i32
    %dma_wait3A_772 = arith.constant 0 : i32
    %dma_wait3A_773 = tpu.memref_slice %arg3[%reduce_max3A_126, %dma_wait3A_771, %dma_wait3A_772] : memref<1000x16x768xf32, #tpu.memory_space<hbm>> -> memref<1x16x768xf32, #tpu.memory_space<hbm>>
    %dma_wait3A_774 = tpu.memref_squeeze %dma_wait3A_773 : memref<1x16x768xf32, #tpu.memory_space<hbm>> -> memref<16x768xf32, #tpu.memory_space<hbm>>
    tpu.wait_dma2 semaphore(%arg10 : memref<!tpu.dma_semaphore, #tpu.memory_space<semaphore_mem>>) src(%dma_wait3A_774 : memref<16x768xf32, #tpu.memory_space<hbm>>) dst(%arg6 : memref<16x768xf32, #tpu.memory_space<vmem>>)
    %add3A_775 = arith.constant 8 : i32
    %add3A_776 = arith.addi %mul3A_2, %add3A_775 : i32
    %dma_start3A_777 = arith.constant 0 : i32
    %dma_start3A_778 = arith.constant 0 : i32
    %dma_start3A_779 = tpu.memref_slice %arg4[%add3A_776, %dma_start3A_777, %dma_start3A_778] : memref<1024x16x768xf32, #tpu.memory_space<hbm>> -> memref<1x16x768xf32, #tpu.memory_space<hbm>>
    %dma_start3A_780 = tpu.memref_squeeze %dma_start3A_779 : memref<1x16x768xf32, #tpu.memory_space<hbm>> -> memref<16x768xf32, #tpu.memory_space<hbm>>
    %dma_start3A_781 = arith.constant 0 : i32
    %dma_start3A_782 = arith.constant 0 : i32
    %dma_start3A_783 = tpu.memref_slice %arg4[%add3A_776, %dma_start3A_781, %dma_start3A_782] : memref<1024x16x768xf32, #tpu.memory_space<hbm>> -> memref<1x16x768xf32, #tpu.memory_space<hbm>>
    %dma_start3A_784 = tpu.memref_squeeze %dma_start3A_783 : memref<1x16x768xf32, #tpu.memory_space<hbm>> -> memref<16x768xf32, #tpu.memory_space<hbm>>
    tpu.enqueue_dma source(%arg6 : memref<16x768xf32, #tpu.memory_space<vmem>>) target(%dma_start3A_784 : memref<16x768xf32, #tpu.memory_space<hbm>>) target_semaphore(%arg14 : memref<!tpu.dma_semaphore, #tpu.memory_space<semaphore_mem>>)
    %add3A_785 = arith.constant 8 : i32
    %add3A_786 = arith.addi %mul3A_2, %add3A_785 : i32
    %dma_wait3A_787 = arith.constant 0 : i32
    %dma_wait3A_788 = arith.constant 0 : i32
    %dma_wait3A_789 = tpu.memref_slice %arg4[%add3A_786, %dma_wait3A_787, %dma_wait3A_788] : memref<1024x16x768xf32, #tpu.memory_space<hbm>> -> memref<1x16x768xf32, #tpu.memory_space<hbm>>
    %dma_wait3A_790 = tpu.memref_squeeze %dma_wait3A_789 : memref<1x16x768xf32, #tpu.memory_space<hbm>> -> memref<16x768xf32, #tpu.memory_space<hbm>>
    %dma_wait3A_791 = arith.constant 0 : i32
    %dma_wait3A_792 = arith.constant 0 : i32
    %dma_wait3A_793 = tpu.memref_slice %arg4[%add3A_786, %dma_wait3A_791, %dma_wait3A_792] : memref<1024x16x768xf32, #tpu.memory_space<hbm>> -> memref<1x16x768xf32, #tpu.memory_space<hbm>>
    %dma_wait3A_794 = tpu.memref_squeeze %dma_wait3A_793 : memref<1x16x768xf32, #tpu.memory_space<hbm>> -> memref<16x768xf32, #tpu.memory_space<hbm>>
    tpu.wait_dma2 semaphore(%arg14 : memref<!tpu.dma_semaphore, #tpu.memory_space<semaphore_mem>>) src(%arg6 : memref<16x768xf32, #tpu.memory_space<vmem>>) dst(%dma_wait3A_794 : memref<16x768xf32, #tpu.memory_space<hbm>>)
    %dma_start3A_795 = arith.constant 0 : i32
    %dma_start3A_796 = arith.constant 0 : i32
    %dma_start3A_797 = tpu.memref_slice %arg3[%reduce_max3A_182, %dma_start3A_795, %dma_start3A_796] : memref<1000x16x768xf32, #tpu.memory_space<hbm>> -> memref<1x16x768xf32, #tpu.memory_space<hbm>>
    %dma_start3A_798 = tpu.memref_squeeze %dma_start3A_797 : memref<1x16x768xf32, #tpu.memory_space<hbm>> -> memref<16x768xf32, #tpu.memory_space<hbm>>
    %dma_start3A_799 = arith.constant 0 : i32
    %dma_start3A_800 = arith.constant 0 : i32
    %dma_start3A_801 = tpu.memref_slice %arg3[%reduce_max3A_182, %dma_start3A_799, %dma_start3A_800] : memref<1000x16x768xf32, #tpu.memory_space<hbm>> -> memref<1x16x768xf32, #tpu.memory_space<hbm>>
    %dma_start3A_802 = tpu.memref_squeeze %dma_start3A_801 : memref<1x16x768xf32, #tpu.memory_space<hbm>> -> memref<16x768xf32, #tpu.memory_space<hbm>>
    tpu.enqueue_dma source(%dma_start3A_802 : memref<16x768xf32, #tpu.memory_space<hbm>>) target(%arg6 : memref<16x768xf32, #tpu.memory_space<vmem>>) target_semaphore(%arg10 : memref<!tpu.dma_semaphore, #tpu.memory_space<semaphore_mem>>)
    %dma_wait3A_803 = arith.constant 0 : i32
    %dma_wait3A_804 = arith.constant 0 : i32
    %dma_wait3A_805 = tpu.memref_slice %arg3[%reduce_max3A_140, %dma_wait3A_803, %dma_wait3A_804] : memref<1000x16x768xf32, #tpu.memory_space<hbm>> -> memref<1x16x768xf32, #tpu.memory_space<hbm>>
    %dma_wait3A_806 = tpu.memref_squeeze %dma_wait3A_805 : memref<1x16x768xf32, #tpu.memory_space<hbm>> -> memref<16x768xf32, #tpu.memory_space<hbm>>
    %dma_wait3A_807 = arith.constant 0 : i32
    %dma_wait3A_808 = arith.constant 0 : i32
    %dma_wait3A_809 = tpu.memref_slice %arg3[%reduce_max3A_140, %dma_wait3A_807, %dma_wait3A_808] : memref<1000x16x768xf32, #tpu.memory_space<hbm>> -> memref<1x16x768xf32, #tpu.memory_space<hbm>>
    %dma_wait3A_810 = tpu.memref_squeeze %dma_wait3A_809 : memref<1x16x768xf32, #tpu.memory_space<hbm>> -> memref<16x768xf32, #tpu.memory_space<hbm>>
    tpu.wait_dma2 semaphore(%arg11 : memref<!tpu.dma_semaphore, #tpu.memory_space<semaphore_mem>>) src(%dma_wait3A_810 : memref<16x768xf32, #tpu.memory_space<hbm>>) dst(%arg7 : memref<16x768xf32, #tpu.memory_space<vmem>>)
    %add3A_811 = arith.constant 9 : i32
    %add3A_812 = arith.addi %mul3A_2, %add3A_811 : i32
    %dma_start3A_813 = arith.constant 0 : i32
    %dma_start3A_814 = arith.constant 0 : i32
    %dma_start3A_815 = tpu.memref_slice %arg4[%add3A_812, %dma_start3A_813, %dma_start3A_814] : memref<1024x16x768xf32, #tpu.memory_space<hbm>> -> memref<1x16x768xf32, #tpu.memory_space<hbm>>
    %dma_start3A_816 = tpu.memref_squeeze %dma_start3A_815 : memref<1x16x768xf32, #tpu.memory_space<hbm>> -> memref<16x768xf32, #tpu.memory_space<hbm>>
    %dma_start3A_817 = arith.constant 0 : i32
    %dma_start3A_818 = arith.constant 0 : i32
    %dma_start3A_819 = tpu.memref_slice %arg4[%add3A_812, %dma_start3A_817, %dma_start3A_818] : memref<1024x16x768xf32, #tpu.memory_space<hbm>> -> memref<1x16x768xf32, #tpu.memory_space<hbm>>
    %dma_start3A_820 = tpu.memref_squeeze %dma_start3A_819 : memref<1x16x768xf32, #tpu.memory_space<hbm>> -> memref<16x768xf32, #tpu.memory_space<hbm>>
    tpu.enqueue_dma source(%arg7 : memref<16x768xf32, #tpu.memory_space<vmem>>) target(%dma_start3A_820 : memref<16x768xf32, #tpu.memory_space<hbm>>) target_semaphore(%arg15 : memref<!tpu.dma_semaphore, #tpu.memory_space<semaphore_mem>>)
    %add3A_821 = arith.constant 9 : i32
    %add3A_822 = arith.addi %mul3A_2, %add3A_821 : i32
    %dma_wait3A_823 = arith.constant 0 : i32
    %dma_wait3A_824 = arith.constant 0 : i32
    %dma_wait3A_825 = tpu.memref_slice %arg4[%add3A_822, %dma_wait3A_823, %dma_wait3A_824] : memref<1024x16x768xf32, #tpu.memory_space<hbm>> -> memref<1x16x768xf32, #tpu.memory_space<hbm>>
    %dma_wait3A_826 = tpu.memref_squeeze %dma_wait3A_825 : memref<1x16x768xf32, #tpu.memory_space<hbm>> -> memref<16x768xf32, #tpu.memory_space<hbm>>
    %dma_wait3A_827 = arith.constant 0 : i32
    %dma_wait3A_828 = arith.constant 0 : i32
    %dma_wait3A_829 = tpu.memref_slice %arg4[%add3A_822, %dma_wait3A_827, %dma_wait3A_828] : memref<1024x16x768xf32, #tpu.memory_space<hbm>> -> memref<1x16x768xf32, #tpu.memory_space<hbm>>
    %dma_wait3A_830 = tpu.memref_squeeze %dma_wait3A_829 : memref<1x16x768xf32, #tpu.memory_space<hbm>> -> memref<16x768xf32, #tpu.memory_space<hbm>>
    tpu.wait_dma2 semaphore(%arg15 : memref<!tpu.dma_semaphore, #tpu.memory_space<semaphore_mem>>) src(%arg7 : memref<16x768xf32, #tpu.memory_space<vmem>>) dst(%dma_wait3A_830 : memref<16x768xf32, #tpu.memory_space<hbm>>)
    %dma_start3A_831 = arith.constant 0 : i32
    %dma_start3A_832 = arith.constant 0 : i32
    %dma_start3A_833 = tpu.memref_slice %arg3[%reduce_max3A_196, %dma_start3A_831, %dma_start3A_832] : memref<1000x16x768xf32, #tpu.memory_space<hbm>> -> memref<1x16x768xf32, #tpu.memory_space<hbm>>
    %dma_start3A_834 = tpu.memref_squeeze %dma_start3A_833 : memref<1x16x768xf32, #tpu.memory_space<hbm>> -> memref<16x768xf32, #tpu.memory_space<hbm>>
    %dma_start3A_835 = arith.constant 0 : i32
    %dma_start3A_836 = arith.constant 0 : i32
    %dma_start3A_837 = tpu.memref_slice %arg3[%reduce_max3A_196, %dma_start3A_835, %dma_start3A_836] : memref<1000x16x768xf32, #tpu.memory_space<hbm>> -> memref<1x16x768xf32, #tpu.memory_space<hbm>>
    %dma_start3A_838 = tpu.memref_squeeze %dma_start3A_837 : memref<1x16x768xf32, #tpu.memory_space<hbm>> -> memref<16x768xf32, #tpu.memory_space<hbm>>
    tpu.enqueue_dma source(%dma_start3A_838 : memref<16x768xf32, #tpu.memory_space<hbm>>) target(%arg7 : memref<16x768xf32, #tpu.memory_space<vmem>>) target_semaphore(%arg11 : memref<!tpu.dma_semaphore, #tpu.memory_space<semaphore_mem>>)
    %dma_wait3A_839 = arith.constant 0 : i32
    %dma_wait3A_840 = arith.constant 0 : i32
    %dma_wait3A_841 = tpu.memref_slice %arg3[%reduce_max3A_154, %dma_wait3A_839, %dma_wait3A_840] : memref<1000x16x768xf32, #tpu.memory_space<hbm>> -> memref<1x16x768xf32, #tpu.memory_space<hbm>>
    %dma_wait3A_842 = tpu.memref_squeeze %dma_wait3A_841 : memref<1x16x768xf32, #tpu.memory_space<hbm>> -> memref<16x768xf32, #tpu.memory_space<hbm>>
    %dma_wait3A_843 = arith.constant 0 : i32
    %dma_wait3A_844 = arith.constant 0 : i32
    %dma_wait3A_845 = tpu.memref_slice %arg3[%reduce_max3A_154, %dma_wait3A_843, %dma_wait3A_844] : memref<1000x16x768xf32, #tpu.memory_space<hbm>> -> memref<1x16x768xf32, #tpu.memory_space<hbm>>
    %dma_wait3A_846 = tpu.memref_squeeze %dma_wait3A_845 : memref<1x16x768xf32, #tpu.memory_space<hbm>> -> memref<16x768xf32, #tpu.memory_space<hbm>>
    tpu.wait_dma2 semaphore(%arg12 : memref<!tpu.dma_semaphore, #tpu.memory_space<semaphore_mem>>) src(%dma_wait3A_846 : memref<16x768xf32, #tpu.memory_space<hbm>>) dst(%arg8 : memref<16x768xf32, #tpu.memory_space<vmem>>)
    %add3A_847 = arith.constant 10 : i32
    %add3A_848 = arith.addi %mul3A_2, %add3A_847 : i32
    %dma_start3A_849 = arith.constant 0 : i32
    %dma_start3A_850 = arith.constant 0 : i32
    %dma_start3A_851 = tpu.memref_slice %arg4[%add3A_848, %dma_start3A_849, %dma_start3A_850] : memref<1024x16x768xf32, #tpu.memory_space<hbm>> -> memref<1x16x768xf32, #tpu.memory_space<hbm>>
    %dma_start3A_852 = tpu.memref_squeeze %dma_start3A_851 : memref<1x16x768xf32, #tpu.memory_space<hbm>> -> memref<16x768xf32, #tpu.memory_space<hbm>>
    %dma_start3A_853 = arith.constant 0 : i32
    %dma_start3A_854 = arith.constant 0 : i32
    %dma_start3A_855 = tpu.memref_slice %arg4[%add3A_848, %dma_start3A_853, %dma_start3A_854] : memref<1024x16x768xf32, #tpu.memory_space<hbm>> -> memref<1x16x768xf32, #tpu.memory_space<hbm>>
    %dma_start3A_856 = tpu.memref_squeeze %dma_start3A_855 : memref<1x16x768xf32, #tpu.memory_space<hbm>> -> memref<16x768xf32, #tpu.memory_space<hbm>>
    tpu.enqueue_dma source(%arg8 : memref<16x768xf32, #tpu.memory_space<vmem>>) target(%dma_start3A_856 : memref<16x768xf32, #tpu.memory_space<hbm>>) target_semaphore(%arg16 : memref<!tpu.dma_semaphore, #tpu.memory_space<semaphore_mem>>)
    %add3A_857 = arith.constant 10 : i32
    %add3A_858 = arith.addi %mul3A_2, %add3A_857 : i32
    %dma_wait3A_859 = arith.constant 0 : i32
    %dma_wait3A_860 = arith.constant 0 : i32
    %dma_wait3A_861 = tpu.memref_slice %arg4[%add3A_858, %dma_wait3A_859, %dma_wait3A_860] : memref<1024x16x768xf32, #tpu.memory_space<hbm>> -> memref<1x16x768xf32, #tpu.memory_space<hbm>>
    %dma_wait3A_862 = tpu.memref_squeeze %dma_wait3A_861 : memref<1x16x768xf32, #tpu.memory_space<hbm>> -> memref<16x768xf32, #tpu.memory_space<hbm>>
    %dma_wait3A_863 = arith.constant 0 : i32
    %dma_wait3A_864 = arith.constant 0 : i32
    %dma_wait3A_865 = tpu.memref_slice %arg4[%add3A_858, %dma_wait3A_863, %dma_wait3A_864] : memref<1024x16x768xf32, #tpu.memory_space<hbm>> -> memref<1x16x768xf32, #tpu.memory_space<hbm>>
    %dma_wait3A_866 = tpu.memref_squeeze %dma_wait3A_865 : memref<1x16x768xf32, #tpu.memory_space<hbm>> -> memref<16x768xf32, #tpu.memory_space<hbm>>
    tpu.wait_dma2 semaphore(%arg16 : memref<!tpu.dma_semaphore, #tpu.memory_space<semaphore_mem>>) src(%arg8 : memref<16x768xf32, #tpu.memory_space<vmem>>) dst(%dma_wait3A_866 : memref<16x768xf32, #tpu.memory_space<hbm>>)
    %dma_start3A_867 = arith.constant 0 : i32
    %dma_start3A_868 = arith.constant 0 : i32
    %dma_start3A_869 = tpu.memref_slice %arg3[%reduce_max3A_210, %dma_start3A_867, %dma_start3A_868] : memref<1000x16x768xf32, #tpu.memory_space<hbm>> -> memref<1x16x768xf32, #tpu.memory_space<hbm>>
    %dma_start3A_870 = tpu.memref_squeeze %dma_start3A_869 : memref<1x16x768xf32, #tpu.memory_space<hbm>> -> memref<16x768xf32, #tpu.memory_space<hbm>>
    %dma_start3A_871 = arith.constant 0 : i32
    %dma_start3A_872 = arith.constant 0 : i32
    %dma_start3A_873 = tpu.memref_slice %arg3[%reduce_max3A_210, %dma_start3A_871, %dma_start3A_872] : memref<1000x16x768xf32, #tpu.memory_space<hbm>> -> memref<1x16x768xf32, #tpu.memory_space<hbm>>
    %dma_start3A_874 = tpu.memref_squeeze %dma_start3A_873 : memref<1x16x768xf32, #tpu.memory_space<hbm>> -> memref<16x768xf32, #tpu.memory_space<hbm>>
    tpu.enqueue_dma source(%dma_start3A_874 : memref<16x768xf32, #tpu.memory_space<hbm>>) target(%arg8 : memref<16x768xf32, #tpu.memory_space<vmem>>) target_semaphore(%arg12 : memref<!tpu.dma_semaphore, #tpu.memory_space<semaphore_mem>>)
    %dma_wait3A_875 = arith.constant 0 : i32
    %dma_wait3A_876 = arith.constant 0 : i32
    %dma_wait3A_877 = tpu.memref_slice %arg3[%reduce_max3A_168, %dma_wait3A_875, %dma_wait3A_876] : memref<1000x16x768xf32, #tpu.memory_space<hbm>> -> memref<1x16x768xf32, #tpu.memory_space<hbm>>
    %dma_wait3A_878 = tpu.memref_squeeze %dma_wait3A_877 : memref<1x16x768xf32, #tpu.memory_space<hbm>> -> memref<16x768xf32, #tpu.memory_space<hbm>>
    %dma_wait3A_879 = arith.constant 0 : i32
    %dma_wait3A_880 = arith.constant 0 : i32
    %dma_wait3A_881 = tpu.memref_slice %arg3[%reduce_max3A_168, %dma_wait3A_879, %dma_wait3A_880] : memref<1000x16x768xf32, #tpu.memory_space<hbm>> -> memref<1x16x768xf32, #tpu.memory_space<hbm>>
    %dma_wait3A_882 = tpu.memref_squeeze %dma_wait3A_881 : memref<1x16x768xf32, #tpu.memory_space<hbm>> -> memref<16x768xf32, #tpu.memory_space<hbm>>
    tpu.wait_dma2 semaphore(%arg13 : memref<!tpu.dma_semaphore, #tpu.memory_space<semaphore_mem>>) src(%dma_wait3A_882 : memref<16x768xf32, #tpu.memory_space<hbm>>) dst(%arg9 : memref<16x768xf32, #tpu.memory_space<vmem>>)
    %add3A_883 = arith.constant 11 : i32
    %add3A_884 = arith.addi %mul3A_2, %add3A_883 : i32
    %dma_start3A_885 = arith.constant 0 : i32
    %dma_start3A_886 = arith.constant 0 : i32
    %dma_start3A_887 = tpu.memref_slice %arg4[%add3A_884, %dma_start3A_885, %dma_start3A_886] : memref<1024x16x768xf32, #tpu.memory_space<hbm>> -> memref<1x16x768xf32, #tpu.memory_space<hbm>>
    %dma_start3A_888 = tpu.memref_squeeze %dma_start3A_887 : memref<1x16x768xf32, #tpu.memory_space<hbm>> -> memref<16x768xf32, #tpu.memory_space<hbm>>
    %dma_start3A_889 = arith.constant 0 : i32
    %dma_start3A_890 = arith.constant 0 : i32
    %dma_start3A_891 = tpu.memref_slice %arg4[%add3A_884, %dma_start3A_889, %dma_start3A_890] : memref<1024x16x768xf32, #tpu.memory_space<hbm>> -> memref<1x16x768xf32, #tpu.memory_space<hbm>>
    %dma_start3A_892 = tpu.memref_squeeze %dma_start3A_891 : memref<1x16x768xf32, #tpu.memory_space<hbm>> -> memref<16x768xf32, #tpu.memory_space<hbm>>
    tpu.enqueue_dma source(%arg9 : memref<16x768xf32, #tpu.memory_space<vmem>>) target(%dma_start3A_892 : memref<16x768xf32, #tpu.memory_space<hbm>>) target_semaphore(%arg17 : memref<!tpu.dma_semaphore, #tpu.memory_space<semaphore_mem>>)
    %add3A_893 = arith.constant 11 : i32
    %add3A_894 = arith.addi %mul3A_2, %add3A_893 : i32
    %dma_wait3A_895 = arith.constant 0 : i32
    %dma_wait3A_896 = arith.constant 0 : i32
    %dma_wait3A_897 = tpu.memref_slice %arg4[%add3A_894, %dma_wait3A_895, %dma_wait3A_896] : memref<1024x16x768xf32, #tpu.memory_space<hbm>> -> memref<1x16x768xf32, #tpu.memory_space<hbm>>
    %dma_wait3A_898 = tpu.memref_squeeze %dma_wait3A_897 : memref<1x16x768xf32, #tpu.memory_space<hbm>> -> memref<16x768xf32, #tpu.memory_space<hbm>>
    %dma_wait3A_899 = arith.constant 0 : i32
    %dma_wait3A_900 = arith.constant 0 : i32
    %dma_wait3A_901 = tpu.memref_slice %arg4[%add3A_894, %dma_wait3A_899, %dma_wait3A_900] : memref<1024x16x768xf32, #tpu.memory_space<hbm>> -> memref<1x16x768xf32, #tpu.memory_space<hbm>>
    %dma_wait3A_902 = tpu.memref_squeeze %dma_wait3A_901 : memref<1x16x768xf32, #tpu.memory_space<hbm>> -> memref<16x768xf32, #tpu.memory_space<hbm>>
    tpu.wait_dma2 semaphore(%arg17 : memref<!tpu.dma_semaphore, #tpu.memory_space<semaphore_mem>>) src(%arg9 : memref<16x768xf32, #tpu.memory_space<vmem>>) dst(%dma_wait3A_902 : memref<16x768xf32, #tpu.memory_space<hbm>>)
    %dma_start3A_903 = arith.constant 0 : i32
    %dma_start3A_904 = arith.constant 0 : i32
    %dma_start3A_905 = tpu.memref_slice %arg3[%reduce_max3A_224, %dma_start3A_903, %dma_start3A_904] : memref<1000x16x768xf32, #tpu.memory_space<hbm>> -> memref<1x16x768xf32, #tpu.memory_space<hbm>>
    %dma_start3A_906 = tpu.memref_squeeze %dma_start3A_905 : memref<1x16x768xf32, #tpu.memory_space<hbm>> -> memref<16x768xf32, #tpu.memory_space<hbm>>
    %dma_start3A_907 = arith.constant 0 : i32
    %dma_start3A_908 = arith.constant 0 : i32
    %dma_start3A_909 = tpu.memref_slice %arg3[%reduce_max3A_224, %dma_start3A_907, %dma_start3A_908] : memref<1000x16x768xf32, #tpu.memory_space<hbm>> -> memref<1x16x768xf32, #tpu.memory_space<hbm>>
    %dma_start3A_910 = tpu.memref_squeeze %dma_start3A_909 : memref<1x16x768xf32, #tpu.memory_space<hbm>> -> memref<16x768xf32, #tpu.memory_space<hbm>>
    tpu.enqueue_dma source(%dma_start3A_910 : memref<16x768xf32, #tpu.memory_space<hbm>>) target(%arg9 : memref<16x768xf32, #tpu.memory_space<vmem>>) target_semaphore(%arg13 : memref<!tpu.dma_semaphore, #tpu.memory_space<semaphore_mem>>)
    %dma_wait3A_911 = arith.constant 0 : i32
    %dma_wait3A_912 = arith.constant 0 : i32
    %dma_wait3A_913 = tpu.memref_slice %arg3[%reduce_max3A_182, %dma_wait3A_911, %dma_wait3A_912] : memref<1000x16x768xf32, #tpu.memory_space<hbm>> -> memref<1x16x768xf32, #tpu.memory_space<hbm>>
    %dma_wait3A_914 = tpu.memref_squeeze %dma_wait3A_913 : memref<1x16x768xf32, #tpu.memory_space<hbm>> -> memref<16x768xf32, #tpu.memory_space<hbm>>
    %dma_wait3A_915 = arith.constant 0 : i32
    %dma_wait3A_916 = arith.constant 0 : i32
    %dma_wait3A_917 = tpu.memref_slice %arg3[%reduce_max3A_182, %dma_wait3A_915, %dma_wait3A_916] : memref<1000x16x768xf32, #tpu.memory_space<hbm>> -> memref<1x16x768xf32, #tpu.memory_space<hbm>>
    %dma_wait3A_918 = tpu.memref_squeeze %dma_wait3A_917 : memref<1x16x768xf32, #tpu.memory_space<hbm>> -> memref<16x768xf32, #tpu.memory_space<hbm>>
    tpu.wait_dma2 semaphore(%arg10 : memref<!tpu.dma_semaphore, #tpu.memory_space<semaphore_mem>>) src(%dma_wait3A_918 : memref<16x768xf32, #tpu.memory_space<hbm>>) dst(%arg6 : memref<16x768xf32, #tpu.memory_space<vmem>>)
    %add3A_919 = arith.constant 12 : i32
    %add3A_920 = arith.addi %mul3A_2, %add3A_919 : i32
    %dma_start3A_921 = arith.constant 0 : i32
    %dma_start3A_922 = arith.constant 0 : i32
    %dma_start3A_923 = tpu.memref_slice %arg4[%add3A_920, %dma_start3A_921, %dma_start3A_922] : memref<1024x16x768xf32, #tpu.memory_space<hbm>> -> memref<1x16x768xf32, #tpu.memory_space<hbm>>
    %dma_start3A_924 = tpu.memref_squeeze %dma_start3A_923 : memref<1x16x768xf32, #tpu.memory_space<hbm>> -> memref<16x768xf32, #tpu.memory_space<hbm>>
    %dma_start3A_925 = arith.constant 0 : i32
    %dma_start3A_926 = arith.constant 0 : i32
    %dma_start3A_927 = tpu.memref_slice %arg4[%add3A_920, %dma_start3A_925, %dma_start3A_926] : memref<1024x16x768xf32, #tpu.memory_space<hbm>> -> memref<1x16x768xf32, #tpu.memory_space<hbm>>
    %dma_start3A_928 = tpu.memref_squeeze %dma_start3A_927 : memref<1x16x768xf32, #tpu.memory_space<hbm>> -> memref<16x768xf32, #tpu.memory_space<hbm>>
    tpu.enqueue_dma source(%arg6 : memref<16x768xf32, #tpu.memory_space<vmem>>) target(%dma_start3A_928 : memref<16x768xf32, #tpu.memory_space<hbm>>) target_semaphore(%arg14 : memref<!tpu.dma_semaphore, #tpu.memory_space<semaphore_mem>>)
    %add3A_929 = arith.constant 12 : i32
    %add3A_930 = arith.addi %mul3A_2, %add3A_929 : i32
    %dma_wait3A_931 = arith.constant 0 : i32
    %dma_wait3A_932 = arith.constant 0 : i32
    %dma_wait3A_933 = tpu.memref_slice %arg4[%add3A_930, %dma_wait3A_931, %dma_wait3A_932] : memref<1024x16x768xf32, #tpu.memory_space<hbm>> -> memref<1x16x768xf32, #tpu.memory_space<hbm>>
    %dma_wait3A_934 = tpu.memref_squeeze %dma_wait3A_933 : memref<1x16x768xf32, #tpu.memory_space<hbm>> -> memref<16x768xf32, #tpu.memory_space<hbm>>
    %dma_wait3A_935 = arith.constant 0 : i32
    %dma_wait3A_936 = arith.constant 0 : i32
    %dma_wait3A_937 = tpu.memref_slice %arg4[%add3A_930, %dma_wait3A_935, %dma_wait3A_936] : memref<1024x16x768xf32, #tpu.memory_space<hbm>> -> memref<1x16x768xf32, #tpu.memory_space<hbm>>
    %dma_wait3A_938 = tpu.memref_squeeze %dma_wait3A_937 : memref<1x16x768xf32, #tpu.memory_space<hbm>> -> memref<16x768xf32, #tpu.memory_space<hbm>>
    tpu.wait_dma2 semaphore(%arg14 : memref<!tpu.dma_semaphore, #tpu.memory_space<semaphore_mem>>) src(%arg6 : memref<16x768xf32, #tpu.memory_space<vmem>>) dst(%dma_wait3A_938 : memref<16x768xf32, #tpu.memory_space<hbm>>)
    %dma_start3A_939 = arith.constant 0 : i32
    %dma_start3A_940 = arith.constant 0 : i32
    %dma_start3A_941 = tpu.memref_slice %arg3[%reduce_max3A_238, %dma_start3A_939, %dma_start3A_940] : memref<1000x16x768xf32, #tpu.memory_space<hbm>> -> memref<1x16x768xf32, #tpu.memory_space<hbm>>
    %dma_start3A_942 = tpu.memref_squeeze %dma_start3A_941 : memref<1x16x768xf32, #tpu.memory_space<hbm>> -> memref<16x768xf32, #tpu.memory_space<hbm>>
    %dma_start3A_943 = arith.constant 0 : i32
    %dma_start3A_944 = arith.constant 0 : i32
    %dma_start3A_945 = tpu.memref_slice %arg3[%reduce_max3A_238, %dma_start3A_943, %dma_start3A_944] : memref<1000x16x768xf32, #tpu.memory_space<hbm>> -> memref<1x16x768xf32, #tpu.memory_space<hbm>>
    %dma_start3A_946 = tpu.memref_squeeze %dma_start3A_945 : memref<1x16x768xf32, #tpu.memory_space<hbm>> -> memref<16x768xf32, #tpu.memory_space<hbm>>
    tpu.enqueue_dma source(%dma_start3A_946 : memref<16x768xf32, #tpu.memory_space<hbm>>) target(%arg6 : memref<16x768xf32, #tpu.memory_space<vmem>>) target_semaphore(%arg10 : memref<!tpu.dma_semaphore, #tpu.memory_space<semaphore_mem>>)
    %dma_wait3A_947 = arith.constant 0 : i32
    %dma_wait3A_948 = arith.constant 0 : i32
    %dma_wait3A_949 = tpu.memref_slice %arg3[%reduce_max3A_196, %dma_wait3A_947, %dma_wait3A_948] : memref<1000x16x768xf32, #tpu.memory_space<hbm>> -> memref<1x16x768xf32, #tpu.memory_space<hbm>>
    %dma_wait3A_950 = tpu.memref_squeeze %dma_wait3A_949 : memref<1x16x768xf32, #tpu.memory_space<hbm>> -> memref<16x768xf32, #tpu.memory_space<hbm>>
    %dma_wait3A_951 = arith.constant 0 : i32
    %dma_wait3A_952 = arith.constant 0 : i32
    %dma_wait3A_953 = tpu.memref_slice %arg3[%reduce_max3A_196, %dma_wait3A_951, %dma_wait3A_952] : memref<1000x16x768xf32, #tpu.memory_space<hbm>> -> memref<1x16x768xf32, #tpu.memory_space<hbm>>
    %dma_wait3A_954 = tpu.memref_squeeze %dma_wait3A_953 : memref<1x16x768xf32, #tpu.memory_space<hbm>> -> memref<16x768xf32, #tpu.memory_space<hbm>>
    tpu.wait_dma2 semaphore(%arg11 : memref<!tpu.dma_semaphore, #tpu.memory_space<semaphore_mem>>) src(%dma_wait3A_954 : memref<16x768xf32, #tpu.memory_space<hbm>>) dst(%arg7 : memref<16x768xf32, #tpu.memory_space<vmem>>)
    %add3A_955 = arith.constant 13 : i32
    %add3A_956 = arith.addi %mul3A_2, %add3A_955 : i32
    %dma_start3A_957 = arith.constant 0 : i32
    %dma_start3A_958 = arith.constant 0 : i32
    %dma_start3A_959 = tpu.memref_slice %arg4[%add3A_956, %dma_start3A_957, %dma_start3A_958] : memref<1024x16x768xf32, #tpu.memory_space<hbm>> -> memref<1x16x768xf32, #tpu.memory_space<hbm>>
    %dma_start3A_960 = tpu.memref_squeeze %dma_start3A_959 : memref<1x16x768xf32, #tpu.memory_space<hbm>> -> memref<16x768xf32, #tpu.memory_space<hbm>>
    %dma_start3A_961 = arith.constant 0 : i32
    %dma_start3A_962 = arith.constant 0 : i32
    %dma_start3A_963 = tpu.memref_slice %arg4[%add3A_956, %dma_start3A_961, %dma_start3A_962] : memref<1024x16x768xf32, #tpu.memory_space<hbm>> -> memref<1x16x768xf32, #tpu.memory_space<hbm>>
    %dma_start3A_964 = tpu.memref_squeeze %dma_start3A_963 : memref<1x16x768xf32, #tpu.memory_space<hbm>> -> memref<16x768xf32, #tpu.memory_space<hbm>>
    tpu.enqueue_dma source(%arg7 : memref<16x768xf32, #tpu.memory_space<vmem>>) target(%dma_start3A_964 : memref<16x768xf32, #tpu.memory_space<hbm>>) target_semaphore(%arg15 : memref<!tpu.dma_semaphore, #tpu.memory_space<semaphore_mem>>)
    %add3A_965 = arith.constant 13 : i32
    %add3A_966 = arith.addi %mul3A_2, %add3A_965 : i32
    %dma_wait3A_967 = arith.constant 0 : i32
    %dma_wait3A_968 = arith.constant 0 : i32
    %dma_wait3A_969 = tpu.memref_slice %arg4[%add3A_966, %dma_wait3A_967, %dma_wait3A_968] : memref<1024x16x768xf32, #tpu.memory_space<hbm>> -> memref<1x16x768xf32, #tpu.memory_space<hbm>>
    %dma_wait3A_970 = tpu.memref_squeeze %dma_wait3A_969 : memref<1x16x768xf32, #tpu.memory_space<hbm>> -> memref<16x768xf32, #tpu.memory_space<hbm>>
    %dma_wait3A_971 = arith.constant 0 : i32
    %dma_wait3A_972 = arith.constant 0 : i32
    %dma_wait3A_973 = tpu.memref_slice %arg4[%add3A_966, %dma_wait3A_971, %dma_wait3A_972] : memref<1024x16x768xf32, #tpu.memory_space<hbm>> -> memref<1x16x768xf32, #tpu.memory_space<hbm>>
    %dma_wait3A_974 = tpu.memref_squeeze %dma_wait3A_973 : memref<1x16x768xf32, #tpu.memory_space<hbm>> -> memref<16x768xf32, #tpu.memory_space<hbm>>
    tpu.wait_dma2 semaphore(%arg15 : memref<!tpu.dma_semaphore, #tpu.memory_space<semaphore_mem>>) src(%arg7 : memref<16x768xf32, #tpu.memory_space<vmem>>) dst(%dma_wait3A_974 : memref<16x768xf32, #tpu.memory_space<hbm>>)
    %dma_start3A_975 = arith.constant 0 : i32
    %dma_start3A_976 = arith.constant 0 : i32
    %dma_start3A_977 = tpu.memref_slice %arg3[%reduce_max3A_252, %dma_start3A_975, %dma_start3A_976] : memref<1000x16x768xf32, #tpu.memory_space<hbm>> -> memref<1x16x768xf32, #tpu.memory_space<hbm>>
    %dma_start3A_978 = tpu.memref_squeeze %dma_start3A_977 : memref<1x16x768xf32, #tpu.memory_space<hbm>> -> memref<16x768xf32, #tpu.memory_space<hbm>>
    %dma_start3A_979 = arith.constant 0 : i32
    %dma_start3A_980 = arith.constant 0 : i32
    %dma_start3A_981 = tpu.memref_slice %arg3[%reduce_max3A_252, %dma_start3A_979, %dma_start3A_980] : memref<1000x16x768xf32, #tpu.memory_space<hbm>> -> memref<1x16x768xf32, #tpu.memory_space<hbm>>
    %dma_start3A_982 = tpu.memref_squeeze %dma_start3A_981 : memref<1x16x768xf32, #tpu.memory_space<hbm>> -> memref<16x768xf32, #tpu.memory_space<hbm>>
    tpu.enqueue_dma source(%dma_start3A_982 : memref<16x768xf32, #tpu.memory_space<hbm>>) target(%arg7 : memref<16x768xf32, #tpu.memory_space<vmem>>) target_semaphore(%arg11 : memref<!tpu.dma_semaphore, #tpu.memory_space<semaphore_mem>>)
    %dma_wait3A_983 = arith.constant 0 : i32
    %dma_wait3A_984 = arith.constant 0 : i32
    %dma_wait3A_985 = tpu.memref_slice %arg3[%reduce_max3A_210, %dma_wait3A_983, %dma_wait3A_984] : memref<1000x16x768xf32, #tpu.memory_space<hbm>> -> memref<1x16x768xf32, #tpu.memory_space<hbm>>
    %dma_wait3A_986 = tpu.memref_squeeze %dma_wait3A_985 : memref<1x16x768xf32, #tpu.memory_space<hbm>> -> memref<16x768xf32, #tpu.memory_space<hbm>>
    %dma_wait3A_987 = arith.constant 0 : i32
    %dma_wait3A_988 = arith.constant 0 : i32
    %dma_wait3A_989 = tpu.memref_slice %arg3[%reduce_max3A_210, %dma_wait3A_987, %dma_wait3A_988] : memref<1000x16x768xf32, #tpu.memory_space<hbm>> -> memref<1x16x768xf32, #tpu.memory_space<hbm>>
    %dma_wait3A_990 = tpu.memref_squeeze %dma_wait3A_989 : memref<1x16x768xf32, #tpu.memory_space<hbm>> -> memref<16x768xf32, #tpu.memory_space<hbm>>
    tpu.wait_dma2 semaphore(%arg12 : memref<!tpu.dma_semaphore, #tpu.memory_space<semaphore_mem>>) src(%dma_wait3A_990 : memref<16x768xf32, #tpu.memory_space<hbm>>) dst(%arg8 : memref<16x768xf32, #tpu.memory_space<vmem>>)
    %add3A_991 = arith.constant 14 : i32
    %add3A_992 = arith.addi %mul3A_2, %add3A_991 : i32
    %dma_start3A_993 = arith.constant 0 : i32
    %dma_start3A_994 = arith.constant 0 : i32
    %dma_start3A_995 = tpu.memref_slice %arg4[%add3A_992, %dma_start3A_993, %dma_start3A_994] : memref<1024x16x768xf32, #tpu.memory_space<hbm>> -> memref<1x16x768xf32, #tpu.memory_space<hbm>>
    %dma_start3A_996 = tpu.memref_squeeze %dma_start3A_995 : memref<1x16x768xf32, #tpu.memory_space<hbm>> -> memref<16x768xf32, #tpu.memory_space<hbm>>
    %dma_start3A_997 = arith.constant 0 : i32
    %dma_start3A_998 = arith.constant 0 : i32
    %dma_start3A_999 = tpu.memref_slice %arg4[%add3A_992, %dma_start3A_997, %dma_start3A_998] : memref<1024x16x768xf32, #tpu.memory_space<hbm>> -> memref<1x16x768xf32, #tpu.memory_space<hbm>>
    %dma_start3A_1000 = tpu.memref_squeeze %dma_start3A_999 : memref<1x16x768xf32, #tpu.memory_space<hbm>> -> memref<16x768xf32, #tpu.memory_space<hbm>>
    tpu.enqueue_dma source(%arg8 : memref<16x768xf32, #tpu.memory_space<vmem>>) target(%dma_start3A_1000 : memref<16x768xf32, #tpu.memory_space<hbm>>) target_semaphore(%arg16 : memref<!tpu.dma_semaphore, #tpu.memory_space<semaphore_mem>>)
    %add3A_1001 = arith.constant 14 : i32
    %add3A_1002 = arith.addi %mul3A_2, %add3A_1001 : i32
    %dma_wait3A_1003 = arith.constant 0 : i32
    %dma_wait3A_1004 = arith.constant 0 : i32
    %dma_wait3A_1005 = tpu.memref_slice %arg4[%add3A_1002, %dma_wait3A_1003, %dma_wait3A_1004] : memref<1024x16x768xf32, #tpu.memory_space<hbm>> -> memref<1x16x768xf32, #tpu.memory_space<hbm>>
    %dma_wait3A_1006 = tpu.memref_squeeze %dma_wait3A_1005 : memref<1x16x768xf32, #tpu.memory_space<hbm>> -> memref<16x768xf32, #tpu.memory_space<hbm>>
    %dma_wait3A_1007 = arith.constant 0 : i32
    %dma_wait3A_1008 = arith.constant 0 : i32
    %dma_wait3A_1009 = tpu.memref_slice %arg4[%add3A_1002, %dma_wait3A_1007, %dma_wait3A_1008] : memref<1024x16x768xf32, #tpu.memory_space<hbm>> -> memref<1x16x768xf32, #tpu.memory_space<hbm>>
    %dma_wait3A_1010 = tpu.memref_squeeze %dma_wait3A_1009 : memref<1x16x768xf32, #tpu.memory_space<hbm>> -> memref<16x768xf32, #tpu.memory_space<hbm>>
    tpu.wait_dma2 semaphore(%arg16 : memref<!tpu.dma_semaphore, #tpu.memory_space<semaphore_mem>>) src(%arg8 : memref<16x768xf32, #tpu.memory_space<vmem>>) dst(%dma_wait3A_1010 : memref<16x768xf32, #tpu.memory_space<hbm>>)
    %dma_start3A_1011 = arith.constant 0 : i32
    %dma_start3A_1012 = arith.constant 0 : i32
    %dma_start3A_1013 = tpu.memref_slice %arg3[%reduce_max3A_266, %dma_start3A_1011, %dma_start3A_1012] : memref<1000x16x768xf32, #tpu.memory_space<hbm>> -> memref<1x16x768xf32, #tpu.memory_space<hbm>>
    %dma_start3A_1014 = tpu.memref_squeeze %dma_start3A_1013 : memref<1x16x768xf32, #tpu.memory_space<hbm>> -> memref<16x768xf32, #tpu.memory_space<hbm>>
    %dma_start3A_1015 = arith.constant 0 : i32
    %dma_start3A_1016 = arith.constant 0 : i32
    %dma_start3A_1017 = tpu.memref_slice %arg3[%reduce_max3A_266, %dma_start3A_1015, %dma_start3A_1016] : memref<1000x16x768xf32, #tpu.memory_space<hbm>> -> memref<1x16x768xf32, #tpu.memory_space<hbm>>
    %dma_start3A_1018 = tpu.memref_squeeze %dma_start3A_1017 : memref<1x16x768xf32, #tpu.memory_space<hbm>> -> memref<16x768xf32, #tpu.memory_space<hbm>>
    tpu.enqueue_dma source(%dma_start3A_1018 : memref<16x768xf32, #tpu.memory_space<hbm>>) target(%arg8 : memref<16x768xf32, #tpu.memory_space<vmem>>) target_semaphore(%arg12 : memref<!tpu.dma_semaphore, #tpu.memory_space<semaphore_mem>>)
    %dma_wait3A_1019 = arith.constant 0 : i32
    %dma_wait3A_1020 = arith.constant 0 : i32
    %dma_wait3A_1021 = tpu.memref_slice %arg3[%reduce_max3A_224, %dma_wait3A_1019, %dma_wait3A_1020] : memref<1000x16x768xf32, #tpu.memory_space<hbm>> -> memref<1x16x768xf32, #tpu.memory_space<hbm>>
    %dma_wait3A_1022 = tpu.memref_squeeze %dma_wait3A_1021 : memref<1x16x768xf32, #tpu.memory_space<hbm>> -> memref<16x768xf32, #tpu.memory_space<hbm>>
    %dma_wait3A_1023 = arith.constant 0 : i32
    %dma_wait3A_1024 = arith.constant 0 : i32
    %dma_wait3A_1025 = tpu.memref_slice %arg3[%reduce_max3A_224, %dma_wait3A_1023, %dma_wait3A_1024] : memref<1000x16x768xf32, #tpu.memory_space<hbm>> -> memref<1x16x768xf32, #tpu.memory_space<hbm>>
    %dma_wait3A_1026 = tpu.memref_squeeze %dma_wait3A_1025 : memref<1x16x768xf32, #tpu.memory_space<hbm>> -> memref<16x768xf32, #tpu.memory_space<hbm>>
    tpu.wait_dma2 semaphore(%arg13 : memref<!tpu.dma_semaphore, #tpu.memory_space<semaphore_mem>>) src(%dma_wait3A_1026 : memref<16x768xf32, #tpu.memory_space<hbm>>) dst(%arg9 : memref<16x768xf32, #tpu.memory_space<vmem>>)
    %add3A_1027 = arith.constant 15 : i32
    %add3A_1028 = arith.addi %mul3A_2, %add3A_1027 : i32
    %dma_start3A_1029 = arith.constant 0 : i32
    %dma_start3A_1030 = arith.constant 0 : i32
    %dma_start3A_1031 = tpu.memref_slice %arg4[%add3A_1028, %dma_start3A_1029, %dma_start3A_1030] : memref<1024x16x768xf32, #tpu.memory_space<hbm>> -> memref<1x16x768xf32, #tpu.memory_space<hbm>>
    %dma_start3A_1032 = tpu.memref_squeeze %dma_start3A_1031 : memref<1x16x768xf32, #tpu.memory_space<hbm>> -> memref<16x768xf32, #tpu.memory_space<hbm>>
    %dma_start3A_1033 = arith.constant 0 : i32
    %dma_start3A_1034 = arith.constant 0 : i32
    %dma_start3A_1035 = tpu.memref_slice %arg4[%add3A_1028, %dma_start3A_1033, %dma_start3A_1034] : memref<1024x16x768xf32, #tpu.memory_space<hbm>> -> memref<1x16x768xf32, #tpu.memory_space<hbm>>
    %dma_start3A_1036 = tpu.memref_squeeze %dma_start3A_1035 : memref<1x16x768xf32, #tpu.memory_space<hbm>> -> memref<16x768xf32, #tpu.memory_space<hbm>>
    tpu.enqueue_dma source(%arg9 : memref<16x768xf32, #tpu.memory_space<vmem>>) target(%dma_start3A_1036 : memref<16x768xf32, #tpu.memory_space<hbm>>) target_semaphore(%arg17 : memref<!tpu.dma_semaphore, #tpu.memory_space<semaphore_mem>>)
    %add3A_1037 = arith.constant 15 : i32
    %add3A_1038 = arith.addi %mul3A_2, %add3A_1037 : i32
    %dma_wait3A_1039 = arith.constant 0 : i32
    %dma_wait3A_1040 = arith.constant 0 : i32
    %dma_wait3A_1041 = tpu.memref_slice %arg4[%add3A_1038, %dma_wait3A_1039, %dma_wait3A_1040] : memref<1024x16x768xf32, #tpu.memory_space<hbm>> -> memref<1x16x768xf32, #tpu.memory_space<hbm>>
    %dma_wait3A_1042 = tpu.memref_squeeze %dma_wait3A_1041 : memref<1x16x768xf32, #tpu.memory_space<hbm>> -> memref<16x768xf32, #tpu.memory_space<hbm>>
    %dma_wait3A_1043 = arith.constant 0 : i32
    %dma_wait3A_1044 = arith.constant 0 : i32
    %dma_wait3A_1045 = tpu.memref_slice %arg4[%add3A_1038, %dma_wait3A_1043, %dma_wait3A_1044] : memref<1024x16x768xf32, #tpu.memory_space<hbm>> -> memref<1x16x768xf32, #tpu.memory_space<hbm>>
    %dma_wait3A_1046 = tpu.memref_squeeze %dma_wait3A_1045 : memref<1x16x768xf32, #tpu.memory_space<hbm>> -> memref<16x768xf32, #tpu.memory_space<hbm>>
    tpu.wait_dma2 semaphore(%arg17 : memref<!tpu.dma_semaphore, #tpu.memory_space<semaphore_mem>>) src(%arg9 : memref<16x768xf32, #tpu.memory_space<vmem>>) dst(%dma_wait3A_1046 : memref<16x768xf32, #tpu.memory_space<hbm>>)
    %dma_start3A_1047 = arith.constant 0 : i32
    %dma_start3A_1048 = arith.constant 0 : i32
    %dma_start3A_1049 = tpu.memref_slice %arg3[%reduce_max3A_280, %dma_start3A_1047, %dma_start3A_1048] : memref<1000x16x768xf32, #tpu.memory_space<hbm>> -> memref<1x16x768xf32, #tpu.memory_space<hbm>>
    %dma_start3A_1050 = tpu.memref_squeeze %dma_start3A_1049 : memref<1x16x768xf32, #tpu.memory_space<hbm>> -> memref<16x768xf32, #tpu.memory_space<hbm>>
    %dma_start3A_1051 = arith.constant 0 : i32
    %dma_start3A_1052 = arith.constant 0 : i32
    %dma_start3A_1053 = tpu.memref_slice %arg3[%reduce_max3A_280, %dma_start3A_1051, %dma_start3A_1052] : memref<1000x16x768xf32, #tpu.memory_space<hbm>> -> memref<1x16x768xf32, #tpu.memory_space<hbm>>
    %dma_start3A_1054 = tpu.memref_squeeze %dma_start3A_1053 : memref<1x16x768xf32, #tpu.memory_space<hbm>> -> memref<16x768xf32, #tpu.memory_space<hbm>>
    tpu.enqueue_dma source(%dma_start3A_1054 : memref<16x768xf32, #tpu.memory_space<hbm>>) target(%arg9 : memref<16x768xf32, #tpu.memory_space<vmem>>) target_semaphore(%arg13 : memref<!tpu.dma_semaphore, #tpu.memory_space<semaphore_mem>>)
    %dma_wait3A_1055 = arith.constant 0 : i32
    %dma_wait3A_1056 = arith.constant 0 : i32
    %dma_wait3A_1057 = tpu.memref_slice %arg3[%reduce_max3A_238, %dma_wait3A_1055, %dma_wait3A_1056] : memref<1000x16x768xf32, #tpu.memory_space<hbm>> -> memref<1x16x768xf32, #tpu.memory_space<hbm>>
    %dma_wait3A_1058 = tpu.memref_squeeze %dma_wait3A_1057 : memref<1x16x768xf32, #tpu.memory_space<hbm>> -> memref<16x768xf32, #tpu.memory_space<hbm>>
    %dma_wait3A_1059 = arith.constant 0 : i32
    %dma_wait3A_1060 = arith.constant 0 : i32
    %dma_wait3A_1061 = tpu.memref_slice %arg3[%reduce_max3A_238, %dma_wait3A_1059, %dma_wait3A_1060] : memref<1000x16x768xf32, #tpu.memory_space<hbm>> -> memref<1x16x768xf32, #tpu.memory_space<hbm>>
    %dma_wait3A_1062 = tpu.memref_squeeze %dma_wait3A_1061 : memref<1x16x768xf32, #tpu.memory_space<hbm>> -> memref<16x768xf32, #tpu.memory_space<hbm>>
    tpu.wait_dma2 semaphore(%arg10 : memref<!tpu.dma_semaphore, #tpu.memory_space<semaphore_mem>>) src(%dma_wait3A_1062 : memref<16x768xf32, #tpu.memory_space<hbm>>) dst(%arg6 : memref<16x768xf32, #tpu.memory_space<vmem>>)
    %add3A_1063 = arith.constant 16 : i32
    %add3A_1064 = arith.addi %mul3A_2, %add3A_1063 : i32
    %dma_start3A_1065 = arith.constant 0 : i32
    %dma_start3A_1066 = arith.constant 0 : i32
    %dma_start3A_1067 = tpu.memref_slice %arg4[%add3A_1064, %dma_start3A_1065, %dma_start3A_1066] : memref<1024x16x768xf32, #tpu.memory_space<hbm>> -> memref<1x16x768xf32, #tpu.memory_space<hbm>>
    %dma_start3A_1068 = tpu.memref_squeeze %dma_start3A_1067 : memref<1x16x768xf32, #tpu.memory_space<hbm>> -> memref<16x768xf32, #tpu.memory_space<hbm>>
    %dma_start3A_1069 = arith.constant 0 : i32
    %dma_start3A_1070 = arith.constant 0 : i32
    %dma_start3A_1071 = tpu.memref_slice %arg4[%add3A_1064, %dma_start3A_1069, %dma_start3A_1070] : memref<1024x16x768xf32, #tpu.memory_space<hbm>> -> memref<1x16x768xf32, #tpu.memory_space<hbm>>
    %dma_start3A_1072 = tpu.memref_squeeze %dma_start3A_1071 : memref<1x16x768xf32, #tpu.memory_space<hbm>> -> memref<16x768xf32, #tpu.memory_space<hbm>>
    tpu.enqueue_dma source(%arg6 : memref<16x768xf32, #tpu.memory_space<vmem>>) target(%dma_start3A_1072 : memref<16x768xf32, #tpu.memory_space<hbm>>) target_semaphore(%arg14 : memref<!tpu.dma_semaphore, #tpu.memory_space<semaphore_mem>>)
    %add3A_1073 = arith.constant 16 : i32
    %add3A_1074 = arith.addi %mul3A_2, %add3A_1073 : i32
    %dma_wait3A_1075 = arith.constant 0 : i32
    %dma_wait3A_1076 = arith.constant 0 : i32
    %dma_wait3A_1077 = tpu.memref_slice %arg4[%add3A_1074, %dma_wait3A_1075, %dma_wait3A_1076] : memref<1024x16x768xf32, #tpu.memory_space<hbm>> -> memref<1x16x768xf32, #tpu.memory_space<hbm>>
    %dma_wait3A_1078 = tpu.memref_squeeze %dma_wait3A_1077 : memref<1x16x768xf32, #tpu.memory_space<hbm>> -> memref<16x768xf32, #tpu.memory_space<hbm>>
    %dma_wait3A_1079 = arith.constant 0 : i32
    %dma_wait3A_1080 = arith.constant 0 : i32
    %dma_wait3A_1081 = tpu.memref_slice %arg4[%add3A_1074, %dma_wait3A_1079, %dma_wait3A_1080] : memref<1024x16x768xf32, #tpu.memory_space<hbm>> -> memref<1x16x768xf32, #tpu.memory_space<hbm>>
    %dma_wait3A_1082 = tpu.memref_squeeze %dma_wait3A_1081 : memref<1x16x768xf32, #tpu.memory_space<hbm>> -> memref<16x768xf32, #tpu.memory_space<hbm>>
    tpu.wait_dma2 semaphore(%arg14 : memref<!tpu.dma_semaphore, #tpu.memory_space<semaphore_mem>>) src(%arg6 : memref<16x768xf32, #tpu.memory_space<vmem>>) dst(%dma_wait3A_1082 : memref<16x768xf32, #tpu.memory_space<hbm>>)
    %dma_start3A_1083 = arith.constant 0 : i32
    %dma_start3A_1084 = arith.constant 0 : i32
    %dma_start3A_1085 = tpu.memref_slice %arg3[%reduce_max3A_294, %dma_start3A_1083, %dma_start3A_1084] : memref<1000x16x768xf32, #tpu.memory_space<hbm>> -> memref<1x16x768xf32, #tpu.memory_space<hbm>>
    %dma_start3A_1086 = tpu.memref_squeeze %dma_start3A_1085 : memref<1x16x768xf32, #tpu.memory_space<hbm>> -> memref<16x768xf32, #tpu.memory_space<hbm>>
    %dma_start3A_1087 = arith.constant 0 : i32
    %dma_start3A_1088 = arith.constant 0 : i32
    %dma_start3A_1089 = tpu.memref_slice %arg3[%reduce_max3A_294, %dma_start3A_1087, %dma_start3A_1088] : memref<1000x16x768xf32, #tpu.memory_space<hbm>> -> memref<1x16x768xf32, #tpu.memory_space<hbm>>
    %dma_start3A_1090 = tpu.memref_squeeze %dma_start3A_1089 : memref<1x16x768xf32, #tpu.memory_space<hbm>> -> memref<16x768xf32, #tpu.memory_space<hbm>>
    tpu.enqueue_dma source(%dma_start3A_1090 : memref<16x768xf32, #tpu.memory_space<hbm>>) target(%arg6 : memref<16x768xf32, #tpu.memory_space<vmem>>) target_semaphore(%arg10 : memref<!tpu.dma_semaphore, #tpu.memory_space<semaphore_mem>>)
    %dma_wait3A_1091 = arith.constant 0 : i32
    %dma_wait3A_1092 = arith.constant 0 : i32
    %dma_wait3A_1093 = tpu.memref_slice %arg3[%reduce_max3A_252, %dma_wait3A_1091, %dma_wait3A_1092] : memref<1000x16x768xf32, #tpu.memory_space<hbm>> -> memref<1x16x768xf32, #tpu.memory_space<hbm>>
    %dma_wait3A_1094 = tpu.memref_squeeze %dma_wait3A_1093 : memref<1x16x768xf32, #tpu.memory_space<hbm>> -> memref<16x768xf32, #tpu.memory_space<hbm>>
    %dma_wait3A_1095 = arith.constant 0 : i32
    %dma_wait3A_1096 = arith.constant 0 : i32
    %dma_wait3A_1097 = tpu.memref_slice %arg3[%reduce_max3A_252, %dma_wait3A_1095, %dma_wait3A_1096] : memref<1000x16x768xf32, #tpu.memory_space<hbm>> -> memref<1x16x768xf32, #tpu.memory_space<hbm>>
    %dma_wait3A_1098 = tpu.memref_squeeze %dma_wait3A_1097 : memref<1x16x768xf32, #tpu.memory_space<hbm>> -> memref<16x768xf32, #tpu.memory_space<hbm>>
    tpu.wait_dma2 semaphore(%arg11 : memref<!tpu.dma_semaphore, #tpu.memory_space<semaphore_mem>>) src(%dma_wait3A_1098 : memref<16x768xf32, #tpu.memory_space<hbm>>) dst(%arg7 : memref<16x768xf32, #tpu.memory_space<vmem>>)
    %add3A_1099 = arith.constant 17 : i32
    %add3A_1100 = arith.addi %mul3A_2, %add3A_1099 : i32
    %dma_start3A_1101 = arith.constant 0 : i32
    %dma_start3A_1102 = arith.constant 0 : i32
    %dma_start3A_1103 = tpu.memref_slice %arg4[%add3A_1100, %dma_start3A_1101, %dma_start3A_1102] : memref<1024x16x768xf32, #tpu.memory_space<hbm>> -> memref<1x16x768xf32, #tpu.memory_space<hbm>>
    %dma_start3A_1104 = tpu.memref_squeeze %dma_start3A_1103 : memref<1x16x768xf32, #tpu.memory_space<hbm>> -> memref<16x768xf32, #tpu.memory_space<hbm>>
    %dma_start3A_1105 = arith.constant 0 : i32
    %dma_start3A_1106 = arith.constant 0 : i32
    %dma_start3A_1107 = tpu.memref_slice %arg4[%add3A_1100, %dma_start3A_1105, %dma_start3A_1106] : memref<1024x16x768xf32, #tpu.memory_space<hbm>> -> memref<1x16x768xf32, #tpu.memory_space<hbm>>
    %dma_start3A_1108 = tpu.memref_squeeze %dma_start3A_1107 : memref<1x16x768xf32, #tpu.memory_space<hbm>> -> memref<16x768xf32, #tpu.memory_space<hbm>>
    tpu.enqueue_dma source(%arg7 : memref<16x768xf32, #tpu.memory_space<vmem>>) target(%dma_start3A_1108 : memref<16x768xf32, #tpu.memory_space<hbm>>) target_semaphore(%arg15 : memref<!tpu.dma_semaphore, #tpu.memory_space<semaphore_mem>>)
    %add3A_1109 = arith.constant 17 : i32
    %add3A_1110 = arith.addi %mul3A_2, %add3A_1109 : i32
    %dma_wait3A_1111 = arith.constant 0 : i32
    %dma_wait3A_1112 = arith.constant 0 : i32
    %dma_wait3A_1113 = tpu.memref_slice %arg4[%add3A_1110, %dma_wait3A_1111, %dma_wait3A_1112] : memref<1024x16x768xf32, #tpu.memory_space<hbm>> -> memref<1x16x768xf32, #tpu.memory_space<hbm>>
    %dma_wait3A_1114 = tpu.memref_squeeze %dma_wait3A_1113 : memref<1x16x768xf32, #tpu.memory_space<hbm>> -> memref<16x768xf32, #tpu.memory_space<hbm>>
    %dma_wait3A_1115 = arith.constant 0 : i32
    %dma_wait3A_1116 = arith.constant 0 : i32
    %dma_wait3A_1117 = tpu.memref_slice %arg4[%add3A_1110, %dma_wait3A_1115, %dma_wait3A_1116] : memref<1024x16x768xf32, #tpu.memory_space<hbm>> -> memref<1x16x768xf32, #tpu.memory_space<hbm>>
    %dma_wait3A_1118 = tpu.memref_squeeze %dma_wait3A_1117 : memref<1x16x768xf32, #tpu.memory_space<hbm>> -> memref<16x768xf32, #tpu.memory_space<hbm>>
    tpu.wait_dma2 semaphore(%arg15 : memref<!tpu.dma_semaphore, #tpu.memory_space<semaphore_mem>>) src(%arg7 : memref<16x768xf32, #tpu.memory_space<vmem>>) dst(%dma_wait3A_1118 : memref<16x768xf32, #tpu.memory_space<hbm>>)
    %dma_start3A_1119 = arith.constant 0 : i32
    %dma_start3A_1120 = arith.constant 0 : i32
    %dma_start3A_1121 = tpu.memref_slice %arg3[%reduce_max3A_308, %dma_start3A_1119, %dma_start3A_1120] : memref<1000x16x768xf32, #tpu.memory_space<hbm>> -> memref<1x16x768xf32, #tpu.memory_space<hbm>>
    %dma_start3A_1122 = tpu.memref_squeeze %dma_start3A_1121 : memref<1x16x768xf32, #tpu.memory_space<hbm>> -> memref<16x768xf32, #tpu.memory_space<hbm>>
    %dma_start3A_1123 = arith.constant 0 : i32
    %dma_start3A_1124 = arith.constant 0 : i32
    %dma_start3A_1125 = tpu.memref_slice %arg3[%reduce_max3A_308, %dma_start3A_1123, %dma_start3A_1124] : memref<1000x16x768xf32, #tpu.memory_space<hbm>> -> memref<1x16x768xf32, #tpu.memory_space<hbm>>
    %dma_start3A_1126 = tpu.memref_squeeze %dma_start3A_1125 : memref<1x16x768xf32, #tpu.memory_space<hbm>> -> memref<16x768xf32, #tpu.memory_space<hbm>>
    tpu.enqueue_dma source(%dma_start3A_1126 : memref<16x768xf32, #tpu.memory_space<hbm>>) target(%arg7 : memref<16x768xf32, #tpu.memory_space<vmem>>) target_semaphore(%arg11 : memref<!tpu.dma_semaphore, #tpu.memory_space<semaphore_mem>>)
    %dma_wait3A_1127 = arith.constant 0 : i32
    %dma_wait3A_1128 = arith.constant 0 : i32
    %dma_wait3A_1129 = tpu.memref_slice %arg3[%reduce_max3A_266, %dma_wait3A_1127, %dma_wait3A_1128] : memref<1000x16x768xf32, #tpu.memory_space<hbm>> -> memref<1x16x768xf32, #tpu.memory_space<hbm>>
    %dma_wait3A_1130 = tpu.memref_squeeze %dma_wait3A_1129 : memref<1x16x768xf32, #tpu.memory_space<hbm>> -> memref<16x768xf32, #tpu.memory_space<hbm>>
    %dma_wait3A_1131 = arith.constant 0 : i32
    %dma_wait3A_1132 = arith.constant 0 : i32
    %dma_wait3A_1133 = tpu.memref_slice %arg3[%reduce_max3A_266, %dma_wait3A_1131, %dma_wait3A_1132] : memref<1000x16x768xf32, #tpu.memory_space<hbm>> -> memref<1x16x768xf32, #tpu.memory_space<hbm>>
    %dma_wait3A_1134 = tpu.memref_squeeze %dma_wait3A_1133 : memref<1x16x768xf32, #tpu.memory_space<hbm>> -> memref<16x768xf32, #tpu.memory_space<hbm>>
    tpu.wait_dma2 semaphore(%arg12 : memref<!tpu.dma_semaphore, #tpu.memory_space<semaphore_mem>>) src(%dma_wait3A_1134 : memref<16x768xf32, #tpu.memory_space<hbm>>) dst(%arg8 : memref<16x768xf32, #tpu.memory_space<vmem>>)
    %add3A_1135 = arith.constant 18 : i32
    %add3A_1136 = arith.addi %mul3A_2, %add3A_1135 : i32
    %dma_start3A_1137 = arith.constant 0 : i32
    %dma_start3A_1138 = arith.constant 0 : i32
    %dma_start3A_1139 = tpu.memref_slice %arg4[%add3A_1136, %dma_start3A_1137, %dma_start3A_1138] : memref<1024x16x768xf32, #tpu.memory_space<hbm>> -> memref<1x16x768xf32, #tpu.memory_space<hbm>>
    %dma_start3A_1140 = tpu.memref_squeeze %dma_start3A_1139 : memref<1x16x768xf32, #tpu.memory_space<hbm>> -> memref<16x768xf32, #tpu.memory_space<hbm>>
    %dma_start3A_1141 = arith.constant 0 : i32
    %dma_start3A_1142 = arith.constant 0 : i32
    %dma_start3A_1143 = tpu.memref_slice %arg4[%add3A_1136, %dma_start3A_1141, %dma_start3A_1142] : memref<1024x16x768xf32, #tpu.memory_space<hbm>> -> memref<1x16x768xf32, #tpu.memory_space<hbm>>
    %dma_start3A_1144 = tpu.memref_squeeze %dma_start3A_1143 : memref<1x16x768xf32, #tpu.memory_space<hbm>> -> memref<16x768xf32, #tpu.memory_space<hbm>>
    tpu.enqueue_dma source(%arg8 : memref<16x768xf32, #tpu.memory_space<vmem>>) target(%dma_start3A_1144 : memref<16x768xf32, #tpu.memory_space<hbm>>) target_semaphore(%arg16 : memref<!tpu.dma_semaphore, #tpu.memory_space<semaphore_mem>>)
    %add3A_1145 = arith.constant 18 : i32
    %add3A_1146 = arith.addi %mul3A_2, %add3A_1145 : i32
    %dma_wait3A_1147 = arith.constant 0 : i32
    %dma_wait3A_1148 = arith.constant 0 : i32
    %dma_wait3A_1149 = tpu.memref_slice %arg4[%add3A_1146, %dma_wait3A_1147, %dma_wait3A_1148] : memref<1024x16x768xf32, #tpu.memory_space<hbm>> -> memref<1x16x768xf32, #tpu.memory_space<hbm>>
    %dma_wait3A_1150 = tpu.memref_squeeze %dma_wait3A_1149 : memref<1x16x768xf32, #tpu.memory_space<hbm>> -> memref<16x768xf32, #tpu.memory_space<hbm>>
    %dma_wait3A_1151 = arith.constant 0 : i32
    %dma_wait3A_1152 = arith.constant 0 : i32
    %dma_wait3A_1153 = tpu.memref_slice %arg4[%add3A_1146, %dma_wait3A_1151, %dma_wait3A_1152] : memref<1024x16x768xf32, #tpu.memory_space<hbm>> -> memref<1x16x768xf32, #tpu.memory_space<hbm>>
    %dma_wait3A_1154 = tpu.memref_squeeze %dma_wait3A_1153 : memref<1x16x768xf32, #tpu.memory_space<hbm>> -> memref<16x768xf32, #tpu.memory_space<hbm>>
    tpu.wait_dma2 semaphore(%arg16 : memref<!tpu.dma_semaphore, #tpu.memory_space<semaphore_mem>>) src(%arg8 : memref<16x768xf32, #tpu.memory_space<vmem>>) dst(%dma_wait3A_1154 : memref<16x768xf32, #tpu.memory_space<hbm>>)
    %dma_start3A_1155 = arith.constant 0 : i32
    %dma_start3A_1156 = arith.constant 0 : i32
    %dma_start3A_1157 = tpu.memref_slice %arg3[%reduce_max3A_322, %dma_start3A_1155, %dma_start3A_1156] : memref<1000x16x768xf32, #tpu.memory_space<hbm>> -> memref<1x16x768xf32, #tpu.memory_space<hbm>>
    %dma_start3A_1158 = tpu.memref_squeeze %dma_start3A_1157 : memref<1x16x768xf32, #tpu.memory_space<hbm>> -> memref<16x768xf32, #tpu.memory_space<hbm>>
    %dma_start3A_1159 = arith.constant 0 : i32
    %dma_start3A_1160 = arith.constant 0 : i32
    %dma_start3A_1161 = tpu.memref_slice %arg3[%reduce_max3A_322, %dma_start3A_1159, %dma_start3A_1160] : memref<1000x16x768xf32, #tpu.memory_space<hbm>> -> memref<1x16x768xf32, #tpu.memory_space<hbm>>
    %dma_start3A_1162 = tpu.memref_squeeze %dma_start3A_1161 : memref<1x16x768xf32, #tpu.memory_space<hbm>> -> memref<16x768xf32, #tpu.memory_space<hbm>>
    tpu.enqueue_dma source(%dma_start3A_1162 : memref<16x768xf32, #tpu.memory_space<hbm>>) target(%arg8 : memref<16x768xf32, #tpu.memory_space<vmem>>) target_semaphore(%arg12 : memref<!tpu.dma_semaphore, #tpu.memory_space<semaphore_mem>>)
    %dma_wait3A_1163 = arith.constant 0 : i32
    %dma_wait3A_1164 = arith.constant 0 : i32
    %dma_wait3A_1165 = tpu.memref_slice %arg3[%reduce_max3A_280, %dma_wait3A_1163, %dma_wait3A_1164] : memref<1000x16x768xf32, #tpu.memory_space<hbm>> -> memref<1x16x768xf32, #tpu.memory_space<hbm>>
    %dma_wait3A_1166 = tpu.memref_squeeze %dma_wait3A_1165 : memref<1x16x768xf32, #tpu.memory_space<hbm>> -> memref<16x768xf32, #tpu.memory_space<hbm>>
    %dma_wait3A_1167 = arith.constant 0 : i32
    %dma_wait3A_1168 = arith.constant 0 : i32
    %dma_wait3A_1169 = tpu.memref_slice %arg3[%reduce_max3A_280, %dma_wait3A_1167, %dma_wait3A_1168] : memref<1000x16x768xf32, #tpu.memory_space<hbm>> -> memref<1x16x768xf32, #tpu.memory_space<hbm>>
    %dma_wait3A_1170 = tpu.memref_squeeze %dma_wait3A_1169 : memref<1x16x768xf32, #tpu.memory_space<hbm>> -> memref<16x768xf32, #tpu.memory_space<hbm>>
    tpu.wait_dma2 semaphore(%arg13 : memref<!tpu.dma_semaphore, #tpu.memory_space<semaphore_mem>>) src(%dma_wait3A_1170 : memref<16x768xf32, #tpu.memory_space<hbm>>) dst(%arg9 : memref<16x768xf32, #tpu.memory_space<vmem>>)
    %add3A_1171 = arith.constant 19 : i32
    %add3A_1172 = arith.addi %mul3A_2, %add3A_1171 : i32
    %dma_start3A_1173 = arith.constant 0 : i32
    %dma_start3A_1174 = arith.constant 0 : i32
    %dma_start3A_1175 = tpu.memref_slice %arg4[%add3A_1172, %dma_start3A_1173, %dma_start3A_1174] : memref<1024x16x768xf32, #tpu.memory_space<hbm>> -> memref<1x16x768xf32, #tpu.memory_space<hbm>>
    %dma_start3A_1176 = tpu.memref_squeeze %dma_start3A_1175 : memref<1x16x768xf32, #tpu.memory_space<hbm>> -> memref<16x768xf32, #tpu.memory_space<hbm>>
    %dma_start3A_1177 = arith.constant 0 : i32
    %dma_start3A_1178 = arith.constant 0 : i32
    %dma_start3A_1179 = tpu.memref_slice %arg4[%add3A_1172, %dma_start3A_1177, %dma_start3A_1178] : memref<1024x16x768xf32, #tpu.memory_space<hbm>> -> memref<1x16x768xf32, #tpu.memory_space<hbm>>
    %dma_start3A_1180 = tpu.memref_squeeze %dma_start3A_1179 : memref<1x16x768xf32, #tpu.memory_space<hbm>> -> memref<16x768xf32, #tpu.memory_space<hbm>>
    tpu.enqueue_dma source(%arg9 : memref<16x768xf32, #tpu.memory_space<vmem>>) target(%dma_start3A_1180 : memref<16x768xf32, #tpu.memory_space<hbm>>) target_semaphore(%arg17 : memref<!tpu.dma_semaphore, #tpu.memory_space<semaphore_mem>>)
    %add3A_1181 = arith.constant 19 : i32
    %add3A_1182 = arith.addi %mul3A_2, %add3A_1181 : i32
    %dma_wait3A_1183 = arith.constant 0 : i32
    %dma_wait3A_1184 = arith.constant 0 : i32
    %dma_wait3A_1185 = tpu.memref_slice %arg4[%add3A_1182, %dma_wait3A_1183, %dma_wait3A_1184] : memref<1024x16x768xf32, #tpu.memory_space<hbm>> -> memref<1x16x768xf32, #tpu.memory_space<hbm>>
    %dma_wait3A_1186 = tpu.memref_squeeze %dma_wait3A_1185 : memref<1x16x768xf32, #tpu.memory_space<hbm>> -> memref<16x768xf32, #tpu.memory_space<hbm>>
    %dma_wait3A_1187 = arith.constant 0 : i32
    %dma_wait3A_1188 = arith.constant 0 : i32
    %dma_wait3A_1189 = tpu.memref_slice %arg4[%add3A_1182, %dma_wait3A_1187, %dma_wait3A_1188] : memref<1024x16x768xf32, #tpu.memory_space<hbm>> -> memref<1x16x768xf32, #tpu.memory_space<hbm>>
    %dma_wait3A_1190 = tpu.memref_squeeze %dma_wait3A_1189 : memref<1x16x768xf32, #tpu.memory_space<hbm>> -> memref<16x768xf32, #tpu.memory_space<hbm>>
    tpu.wait_dma2 semaphore(%arg17 : memref<!tpu.dma_semaphore, #tpu.memory_space<semaphore_mem>>) src(%arg9 : memref<16x768xf32, #tpu.memory_space<vmem>>) dst(%dma_wait3A_1190 : memref<16x768xf32, #tpu.memory_space<hbm>>)
    %dma_start3A_1191 = arith.constant 0 : i32
    %dma_start3A_1192 = arith.constant 0 : i32
    %dma_start3A_1193 = tpu.memref_slice %arg3[%reduce_max3A_336, %dma_start3A_1191, %dma_start3A_1192] : memref<1000x16x768xf32, #tpu.memory_space<hbm>> -> memref<1x16x768xf32, #tpu.memory_space<hbm>>
    %dma_start3A_1194 = tpu.memref_squeeze %dma_start3A_1193 : memref<1x16x768xf32, #tpu.memory_space<hbm>> -> memref<16x768xf32, #tpu.memory_space<hbm>>
    %dma_start3A_1195 = arith.constant 0 : i32
    %dma_start3A_1196 = arith.constant 0 : i32
    %dma_start3A_1197 = tpu.memref_slice %arg3[%reduce_max3A_336, %dma_start3A_1195, %dma_start3A_1196] : memref<1000x16x768xf32, #tpu.memory_space<hbm>> -> memref<1x16x768xf32, #tpu.memory_space<hbm>>
    %dma_start3A_1198 = tpu.memref_squeeze %dma_start3A_1197 : memref<1x16x768xf32, #tpu.memory_space<hbm>> -> memref<16x768xf32, #tpu.memory_space<hbm>>
    tpu.enqueue_dma source(%dma_start3A_1198 : memref<16x768xf32, #tpu.memory_space<hbm>>) target(%arg9 : memref<16x768xf32, #tpu.memory_space<vmem>>) target_semaphore(%arg13 : memref<!tpu.dma_semaphore, #tpu.memory_space<semaphore_mem>>)
    %dma_wait3A_1199 = arith.constant 0 : i32
    %dma_wait3A_1200 = arith.constant 0 : i32
    %dma_wait3A_1201 = tpu.memref_slice %arg3[%reduce_max3A_294, %dma_wait3A_1199, %dma_wait3A_1200] : memref<1000x16x768xf32, #tpu.memory_space<hbm>> -> memref<1x16x768xf32, #tpu.memory_space<hbm>>
    %dma_wait3A_1202 = tpu.memref_squeeze %dma_wait3A_1201 : memref<1x16x768xf32, #tpu.memory_space<hbm>> -> memref<16x768xf32, #tpu.memory_space<hbm>>
    %dma_wait3A_1203 = arith.constant 0 : i32
    %dma_wait3A_1204 = arith.constant 0 : i32
    %dma_wait3A_1205 = tpu.memref_slice %arg3[%reduce_max3A_294, %dma_wait3A_1203, %dma_wait3A_1204] : memref<1000x16x768xf32, #tpu.memory_space<hbm>> -> memref<1x16x768xf32, #tpu.memory_space<hbm>>
    %dma_wait3A_1206 = tpu.memref_squeeze %dma_wait3A_1205 : memref<1x16x768xf32, #tpu.memory_space<hbm>> -> memref<16x768xf32, #tpu.memory_space<hbm>>
    tpu.wait_dma2 semaphore(%arg10 : memref<!tpu.dma_semaphore, #tpu.memory_space<semaphore_mem>>) src(%dma_wait3A_1206 : memref<16x768xf32, #tpu.memory_space<hbm>>) dst(%arg6 : memref<16x768xf32, #tpu.memory_space<vmem>>)
    %add3A_1207 = arith.constant 20 : i32
    %add3A_1208 = arith.addi %mul3A_2, %add3A_1207 : i32
    %dma_start3A_1209 = arith.constant 0 : i32
    %dma_start3A_1210 = arith.constant 0 : i32
    %dma_start3A_1211 = tpu.memref_slice %arg4[%add3A_1208, %dma_start3A_1209, %dma_start3A_1210] : memref<1024x16x768xf32, #tpu.memory_space<hbm>> -> memref<1x16x768xf32, #tpu.memory_space<hbm>>
    %dma_start3A_1212 = tpu.memref_squeeze %dma_start3A_1211 : memref<1x16x768xf32, #tpu.memory_space<hbm>> -> memref<16x768xf32, #tpu.memory_space<hbm>>
    %dma_start3A_1213 = arith.constant 0 : i32
    %dma_start3A_1214 = arith.constant 0 : i32
    %dma_start3A_1215 = tpu.memref_slice %arg4[%add3A_1208, %dma_start3A_1213, %dma_start3A_1214] : memref<1024x16x768xf32, #tpu.memory_space<hbm>> -> memref<1x16x768xf32, #tpu.memory_space<hbm>>
    %dma_start3A_1216 = tpu.memref_squeeze %dma_start3A_1215 : memref<1x16x768xf32, #tpu.memory_space<hbm>> -> memref<16x768xf32, #tpu.memory_space<hbm>>
    tpu.enqueue_dma source(%arg6 : memref<16x768xf32, #tpu.memory_space<vmem>>) target(%dma_start3A_1216 : memref<16x768xf32, #tpu.memory_space<hbm>>) target_semaphore(%arg14 : memref<!tpu.dma_semaphore, #tpu.memory_space<semaphore_mem>>)
    %add3A_1217 = arith.constant 20 : i32
    %add3A_1218 = arith.addi %mul3A_2, %add3A_1217 : i32
    %dma_wait3A_1219 = arith.constant 0 : i32
    %dma_wait3A_1220 = arith.constant 0 : i32
    %dma_wait3A_1221 = tpu.memref_slice %arg4[%add3A_1218, %dma_wait3A_1219, %dma_wait3A_1220] : memref<1024x16x768xf32, #tpu.memory_space<hbm>> -> memref<1x16x768xf32, #tpu.memory_space<hbm>>
    %dma_wait3A_1222 = tpu.memref_squeeze %dma_wait3A_1221 : memref<1x16x768xf32, #tpu.memory_space<hbm>> -> memref<16x768xf32, #tpu.memory_space<hbm>>
    %dma_wait3A_1223 = arith.constant 0 : i32
    %dma_wait3A_1224 = arith.constant 0 : i32
    %dma_wait3A_1225 = tpu.memref_slice %arg4[%add3A_1218, %dma_wait3A_1223, %dma_wait3A_1224] : memref<1024x16x768xf32, #tpu.memory_space<hbm>> -> memref<1x16x768xf32, #tpu.memory_space<hbm>>
    %dma_wait3A_1226 = tpu.memref_squeeze %dma_wait3A_1225 : memref<1x16x768xf32, #tpu.memory_space<hbm>> -> memref<16x768xf32, #tpu.memory_space<hbm>>
    tpu.wait_dma2 semaphore(%arg14 : memref<!tpu.dma_semaphore, #tpu.memory_space<semaphore_mem>>) src(%arg6 : memref<16x768xf32, #tpu.memory_space<vmem>>) dst(%dma_wait3A_1226 : memref<16x768xf32, #tpu.memory_space<hbm>>)
    %dma_start3A_1227 = arith.constant 0 : i32
    %dma_start3A_1228 = arith.constant 0 : i32
    %dma_start3A_1229 = tpu.memref_slice %arg3[%reduce_max3A_350, %dma_start3A_1227, %dma_start3A_1228] : memref<1000x16x768xf32, #tpu.memory_space<hbm>> -> memref<1x16x768xf32, #tpu.memory_space<hbm>>
    %dma_start3A_1230 = tpu.memref_squeeze %dma_start3A_1229 : memref<1x16x768xf32, #tpu.memory_space<hbm>> -> memref<16x768xf32, #tpu.memory_space<hbm>>
    %dma_start3A_1231 = arith.constant 0 : i32
    %dma_start3A_1232 = arith.constant 0 : i32
    %dma_start3A_1233 = tpu.memref_slice %arg3[%reduce_max3A_350, %dma_start3A_1231, %dma_start3A_1232] : memref<1000x16x768xf32, #tpu.memory_space<hbm>> -> memref<1x16x768xf32, #tpu.memory_space<hbm>>
    %dma_start3A_1234 = tpu.memref_squeeze %dma_start3A_1233 : memref<1x16x768xf32, #tpu.memory_space<hbm>> -> memref<16x768xf32, #tpu.memory_space<hbm>>
    tpu.enqueue_dma source(%dma_start3A_1234 : memref<16x768xf32, #tpu.memory_space<hbm>>) target(%arg6 : memref<16x768xf32, #tpu.memory_space<vmem>>) target_semaphore(%arg10 : memref<!tpu.dma_semaphore, #tpu.memory_space<semaphore_mem>>)
    %dma_wait3A_1235 = arith.constant 0 : i32
    %dma_wait3A_1236 = arith.constant 0 : i32
    %dma_wait3A_1237 = tpu.memref_slice %arg3[%reduce_max3A_308, %dma_wait3A_1235, %dma_wait3A_1236] : memref<1000x16x768xf32, #tpu.memory_space<hbm>> -> memref<1x16x768xf32, #tpu.memory_space<hbm>>
    %dma_wait3A_1238 = tpu.memref_squeeze %dma_wait3A_1237 : memref<1x16x768xf32, #tpu.memory_space<hbm>> -> memref<16x768xf32, #tpu.memory_space<hbm>>
    %dma_wait3A_1239 = arith.constant 0 : i32
    %dma_wait3A_1240 = arith.constant 0 : i32
    %dma_wait3A_1241 = tpu.memref_slice %arg3[%reduce_max3A_308, %dma_wait3A_1239, %dma_wait3A_1240] : memref<1000x16x768xf32, #tpu.memory_space<hbm>> -> memref<1x16x768xf32, #tpu.memory_space<hbm>>
    %dma_wait3A_1242 = tpu.memref_squeeze %dma_wait3A_1241 : memref<1x16x768xf32, #tpu.memory_space<hbm>> -> memref<16x768xf32, #tpu.memory_space<hbm>>
    tpu.wait_dma2 semaphore(%arg11 : memref<!tpu.dma_semaphore, #tpu.memory_space<semaphore_mem>>) src(%dma_wait3A_1242 : memref<16x768xf32, #tpu.memory_space<hbm>>) dst(%arg7 : memref<16x768xf32, #tpu.memory_space<vmem>>)
    %add3A_1243 = arith.constant 21 : i32
    %add3A_1244 = arith.addi %mul3A_2, %add3A_1243 : i32
    %dma_start3A_1245 = arith.constant 0 : i32
    %dma_start3A_1246 = arith.constant 0 : i32
    %dma_start3A_1247 = tpu.memref_slice %arg4[%add3A_1244, %dma_start3A_1245, %dma_start3A_1246] : memref<1024x16x768xf32, #tpu.memory_space<hbm>> -> memref<1x16x768xf32, #tpu.memory_space<hbm>>
    %dma_start3A_1248 = tpu.memref_squeeze %dma_start3A_1247 : memref<1x16x768xf32, #tpu.memory_space<hbm>> -> memref<16x768xf32, #tpu.memory_space<hbm>>
    %dma_start3A_1249 = arith.constant 0 : i32
    %dma_start3A_1250 = arith.constant 0 : i32
    %dma_start3A_1251 = tpu.memref_slice %arg4[%add3A_1244, %dma_start3A_1249, %dma_start3A_1250] : memref<1024x16x768xf32, #tpu.memory_space<hbm>> -> memref<1x16x768xf32, #tpu.memory_space<hbm>>
    %dma_start3A_1252 = tpu.memref_squeeze %dma_start3A_1251 : memref<1x16x768xf32, #tpu.memory_space<hbm>> -> memref<16x768xf32, #tpu.memory_space<hbm>>
    tpu.enqueue_dma source(%arg7 : memref<16x768xf32, #tpu.memory_space<vmem>>) target(%dma_start3A_1252 : memref<16x768xf32, #tpu.memory_space<hbm>>) target_semaphore(%arg15 : memref<!tpu.dma_semaphore, #tpu.memory_space<semaphore_mem>>)
    %add3A_1253 = arith.constant 21 : i32
    %add3A_1254 = arith.addi %mul3A_2, %add3A_1253 : i32
    %dma_wait3A_1255 = arith.constant 0 : i32
    %dma_wait3A_1256 = arith.constant 0 : i32
    %dma_wait3A_1257 = tpu.memref_slice %arg4[%add3A_1254, %dma_wait3A_1255, %dma_wait3A_1256] : memref<1024x16x768xf32, #tpu.memory_space<hbm>> -> memref<1x16x768xf32, #tpu.memory_space<hbm>>
    %dma_wait3A_1258 = tpu.memref_squeeze %dma_wait3A_1257 : memref<1x16x768xf32, #tpu.memory_space<hbm>> -> memref<16x768xf32, #tpu.memory_space<hbm>>
    %dma_wait3A_1259 = arith.constant 0 : i32
    %dma_wait3A_1260 = arith.constant 0 : i32
    %dma_wait3A_1261 = tpu.memref_slice %arg4[%add3A_1254, %dma_wait3A_1259, %dma_wait3A_1260] : memref<1024x16x768xf32, #tpu.memory_space<hbm>> -> memref<1x16x768xf32, #tpu.memory_space<hbm>>
    %dma_wait3A_1262 = tpu.memref_squeeze %dma_wait3A_1261 : memref<1x16x768xf32, #tpu.memory_space<hbm>> -> memref<16x768xf32, #tpu.memory_space<hbm>>
    tpu.wait_dma2 semaphore(%arg15 : memref<!tpu.dma_semaphore, #tpu.memory_space<semaphore_mem>>) src(%arg7 : memref<16x768xf32, #tpu.memory_space<vmem>>) dst(%dma_wait3A_1262 : memref<16x768xf32, #tpu.memory_space<hbm>>)
    %dma_start3A_1263 = arith.constant 0 : i32
    %dma_start3A_1264 = arith.constant 0 : i32
    %dma_start3A_1265 = tpu.memref_slice %arg3[%reduce_max3A_364, %dma_start3A_1263, %dma_start3A_1264] : memref<1000x16x768xf32, #tpu.memory_space<hbm>> -> memref<1x16x768xf32, #tpu.memory_space<hbm>>
    %dma_start3A_1266 = tpu.memref_squeeze %dma_start3A_1265 : memref<1x16x768xf32, #tpu.memory_space<hbm>> -> memref<16x768xf32, #tpu.memory_space<hbm>>
    %dma_start3A_1267 = arith.constant 0 : i32
    %dma_start3A_1268 = arith.constant 0 : i32
    %dma_start3A_1269 = tpu.memref_slice %arg3[%reduce_max3A_364, %dma_start3A_1267, %dma_start3A_1268] : memref<1000x16x768xf32, #tpu.memory_space<hbm>> -> memref<1x16x768xf32, #tpu.memory_space<hbm>>
    %dma_start3A_1270 = tpu.memref_squeeze %dma_start3A_1269 : memref<1x16x768xf32, #tpu.memory_space<hbm>> -> memref<16x768xf32, #tpu.memory_space<hbm>>
    tpu.enqueue_dma source(%dma_start3A_1270 : memref<16x768xf32, #tpu.memory_space<hbm>>) target(%arg7 : memref<16x768xf32, #tpu.memory_space<vmem>>) target_semaphore(%arg11 : memref<!tpu.dma_semaphore, #tpu.memory_space<semaphore_mem>>)
    %dma_wait3A_1271 = arith.constant 0 : i32
    %dma_wait3A_1272 = arith.constant 0 : i32
    %dma_wait3A_1273 = tpu.memref_slice %arg3[%reduce_max3A_322, %dma_wait3A_1271, %dma_wait3A_1272] : memref<1000x16x768xf32, #tpu.memory_space<hbm>> -> memref<1x16x768xf32, #tpu.memory_space<hbm>>
    %dma_wait3A_1274 = tpu.memref_squeeze %dma_wait3A_1273 : memref<1x16x768xf32, #tpu.memory_space<hbm>> -> memref<16x768xf32, #tpu.memory_space<hbm>>
    %dma_wait3A_1275 = arith.constant 0 : i32
    %dma_wait3A_1276 = arith.constant 0 : i32
    %dma_wait3A_1277 = tpu.memref_slice %arg3[%reduce_max3A_322, %dma_wait3A_1275, %dma_wait3A_1276] : memref<1000x16x768xf32, #tpu.memory_space<hbm>> -> memref<1x16x768xf32, #tpu.memory_space<hbm>>
    %dma_wait3A_1278 = tpu.memref_squeeze %dma_wait3A_1277 : memref<1x16x768xf32, #tpu.memory_space<hbm>> -> memref<16x768xf32, #tpu.memory_space<hbm>>
    tpu.wait_dma2 semaphore(%arg12 : memref<!tpu.dma_semaphore, #tpu.memory_space<semaphore_mem>>) src(%dma_wait3A_1278 : memref<16x768xf32, #tpu.memory_space<hbm>>) dst(%arg8 : memref<16x768xf32, #tpu.memory_space<vmem>>)
    %add3A_1279 = arith.constant 22 : i32
    %add3A_1280 = arith.addi %mul3A_2, %add3A_1279 : i32
    %dma_start3A_1281 = arith.constant 0 : i32
    %dma_start3A_1282 = arith.constant 0 : i32
    %dma_start3A_1283 = tpu.memref_slice %arg4[%add3A_1280, %dma_start3A_1281, %dma_start3A_1282] : memref<1024x16x768xf32, #tpu.memory_space<hbm>> -> memref<1x16x768xf32, #tpu.memory_space<hbm>>
    %dma_start3A_1284 = tpu.memref_squeeze %dma_start3A_1283 : memref<1x16x768xf32, #tpu.memory_space<hbm>> -> memref<16x768xf32, #tpu.memory_space<hbm>>
    %dma_start3A_1285 = arith.constant 0 : i32
    %dma_start3A_1286 = arith.constant 0 : i32
    %dma_start3A_1287 = tpu.memref_slice %arg4[%add3A_1280, %dma_start3A_1285, %dma_start3A_1286] : memref<1024x16x768xf32, #tpu.memory_space<hbm>> -> memref<1x16x768xf32, #tpu.memory_space<hbm>>
    %dma_start3A_1288 = tpu.memref_squeeze %dma_start3A_1287 : memref<1x16x768xf32, #tpu.memory_space<hbm>> -> memref<16x768xf32, #tpu.memory_space<hbm>>
    tpu.enqueue_dma source(%arg8 : memref<16x768xf32, #tpu.memory_space<vmem>>) target(%dma_start3A_1288 : memref<16x768xf32, #tpu.memory_space<hbm>>) target_semaphore(%arg16 : memref<!tpu.dma_semaphore, #tpu.memory_space<semaphore_mem>>)
    %add3A_1289 = arith.constant 22 : i32
    %add3A_1290 = arith.addi %mul3A_2, %add3A_1289 : i32
    %dma_wait3A_1291 = arith.constant 0 : i32
    %dma_wait3A_1292 = arith.constant 0 : i32
    %dma_wait3A_1293 = tpu.memref_slice %arg4[%add3A_1290, %dma_wait3A_1291, %dma_wait3A_1292] : memref<1024x16x768xf32, #tpu.memory_space<hbm>> -> memref<1x16x768xf32, #tpu.memory_space<hbm>>
    %dma_wait3A_1294 = tpu.memref_squeeze %dma_wait3A_1293 : memref<1x16x768xf32, #tpu.memory_space<hbm>> -> memref<16x768xf32, #tpu.memory_space<hbm>>
    %dma_wait3A_1295 = arith.constant 0 : i32
    %dma_wait3A_1296 = arith.constant 0 : i32
    %dma_wait3A_1297 = tpu.memref_slice %arg4[%add3A_1290, %dma_wait3A_1295, %dma_wait3A_1296] : memref<1024x16x768xf32, #tpu.memory_space<hbm>> -> memref<1x16x768xf32, #tpu.memory_space<hbm>>
    %dma_wait3A_1298 = tpu.memref_squeeze %dma_wait3A_1297 : memref<1x16x768xf32, #tpu.memory_space<hbm>> -> memref<16x768xf32, #tpu.memory_space<hbm>>
    tpu.wait_dma2 semaphore(%arg16 : memref<!tpu.dma_semaphore, #tpu.memory_space<semaphore_mem>>) src(%arg8 : memref<16x768xf32, #tpu.memory_space<vmem>>) dst(%dma_wait3A_1298 : memref<16x768xf32, #tpu.memory_space<hbm>>)
    %dma_start3A_1299 = arith.constant 0 : i32
    %dma_start3A_1300 = arith.constant 0 : i32
    %dma_start3A_1301 = tpu.memref_slice %arg3[%reduce_max3A_378, %dma_start3A_1299, %dma_start3A_1300] : memref<1000x16x768xf32, #tpu.memory_space<hbm>> -> memref<1x16x768xf32, #tpu.memory_space<hbm>>
    %dma_start3A_1302 = tpu.memref_squeeze %dma_start3A_1301 : memref<1x16x768xf32, #tpu.memory_space<hbm>> -> memref<16x768xf32, #tpu.memory_space<hbm>>
    %dma_start3A_1303 = arith.constant 0 : i32
    %dma_start3A_1304 = arith.constant 0 : i32
    %dma_start3A_1305 = tpu.memref_slice %arg3[%reduce_max3A_378, %dma_start3A_1303, %dma_start3A_1304] : memref<1000x16x768xf32, #tpu.memory_space<hbm>> -> memref<1x16x768xf32, #tpu.memory_space<hbm>>
    %dma_start3A_1306 = tpu.memref_squeeze %dma_start3A_1305 : memref<1x16x768xf32, #tpu.memory_space<hbm>> -> memref<16x768xf32, #tpu.memory_space<hbm>>
    tpu.enqueue_dma source(%dma_start3A_1306 : memref<16x768xf32, #tpu.memory_space<hbm>>) target(%arg8 : memref<16x768xf32, #tpu.memory_space<vmem>>) target_semaphore(%arg12 : memref<!tpu.dma_semaphore, #tpu.memory_space<semaphore_mem>>)
    %dma_wait3A_1307 = arith.constant 0 : i32
    %dma_wait3A_1308 = arith.constant 0 : i32
    %dma_wait3A_1309 = tpu.memref_slice %arg3[%reduce_max3A_336, %dma_wait3A_1307, %dma_wait3A_1308] : memref<1000x16x768xf32, #tpu.memory_space<hbm>> -> memref<1x16x768xf32, #tpu.memory_space<hbm>>
    %dma_wait3A_1310 = tpu.memref_squeeze %dma_wait3A_1309 : memref<1x16x768xf32, #tpu.memory_space<hbm>> -> memref<16x768xf32, #tpu.memory_space<hbm>>
    %dma_wait3A_1311 = arith.constant 0 : i32
    %dma_wait3A_1312 = arith.constant 0 : i32
    %dma_wait3A_1313 = tpu.memref_slice %arg3[%reduce_max3A_336, %dma_wait3A_1311, %dma_wait3A_1312] : memref<1000x16x768xf32, #tpu.memory_space<hbm>> -> memref<1x16x768xf32, #tpu.memory_space<hbm>>
    %dma_wait3A_1314 = tpu.memref_squeeze %dma_wait3A_1313 : memref<1x16x768xf32, #tpu.memory_space<hbm>> -> memref<16x768xf32, #tpu.memory_space<hbm>>
    tpu.wait_dma2 semaphore(%arg13 : memref<!tpu.dma_semaphore, #tpu.memory_space<semaphore_mem>>) src(%dma_wait3A_1314 : memref<16x768xf32, #tpu.memory_space<hbm>>) dst(%arg9 : memref<16x768xf32, #tpu.memory_space<vmem>>)
    %add3A_1315 = arith.constant 23 : i32
    %add3A_1316 = arith.addi %mul3A_2, %add3A_1315 : i32
    %dma_start3A_1317 = arith.constant 0 : i32
    %dma_start3A_1318 = arith.constant 0 : i32
    %dma_start3A_1319 = tpu.memref_slice %arg4[%add3A_1316, %dma_start3A_1317, %dma_start3A_1318] : memref<1024x16x768xf32, #tpu.memory_space<hbm>> -> memref<1x16x768xf32, #tpu.memory_space<hbm>>
    %dma_start3A_1320 = tpu.memref_squeeze %dma_start3A_1319 : memref<1x16x768xf32, #tpu.memory_space<hbm>> -> memref<16x768xf32, #tpu.memory_space<hbm>>
    %dma_start3A_1321 = arith.constant 0 : i32
    %dma_start3A_1322 = arith.constant 0 : i32
    %dma_start3A_1323 = tpu.memref_slice %arg4[%add3A_1316, %dma_start3A_1321, %dma_start3A_1322] : memref<1024x16x768xf32, #tpu.memory_space<hbm>> -> memref<1x16x768xf32, #tpu.memory_space<hbm>>
    %dma_start3A_1324 = tpu.memref_squeeze %dma_start3A_1323 : memref<1x16x768xf32, #tpu.memory_space<hbm>> -> memref<16x768xf32, #tpu.memory_space<hbm>>
    tpu.enqueue_dma source(%arg9 : memref<16x768xf32, #tpu.memory_space<vmem>>) target(%dma_start3A_1324 : memref<16x768xf32, #tpu.memory_space<hbm>>) target_semaphore(%arg17 : memref<!tpu.dma_semaphore, #tpu.memory_space<semaphore_mem>>)
    %add3A_1325 = arith.constant 23 : i32
    %add3A_1326 = arith.addi %mul3A_2, %add3A_1325 : i32
    %dma_wait3A_1327 = arith.constant 0 : i32
    %dma_wait3A_1328 = arith.constant 0 : i32
    %dma_wait3A_1329 = tpu.memref_slice %arg4[%add3A_1326, %dma_wait3A_1327, %dma_wait3A_1328] : memref<1024x16x768xf32, #tpu.memory_space<hbm>> -> memref<1x16x768xf32, #tpu.memory_space<hbm>>
    %dma_wait3A_1330 = tpu.memref_squeeze %dma_wait3A_1329 : memref<1x16x768xf32, #tpu.memory_space<hbm>> -> memref<16x768xf32, #tpu.memory_space<hbm>>
    %dma_wait3A_1331 = arith.constant 0 : i32
    %dma_wait3A_1332 = arith.constant 0 : i32
    %dma_wait3A_1333 = tpu.memref_slice %arg4[%add3A_1326, %dma_wait3A_1331, %dma_wait3A_1332] : memref<1024x16x768xf32, #tpu.memory_space<hbm>> -> memref<1x16x768xf32, #tpu.memory_space<hbm>>
    %dma_wait3A_1334 = tpu.memref_squeeze %dma_wait3A_1333 : memref<1x16x768xf32, #tpu.memory_space<hbm>> -> memref<16x768xf32, #tpu.memory_space<hbm>>
    tpu.wait_dma2 semaphore(%arg17 : memref<!tpu.dma_semaphore, #tpu.memory_space<semaphore_mem>>) src(%arg9 : memref<16x768xf32, #tpu.memory_space<vmem>>) dst(%dma_wait3A_1334 : memref<16x768xf32, #tpu.memory_space<hbm>>)
    %dma_start3A_1335 = arith.constant 0 : i32
    %dma_start3A_1336 = arith.constant 0 : i32
    %dma_start3A_1337 = tpu.memref_slice %arg3[%reduce_max3A_392, %dma_start3A_1335, %dma_start3A_1336] : memref<1000x16x768xf32, #tpu.memory_space<hbm>> -> memref<1x16x768xf32, #tpu.memory_space<hbm>>
    %dma_start3A_1338 = tpu.memref_squeeze %dma_start3A_1337 : memref<1x16x768xf32, #tpu.memory_space<hbm>> -> memref<16x768xf32, #tpu.memory_space<hbm>>
    %dma_start3A_1339 = arith.constant 0 : i32
    %dma_start3A_1340 = arith.constant 0 : i32
    %dma_start3A_1341 = tpu.memref_slice %arg3[%reduce_max3A_392, %dma_start3A_1339, %dma_start3A_1340] : memref<1000x16x768xf32, #tpu.memory_space<hbm>> -> memref<1x16x768xf32, #tpu.memory_space<hbm>>
    %dma_start3A_1342 = tpu.memref_squeeze %dma_start3A_1341 : memref<1x16x768xf32, #tpu.memory_space<hbm>> -> memref<16x768xf32, #tpu.memory_space<hbm>>
    tpu.enqueue_dma source(%dma_start3A_1342 : memref<16x768xf32, #tpu.memory_space<hbm>>) target(%arg9 : memref<16x768xf32, #tpu.memory_space<vmem>>) target_semaphore(%arg13 : memref<!tpu.dma_semaphore, #tpu.memory_space<semaphore_mem>>)
    %dma_wait3A_1343 = arith.constant 0 : i32
    %dma_wait3A_1344 = arith.constant 0 : i32
    %dma_wait3A_1345 = tpu.memref_slice %arg3[%reduce_max3A_350, %dma_wait3A_1343, %dma_wait3A_1344] : memref<1000x16x768xf32, #tpu.memory_space<hbm>> -> memref<1x16x768xf32, #tpu.memory_space<hbm>>
    %dma_wait3A_1346 = tpu.memref_squeeze %dma_wait3A_1345 : memref<1x16x768xf32, #tpu.memory_space<hbm>> -> memref<16x768xf32, #tpu.memory_space<hbm>>
    %dma_wait3A_1347 = arith.constant 0 : i32
    %dma_wait3A_1348 = arith.constant 0 : i32
    %dma_wait3A_1349 = tpu.memref_slice %arg3[%reduce_max3A_350, %dma_wait3A_1347, %dma_wait3A_1348] : memref<1000x16x768xf32, #tpu.memory_space<hbm>> -> memref<1x16x768xf32, #tpu.memory_space<hbm>>
    %dma_wait3A_1350 = tpu.memref_squeeze %dma_wait3A_1349 : memref<1x16x768xf32, #tpu.memory_space<hbm>> -> memref<16x768xf32, #tpu.memory_space<hbm>>
    tpu.wait_dma2 semaphore(%arg10 : memref<!tpu.dma_semaphore, #tpu.memory_space<semaphore_mem>>) src(%dma_wait3A_1350 : memref<16x768xf32, #tpu.memory_space<hbm>>) dst(%arg6 : memref<16x768xf32, #tpu.memory_space<vmem>>)
    %add3A_1351 = arith.constant 24 : i32
    %add3A_1352 = arith.addi %mul3A_2, %add3A_1351 : i32
    %dma_start3A_1353 = arith.constant 0 : i32
    %dma_start3A_1354 = arith.constant 0 : i32
    %dma_start3A_1355 = tpu.memref_slice %arg4[%add3A_1352, %dma_start3A_1353, %dma_start3A_1354] : memref<1024x16x768xf32, #tpu.memory_space<hbm>> -> memref<1x16x768xf32, #tpu.memory_space<hbm>>
    %dma_start3A_1356 = tpu.memref_squeeze %dma_start3A_1355 : memref<1x16x768xf32, #tpu.memory_space<hbm>> -> memref<16x768xf32, #tpu.memory_space<hbm>>
    %dma_start3A_1357 = arith.constant 0 : i32
    %dma_start3A_1358 = arith.constant 0 : i32
    %dma_start3A_1359 = tpu.memref_slice %arg4[%add3A_1352, %dma_start3A_1357, %dma_start3A_1358] : memref<1024x16x768xf32, #tpu.memory_space<hbm>> -> memref<1x16x768xf32, #tpu.memory_space<hbm>>
    %dma_start3A_1360 = tpu.memref_squeeze %dma_start3A_1359 : memref<1x16x768xf32, #tpu.memory_space<hbm>> -> memref<16x768xf32, #tpu.memory_space<hbm>>
    tpu.enqueue_dma source(%arg6 : memref<16x768xf32, #tpu.memory_space<vmem>>) target(%dma_start3A_1360 : memref<16x768xf32, #tpu.memory_space<hbm>>) target_semaphore(%arg14 : memref<!tpu.dma_semaphore, #tpu.memory_space<semaphore_mem>>)
    %add3A_1361 = arith.constant 24 : i32
    %add3A_1362 = arith.addi %mul3A_2, %add3A_1361 : i32
    %dma_wait3A_1363 = arith.constant 0 : i32
    %dma_wait3A_1364 = arith.constant 0 : i32
    %dma_wait3A_1365 = tpu.memref_slice %arg4[%add3A_1362, %dma_wait3A_1363, %dma_wait3A_1364] : memref<1024x16x768xf32, #tpu.memory_space<hbm>> -> memref<1x16x768xf32, #tpu.memory_space<hbm>>
    %dma_wait3A_1366 = tpu.memref_squeeze %dma_wait3A_1365 : memref<1x16x768xf32, #tpu.memory_space<hbm>> -> memref<16x768xf32, #tpu.memory_space<hbm>>
    %dma_wait3A_1367 = arith.constant 0 : i32
    %dma_wait3A_1368 = arith.constant 0 : i32
    %dma_wait3A_1369 = tpu.memref_slice %arg4[%add3A_1362, %dma_wait3A_1367, %dma_wait3A_1368] : memref<1024x16x768xf32, #tpu.memory_space<hbm>> -> memref<1x16x768xf32, #tpu.memory_space<hbm>>
    %dma_wait3A_1370 = tpu.memref_squeeze %dma_wait3A_1369 : memref<1x16x768xf32, #tpu.memory_space<hbm>> -> memref<16x768xf32, #tpu.memory_space<hbm>>
    tpu.wait_dma2 semaphore(%arg14 : memref<!tpu.dma_semaphore, #tpu.memory_space<semaphore_mem>>) src(%arg6 : memref<16x768xf32, #tpu.memory_space<vmem>>) dst(%dma_wait3A_1370 : memref<16x768xf32, #tpu.memory_space<hbm>>)
    %dma_start3A_1371 = arith.constant 0 : i32
    %dma_start3A_1372 = arith.constant 0 : i32
    %dma_start3A_1373 = tpu.memref_slice %arg3[%reduce_max3A_406, %dma_start3A_1371, %dma_start3A_1372] : memref<1000x16x768xf32, #tpu.memory_space<hbm>> -> memref<1x16x768xf32, #tpu.memory_space<hbm>>
    %dma_start3A_1374 = tpu.memref_squeeze %dma_start3A_1373 : memref<1x16x768xf32, #tpu.memory_space<hbm>> -> memref<16x768xf32, #tpu.memory_space<hbm>>
    %dma_start3A_1375 = arith.constant 0 : i32
    %dma_start3A_1376 = arith.constant 0 : i32
    %dma_start3A_1377 = tpu.memref_slice %arg3[%reduce_max3A_406, %dma_start3A_1375, %dma_start3A_1376] : memref<1000x16x768xf32, #tpu.memory_space<hbm>> -> memref<1x16x768xf32, #tpu.memory_space<hbm>>
    %dma_start3A_1378 = tpu.memref_squeeze %dma_start3A_1377 : memref<1x16x768xf32, #tpu.memory_space<hbm>> -> memref<16x768xf32, #tpu.memory_space<hbm>>
    tpu.enqueue_dma source(%dma_start3A_1378 : memref<16x768xf32, #tpu.memory_space<hbm>>) target(%arg6 : memref<16x768xf32, #tpu.memory_space<vmem>>) target_semaphore(%arg10 : memref<!tpu.dma_semaphore, #tpu.memory_space<semaphore_mem>>)
    %dma_wait3A_1379 = arith.constant 0 : i32
    %dma_wait3A_1380 = arith.constant 0 : i32
    %dma_wait3A_1381 = tpu.memref_slice %arg3[%reduce_max3A_364, %dma_wait3A_1379, %dma_wait3A_1380] : memref<1000x16x768xf32, #tpu.memory_space<hbm>> -> memref<1x16x768xf32, #tpu.memory_space<hbm>>
    %dma_wait3A_1382 = tpu.memref_squeeze %dma_wait3A_1381 : memref<1x16x768xf32, #tpu.memory_space<hbm>> -> memref<16x768xf32, #tpu.memory_space<hbm>>
    %dma_wait3A_1383 = arith.constant 0 : i32
    %dma_wait3A_1384 = arith.constant 0 : i32
    %dma_wait3A_1385 = tpu.memref_slice %arg3[%reduce_max3A_364, %dma_wait3A_1383, %dma_wait3A_1384] : memref<1000x16x768xf32, #tpu.memory_space<hbm>> -> memref<1x16x768xf32, #tpu.memory_space<hbm>>
    %dma_wait3A_1386 = tpu.memref_squeeze %dma_wait3A_1385 : memref<1x16x768xf32, #tpu.memory_space<hbm>> -> memref<16x768xf32, #tpu.memory_space<hbm>>
    tpu.wait_dma2 semaphore(%arg11 : memref<!tpu.dma_semaphore, #tpu.memory_space<semaphore_mem>>) src(%dma_wait3A_1386 : memref<16x768xf32, #tpu.memory_space<hbm>>) dst(%arg7 : memref<16x768xf32, #tpu.memory_space<vmem>>)
    %add3A_1387 = arith.constant 25 : i32
    %add3A_1388 = arith.addi %mul3A_2, %add3A_1387 : i32
    %dma_start3A_1389 = arith.constant 0 : i32
    %dma_start3A_1390 = arith.constant 0 : i32
    %dma_start3A_1391 = tpu.memref_slice %arg4[%add3A_1388, %dma_start3A_1389, %dma_start3A_1390] : memref<1024x16x768xf32, #tpu.memory_space<hbm>> -> memref<1x16x768xf32, #tpu.memory_space<hbm>>
    %dma_start3A_1392 = tpu.memref_squeeze %dma_start3A_1391 : memref<1x16x768xf32, #tpu.memory_space<hbm>> -> memref<16x768xf32, #tpu.memory_space<hbm>>
    %dma_start3A_1393 = arith.constant 0 : i32
    %dma_start3A_1394 = arith.constant 0 : i32
    %dma_start3A_1395 = tpu.memref_slice %arg4[%add3A_1388, %dma_start3A_1393, %dma_start3A_1394] : memref<1024x16x768xf32, #tpu.memory_space<hbm>> -> memref<1x16x768xf32, #tpu.memory_space<hbm>>
    %dma_start3A_1396 = tpu.memref_squeeze %dma_start3A_1395 : memref<1x16x768xf32, #tpu.memory_space<hbm>> -> memref<16x768xf32, #tpu.memory_space<hbm>>
    tpu.enqueue_dma source(%arg7 : memref<16x768xf32, #tpu.memory_space<vmem>>) target(%dma_start3A_1396 : memref<16x768xf32, #tpu.memory_space<hbm>>) target_semaphore(%arg15 : memref<!tpu.dma_semaphore, #tpu.memory_space<semaphore_mem>>)
    %add3A_1397 = arith.constant 25 : i32
    %add3A_1398 = arith.addi %mul3A_2, %add3A_1397 : i32
    %dma_wait3A_1399 = arith.constant 0 : i32
    %dma_wait3A_1400 = arith.constant 0 : i32
    %dma_wait3A_1401 = tpu.memref_slice %arg4[%add3A_1398, %dma_wait3A_1399, %dma_wait3A_1400] : memref<1024x16x768xf32, #tpu.memory_space<hbm>> -> memref<1x16x768xf32, #tpu.memory_space<hbm>>
    %dma_wait3A_1402 = tpu.memref_squeeze %dma_wait3A_1401 : memref<1x16x768xf32, #tpu.memory_space<hbm>> -> memref<16x768xf32, #tpu.memory_space<hbm>>
    %dma_wait3A_1403 = arith.constant 0 : i32
    %dma_wait3A_1404 = arith.constant 0 : i32
    %dma_wait3A_1405 = tpu.memref_slice %arg4[%add3A_1398, %dma_wait3A_1403, %dma_wait3A_1404] : memref<1024x16x768xf32, #tpu.memory_space<hbm>> -> memref<1x16x768xf32, #tpu.memory_space<hbm>>
    %dma_wait3A_1406 = tpu.memref_squeeze %dma_wait3A_1405 : memref<1x16x768xf32, #tpu.memory_space<hbm>> -> memref<16x768xf32, #tpu.memory_space<hbm>>
    tpu.wait_dma2 semaphore(%arg15 : memref<!tpu.dma_semaphore, #tpu.memory_space<semaphore_mem>>) src(%arg7 : memref<16x768xf32, #tpu.memory_space<vmem>>) dst(%dma_wait3A_1406 : memref<16x768xf32, #tpu.memory_space<hbm>>)
    %dma_start3A_1407 = arith.constant 0 : i32
    %dma_start3A_1408 = arith.constant 0 : i32
    %dma_start3A_1409 = tpu.memref_slice %arg3[%reduce_max3A_420, %dma_start3A_1407, %dma_start3A_1408] : memref<1000x16x768xf32, #tpu.memory_space<hbm>> -> memref<1x16x768xf32, #tpu.memory_space<hbm>>
    %dma_start3A_1410 = tpu.memref_squeeze %dma_start3A_1409 : memref<1x16x768xf32, #tpu.memory_space<hbm>> -> memref<16x768xf32, #tpu.memory_space<hbm>>
    %dma_start3A_1411 = arith.constant 0 : i32
    %dma_start3A_1412 = arith.constant 0 : i32
    %dma_start3A_1413 = tpu.memref_slice %arg3[%reduce_max3A_420, %dma_start3A_1411, %dma_start3A_1412] : memref<1000x16x768xf32, #tpu.memory_space<hbm>> -> memref<1x16x768xf32, #tpu.memory_space<hbm>>
    %dma_start3A_1414 = tpu.memref_squeeze %dma_start3A_1413 : memref<1x16x768xf32, #tpu.memory_space<hbm>> -> memref<16x768xf32, #tpu.memory_space<hbm>>
    tpu.enqueue_dma source(%dma_start3A_1414 : memref<16x768xf32, #tpu.memory_space<hbm>>) target(%arg7 : memref<16x768xf32, #tpu.memory_space<vmem>>) target_semaphore(%arg11 : memref<!tpu.dma_semaphore, #tpu.memory_space<semaphore_mem>>)
    %dma_wait3A_1415 = arith.constant 0 : i32
    %dma_wait3A_1416 = arith.constant 0 : i32
    %dma_wait3A_1417 = tpu.memref_slice %arg3[%reduce_max3A_378, %dma_wait3A_1415, %dma_wait3A_1416] : memref<1000x16x768xf32, #tpu.memory_space<hbm>> -> memref<1x16x768xf32, #tpu.memory_space<hbm>>
    %dma_wait3A_1418 = tpu.memref_squeeze %dma_wait3A_1417 : memref<1x16x768xf32, #tpu.memory_space<hbm>> -> memref<16x768xf32, #tpu.memory_space<hbm>>
    %dma_wait3A_1419 = arith.constant 0 : i32
    %dma_wait3A_1420 = arith.constant 0 : i32
    %dma_wait3A_1421 = tpu.memref_slice %arg3[%reduce_max3A_378, %dma_wait3A_1419, %dma_wait3A_1420] : memref<1000x16x768xf32, #tpu.memory_space<hbm>> -> memref<1x16x768xf32, #tpu.memory_space<hbm>>
    %dma_wait3A_1422 = tpu.memref_squeeze %dma_wait3A_1421 : memref<1x16x768xf32, #tpu.memory_space<hbm>> -> memref<16x768xf32, #tpu.memory_space<hbm>>
    tpu.wait_dma2 semaphore(%arg12 : memref<!tpu.dma_semaphore, #tpu.memory_space<semaphore_mem>>) src(%dma_wait3A_1422 : memref<16x768xf32, #tpu.memory_space<hbm>>) dst(%arg8 : memref<16x768xf32, #tpu.memory_space<vmem>>)
    %add3A_1423 = arith.constant 26 : i32
    %add3A_1424 = arith.addi %mul3A_2, %add3A_1423 : i32
    %dma_start3A_1425 = arith.constant 0 : i32
    %dma_start3A_1426 = arith.constant 0 : i32
    %dma_start3A_1427 = tpu.memref_slice %arg4[%add3A_1424, %dma_start3A_1425, %dma_start3A_1426] : memref<1024x16x768xf32, #tpu.memory_space<hbm>> -> memref<1x16x768xf32, #tpu.memory_space<hbm>>
    %dma_start3A_1428 = tpu.memref_squeeze %dma_start3A_1427 : memref<1x16x768xf32, #tpu.memory_space<hbm>> -> memref<16x768xf32, #tpu.memory_space<hbm>>
    %dma_start3A_1429 = arith.constant 0 : i32
    %dma_start3A_1430 = arith.constant 0 : i32
    %dma_start3A_1431 = tpu.memref_slice %arg4[%add3A_1424, %dma_start3A_1429, %dma_start3A_1430] : memref<1024x16x768xf32, #tpu.memory_space<hbm>> -> memref<1x16x768xf32, #tpu.memory_space<hbm>>
    %dma_start3A_1432 = tpu.memref_squeeze %dma_start3A_1431 : memref<1x16x768xf32, #tpu.memory_space<hbm>> -> memref<16x768xf32, #tpu.memory_space<hbm>>
    tpu.enqueue_dma source(%arg8 : memref<16x768xf32, #tpu.memory_space<vmem>>) target(%dma_start3A_1432 : memref<16x768xf32, #tpu.memory_space<hbm>>) target_semaphore(%arg16 : memref<!tpu.dma_semaphore, #tpu.memory_space<semaphore_mem>>)
    %add3A_1433 = arith.constant 26 : i32
    %add3A_1434 = arith.addi %mul3A_2, %add3A_1433 : i32
    %dma_wait3A_1435 = arith.constant 0 : i32
    %dma_wait3A_1436 = arith.constant 0 : i32
    %dma_wait3A_1437 = tpu.memref_slice %arg4[%add3A_1434, %dma_wait3A_1435, %dma_wait3A_1436] : memref<1024x16x768xf32, #tpu.memory_space<hbm>> -> memref<1x16x768xf32, #tpu.memory_space<hbm>>
    %dma_wait3A_1438 = tpu.memref_squeeze %dma_wait3A_1437 : memref<1x16x768xf32, #tpu.memory_space<hbm>> -> memref<16x768xf32, #tpu.memory_space<hbm>>
    %dma_wait3A_1439 = arith.constant 0 : i32
    %dma_wait3A_1440 = arith.constant 0 : i32
    %dma_wait3A_1441 = tpu.memref_slice %arg4[%add3A_1434, %dma_wait3A_1439, %dma_wait3A_1440] : memref<1024x16x768xf32, #tpu.memory_space<hbm>> -> memref<1x16x768xf32, #tpu.memory_space<hbm>>
    %dma_wait3A_1442 = tpu.memref_squeeze %dma_wait3A_1441 : memref<1x16x768xf32, #tpu.memory_space<hbm>> -> memref<16x768xf32, #tpu.memory_space<hbm>>
    tpu.wait_dma2 semaphore(%arg16 : memref<!tpu.dma_semaphore, #tpu.memory_space<semaphore_mem>>) src(%arg8 : memref<16x768xf32, #tpu.memory_space<vmem>>) dst(%dma_wait3A_1442 : memref<16x768xf32, #tpu.memory_space<hbm>>)
    %dma_start3A_1443 = arith.constant 0 : i32
    %dma_start3A_1444 = arith.constant 0 : i32
    %dma_start3A_1445 = tpu.memref_slice %arg3[%reduce_max3A_434, %dma_start3A_1443, %dma_start3A_1444] : memref<1000x16x768xf32, #tpu.memory_space<hbm>> -> memref<1x16x768xf32, #tpu.memory_space<hbm>>
    %dma_start3A_1446 = tpu.memref_squeeze %dma_start3A_1445 : memref<1x16x768xf32, #tpu.memory_space<hbm>> -> memref<16x768xf32, #tpu.memory_space<hbm>>
    %dma_start3A_1447 = arith.constant 0 : i32
    %dma_start3A_1448 = arith.constant 0 : i32
    %dma_start3A_1449 = tpu.memref_slice %arg3[%reduce_max3A_434, %dma_start3A_1447, %dma_start3A_1448] : memref<1000x16x768xf32, #tpu.memory_space<hbm>> -> memref<1x16x768xf32, #tpu.memory_space<hbm>>
    %dma_start3A_1450 = tpu.memref_squeeze %dma_start3A_1449 : memref<1x16x768xf32, #tpu.memory_space<hbm>> -> memref<16x768xf32, #tpu.memory_space<hbm>>
    tpu.enqueue_dma source(%dma_start3A_1450 : memref<16x768xf32, #tpu.memory_space<hbm>>) target(%arg8 : memref<16x768xf32, #tpu.memory_space<vmem>>) target_semaphore(%arg12 : memref<!tpu.dma_semaphore, #tpu.memory_space<semaphore_mem>>)
    %dma_wait3A_1451 = arith.constant 0 : i32
    %dma_wait3A_1452 = arith.constant 0 : i32
    %dma_wait3A_1453 = tpu.memref_slice %arg3[%reduce_max3A_392, %dma_wait3A_1451, %dma_wait3A_1452] : memref<1000x16x768xf32, #tpu.memory_space<hbm>> -> memref<1x16x768xf32, #tpu.memory_space<hbm>>
    %dma_wait3A_1454 = tpu.memref_squeeze %dma_wait3A_1453 : memref<1x16x768xf32, #tpu.memory_space<hbm>> -> memref<16x768xf32, #tpu.memory_space<hbm>>
    %dma_wait3A_1455 = arith.constant 0 : i32
    %dma_wait3A_1456 = arith.constant 0 : i32
    %dma_wait3A_1457 = tpu.memref_slice %arg3[%reduce_max3A_392, %dma_wait3A_1455, %dma_wait3A_1456] : memref<1000x16x768xf32, #tpu.memory_space<hbm>> -> memref<1x16x768xf32, #tpu.memory_space<hbm>>
    %dma_wait3A_1458 = tpu.memref_squeeze %dma_wait3A_1457 : memref<1x16x768xf32, #tpu.memory_space<hbm>> -> memref<16x768xf32, #tpu.memory_space<hbm>>
    tpu.wait_dma2 semaphore(%arg13 : memref<!tpu.dma_semaphore, #tpu.memory_space<semaphore_mem>>) src(%dma_wait3A_1458 : memref<16x768xf32, #tpu.memory_space<hbm>>) dst(%arg9 : memref<16x768xf32, #tpu.memory_space<vmem>>)
    %add3A_1459 = arith.constant 27 : i32
    %add3A_1460 = arith.addi %mul3A_2, %add3A_1459 : i32
    %dma_start3A_1461 = arith.constant 0 : i32
    %dma_start3A_1462 = arith.constant 0 : i32
    %dma_start3A_1463 = tpu.memref_slice %arg4[%add3A_1460, %dma_start3A_1461, %dma_start3A_1462] : memref<1024x16x768xf32, #tpu.memory_space<hbm>> -> memref<1x16x768xf32, #tpu.memory_space<hbm>>
    %dma_start3A_1464 = tpu.memref_squeeze %dma_start3A_1463 : memref<1x16x768xf32, #tpu.memory_space<hbm>> -> memref<16x768xf32, #tpu.memory_space<hbm>>
    %dma_start3A_1465 = arith.constant 0 : i32
    %dma_start3A_1466 = arith.constant 0 : i32
    %dma_start3A_1467 = tpu.memref_slice %arg4[%add3A_1460, %dma_start3A_1465, %dma_start3A_1466] : memref<1024x16x768xf32, #tpu.memory_space<hbm>> -> memref<1x16x768xf32, #tpu.memory_space<hbm>>
    %dma_start3A_1468 = tpu.memref_squeeze %dma_start3A_1467 : memref<1x16x768xf32, #tpu.memory_space<hbm>> -> memref<16x768xf32, #tpu.memory_space<hbm>>
    tpu.enqueue_dma source(%arg9 : memref<16x768xf32, #tpu.memory_space<vmem>>) target(%dma_start3A_1468 : memref<16x768xf32, #tpu.memory_space<hbm>>) target_semaphore(%arg17 : memref<!tpu.dma_semaphore, #tpu.memory_space<semaphore_mem>>)
    %add3A_1469 = arith.constant 27 : i32
    %add3A_1470 = arith.addi %mul3A_2, %add3A_1469 : i32
    %dma_wait3A_1471 = arith.constant 0 : i32
    %dma_wait3A_1472 = arith.constant 0 : i32
    %dma_wait3A_1473 = tpu.memref_slice %arg4[%add3A_1470, %dma_wait3A_1471, %dma_wait3A_1472] : memref<1024x16x768xf32, #tpu.memory_space<hbm>> -> memref<1x16x768xf32, #tpu.memory_space<hbm>>
    %dma_wait3A_1474 = tpu.memref_squeeze %dma_wait3A_1473 : memref<1x16x768xf32, #tpu.memory_space<hbm>> -> memref<16x768xf32, #tpu.memory_space<hbm>>
    %dma_wait3A_1475 = arith.constant 0 : i32
    %dma_wait3A_1476 = arith.constant 0 : i32
    %dma_wait3A_1477 = tpu.memref_slice %arg4[%add3A_1470, %dma_wait3A_1475, %dma_wait3A_1476] : memref<1024x16x768xf32, #tpu.memory_space<hbm>> -> memref<1x16x768xf32, #tpu.memory_space<hbm>>
    %dma_wait3A_1478 = tpu.memref_squeeze %dma_wait3A_1477 : memref<1x16x768xf32, #tpu.memory_space<hbm>> -> memref<16x768xf32, #tpu.memory_space<hbm>>
    tpu.wait_dma2 semaphore(%arg17 : memref<!tpu.dma_semaphore, #tpu.memory_space<semaphore_mem>>) src(%arg9 : memref<16x768xf32, #tpu.memory_space<vmem>>) dst(%dma_wait3A_1478 : memref<16x768xf32, #tpu.memory_space<hbm>>)
    %dma_start3A_1479 = arith.constant 0 : i32
    %dma_start3A_1480 = arith.constant 0 : i32
    %dma_start3A_1481 = tpu.memref_slice %arg3[%reduce_max3A_448, %dma_start3A_1479, %dma_start3A_1480] : memref<1000x16x768xf32, #tpu.memory_space<hbm>> -> memref<1x16x768xf32, #tpu.memory_space<hbm>>
    %dma_start3A_1482 = tpu.memref_squeeze %dma_start3A_1481 : memref<1x16x768xf32, #tpu.memory_space<hbm>> -> memref<16x768xf32, #tpu.memory_space<hbm>>
    %dma_start3A_1483 = arith.constant 0 : i32
    %dma_start3A_1484 = arith.constant 0 : i32
    %dma_start3A_1485 = tpu.memref_slice %arg3[%reduce_max3A_448, %dma_start3A_1483, %dma_start3A_1484] : memref<1000x16x768xf32, #tpu.memory_space<hbm>> -> memref<1x16x768xf32, #tpu.memory_space<hbm>>
    %dma_start3A_1486 = tpu.memref_squeeze %dma_start3A_1485 : memref<1x16x768xf32, #tpu.memory_space<hbm>> -> memref<16x768xf32, #tpu.memory_space<hbm>>
    tpu.enqueue_dma source(%dma_start3A_1486 : memref<16x768xf32, #tpu.memory_space<hbm>>) target(%arg9 : memref<16x768xf32, #tpu.memory_space<vmem>>) target_semaphore(%arg13 : memref<!tpu.dma_semaphore, #tpu.memory_space<semaphore_mem>>)
    %dma_wait3A_1487 = arith.constant 0 : i32
    %dma_wait3A_1488 = arith.constant 0 : i32
    %dma_wait3A_1489 = tpu.memref_slice %arg3[%reduce_max3A_406, %dma_wait3A_1487, %dma_wait3A_1488] : memref<1000x16x768xf32, #tpu.memory_space<hbm>> -> memref<1x16x768xf32, #tpu.memory_space<hbm>>
    %dma_wait3A_1490 = tpu.memref_squeeze %dma_wait3A_1489 : memref<1x16x768xf32, #tpu.memory_space<hbm>> -> memref<16x768xf32, #tpu.memory_space<hbm>>
    %dma_wait3A_1491 = arith.constant 0 : i32
    %dma_wait3A_1492 = arith.constant 0 : i32
    %dma_wait3A_1493 = tpu.memref_slice %arg3[%reduce_max3A_406, %dma_wait3A_1491, %dma_wait3A_1492] : memref<1000x16x768xf32, #tpu.memory_space<hbm>> -> memref<1x16x768xf32, #tpu.memory_space<hbm>>
    %dma_wait3A_1494 = tpu.memref_squeeze %dma_wait3A_1493 : memref<1x16x768xf32, #tpu.memory_space<hbm>> -> memref<16x768xf32, #tpu.memory_space<hbm>>
    tpu.wait_dma2 semaphore(%arg10 : memref<!tpu.dma_semaphore, #tpu.memory_space<semaphore_mem>>) src(%dma_wait3A_1494 : memref<16x768xf32, #tpu.memory_space<hbm>>) dst(%arg6 : memref<16x768xf32, #tpu.memory_space<vmem>>)
    %add3A_1495 = arith.constant 28 : i32
    %add3A_1496 = arith.addi %mul3A_2, %add3A_1495 : i32
    %dma_start3A_1497 = arith.constant 0 : i32
    %dma_start3A_1498 = arith.constant 0 : i32
    %dma_start3A_1499 = tpu.memref_slice %arg4[%add3A_1496, %dma_start3A_1497, %dma_start3A_1498] : memref<1024x16x768xf32, #tpu.memory_space<hbm>> -> memref<1x16x768xf32, #tpu.memory_space<hbm>>
    %dma_start3A_1500 = tpu.memref_squeeze %dma_start3A_1499 : memref<1x16x768xf32, #tpu.memory_space<hbm>> -> memref<16x768xf32, #tpu.memory_space<hbm>>
    %dma_start3A_1501 = arith.constant 0 : i32
    %dma_start3A_1502 = arith.constant 0 : i32
    %dma_start3A_1503 = tpu.memref_slice %arg4[%add3A_1496, %dma_start3A_1501, %dma_start3A_1502] : memref<1024x16x768xf32, #tpu.memory_space<hbm>> -> memref<1x16x768xf32, #tpu.memory_space<hbm>>
    %dma_start3A_1504 = tpu.memref_squeeze %dma_start3A_1503 : memref<1x16x768xf32, #tpu.memory_space<hbm>> -> memref<16x768xf32, #tpu.memory_space<hbm>>
    tpu.enqueue_dma source(%arg6 : memref<16x768xf32, #tpu.memory_space<vmem>>) target(%dma_start3A_1504 : memref<16x768xf32, #tpu.memory_space<hbm>>) target_semaphore(%arg14 : memref<!tpu.dma_semaphore, #tpu.memory_space<semaphore_mem>>)
    %add3A_1505 = arith.constant 28 : i32
    %add3A_1506 = arith.addi %mul3A_2, %add3A_1505 : i32
    %dma_wait3A_1507 = arith.constant 0 : i32
    %dma_wait3A_1508 = arith.constant 0 : i32
    %dma_wait3A_1509 = tpu.memref_slice %arg4[%add3A_1506, %dma_wait3A_1507, %dma_wait3A_1508] : memref<1024x16x768xf32, #tpu.memory_space<hbm>> -> memref<1x16x768xf32, #tpu.memory_space<hbm>>
    %dma_wait3A_1510 = tpu.memref_squeeze %dma_wait3A_1509 : memref<1x16x768xf32, #tpu.memory_space<hbm>> -> memref<16x768xf32, #tpu.memory_space<hbm>>
    %dma_wait3A_1511 = arith.constant 0 : i32
    %dma_wait3A_1512 = arith.constant 0 : i32
    %dma_wait3A_1513 = tpu.memref_slice %arg4[%add3A_1506, %dma_wait3A_1511, %dma_wait3A_1512] : memref<1024x16x768xf32, #tpu.memory_space<hbm>> -> memref<1x16x768xf32, #tpu.memory_space<hbm>>
    %dma_wait3A_1514 = tpu.memref_squeeze %dma_wait3A_1513 : memref<1x16x768xf32, #tpu.memory_space<hbm>> -> memref<16x768xf32, #tpu.memory_space<hbm>>
    tpu.wait_dma2 semaphore(%arg14 : memref<!tpu.dma_semaphore, #tpu.memory_space<semaphore_mem>>) src(%arg6 : memref<16x768xf32, #tpu.memory_space<vmem>>) dst(%dma_wait3A_1514 : memref<16x768xf32, #tpu.memory_space<hbm>>)
    %dma_wait3A_1515 = arith.constant 0 : i32
    %dma_wait3A_1516 = arith.constant 0 : i32
    %dma_wait3A_1517 = tpu.memref_slice %arg3[%reduce_max3A_420, %dma_wait3A_1515, %dma_wait3A_1516] : memref<1000x16x768xf32, #tpu.memory_space<hbm>> -> memref<1x16x768xf32, #tpu.memory_space<hbm>>
    %dma_wait3A_1518 = tpu.memref_squeeze %dma_wait3A_1517 : memref<1x16x768xf32, #tpu.memory_space<hbm>> -> memref<16x768xf32, #tpu.memory_space<hbm>>
    %dma_wait3A_1519 = arith.constant 0 : i32
    %dma_wait3A_1520 = arith.constant 0 : i32
    %dma_wait3A_1521 = tpu.memref_slice %arg3[%reduce_max3A_420, %dma_wait3A_1519, %dma_wait3A_1520] : memref<1000x16x768xf32, #tpu.memory_space<hbm>> -> memref<1x16x768xf32, #tpu.memory_space<hbm>>
    %dma_wait3A_1522 = tpu.memref_squeeze %dma_wait3A_1521 : memref<1x16x768xf32, #tpu.memory_space<hbm>> -> memref<16x768xf32, #tpu.memory_space<hbm>>
    tpu.wait_dma2 semaphore(%arg11 : memref<!tpu.dma_semaphore, #tpu.memory_space<semaphore_mem>>) src(%dma_wait3A_1522 : memref<16x768xf32, #tpu.memory_space<hbm>>) dst(%arg7 : memref<16x768xf32, #tpu.memory_space<vmem>>)
    %add3A_1523 = arith.constant 29 : i32
    %add3A_1524 = arith.addi %mul3A_2, %add3A_1523 : i32
    %dma_start3A_1525 = arith.constant 0 : i32
    %dma_start3A_1526 = arith.constant 0 : i32
    %dma_start3A_1527 = tpu.memref_slice %arg4[%add3A_1524, %dma_start3A_1525, %dma_start3A_1526] : memref<1024x16x768xf32, #tpu.memory_space<hbm>> -> memref<1x16x768xf32, #tpu.memory_space<hbm>>
    %dma_start3A_1528 = tpu.memref_squeeze %dma_start3A_1527 : memref<1x16x768xf32, #tpu.memory_space<hbm>> -> memref<16x768xf32, #tpu.memory_space<hbm>>
    %dma_start3A_1529 = arith.constant 0 : i32
    %dma_start3A_1530 = arith.constant 0 : i32
    %dma_start3A_1531 = tpu.memref_slice %arg4[%add3A_1524, %dma_start3A_1529, %dma_start3A_1530] : memref<1024x16x768xf32, #tpu.memory_space<hbm>> -> memref<1x16x768xf32, #tpu.memory_space<hbm>>
    %dma_start3A_1532 = tpu.memref_squeeze %dma_start3A_1531 : memref<1x16x768xf32, #tpu.memory_space<hbm>> -> memref<16x768xf32, #tpu.memory_space<hbm>>
    tpu.enqueue_dma source(%arg7 : memref<16x768xf32, #tpu.memory_space<vmem>>) target(%dma_start3A_1532 : memref<16x768xf32, #tpu.memory_space<hbm>>) target_semaphore(%arg15 : memref<!tpu.dma_semaphore, #tpu.memory_space<semaphore_mem>>)
    %add3A_1533 = arith.constant 29 : i32
    %add3A_1534 = arith.addi %mul3A_2, %add3A_1533 : i32
    %dma_wait3A_1535 = arith.constant 0 : i32
    %dma_wait3A_1536 = arith.constant 0 : i32
    %dma_wait3A_1537 = tpu.memref_slice %arg4[%add3A_1534, %dma_wait3A_1535, %dma_wait3A_1536] : memref<1024x16x768xf32, #tpu.memory_space<hbm>> -> memref<1x16x768xf32, #tpu.memory_space<hbm>>
    %dma_wait3A_1538 = tpu.memref_squeeze %dma_wait3A_1537 : memref<1x16x768xf32, #tpu.memory_space<hbm>> -> memref<16x768xf32, #tpu.memory_space<hbm>>
    %dma_wait3A_1539 = arith.constant 0 : i32
    %dma_wait3A_1540 = arith.constant 0 : i32
    %dma_wait3A_1541 = tpu.memref_slice %arg4[%add3A_1534, %dma_wait3A_1539, %dma_wait3A_1540] : memref<1024x16x768xf32, #tpu.memory_space<hbm>> -> memref<1x16x768xf32, #tpu.memory_space<hbm>>
    %dma_wait3A_1542 = tpu.memref_squeeze %dma_wait3A_1541 : memref<1x16x768xf32, #tpu.memory_space<hbm>> -> memref<16x768xf32, #tpu.memory_space<hbm>>
    tpu.wait_dma2 semaphore(%arg15 : memref<!tpu.dma_semaphore, #tpu.memory_space<semaphore_mem>>) src(%arg7 : memref<16x768xf32, #tpu.memory_space<vmem>>) dst(%dma_wait3A_1542 : memref<16x768xf32, #tpu.memory_space<hbm>>)
    %dma_wait3A_1543 = arith.constant 0 : i32
    %dma_wait3A_1544 = arith.constant 0 : i32
    %dma_wait3A_1545 = tpu.memref_slice %arg3[%reduce_max3A_434, %dma_wait3A_1543, %dma_wait3A_1544] : memref<1000x16x768xf32, #tpu.memory_space<hbm>> -> memref<1x16x768xf32, #tpu.memory_space<hbm>>
    %dma_wait3A_1546 = tpu.memref_squeeze %dma_wait3A_1545 : memref<1x16x768xf32, #tpu.memory_space<hbm>> -> memref<16x768xf32, #tpu.memory_space<hbm>>
    %dma_wait3A_1547 = arith.constant 0 : i32
    %dma_wait3A_1548 = arith.constant 0 : i32
    %dma_wait3A_1549 = tpu.memref_slice %arg3[%reduce_max3A_434, %dma_wait3A_1547, %dma_wait3A_1548] : memref<1000x16x768xf32, #tpu.memory_space<hbm>> -> memref<1x16x768xf32, #tpu.memory_space<hbm>>
    %dma_wait3A_1550 = tpu.memref_squeeze %dma_wait3A_1549 : memref<1x16x768xf32, #tpu.memory_space<hbm>> -> memref<16x768xf32, #tpu.memory_space<hbm>>
    tpu.wait_dma2 semaphore(%arg12 : memref<!tpu.dma_semaphore, #tpu.memory_space<semaphore_mem>>) src(%dma_wait3A_1550 : memref<16x768xf32, #tpu.memory_space<hbm>>) dst(%arg8 : memref<16x768xf32, #tpu.memory_space<vmem>>)
    %add3A_1551 = arith.constant 30 : i32
    %add3A_1552 = arith.addi %mul3A_2, %add3A_1551 : i32
    %dma_start3A_1553 = arith.constant 0 : i32
    %dma_start3A_1554 = arith.constant 0 : i32
    %dma_start3A_1555 = tpu.memref_slice %arg4[%add3A_1552, %dma_start3A_1553, %dma_start3A_1554] : memref<1024x16x768xf32, #tpu.memory_space<hbm>> -> memref<1x16x768xf32, #tpu.memory_space<hbm>>
    %dma_start3A_1556 = tpu.memref_squeeze %dma_start3A_1555 : memref<1x16x768xf32, #tpu.memory_space<hbm>> -> memref<16x768xf32, #tpu.memory_space<hbm>>
    %dma_start3A_1557 = arith.constant 0 : i32
    %dma_start3A_1558 = arith.constant 0 : i32
    %dma_start3A_1559 = tpu.memref_slice %arg4[%add3A_1552, %dma_start3A_1557, %dma_start3A_1558] : memref<1024x16x768xf32, #tpu.memory_space<hbm>> -> memref<1x16x768xf32, #tpu.memory_space<hbm>>
    %dma_start3A_1560 = tpu.memref_squeeze %dma_start3A_1559 : memref<1x16x768xf32, #tpu.memory_space<hbm>> -> memref<16x768xf32, #tpu.memory_space<hbm>>
    tpu.enqueue_dma source(%arg8 : memref<16x768xf32, #tpu.memory_space<vmem>>) target(%dma_start3A_1560 : memref<16x768xf32, #tpu.memory_space<hbm>>) target_semaphore(%arg16 : memref<!tpu.dma_semaphore, #tpu.memory_space<semaphore_mem>>)
    %add3A_1561 = arith.constant 30 : i32
    %add3A_1562 = arith.addi %mul3A_2, %add3A_1561 : i32
    %dma_wait3A_1563 = arith.constant 0 : i32
    %dma_wait3A_1564 = arith.constant 0 : i32
    %dma_wait3A_1565 = tpu.memref_slice %arg4[%add3A_1562, %dma_wait3A_1563, %dma_wait3A_1564] : memref<1024x16x768xf32, #tpu.memory_space<hbm>> -> memref<1x16x768xf32, #tpu.memory_space<hbm>>
    %dma_wait3A_1566 = tpu.memref_squeeze %dma_wait3A_1565 : memref<1x16x768xf32, #tpu.memory_space<hbm>> -> memref<16x768xf32, #tpu.memory_space<hbm>>
    %dma_wait3A_1567 = arith.constant 0 : i32
    %dma_wait3A_1568 = arith.constant 0 : i32
    %dma_wait3A_1569 = tpu.memref_slice %arg4[%add3A_1562, %dma_wait3A_1567, %dma_wait3A_1568] : memref<1024x16x768xf32, #tpu.memory_space<hbm>> -> memref<1x16x768xf32, #tpu.memory_space<hbm>>
    %dma_wait3A_1570 = tpu.memref_squeeze %dma_wait3A_1569 : memref<1x16x768xf32, #tpu.memory_space<hbm>> -> memref<16x768xf32, #tpu.memory_space<hbm>>
    tpu.wait_dma2 semaphore(%arg16 : memref<!tpu.dma_semaphore, #tpu.memory_space<semaphore_mem>>) src(%arg8 : memref<16x768xf32, #tpu.memory_space<vmem>>) dst(%dma_wait3A_1570 : memref<16x768xf32, #tpu.memory_space<hbm>>)
    %dma_wait3A_1571 = arith.constant 0 : i32
    %dma_wait3A_1572 = arith.constant 0 : i32
    %dma_wait3A_1573 = tpu.memref_slice %arg3[%reduce_max3A_448, %dma_wait3A_1571, %dma_wait3A_1572] : memref<1000x16x768xf32, #tpu.memory_space<hbm>> -> memref<1x16x768xf32, #tpu.memory_space<hbm>>
    %dma_wait3A_1574 = tpu.memref_squeeze %dma_wait3A_1573 : memref<1x16x768xf32, #tpu.memory_space<hbm>> -> memref<16x768xf32, #tpu.memory_space<hbm>>
    %dma_wait3A_1575 = arith.constant 0 : i32
    %dma_wait3A_1576 = arith.constant 0 : i32
    %dma_wait3A_1577 = tpu.memref_slice %arg3[%reduce_max3A_448, %dma_wait3A_1575, %dma_wait3A_1576] : memref<1000x16x768xf32, #tpu.memory_space<hbm>> -> memref<1x16x768xf32, #tpu.memory_space<hbm>>
    %dma_wait3A_1578 = tpu.memref_squeeze %dma_wait3A_1577 : memref<1x16x768xf32, #tpu.memory_space<hbm>> -> memref<16x768xf32, #tpu.memory_space<hbm>>
    tpu.wait_dma2 semaphore(%arg13 : memref<!tpu.dma_semaphore, #tpu.memory_space<semaphore_mem>>) src(%dma_wait3A_1578 : memref<16x768xf32, #tpu.memory_space<hbm>>) dst(%arg9 : memref<16x768xf32, #tpu.memory_space<vmem>>)
    %add3A_1579 = arith.constant 31 : i32
    %add3A_1580 = arith.addi %mul3A_2, %add3A_1579 : i32
    %dma_start3A_1581 = arith.constant 0 : i32
    %dma_start3A_1582 = arith.constant 0 : i32
    %dma_start3A_1583 = tpu.memref_slice %arg4[%add3A_1580, %dma_start3A_1581, %dma_start3A_1582] : memref<1024x16x768xf32, #tpu.memory_space<hbm>> -> memref<1x16x768xf32, #tpu.memory_space<hbm>>
    %dma_start3A_1584 = tpu.memref_squeeze %dma_start3A_1583 : memref<1x16x768xf32, #tpu.memory_space<hbm>> -> memref<16x768xf32, #tpu.memory_space<hbm>>
    %dma_start3A_1585 = arith.constant 0 : i32
    %dma_start3A_1586 = arith.constant 0 : i32
    %dma_start3A_1587 = tpu.memref_slice %arg4[%add3A_1580, %dma_start3A_1585, %dma_start3A_1586] : memref<1024x16x768xf32, #tpu.memory_space<hbm>> -> memref<1x16x768xf32, #tpu.memory_space<hbm>>
    %dma_start3A_1588 = tpu.memref_squeeze %dma_start3A_1587 : memref<1x16x768xf32, #tpu.memory_space<hbm>> -> memref<16x768xf32, #tpu.memory_space<hbm>>
    tpu.enqueue_dma source(%arg9 : memref<16x768xf32, #tpu.memory_space<vmem>>) target(%dma_start3A_1588 : memref<16x768xf32, #tpu.memory_space<hbm>>) target_semaphore(%arg17 : memref<!tpu.dma_semaphore, #tpu.memory_space<semaphore_mem>>)
    %add3A_1589 = arith.constant 31 : i32
    %add3A_1590 = arith.addi %mul3A_2, %add3A_1589 : i32
    %dma_wait3A_1591 = arith.constant 0 : i32
    %dma_wait3A_1592 = arith.constant 0 : i32
    %dma_wait3A_1593 = tpu.memref_slice %arg4[%add3A_1590, %dma_wait3A_1591, %dma_wait3A_1592] : memref<1024x16x768xf32, #tpu.memory_space<hbm>> -> memref<1x16x768xf32, #tpu.memory_space<hbm>>
    %dma_wait3A_1594 = tpu.memref_squeeze %dma_wait3A_1593 : memref<1x16x768xf32, #tpu.memory_space<hbm>> -> memref<16x768xf32, #tpu.memory_space<hbm>>
    %dma_wait3A_1595 = arith.constant 0 : i32
    %dma_wait3A_1596 = arith.constant 0 : i32
    %dma_wait3A_1597 = tpu.memref_slice %arg4[%add3A_1590, %dma_wait3A_1595, %dma_wait3A_1596] : memref<1024x16x768xf32, #tpu.memory_space<hbm>> -> memref<1x16x768xf32, #tpu.memory_space<hbm>>
    %dma_wait3A_1598 = tpu.memref_squeeze %dma_wait3A_1597 : memref<1x16x768xf32, #tpu.memory_space<hbm>> -> memref<16x768xf32, #tpu.memory_space<hbm>>
    tpu.wait_dma2 semaphore(%arg17 : memref<!tpu.dma_semaphore, #tpu.memory_space<semaphore_mem>>) src(%arg9 : memref<16x768xf32, #tpu.memory_space<vmem>>) dst(%dma_wait3A_1598 : memref<16x768xf32, #tpu.memory_space<hbm>>)
    return
  }
}

module attributes {stable_mosaic.version = 14 : i64} {
  func.func @_concat_tc(%arg0: i32, %arg1: memref<1024xi32, #tpu.memory_space<smem>>, %arg2: memref<1x1x768xf32, #tpu.memory_space<vmem>>, %arg3: memref<8x16x768xf32, #tpu.memory_space<vmem>>, %arg4: memref<1x60x768xf32, #tpu.memory_space<vmem>>, %arg5: memref<1x60x768xf32, #tpu.memory_space<vmem>>, %arg6: memref<1x60x768xf32, #tpu.memory_space<vmem>>, %arg7: memref<1x60x768xf32, #tpu.memory_space<vmem>>, %arg8: memref<1x60x768xf32, #tpu.memory_space<vmem>>, %arg9: memref<1x60x768xf32, #tpu.memory_space<vmem>>, %arg10: memref<1x60x768xf32, #tpu.memory_space<vmem>>, %arg11: memref<1x60x768xf32, #tpu.memory_space<vmem>>, %arg12: memref<8x77x768xf32, #tpu.memory_space<vmem>>) attributes {dimension_semantics = [#tpu.dimension_semantics<arbitrary>], iteration_bounds = array<i64: 128>, scalar_prefetch = 1 : i64, scratch_operands = 0 : i64, tpu.core_type = #tpu.core_type<tc>, window_params = [{pipeline_mode = #tpu.pipeline_mode<synchronous>, transform_indices = @transform_0, window_bounds = array<i64: 1, 1, 768>}, {transform_indices = @transform_1, window_bounds = array<i64: 8, 16, 768>}, {transform_indices = @transform_2, window_bounds = array<i64: 1, 60, 768>}, {transform_indices = @transform_3, window_bounds = array<i64: 1, 60, 768>}, {transform_indices = @transform_4, window_bounds = array<i64: 1, 60, 768>}, {transform_indices = @transform_5, window_bounds = array<i64: 1, 60, 768>}, {transform_indices = @transform_6, window_bounds = array<i64: 1, 60, 768>}, {transform_indices = @transform_7, window_bounds = array<i64: 1, 60, 768>}, {transform_indices = @transform_8, window_bounds = array<i64: 1, 60, 768>}, {transform_indices = @transform_9, window_bounds = array<i64: 1, 60, 768>}, {transform_indices = @transform_10, window_bounds = array<i64: 8, 77, 768>}]} {
    %get3A = arith.constant 0 : index
    %get3A_0 = arith.constant 0 : index
    %get3A_1 = arith.constant 0 : index
    %get3A_2 = vector.load %arg2[%get3A, %get3A_0, %get3A_1] : memref<1x1x768xf32, #tpu.memory_space<vmem>>, vector<1x1x768xf32>
    %broadcast_in_dim3A = vector.shape_cast %get3A_2 : vector<1x1x768xf32> to vector<1x1x768xf32>
    %broadcast_in_dim3A_3 = vector.broadcast %broadcast_in_dim3A : vector<1x1x768xf32> to vector<8x1x768xf32>
    %swap3A = arith.constant 0 : index
    %swap3A_4 = arith.constant 0 : index
    %swap3A_5 = arith.constant 0 : index
    %swap3A_6 = vector.load %arg12[%swap3A, %swap3A_4, %swap3A_5] : memref<8x77x768xf32, #tpu.memory_space<vmem>>, vector<8x1x768xf32>
    tpu.vector_store %arg12[%swap3A, %swap3A_4, %swap3A_5], %broadcast_in_dim3A_3 {strides = array<i32>} : memref<8x77x768xf32, #tpu.memory_space<vmem>>, vector<8x1x768xf32>,
    %get3A_7 = arith.constant 0 : index
    %get3A_8 = arith.constant 0 : index
    %get3A_9 = arith.constant 0 : index
    %get3A_10 = vector.load %arg3[%get3A_7, %get3A_8, %get3A_9] : memref<8x16x768xf32, #tpu.memory_space<vmem>>, vector<8x16x768xf32>
    %swap3A_11 = arith.constant 0 : index
    %swap3A_12 = arith.constant 1 : index
    %swap3A_13 = arith.constant 0 : index
    %swap3A_14 = vector.load %arg12[%swap3A_11, %swap3A_12, %swap3A_13] : memref<8x77x768xf32, #tpu.memory_space<vmem>>, vector<8x16x768xf32>
    tpu.vector_store %arg12[%swap3A_11, %swap3A_12, %swap3A_13], %get3A_10 {strides = array<i32>} : memref<8x77x768xf32, #tpu.memory_space<vmem>>, vector<8x16x768xf32>,
    %get3A_15 = arith.constant 0 : index
    %get3A_16 = arith.constant 0 : index
    %get3A_17 = arith.constant 0 : index
    %get3A_18 = vector.load %arg4[%get3A_15, %get3A_16, %get3A_17] : memref<1x60x768xf32, #tpu.memory_space<vmem>>, vector<1x60x768xf32>
    %swap3A_19 = arith.constant 0 : index
    %swap3A_20 = arith.constant 17 : index
    %swap3A_21 = arith.constant 0 : index
    %swap3A_22 = vector.load %arg12[%swap3A_19, %swap3A_20, %swap3A_21] : memref<8x77x768xf32, #tpu.memory_space<vmem>>, vector<1x60x768xf32>
    tpu.vector_store %arg12[%swap3A_19, %swap3A_20, %swap3A_21], %get3A_18 {strides = array<i32>} : memref<8x77x768xf32, #tpu.memory_space<vmem>>, vector<1x60x768xf32>,
    %get3A_23 = arith.constant 0 : index
    %get3A_24 = arith.constant 0 : index
    %get3A_25 = arith.constant 0 : index
    %get3A_26 = vector.load %arg5[%get3A_23, %get3A_24, %get3A_25] : memref<1x60x768xf32, #tpu.memory_space<vmem>>, vector<1x60x768xf32>
    %swap3A_27 = arith.constant 1 : index
    %swap3A_28 = arith.constant 17 : index
    %swap3A_29 = arith.constant 0 : index
    %swap3A_30 = vector.load %arg12[%swap3A_27, %swap3A_28, %swap3A_29] : memref<8x77x768xf32, #tpu.memory_space<vmem>>, vector<1x60x768xf32>
    tpu.vector_store %arg12[%swap3A_27, %swap3A_28, %swap3A_29], %get3A_26 {strides = array<i32>} : memref<8x77x768xf32, #tpu.memory_space<vmem>>, vector<1x60x768xf32>,
    %get3A_31 = arith.constant 0 : index
    %get3A_32 = arith.constant 0 : index
    %get3A_33 = arith.constant 0 : index
    %get3A_34 = vector.load %arg6[%get3A_31, %get3A_32, %get3A_33] : memref<1x60x768xf32, #tpu.memory_space<vmem>>, vector<1x60x768xf32>
    %swap3A_35 = arith.constant 2 : index
    %swap3A_36 = arith.constant 17 : index
    %swap3A_37 = arith.constant 0 : index
    %swap3A_38 = vector.load %arg12[%swap3A_35, %swap3A_36, %swap3A_37] : memref<8x77x768xf32, #tpu.memory_space<vmem>>, vector<1x60x768xf32>
    tpu.vector_store %arg12[%swap3A_35, %swap3A_36, %swap3A_37], %get3A_34 {strides = array<i32>} : memref<8x77x768xf32, #tpu.memory_space<vmem>>, vector<1x60x768xf32>,
    %get3A_39 = arith.constant 0 : index
    %get3A_40 = arith.constant 0 : index
    %get3A_41 = arith.constant 0 : index
    %get3A_42 = vector.load %arg7[%get3A_39, %get3A_40, %get3A_41] : memref<1x60x768xf32, #tpu.memory_space<vmem>>, vector<1x60x768xf32>
    %swap3A_43 = arith.constant 3 : index
    %swap3A_44 = arith.constant 17 : index
    %swap3A_45 = arith.constant 0 : index
    %swap3A_46 = vector.load %arg12[%swap3A_43, %swap3A_44, %swap3A_45] : memref<8x77x768xf32, #tpu.memory_space<vmem>>, vector<1x60x768xf32>
    tpu.vector_store %arg12[%swap3A_43, %swap3A_44, %swap3A_45], %get3A_42 {strides = array<i32>} : memref<8x77x768xf32, #tpu.memory_space<vmem>>, vector<1x60x768xf32>,
    %get3A_47 = arith.constant 0 : index
    %get3A_48 = arith.constant 0 : index
    %get3A_49 = arith.constant 0 : index
    %get3A_50 = vector.load %arg8[%get3A_47, %get3A_48, %get3A_49] : memref<1x60x768xf32, #tpu.memory_space<vmem>>, vector<1x60x768xf32>
    %swap3A_51 = arith.constant 4 : index
    %swap3A_52 = arith.constant 17 : index
    %swap3A_53 = arith.constant 0 : index
    %swap3A_54 = vector.load %arg12[%swap3A_51, %swap3A_52, %swap3A_53] : memref<8x77x768xf32, #tpu.memory_space<vmem>>, vector<1x60x768xf32>
    tpu.vector_store %arg12[%swap3A_51, %swap3A_52, %swap3A_53], %get3A_50 {strides = array<i32>} : memref<8x77x768xf32, #tpu.memory_space<vmem>>, vector<1x60x768xf32>,
    %get3A_55 = arith.constant 0 : index
    %get3A_56 = arith.constant 0 : index
    %get3A_57 = arith.constant 0 : index
    %get3A_58 = vector.load %arg9[%get3A_55, %get3A_56, %get3A_57] : memref<1x60x768xf32, #tpu.memory_space<vmem>>, vector<1x60x768xf32>
    %swap3A_59 = arith.constant 5 : index
    %swap3A_60 = arith.constant 17 : index
    %swap3A_61 = arith.constant 0 : index
    %swap3A_62 = vector.load %arg12[%swap3A_59, %swap3A_60, %swap3A_61] : memref<8x77x768xf32, #tpu.memory_space<vmem>>, vector<1x60x768xf32>
    tpu.vector_store %arg12[%swap3A_59, %swap3A_60, %swap3A_61], %get3A_58 {strides = array<i32>} : memref<8x77x768xf32, #tpu.memory_space<vmem>>, vector<1x60x768xf32>,
    %get3A_63 = arith.constant 0 : index
    %get3A_64 = arith.constant 0 : index
    %get3A_65 = arith.constant 0 : index
    %get3A_66 = vector.load %arg10[%get3A_63, %get3A_64, %get3A_65] : memref<1x60x768xf32, #tpu.memory_space<vmem>>, vector<1x60x768xf32>
    %swap3A_67 = arith.constant 6 : index
    %swap3A_68 = arith.constant 17 : index
    %swap3A_69 = arith.constant 0 : index
    %swap3A_70 = vector.load %arg12[%swap3A_67, %swap3A_68, %swap3A_69] : memref<8x77x768xf32, #tpu.memory_space<vmem>>, vector<1x60x768xf32>
    tpu.vector_store %arg12[%swap3A_67, %swap3A_68, %swap3A_69], %get3A_66 {strides = array<i32>} : memref<8x77x768xf32, #tpu.memory_space<vmem>>, vector<1x60x768xf32>,
    %get3A_71 = arith.constant 0 : index
    %get3A_72 = arith.constant 0 : index
    %get3A_73 = arith.constant 0 : index
    %get3A_74 = vector.load %arg11[%get3A_71, %get3A_72, %get3A_73] : memref<1x60x768xf32, #tpu.memory_space<vmem>>, vector<1x60x768xf32>
    %swap3A_75 = arith.constant 7 : index
    %swap3A_76 = arith.constant 17 : index
    %swap3A_77 = arith.constant 0 : index
    %swap3A_78 = vector.load %arg12[%swap3A_75, %swap3A_76, %swap3A_77] : memref<8x77x768xf32, #tpu.memory_space<vmem>>, vector<1x60x768xf32>
    tpu.vector_store %arg12[%swap3A_75, %swap3A_76, %swap3A_77], %get3A_74 {strides = array<i32>} : memref<8x77x768xf32, #tpu.memory_space<vmem>>, vector<1x60x768xf32>,
    return
  }
  func.func @transform_0(%arg0: i32, %arg1: memref<1024xi32, #tpu.memory_space<smem>>) -> (i32, i32, i32) {
    %c0_i32 = arith.constant 0 : i32
    %c0_i32_0 = arith.constant 0 : i32
    %c0_i32_1 = arith.constant 0 : i32
    %c0_i32_2 = arith.constant 0 : i32
    return %c0_i32, %c0_i32_0, %c0_i32_1 : i32, i32, i32
  }
  func.func @transform_1(%arg0: i32, %arg1: memref<1024xi32, #tpu.memory_space<smem>>) -> (i32, i32, i32) {
    %c0_i32 = arith.constant 0 : i32
    %c0_i32_0 = arith.constant 0 : i32
    %c0_i32_1 = arith.constant 0 : i32
    return %arg0, %c0_i32, %c0_i32_0 : i32, i32, i32
  }
  func.func @transform_2(%arg0: i32, %arg1: memref<1024xi32, #tpu.memory_space<smem>>) -> (i32, i32, i32) {
    %mul3A = arith.constant 8 : i32
    %mul3A_0 = arith.muli %arg0, %mul3A : i32
    %add3A = arith.constant 0 : i32
    %add3A_1 = arith.addi %mul3A_0, %add3A : i32
    %get3A = arith.index_cast %add3A_1 : i32 to index
    %get3A_2 = memref.load %arg1[%get3A] : memref<1024xi32, #tpu.memory_space<smem>>
    %c0_i32 = arith.constant 0 : i32
    %c0_i32_3 = arith.constant 0 : i32
    %c0_i32_4 = arith.constant 0 : i32
    return %get3A_2, %c0_i32, %c0_i32_3 : i32, i32, i32
  }
  func.func @transform_3(%arg0: i32, %arg1: memref<1024xi32, #tpu.memory_space<smem>>) -> (i32, i32, i32) {
    %mul3A = arith.constant 8 : i32
    %mul3A_0 = arith.muli %arg0, %mul3A : i32
    %add3A = arith.constant 1 : i32
    %add3A_1 = arith.addi %mul3A_0, %add3A : i32
    %get3A = arith.index_cast %add3A_1 : i32 to index
    %get3A_2 = memref.load %arg1[%get3A] : memref<1024xi32, #tpu.memory_space<smem>>
    %c0_i32 = arith.constant 0 : i32
    %c0_i32_3 = arith.constant 0 : i32
    %c0_i32_4 = arith.constant 0 : i32
    return %get3A_2, %c0_i32, %c0_i32_3 : i32, i32, i32
  }
  func.func @transform_4(%arg0: i32, %arg1: memref<1024xi32, #tpu.memory_space<smem>>) -> (i32, i32, i32) {
    %mul3A = arith.constant 8 : i32
    %mul3A_0 = arith.muli %arg0, %mul3A : i32
    %add3A = arith.constant 2 : i32
    %add3A_1 = arith.addi %mul3A_0, %add3A : i32
    %get3A = arith.index_cast %add3A_1 : i32 to index
    %get3A_2 = memref.load %arg1[%get3A] : memref<1024xi32, #tpu.memory_space<smem>>
    %c0_i32 = arith.constant 0 : i32
    %c0_i32_3 = arith.constant 0 : i32
    %c0_i32_4 = arith.constant 0 : i32
    return %get3A_2, %c0_i32, %c0_i32_3 : i32, i32, i32
  }
  func.func @transform_5(%arg0: i32, %arg1: memref<1024xi32, #tpu.memory_space<smem>>) -> (i32, i32, i32) {
    %mul3A = arith.constant 8 : i32
    %mul3A_0 = arith.muli %arg0, %mul3A : i32
    %add3A = arith.constant 3 : i32
    %add3A_1 = arith.addi %mul3A_0, %add3A : i32
    %get3A = arith.index_cast %add3A_1 : i32 to index
    %get3A_2 = memref.load %arg1[%get3A] : memref<1024xi32, #tpu.memory_space<smem>>
    %c0_i32 = arith.constant 0 : i32
    %c0_i32_3 = arith.constant 0 : i32
    %c0_i32_4 = arith.constant 0 : i32
    return %get3A_2, %c0_i32, %c0_i32_3 : i32, i32, i32
  }
  func.func @transform_6(%arg0: i32, %arg1: memref<1024xi32, #tpu.memory_space<smem>>) -> (i32, i32, i32) {
    %mul3A = arith.constant 8 : i32
    %mul3A_0 = arith.muli %arg0, %mul3A : i32
    %add3A = arith.constant 4 : i32
    %add3A_1 = arith.addi %mul3A_0, %add3A : i32
    %get3A = arith.index_cast %add3A_1 : i32 to index
    %get3A_2 = memref.load %arg1[%get3A] : memref<1024xi32, #tpu.memory_space<smem>>
    %c0_i32 = arith.constant 0 : i32
    %c0_i32_3 = arith.constant 0 : i32
    %c0_i32_4 = arith.constant 0 : i32
    return %get3A_2, %c0_i32, %c0_i32_3 : i32, i32, i32
  }
  func.func @transform_7(%arg0: i32, %arg1: memref<1024xi32, #tpu.memory_space<smem>>) -> (i32, i32, i32) {
    %mul3A = arith.constant 8 : i32
    %mul3A_0 = arith.muli %arg0, %mul3A : i32
    %add3A = arith.constant 5 : i32
    %add3A_1 = arith.addi %mul3A_0, %add3A : i32
    %get3A = arith.index_cast %add3A_1 : i32 to index
    %get3A_2 = memref.load %arg1[%get3A] : memref<1024xi32, #tpu.memory_space<smem>>
    %c0_i32 = arith.constant 0 : i32
    %c0_i32_3 = arith.constant 0 : i32
    %c0_i32_4 = arith.constant 0 : i32
    return %get3A_2, %c0_i32, %c0_i32_3 : i32, i32, i32
  }
  func.func @transform_8(%arg0: i32, %arg1: memref<1024xi32, #tpu.memory_space<smem>>) -> (i32, i32, i32) {
    %mul3A = arith.constant 8 : i32
    %mul3A_0 = arith.muli %arg0, %mul3A : i32
    %add3A = arith.constant 6 : i32
    %add3A_1 = arith.addi %mul3A_0, %add3A : i32
    %get3A = arith.index_cast %add3A_1 : i32 to index
    %get3A_2 = memref.load %arg1[%get3A] : memref<1024xi32, #tpu.memory_space<smem>>
    %c0_i32 = arith.constant 0 : i32
    %c0_i32_3 = arith.constant 0 : i32
    %c0_i32_4 = arith.constant 0 : i32
    return %get3A_2, %c0_i32, %c0_i32_3 : i32, i32, i32
  }
  func.func @transform_9(%arg0: i32, %arg1: memref<1024xi32, #tpu.memory_space<smem>>) -> (i32, i32, i32) {
    %mul3A = arith.constant 8 : i32
    %mul3A_0 = arith.muli %arg0, %mul3A : i32
    %add3A = arith.constant 7 : i32
    %add3A_1 = arith.addi %mul3A_0, %add3A : i32
    %get3A = arith.index_cast %add3A_1 : i32 to index
    %get3A_2 = memref.load %arg1[%get3A] : memref<1024xi32, #tpu.memory_space<smem>>
    %c0_i32 = arith.constant 0 : i32
    %c0_i32_3 = arith.constant 0 : i32
    %c0_i32_4 = arith.constant 0 : i32
    return %get3A_2, %c0_i32, %c0_i32_3 : i32, i32, i32
  }
  func.func @transform_10(%arg0: i32, %arg1: memref<1024xi32, #tpu.memory_space<smem>>) -> (i32, i32, i32) {
    %c0_i32 = arith.constant 0 : i32
    %c0_i32_0 = arith.constant 0 : i32
    %c0_i32_1 = arith.constant 0 : i32
    return %arg0, %c0_i32, %c0_i32_0 : i32, i32, i32
  }
}

</mosaic_0001>

<sc_bundles>
// kernel: kernel.4.cloned.1.call-start
scs
__scs_entry_jumppad:
0x0: {  	(pc) =	sbr.rel $0x88, $3  }
0x1: {  	(tag) =	ssettag $0x0;
	lr =	simm.s32 $0x1  }
0x2: {  	[smem:$0x3F9D] =	sst lr;
	_ =	strace $0xD0000000  }
0x3: {  	_ = 	snop  }
0x4: {  	_ = 	snop  }
0x5: {  	_ = 	snop  }
0x6: {  	_ = 	snop  }
0x7: {  	_ = 	snop  }
__scs_overlays_trampoline_lowered:
0x8: {  	[smem:$0x3FAC] =	sst s0  }
0x9: {  	[smem:$0x3FAD] =	sst s1  }
0xa: {  	[smem:$0x3FAE] =	sst s2  }
0xb: {  	[smem:$0x3FAF] =	sst s3  }
0xc: {  	[smem:$0x3FB0] =	sst s4  }
0xd: {  	[smem:$0x3FB1] =	sst s5  }
0xe: {  	[smem:$0x3FB2] =	sst s6  }
0xf: {  	[smem:$0x3FB3] =	sst s7  }
0x10: {  	[smem:$0x3FB4] =	sst s8  }
0x11: {  	[smem:$0x3FB5] =	sst s9;
	s0 =	simm.s32 @!p0 $0x0  }
0x12: {  	s1 =	sld [smem:$0x3F9B];
	s0 =	simm.s32 @p0 $0x1  }
0x13: {  	[smem:$0x3FB6] =	sst s0;
	s0 =	simm.s32 @!p1 $0x0  }
0x14: {  	s2 =	sld [smem:$0x3F9A];
	s0 =	simm.s32 @p1 $0x1  }
0x15: {  	[smem:$0x3FB7] =	sst s0;
	s0 =	simm.s32 @!p2 $0x0  }
0x16: {  	s3 =	sld [smem:$0x3FDB];
	s0 =	simm.s32 @p2 $0x1  }
0x17: {  	s4 =	simm.s32 $0x1BF5;
	[smem:$0x3FB9] =	sst s0  }
0x18: {  	s0 =	sld [smem:$0x3F9C];
	_ =	swait.ge [sflag:s4], $0x0  }
0x19: {  	s7 =	sld [smem:$0x3F9D]  }
0x1a: {  	s8 =	sadd.s32 $0xFFFFE003, lr  }
0x1b: {  	s9 =	sadd.s32 $0xFFFFFEF7, lr;
	s5 =	simm.s32 $0xFFFFFFFF;
	p2 =	slt.u32 s8, $0xFFFFF086  }
0x1c: {  	p1 =	slt.u32 s9, $0xF7A;
	s5 =	simm.s32 @!p2 $0x0  }
0x1d: {  	s5 =	simm.s32 @p1 $0x1;
	p0 =	seq.s32 s7, s2  }
0x1e: {  	s7 =	smul.u32 @!p0 $0xF7A, s2;
	p2 =	seq.s32 @!p0 s5, $0x0  }
0x1f: {  	s9 =	smul.u32 $0xF7A, s1;
	s8 =	simm.s32 @!p0 $0x1BF5;
	p2 =	por !p2, p0  }
0x20: {  	[sflag:s8] =	ssyncset.s32 @!p0 $0xFFFFF086;
	s6 =	sadd.s32 @!p0 s3, s7;
	s7 =	simm.s32 @!p0 $0x108  }
0x21: {  	s3 =	sadd.s32 s3, s9;
	s6 =	sadd.s32 @!p0 $0x88, s6;
	s7 =	simm.s32 @p2 $0x1082  }
0x22: {  	[simem:s7], [sflag:s8] =	dma.local @!p0 [hbm:s6], $0xF7A  }
0x23: {  	s9 =	sor.u32 $0xD0000000, s2;
	s6 =	simm.s32 $0x108;
	_ =	swait.ge @!p0 [sflag:s8], $0x0  }
0x24: {  	s3 =	sadd.s32 $0x88, s3;
	s6 =	simm.s32 @!p1 $0x1082;
	[sflag:s4] =	ssyncset.s32 $0xFFFFF086  }
0x25: {  	[simem:s6], [sflag:s4] =	dma.local [hbm:s3], $0xF7A  }
0x26: {  	[smem:$0x3F9D] =	sst s1;
	(tag) =	ssettag s2;
	_ =	strace s9  }
0x27: {  	s1 =	sld [smem:$0x3FAD]  }
0x28: {  	s2 =	sld [smem:$0x3FAE]  }
0x29: {  	s4 =	sld [smem:$0x3FB0]  }
0x2a: {  	p0 =	seq.s32 s5, $0x0;
	s5 =	sld [smem:$0x3FB1]  }
0x2b: {  	s6 =	sld [smem:$0x3FB2]  }
0x2c: {  	s7 =	sld [smem:$0x3FB3]  }
0x2d: {  	s3 =	simm.s32 $0x108;
	s8 =	sld [smem:$0x3FB4]  }
0x2e: {  	s3 =	simm.s32 @!p0 $0x1082;
	s9 =	sld [smem:$0x3FB5]  }
0x2f: {  	lr =	sadd.s32 s0, s3;
	s0 =	sld [smem:$0x3FAC]  }
0x30: {  	s3 =	sld [smem:$0x3FAF]  }
0x31: {  	[smem:$0x3FB8] =	sst s10  }
0x32: {  	s10 =	sld [smem:$0x3FB6];
	_ =	sdelay $0x3  }
0x33: {  	p0 =	seq.s32 s10, $0x1;
	s10 =	sld [smem:$0x3FB8];
	_ =	sdelay $0x3  }
0x34: {  	[smem:$0x3FB8] =	sst s10  }
0x35: {  	s10 =	sld [smem:$0x3FB7];
	_ =	sdelay $0x3  }
0x36: {  	p1 =	seq.s32 s10, $0x1;
	s10 =	sld [smem:$0x3FB8];
	_ =	sdelay $0x3  }
0x37: {  	[smem:$0x3FB8] =	sst s10  }
0x38: {  	s10 =	sld [smem:$0x3FB9]  }
0x39: {  	_ = 	snop;
	(pc) =	sbr.ind lr, $3  }
0x3a: {  	_ = 	snop  }
0x3b: {  	_ = 	snop  }
0x3c: {  	p2 =	seq.s32 s10, $0x1;
	s10 =	sld [smem:$0x3FB8]  }
0x3d: {  	_ =	shalt  }
0x3e: {  	_ =	shalt  }
0x3f: {  	_ =	shalt  }
0x40: {  	_ =	shalt  }
0x41: {  	_ =	shalt  }
0x42: {  	_ =	shalt  }
0x43: {  	_ =	shalt  }
0x44: {  	_ =	shalt  }
0x45: {  	_ =	shalt  }
0x46: {  	_ =	shalt  }
0x47: {  	_ =	shalt  }
0x48: {  	_ =	shalt  }
0x49: {  	_ =	shalt  }
0x4a: {  	_ =	shalt  }
0x4b: {  	_ =	shalt  }
0x4c: {  	_ =	shalt  }
0x4d: {  	_ =	shalt  }
0x4e: {  	_ =	shalt  }
0x4f: {  	_ =	shalt  }
0x50: {  	_ =	shalt  }
0x51: {  	_ =	shalt  }
0x52: {  	_ =	shalt  }
0x53: {  	_ =	shalt  }
0x54: {  	_ =	shalt  }
0x55: {  	_ =	shalt  }
0x56: {  	_ =	shalt  }
0x57: {  	_ =	shalt  }
0x58: {  	_ =	shalt  }
0x59: {  	_ =	shalt  }
0x5a: {  	_ =	shalt  }
0x5b: {  	_ =	shalt  }
0x5c: {  	_ =	shalt  }
0x5d: {  	_ =	shalt  }
0x5e: {  	_ =	shalt  }
0x5f: {  	_ =	shalt  }
0x60: {  	_ =	shalt  }
0x61: {  	_ =	shalt  }
0x62: {  	_ =	shalt  }
0x63: {  	_ =	shalt  }
0x64: {  	_ =	shalt  }
0x65: {  	_ =	shalt  }
0x66: {  	_ =	shalt  }
0x67: {  	_ =	shalt  }
0x68: {  	_ =	shalt  }
0x69: {  	_ =	shalt  }
0x6a: {  	_ =	shalt  }
0x6b: {  	_ =	shalt  }
0x6c: {  	_ =	shalt  }
0x6d: {  	_ =	shalt  }
0x6e: {  	_ =	shalt  }
0x6f: {  	_ =	shalt  }
0x70: {  	_ =	shalt  }
0x71: {  	_ =	shalt  }
0x72: {  	_ =	shalt  }
0x73: {  	_ =	shalt  }
0x74: {  	_ =	shalt  }
0x75: {  	_ =	shalt  }
0x76: {  	_ =	shalt  }
0x77: {  	_ =	shalt  }
0x78: {  	_ =	shalt  }
0x79: {  	_ =	shalt  }
0x7a: {  	_ =	shalt  }
0x7b: {  	_ =	shalt  }
0x7c: {  	_ =	shalt  }
0x7d: {  	_ =	shalt  }
0x7e: {  	_ =	shalt  }
0x7f: {  	_ =	shalt  }
0x80: {  	_ =	shalt  }
0x81: {  	_ =	shalt  }
0x82: {  	_ =	shalt  }
0x83: {  	_ =	shalt  }
0x84: {  	_ =	shalt  }
0x85: {  	_ =	shalt  }
0x86: {  	_ =	shalt  }
0x87: {  	_ =	shalt  }
.Lfunc_end0:
.L_simem_size_0:
called_computation_lowered:
.L_overlay_start_0:
0x88: {  	s2 =	sld [smem:$0x3FD9]  }
0x89: {  	s3 =	sld [smem:$0x3FFE];
	_ =	sdelay $0x1  }
0x8a: {  	s1 =	srdreg.scid  }
0x8b: {  	s0 =	sand.u32 $0x1, s1  }
0x8c: {  	s17 =	sshll.u32 s0, $0xA;
	s2 =	sadd.s32 s3, s2  }
0x8d: {  	s2 =	sadd.s32 s2, s17  }
0x8e: {  	[smem:$0x3FC4] =	sst s2  }
0x8f: {  	_ = 	snop  }
0x90: {  	s2 =	sld [smem:$0x3FC9]  }
0x91: {  	s18 =	sld [smem:$0x3FC8];
	(tm) =	ssettm $0x1  }
0x92: {  	s4 =	sld [smem:$0x3FFB];
	_ =	sdelay $0x3  }
0x93: {  	_ =	strace s4  }
0x94: {  	s4 =	sld [smem:$0x3FFC];
	_ =	sdelay $0x3  }
0x95: {  	_ =	strace s4  }
0x96: {  	s4 =	sld [smem:$0x3FFD];
	_ =	sdelay $0x3  }
0x97: {  	_ =	strace s4  }
0x98: {  	_ =	strace $0x8FFFFFFF  }
0x99: {  	s19 =	sld [smem:$0x3FDB];
	_ =	sdelay $0x1  }
0x9a: {  	s5 =	simm.s32 $_scs_section_size  }
0x9b: {  	s6 =	simm.s32 $_size__tile_overlayer_lowered;
	s7 =	simm.s32 $_tile_overlayer_lowered  }
0x9c: {  	s22 =	simm.s32 $0x1BFF;
	s21 =	sshll.u32 s7, $0x1;
	s4 =	sadd.s32 s5, s19  }
0x9d: {  	s8 =	simm.s32 $0x0;
	s20 =	sshll.u32 s6, $0x1;
	s6 =	sadd.s32 s21, s4  }
0x9e: {  	[timem:s8], [sflag:s22] =	dma.local [hbm:s6], s20  }
0x9f: {  	_ =	swait.ge [sflag:s22], s20  }
0xa0: {  	s5 =	ssub.s32 $0x0, s20;
	[sflag:s22] =	ssyncset.done $0x0  }
0xa1: {  	[sflag:s22] =	ssyncadd.s32 s5;
	_ =	sdelay $0x1  }
0xa2: {  	s23 =	simm.s32 $0x1B8B  }
0xa3: {  	_ =	swait.ge [sflag:s23], $0x1  }
0xa4: {  	[sflag:s23] =	ssyncset.done $0x0  }
0xa5: {  	s25 =	simm.s32 $0x1B8E;
	s24 =	sld [smem:$0x3FFE];
	[sflag:s23] =	ssyncadd.s32 $0xFFFFFFFF  }
0xa6: {  	s26 =	simm.s32 $execute0_lowered;
	[smem:$0x3FD2] =	sst s25  }
0xa7: {  	s6 =	sshll.u32 s26, $0x1;
	_ =	strace $0x80000046;
	[dreg:$0x1] =	wrdreg $0xFFFFFFFF  }
0xa8: {  	s28 =	simm.s32 $_size_execute0_lowered;
	s4 =	sadd.s32 s4, s6;
	[dreg:$0x0] =	wrdreg $0x0  }
0xa9: {  	s6 =	sshll.u32 s28, $0x1;
	[dreg:$0x2] =	wrdreg s4  }
0xaa: {  	[dreg:$0x3] =	wrdreg s6  }
0xab: {  	[dreg:$0x4] =	wrdreg $0xC0  }
0xac: {  	_ =	task [dreg:s8], $0x5FFFF  }
0xad: {  	[dreg:$0x1] =	wrdreg $0xFFFFFFFF  }
0xae: {  	[dreg:$0x0] =	wrdreg $0x60  }
0xaf: {  	[dreg:$0x2] =	wrdreg s2  }
0xb0: {  	[dreg:$0x3] =	wrdreg s18  }
0xb1: {  	[dreg:$0x4] =	wrdreg s24  }
0xb2: {  	[dreg:$0x5] =	wrdreg $0x9  }
0xb3: {  	_ =	task.clear_ibuf [dreg:s8], $0x6FFFF;
	_ =	strace $0x90000046  }
0xb4: {  	s29 =	simm.s32 $0x9;
	_ =	strace $0x80000048  }
0xb5: {  	_ =	swait.ge [sflag:s29], $0x1  }
0xb6: {  	[sflag:s29] =	ssyncadd.s32 $0xFFFFFFFF  }
0xb7: {  	_ =	strace $0x90000048  }
0xb8: {  	_ =	sfence  }
0xb9: {  	s30 =	sld [smem:$0x0];
	_ =	sdelay $0x2  }
0xba: {  	s31 =	sshll.u32 s1, $0xD;
	s1 =	sshrl.u32 s1, $0x2  }
0xbb: {  	s3 =	sand.u32 $0x4000, s31;
	s1 =	sadd.s32 s1, s30  }
0xbc: {  	s0 =	sor.u32 s3, s0;
	s1 =	sshll.u32 s1, $0x11  }
0xbd: {  	s0 =	sor.u32 s1, s0  }
0xbe: {  	s0 =	sadd.s32 $0x8F2B, s0  }
0xbf: {  	[sflag:s0] =	ssyncadd.remote.s32 $0x1  }
0xc0: {  	_ =	sfence.sel $0xFFFF  }
0xc1: {  	[dreg:$0x0] =	wrdreg $0xFFFFFFFF;
	(pc) =	sbr.abs _section_cstart, $3  }
0xc2: {  	[dreg:$0x1] =	wrdreg $0xFFFFFFFF  }
0xc3: {  	_ =	task.clear_ibuf [dreg:s8], $0x2FFFF;
	_ =	strace $0x9FFFFFFF  }
0xc4: {  	(tm) =	ssettm $0x7FFFFFFF  }
0xc5: {  	_ =	shalt  }
tec
execute0_lowered:
.L_overlay_start_1:
0x0: {  	(tag) =	ssettag $0x1  }
0x1: {  	s0 =	srdreg.scid  }
0x2: {  	s2 =	stileid.u32;
	s0 =	sand.u32 $0x1, s0  }
0x3: {  	s1 =	rddreg [dreg:$0x0];
	s2 =	sshll.u32 s2, $0x6;
	s4 =	sshll.u32 s0, $0x5  }
0x4: {  	s30 =	rddreg [dreg:$0x1];
	s4 =	sor.u32 s4, s2  }
0x5: {  	s5 =	rddreg [dreg:$0x2];
	s6 =	smul.u32 $0x600, s4  }
0x6: {  	s5 =	sadd.s32 $0x800, s5;
	s2 =	simm.s32 $0x0;
	s7 =	sshrl.u32 s4, $0x3  }
0x7: {  	[smem:$0x7FF] =	sst s2;
	s1 =	sadd.s32 s1, s7;
	s16 =	sadd.s32 s5, s6  }
0x8: {  	_ =	strace $0x80000047;
	[dreg:$0x4] =	wrdreg s1;
	s22 =	sadd.s32 $0x600, s16  }
0x9: {  	s23 =	sadd.s32 $0xC00, s16;
	[dreg:$0x5] =	wrdreg s22  }
0xa: {  	s24 =	sadd.s32 $0x1200, s16;
	[dreg:$0x6] =	wrdreg s23  }
0xb: {  	s25 =	sadd.s32 $0x1800, s16;
	[dreg:$0x7] =	wrdreg s24  }
0xc: {  	s26 =	sadd.s32 $0x1E00, s16;
	[dreg:$0x8] =	wrdreg s25  }
0xd: {  	s28 =	sadd.s32 $0x2400, s16;
	[dreg:$0x9] =	wrdreg s26  }
0xe: {  	s4 =	smul.u32 $0x3000, s4;
	s29 =	sadd.s32 $0x2A00, s16;
	[dreg:$0xa] =	wrdreg s28  }
0xf: {  	s31 =	sadd.s32 $0x3000, s16;
	[dreg:$0xb] =	wrdreg s29  }
0x10: {  	s4 =	sshrl.u32 s4, $0x3;
	s3 =	sadd.s32 $0x3600, s16;
	[dreg:$0xc] =	wrdreg s31  }
0x11: {  	s6 =	sadd.s32 $0x3C00, s16;
	s4 =	sadd.s32 s5, s4;
	[dreg:$0xd] =	wrdreg s3  }
0x12: {  	[dreg:$0xe] =	wrdreg s6;
	s7 =	sadd.s32 $0x4200, s4  }
0x13: {  	s8 =	sadd.s32 $0x4800, s4;
	[dreg:$0xf] =	wrdreg s7  }
0x14: {  	s9 =	sadd.s32 $0x4E00, s4;
	[dreg:$0x10] =	wrdreg s8  }
0x15: {  	s10 =	sadd.s32 $0x5400, s4;
	[dreg:$0x11] =	wrdreg s9  }
0x16: {  	s11 =	sadd.s32 $0x5A00, s4;
	[dreg:$0x12] =	wrdreg s10  }
0x17: {  	s12 =	sadd.s32 $0x6000, s4;
	[dreg:$0x13] =	wrdreg s11  }
0x18: {  	s13 =	sadd.s32 $0x6600, s4;
	[dreg:$0x14] =	wrdreg s12  }
0x19: {  	s14 =	sadd.s32 $0x6C00, s4;
	[dreg:$0x15] =	wrdreg s13  }
0x1a: {  	s15 =	sadd.s32 $0x7200, s4;
	[dreg:$0x16] =	wrdreg s14  }
0x1b: {  	s17 =	sadd.s32 $0x7800, s4;
	[dreg:$0x17] =	wrdreg s15  }
0x1c: {  	s18 =	sadd.s32 $0x7E00, s4;
	[dreg:$0x18] =	wrdreg s17  }
0x1d: {  	s19 =	sadd.s32 $0x8400, s4;
	[dreg:$0x19] =	wrdreg s18  }
0x1e: {  	s20 =	sadd.s32 $0x8A00, s4;
	[dreg:$0x1a] =	wrdreg s19  }
0x1f: {  	p0 =	por $0x0, $0x0;
	s21 =	sadd.s32 $0x9000, s4;
	[dreg:$0x1b] =	wrdreg s20  }
0x20: {  	s0 =	ssub.s32 $0x2, s0;
	s22 =	sadd.s32 $0x9600, s4;
	[dreg:$0x1c] =	wrdreg s21  }
0x21: {  	s1 =	simm.s32 $0x9;
	s23 =	sadd.s32 $0x9C00, s4;
	[dreg:$0x1d] =	wrdreg s22  }
0x22: {  	s24 =	sadd.s32 $0xA200, s4;
	s25 =	sadd.s32 $0xA800, s4;
	[dreg:$0x1e] =	wrdreg s23  }
0x23: {  	s26 =	sadd.s32 $0xAE00, s4;
	s29 =	sshrl.u32 s0, $0x1;
	[dreg:$0x1f] =	wrdreg s24  }
0x24: {  	s28 =	sadd.s32 $0xB400, s4;
	[smem:$0x7FA] =	sst s25;
	s0 =	ssub.s32 s0, s29  }
0x25: {  	s31 =	sadd.s32 $0xBA00, s4;
	[smem:$0x7FB] =	sst s26;
	s0 =	smax.u32 s0, $0x1  }
0x26: {  	vm13 =	vcmask $0x70C;
	s6 =	simm.s32 $0x80;
	[smem:$0x7FC] =	sst s28;
	p1 =	sne.s32 s0, $0x1  }
.Ltmp0:
0x27: {  	vm12 =	vcmask $0xB10;
	vm11 =	vcmask $0xF14;
	vm10 =	vcmask $0x1318;
	s3 =	simm.s32 $0x5;
	[smem:$0x7FD] =	sst s31;
	(pc) =	sbr.rel @!p1 .LBB2_5-.Ltmp0, $4  }
0x28: {  	vm9 =	vcmask $0x171C;
	vm8 =	vcmask $0x1B20;
	vm7 =	vcmask $0x1F24;
	s12 =	simm.s32 $0x3080;
	s11 =	simm.s32 $0x6080;
	s8 =	simm.s32 $0x9080  }
0x29: {  	vm6 =	vcmask $0x2328;
	vm5 =	vcmask $0x272C;
	vm3 =	vcmask $0x2B30;
	s14 =	simm.s32 $0x1;
	s10 =	simm.s32 $0x2;
	s15 =	simm.s32 $0x6  }
0x2a: {  	vm4 =	vcmask $0x2F34;
	vm2 =	vcmask $0x3338;
	vm0 =	vcmask $0x373C;
	s23 =	simm.s32 $0x3;
	s20 =	simm.s32 $0x7;
	s13 =	simm.s32 $0x4  }
0x2b: {  	vm1 =	vmmov $0x7fff;
	vm15 =	vmmov $0x1;
	vm14 =	vcmask $0x308;
	s9 =	simm.s32 $0x8;
	s4 =	sadd.s32 $0xFFFFFFFF, s0;
	s0 =	rddreg [dreg:$0x4]  }
0x2c: {  	[tilespmem:s2], [sflag:$0x9] =	stream.linear.gather [hbm4b:s0+s2], $0x20, $0x38;
	[tilespmem:$0xC080] =	vst v63  }
0x2d: {  	_ =	swait.ge [sflag:s1], $0x20  }
0x2e: {  	[sflag:s1] =	ssyncset.done $0x0  }
0x2f: {  	[sflag:s1] =	ssyncadd.s32 $0xFFFFFFE0  }
0x30: {  	v0 =	vld [tilespmem:$0x0];
	_ =	sdelay $0x4  }
0x31: {  	v1 =	vnsel vm15, $0x0, v0  }
0x32: {  	v2 =	vsel vm14, $0x0, v0;
	v1 =	vxor.u32 $0x80000000, v1  }
0x33: {  	v3 =	vsel vm13, $0x0, v0;
	v2 =	vxor.u32 $0x80000000, v2;
	(xrf0) =	vmax.scan.msk.u32 $0xffff, v1  }
0x34: {  	v57 =	vxor.u32 $0x80000000, v3;
	(xrf0) =	vmax.scan.msk.u32 $0xffff, v2  }
0x35: {  	v58 =	vsel vm12, $0x0, v0;
	(xrf0) =	vmax.scan.msk.u32 $0xffff, v57  }
0x36: {  	v59 =	vxor.u32 $0x80000000, v58  }
0x37: {  	(xrf0) =	vmax.scan.msk.u32 $0xffff, v59;
	_ =	sdelay $0x1  }
0x38: {  	v62 =	vsel vm11, $0x0, v0;
	v60, _, _ =	vpop (xrf0)  }
0x39: {  	v5 =	vxor.u32 $0x80000000, v62;
	(v2sf) =	vpush v60, $0xF;
	v61, _, _ =	vpop (xrf0)  }
0x3a: {  	v6 =	vsel vm10, $0x0, v0;
	(xrf0) =	vmax.scan.msk.u32 $0xffff, v5;
	v63, _, _ =	vpop (xrf0);
	(v2sf) =	vpush v61, $0xF  }
0x3b: {  	v2 =	vxor.u32 $0x80000000, v6;
	(v2sf) =	vpush v63, $0xF  }
0x3c: {  	(xrf0) =	vmax.scan.msk.u32 $0xffff, v2;
	v7, _, _ =	vpop (xrf0)  }
0x3d: {  	(v2sf) =	vpush v7, $0xF;
	_ =	sdelay $0x2  }
0x3e: {  	v9, _, _ =	vpop (xrf0)  }
0x3f: {  	v8 =	vsel vm9, $0x0, v0;
	(v2sf) =	vpush v9, $0xF  }
0x40: {  	v10 =	vsel vm8, $0x0, v0;
	v1 =	vxor.u32 $0x80000000, v8;
	v12, _, _ =	vpop (xrf0)  }
0x41: {  	v11 =	vsel vm7, $0x0, v0;
	v3 =	vxor.u32 $0x80000000, v10;
	(xrf0) =	vmax.scan.msk.u32 $0xffff, v1;
	(v2sf) =	vpush v12, $0xF  }
0x42: {  	v4 =	vsel vm6, $0x0, v0;
	v2 =	vxor.u32 $0x80000000, v11;
	(xrf0) =	vmax.scan.msk.u32 $0xffff, v3  }
0x43: {  	v13 =	vsel vm5, $0x0, v0;
	v14 =	vxor.u32 $0x80000000, v4;
	(xrf0) =	vmax.scan.msk.u32 $0xffff, v2  }
0x44: {  	v15 =	vsel vm3, $0x0, v0;
	v1 =	vxor.u32 $0x80000000, v13;
	(xrf0) =	vmax.scan.msk.u32 $0xffff, v14  }
0x45: {  	v16 =	vsel vm4, $0x0, v0;
	v2 =	vxor.u32 $0x80000000, v15;
	(xrf0) =	vmax.scan.msk.u32 $0xffff, v1  }
0x46: {  	v17 =	vsel vm2, $0x0, v0;
	v3 =	vxor.u32 $0x80000000, v16;
	(xrf0) =	vmax.scan.msk.u32 $0xffff, v2;
	s7 =	spop (v2sf)  }
0x47: {  	v18 =	vsel vm0, $0x0, v0;
	v1 =	vxor.u32 $0x80000000, v17;
	v19, _, _ =	vpop (xrf0);
	(xrf0) =	vmax.scan.msk.u32 $0xffff, v3;
	s0 =	smul.u32 $0x3000, s7;
	s17 =	spop (v2sf)  }
0x48: {  	v0 =	vsel vm1, $0x0, v0;
	v2 =	vxor.u32 $0x80000000, v18;
	(xrf0) =	vmax.scan.msk.u32 $0xffff, v1;
	v20, _, _ =	vpop (xrf0);
	(v2sf) =	vpush v19, $0xF;
	s1 =	smul.u32 $0x3000, s17;
	s18 =	spop (v2sf)  }
0x49: {  	[smem:$0x7F9] =	sst s4;
	v21 =	vld [tilespmem:$0x10];
	v0 =	vxor.u32 $0x80000000, v0;
	(xrf0) =	vmax.scan.msk.u32 $0xffff, v2;
	v22, _, _ =	vpop (xrf0);
	s0 =	sshrl.u32 s0, $0x3;
	s4 =	smul.u32 $0x3000, s18  }
0x4a: {  	v23, _, _ =	vpop (xrf0);
	(xrf0) =	vmax.scan.msk.u32 $0xffff, v0;
	s5 =	spop (v2sf);
	s0 =	sadd.s32 s30, s0;
	s1 =	sshrl.u32 s1, $0x3  }
0x4b: {  	[tilespmem:s6], [sflag:$0x1] =	stream.linear.gather [hbm4b:s0+s2], $0x3000, $0x38;
	[tilespmem:$0xC080] =	vst v63  }
0x4c: {  	v24, _, _ =	vpop (xrf0);
	(v2sf) =	vpush v20, $0xF;
	s19 =	smul.u32 $0x3000, s5;
	s1 =	sadd.s32 s30, s1;
	s4 =	sshrl.u32 s4, $0x3  }
0x4d: {  	v25, _, _ =	vpop (xrf0);
	(v2sf) =	vpush v22, $0xF;
	[tilespmem:s12], [sflag:$0x2] =	stream.linear.gather [hbm4b:s1+s2], $0x3000, $0x38;
	[tilespmem:$0xC080] =	vst v63  }
0x4e: {  	v28 =	vnsel vm15, $0x0, v21;
	v26, _, _ =	vpop (xrf0);
	(v2sf) =	vpush v23, $0xF;
	s22 =	spop (v2sf);
	s0 =	sshrl.u32 s19, $0x3;
	s21 =	sadd.s32 s30, s4  }
0x4f: {  	v0 =	vxor.u32 $0x80000000, v28;
	v27, _, _ =	vpop (xrf0);
	(v2sf) =	vpush v24, $0xF;
	[tilespmem:s11], [sflag:$0x3] =	stream.linear.gather [hbm4b:s21+s2], $0x3000, $0x38;
	[tilespmem:$0xC080] =	vst v63  }
0x50: {  	(xrf0) =	vmax.scan.msk.u32 $0xffff, v0;
	v5, _, _ =	vpop (xrf0);
	s7 =	spop (v2sf);
	(v2sf) =	vpush v25, $0xF;
	s0 =	sadd.s32 s30, s0  }
0x51: {  	v6 =	vsel vm14, $0x0, v21;
	v29, _, _ =	vpop (xrf0);
	(v2sf) =	vpush v26, $0xF;
	[tilespmem:s8], [sflag:$0x4] =	stream.linear.gather [hbm4b:s0+s2], $0x3000, $0x38;
	[tilespmem:$0xC080] =	vst v63  }
0x52: {  	v30 =	vsel vm13, $0x0, v21;
	v31 =	vxor.u32 $0x80000000, v6;
	_ =	swait.ge [sflag:s14], $0x3000  }
0x53: {  	v32 =	vsel vm12, $0x0, v21;
	v0 =	vxor.u32 $0x80000000, v30;
	(xrf0) =	vmax.scan.msk.u32 $0xffff, v31  }
0x54: {  	v33 =	vxor.u32 $0x80000000, v32;
	[sflag:s14] =	ssyncset.done $0x0;
	(xrf0) =	vmax.scan.msk.u32 $0xffff, v0  }
0x55: {  	v34 =	vsel vm11, $0x0, v21;
	[sflag:s14] =	ssyncadd.s32 $0xFFFFD000;
	(xrf0) =	vmax.scan.msk.u32 $0xffff, v33  }
0x56: {  	v0 =	vxor.u32 $0x80000000, v34;
	[hbm4b:s16+s2] =	stream.linear.scatter [tilespmem:s6], [sflag:$0x5], $0x3000, $0x38;
	[tilespmem:$0xC080] =	vst v63  }
0x57: {  	v35 =	vsel vm10, $0x0, v21;
	s24 =	spop (v2sf);
	(v2sf) =	vpush v27, $0xF;
	(xrf0) =	vmax.scan.msk.u32 $0xffff, v0  }
0x58: {  	v37 =	vsel vm9, $0x0, v21;
	v36 =	vxor.u32 $0x80000000, v35;
	s25 =	smul.u32 $0x3000, s22;
	_ =	swait.ge [sflag:s3], $0x3000  }
0x59: {  	v38 =	vsel vm8, $0x0, v21;
	v3 =	vxor.u32 $0x80000000, v37;
	(xrf0) =	vmax.scan.msk.u32 $0xffff, v36  }
0x5a: {  	v39 =	vxor.u32 $0x80000000, v38;
	s18 =	simm.s32 $0x80;
	s0 =	sshrl.u32 s25, $0x3;
	[sflag:s3] =	ssyncset.done $0x0;
	(xrf0) =	vmax.scan.msk.u32 $0xffff, v3  }
0x5b: {  	v40 =	vsel vm7, $0x0, v21;
	s0 =	sadd.s32 s30, s0;
	s5 =	spop (v2sf);
	(v2sf) =	vpush v5, $0xF;
	v41, _, _ =	vpop (xrf0);
	[sflag:s3] =	ssyncadd.s32 $0xFFFFD000;
	(xrf0) =	vmax.scan.msk.u32 $0xffff, v39  }
0x5c: {  	v42 =	vxor.u32 $0x80000000, v40;
	(v2sf) =	vpush v29, $0xF;
	v43, _, _ =	vpop (xrf0);
	[tilespmem:s18], [sflag:$0x1] =	stream.linear.gather [hbm4b:s0+s2], $0x3000, $0x38;
	[tilespmem:$0xC080] =	vst v63  }
0x5d: {  	v44 =	vsel vm6, $0x0, v21;
	s4 =	spop (v2sf);
	(v2sf) =	vpush v41, $0xF;
	v45, _, _ =	vpop (xrf0);
	(xrf0) =	vmax.scan.msk.u32 $0xffff, v42  }
0x5e: {  	v47 =	vsel vm5, $0x0, v21;
	v46 =	vxor.u32 $0x80000000, v44;
	_ =	swait.ge [sflag:s10], $0x3000  }
0x5f: {  	v48 =	vsel vm3, $0x0, v21;
	s14 =	simm.s32 $0x2;
	v3 =	vxor.u32 $0x80000000, v47;
	(xrf0) =	vmax.scan.msk.u32 $0xffff, v46  }
0x60: {  	v49 =	vxor.u32 $0x80000000, v48;
	v51, _, _ =	vpop (xrf0);
	[sflag:s14] =	ssyncset.done $0x0;
	(xrf0) =	vmax.scan.msk.u32 $0xffff, v3  }
0x61: {  	v50 =	vsel vm4, $0x0, v21;
	s10 =	rddreg [dreg:$0x5];
	s1 =	spop (v2sf);
	v53, _, _ =	vpop (xrf0);
	[sflag:s14] =	ssyncadd.s32 $0xFFFFD000;
	(xrf0) =	vmax.scan.msk.u32 $0xffff, v49  }
0x62: {  	v54 =	vsel vm2, $0x0, v21;
	v52 =	vxor.u32 $0x80000000, v50;
	(v2sf) =	vpush v43, $0xF;
	v55, _, _ =	vpop (xrf0);
	[hbm4b:s10+s2] =	stream.linear.scatter [tilespmem:s12], [sflag:$0x6], $0x3000, $0x38;
	[tilespmem:$0xC080] =	vst v63  }
0x63: {  	v0 =	vxor.u32 $0x80000000, v54;
	s17 =	spop (v2sf);
	(xrf0) =	vmax.scan.msk.u32 $0xffff, v52;
	v56, _, _ =	vpop (xrf0)  }
0x64: {  	(v2sf) =	vpush v45, $0xF;
	s19 =	spop (v2sf);
	v57, _, _ =	vpop (xrf0);
	(xrf0) =	vmax.scan.msk.u32 $0xffff, v0  }
0x65: {  	v58 =	vsel vm0, $0x0, v21;
	s7 =	smul.u32 $0x3000, s7;
	_ =	swait.ge [sflag:s15], $0x3000  }
0x66: {  	v2 =	vsel vm1, $0x0, v21;
	v0 =	vxor.u32 $0x80000000, v58;
	(v2sf) =	vpush v51, $0xF;
	v59, _, _ =	vpop (xrf0)  }
0x67: {  	v2 =	vxor.u32 $0x80000000, v2;
	s7 =	sshrl.u32 s7, $0x3;
	(xrf0) =	vmax.scan.msk.u32 $0xffff, v0;
	[sflag:s15] =	ssyncset.done $0x0;
	(v2sf) =	vpush v53, $0xF;
	v60, _, _ =	vpop (xrf0)  }
0x68: {  	s7 =	sadd.s32 s30, s7;
	s10 =	spop (v2sf);
	(xrf0) =	vmax.scan.msk.u32 $0xffff, v2;
	[sflag:s15] =	ssyncadd.s32 $0xFFFFD000;
	v61, _, _ =	vpop (xrf0)  }
0x69: {  	[tilespmem:s12], [sflag:$0x2] =	stream.linear.gather [hbm4b:s7+s2], $0x3000, $0x38;
	v62, _, _ =	vpop (xrf0);
	[tilespmem:$0xC080] =	vst v63  }
0x6a: {  	_ =	swait.ge [sflag:s23], $0x3000  }
0x6b: {  	v7, _, _ =	vpop (xrf0);
	s31 =	spop (v2sf);
	(v2sf) =	vpush v55, $0xF  }
0x6c: {  	s6 =	smul.u32 $0x3000, s24;
	[sflag:s23] =	ssyncset.done $0x0;
	v63, _, _ =	vpop (xrf0);
	s28 =	spop (v2sf)  }
0x6d: {  	s26 =	rddreg [dreg:$0x6];
	[sflag:s23] =	ssyncadd.s32 $0xFFFFD000;
	v8, _, _ =	vpop (xrf0);
	s21 =	spop (v2sf)  }
0x6e: {  	[hbm4b:s26+s2] =	stream.linear.scatter [tilespmem:s11], [sflag:$0x7], $0x3000, $0x38;
	v9, _, _ =	vpop (xrf0);
	[tilespmem:$0xC080] =	vst v63  }
0x6f: {  	_ =	swait.ge [sflag:s20], $0x3000  }
0x70: {  	s6 =	sshrl.u32 s6, $0x3;
	s7 =	spop (v2sf);
	[sflag:s20] =	ssyncset.done $0x0;
	(v2sf) =	vpush v56, $0xF  }
0x71: {  	s6 =	sadd.s32 s30, s6;
	s25 =	spop (v2sf);
	[sflag:s20] =	ssyncadd.s32 $0xFFFFD000  }
0x72: {  	(v2sf) =	vpush v57, $0xF;
	[tilespmem:s11], [sflag:$0x3] =	stream.linear.gather [hbm4b:s6+s2], $0x3000, $0x38;
	[tilespmem:$0xC080] =	vst v63  }
0x73: {  	_ =	swait.ge [sflag:s13], $0x3000  }
0x74: {  	s13 =	simm.s32 $0x4;
	s24 =	spop (v2sf)  }
0x75: {  	s5 =	smul.u32 $0x3000, s5;
	(v2sf) =	vpush v59, $0xF;
	[sflag:s13] =	ssyncset.done $0x0;
	s23 =	spop (v2sf)  }
0x76: {  	s0 =	rddreg [dreg:$0x7];
	[sflag:s13] =	ssyncadd.s32 $0xFFFFD000;
	s22 =	spop (v2sf)  }
0x77: {  	(v2sf) =	vpush v60, $0xF;
	[hbm4b:s0+s2] =	stream.linear.scatter [tilespmem:s8], [sflag:$0x8], $0x3000, $0x38;
	[tilespmem:$0xC080] =	vst v63  }
0x78: {  	_ =	swait.ge [sflag:s9], $0x3000  }
0x79: {  	s5 =	sshrl.u32 s5, $0x3;
	(v2sf) =	vpush v61, $0xF;
	[sflag:s9] =	ssyncset.done $0x0  }
0x7a: {  	s5 =	sadd.s32 s30, s5;
	(v2sf) =	vpush v62, $0xF;
	[sflag:s9] =	ssyncadd.s32 $0xFFFFD000;
	s6 =	spop (v2sf)  }
0x7b: {  	[tilespmem:s8], [sflag:$0x4] =	stream.linear.gather [hbm4b:s5+s2], $0x3000, $0x38;
	[tilespmem:$0xC080] =	vst v63  }
0x7c: {  	s29 =	simm.s32 $0x1;
	[smem:$0x7F3] =	sst s6  }
0x7d: {  	_ =	swait.ge [sflag:s29], $0x3000  }
0x7e: {  	[sflag:s29] =	ssyncset.done $0x0  }
0x7f: {  	(v2sf) =	vpush v7, $0xF;
	s5 =	rddreg [dreg:$0x8];
	[sflag:s29] =	ssyncadd.s32 $0xFFFFD000;
	s6 =	spop (v2sf)  }
0x80: {  	[hbm4b:s5+s2] =	stream.linear.scatter [tilespmem:s18], [sflag:$0x5], $0x3000, $0x38;
	[tilespmem:$0xC080] =	vst v63  }
0x81: {  	s3 =	simm.s32 $0x5;
	s4 =	smul.u32 $0x3000, s4;
	(v2sf) =	vpush v63, $0xF;
	[smem:$0x7F4] =	sst s6  }
0x82: {  	_ =	swait.ge [sflag:s3], $0x3000  }
0x83: {  	s0 =	sshrl.u32 s4, $0x3;
	s5 =	spop (v2sf);
	(v2sf) =	vpush v8, $0xF;
	[sflag:s3] =	ssyncset.done $0x0  }
0x84: {  	s6 =	sadd.s32 s30, s0;
	s4 =	spop (v2sf);
	[sflag:s3] =	ssyncadd.s32 $0xFFFFD000  }
0x85: {  	(v2sf) =	vpush v9, $0xF;
	[tilespmem:s18], [sflag:$0x1] =	stream.linear.gather [hbm4b:s6+s2], $0x3000, $0x38;
	[tilespmem:$0xC080] =	vst v63  }
0x86: {  	s1 =	smul.u32 $0x3000, s1;
	_ =	swait.ge [sflag:s14], $0x3000  }
0x87: {  	[smem:$0x7F2] =	sst s16;
	s6 =	spop (v2sf)  }
0x88: {  	s16 =	rddreg [dreg:$0x9];
	[sflag:s14] =	ssyncset.done $0x0;
	s0 =	spop (v2sf)  }
0x89: {  	[sflag:s14] =	ssyncadd.s32 $0xFFFFD000;
	[smem:$0x7F5] =	sst s0;
	s0 =	spop (v2sf)  }
0x8a: {  	[hbm4b:s16+s2] =	stream.linear.scatter [tilespmem:s12], [sflag:$0x6], $0x3000, $0x38;
	[tilespmem:$0xC080] =	vst v63  }
0x8b: {  	s26 =	simm.s32 $0x6;
	[smem:$0x7F6] =	sst s0  }
0x8c: {  	s1 =	sshrl.u32 s1, $0x3;
	_ =	swait.ge [sflag:s26], $0x3000  }
0x8d: {  	s1 =	sadd.s32 s30, s1;
	[sflag:s26] =	ssyncset.done $0x0  }
0x8e: {  	s15 =	simm.s32 $0x3;
	s16 =	spop (v2sf);
	[sflag:s26] =	ssyncadd.s32 $0xFFFFD000  }
0x8f: {  	[tilespmem:s12], [sflag:$0x2] =	stream.linear.gather [hbm4b:s1+s2], $0x3000, $0x38;
	[tilespmem:$0xC080] =	vst v63  }
0x90: {  	s17 =	smul.u32 $0x3000, s17;
	_ =	swait.ge [sflag:s15], $0x3000  }
0x91: {  	s0 =	rddreg [dreg:$0xa];
	s1 =	spop (v2sf);
	[sflag:s15] =	ssyncset.done $0x0  }
0x92: {  	[smem:$0x7F7] =	sst s1;
	[sflag:s15] =	ssyncadd.s32 $0xFFFFD000;
	s1 =	spop (v2sf)  }
0x93: {  	[hbm4b:s0+s2] =	stream.linear.scatter [tilespmem:s11], [sflag:$0x7], $0x3000, $0x38;
	[tilespmem:$0xC080] =	vst v63  }
0x94: {  	[smem:$0x7F8] =	sst s1;
	s0 =	spop (v2sf)  }
0x95: {  	_ =	swait.ge [sflag:s20], $0x3000  }
0x96: {  	s17 =	sshrl.u32 s17, $0x3;
	[sflag:s20] =	ssyncset.done $0x0  }
0x97: {  	s17 =	sadd.s32 s30, s17;
	[sflag:s20] =	ssyncadd.s32 $0xFFFFD000  }
0x98: {  	[tilespmem:s11], [sflag:$0x3] =	stream.linear.gather [hbm4b:s17+s2], $0x3000, $0x38;
	[tilespmem:$0xC080] =	vst v63  }
0x99: {  	_ =	swait.ge [sflag:s13], $0x3000  }
0x9a: {  	[sflag:s13] =	ssyncset.done $0x0  }
0x9b: {  	s19 =	smul.u32 $0x3000, s19;
	s1 =	rddreg [dreg:$0xb];
	[sflag:s13] =	ssyncadd.s32 $0xFFFFD000  }
0x9c: {  	[hbm4b:s1+s2] =	stream.linear.scatter [tilespmem:s8], [sflag:$0x8], $0x3000, $0x38;
	[tilespmem:$0xC080] =	vst v63  }
0x9d: {  	_ =	swait.ge [sflag:s9], $0x3000  }
0x9e: {  	s17 =	sshrl.u32 s19, $0x3;
	[sflag:s9] =	ssyncset.done $0x0  }
0x9f: {  	s17 =	sadd.s32 s30, s17;
	[sflag:s9] =	ssyncadd.s32 $0xFFFFD000  }
0xa0: {  	[tilespmem:s8], [sflag:$0x4] =	stream.linear.gather [hbm4b:s17+s2], $0x3000, $0x38;
	[tilespmem:$0xC080] =	vst v63  }
0xa1: {  	_ =	swait.ge [sflag:s29], $0x3000  }
0xa2: {  	[sflag:s29] =	ssyncset.done $0x0  }
0xa3: {  	s10 =	smul.u32 $0x3000, s10;
	s1 =	rddreg [dreg:$0xc];
	[sflag:s29] =	ssyncadd.s32 $0xFFFFD000  }
0xa4: {  	[hbm4b:s1+s2] =	stream.linear.scatter [tilespmem:s18], [sflag:$0x5], $0x3000, $0x38;
	[tilespmem:$0xC080] =	vst v63  }
0xa5: {  	_ =	swait.ge [sflag:s3], $0x3000  }
0xa6: {  	s17 =	sshrl.u32 s10, $0x3;
	[sflag:s3] =	ssyncset.done $0x0  }
0xa7: {  	s17 =	sadd.s32 s30, s17;
	[sflag:s3] =	ssyncadd.s32 $0xFFFFD000  }
0xa8: {  	[tilespmem:s18], [sflag:$0x1] =	stream.linear.gather [hbm4b:s17+s2], $0x3000, $0x38;
	[tilespmem:$0xC080] =	vst v63  }
0xa9: {  	_ =	swait.ge [sflag:s14], $0x3000  }
0xaa: {  	[sflag:s14] =	ssyncset.done $0x0  }
0xab: {  	s1 =	smul.u32 $0x3000, s31;
	s19 =	rddreg [dreg:$0xd];
	[sflag:s14] =	ssyncadd.s32 $0xFFFFD000  }
0xac: {  	[hbm4b:s19+s2] =	stream.linear.scatter [tilespmem:s12], [sflag:$0x6], $0x3000, $0x38;
	[tilespmem:$0xC080] =	vst v63  }
0xad: {  	_ =	swait.ge [sflag:s26], $0x3000  }
0xae: {  	s17 =	sshrl.u32 s1, $0x3;
	[sflag:s26] =	ssyncset.done $0x0  }
0xaf: {  	s17 =	sadd.s32 s30, s17;
	[sflag:s26] =	ssyncadd.s32 $0xFFFFD000  }
0xb0: {  	[tilespmem:s12], [sflag:$0x2] =	stream.linear.gather [hbm4b:s17+s2], $0x3000, $0x38;
	[tilespmem:$0xC080] =	vst v63  }
0xb1: {  	_ =	swait.ge [sflag:s15], $0x3000  }
0xb2: {  	[sflag:s15] =	ssyncset.done $0x0  }
0xb3: {  	s10 =	smul.u32 $0x3000, s28;
	s3 =	rddreg [dreg:$0xe];
	[sflag:s15] =	ssyncadd.s32 $0xFFFFD000  }
0xb4: {  	[hbm4b:s3+s2] =	stream.linear.scatter [tilespmem:s11], [sflag:$0x7], $0x3000, $0x38;
	[tilespmem:$0xC080] =	vst v63  }
0xb5: {  	_ =	swait.ge [sflag:s20], $0x3000  }
0xb6: {  	s17 =	sshrl.u32 s10, $0x3;
	[sflag:s20] =	ssyncset.done $0x0  }
0xb7: {  	s17 =	sadd.s32 s30, s17;
	[sflag:s20] =	ssyncadd.s32 $0xFFFFD000  }
0xb8: {  	[tilespmem:s11], [sflag:$0x3] =	stream.linear.gather [hbm4b:s17+s2], $0x3000, $0x38;
	[tilespmem:$0xC080] =	vst v63  }
0xb9: {  	_ =	swait.ge [sflag:s13], $0x3000  }
0xba: {  	[sflag:s13] =	ssyncset.done $0x0  }
0xbb: {  	s28 =	smul.u32 $0x3000, s21;
	s19 =	rddreg [dreg:$0xf];
	[sflag:s13] =	ssyncadd.s32 $0xFFFFD000  }
0xbc: {  	[hbm4b:s19+s2] =	stream.linear.scatter [tilespmem:s8], [sflag:$0x8], $0x3000, $0x38;
	[tilespmem:$0xC080] =	vst v63  }
0xbd: {  	_ =	swait.ge [sflag:s9], $0x3000  }
0xbe: {  	s17 =	sshrl.u32 s28, $0x3;
	[sflag:s9] =	ssyncset.done $0x0  }
0xbf: {  	s17 =	sadd.s32 s30, s17;
	[sflag:s9] =	ssyncadd.s32 $0xFFFFD000  }
0xc0: {  	[tilespmem:s8], [sflag:$0x4] =	stream.linear.gather [hbm4b:s17+s2], $0x3000, $0x38;
	[tilespmem:$0xC080] =	vst v63  }
0xc1: {  	_ =	swait.ge [sflag:s29], $0x3000  }
0xc2: {  	s1 =	smul.u32 $0x3000, s7;
	[sflag:s29] =	ssyncset.done $0x0  }
0xc3: {  	s3 =	simm.s32 $0x5;
	s31 =	rddreg [dreg:$0x10];
	[sflag:s29] =	ssyncadd.s32 $0xFFFFD000  }
0xc4: {  	[hbm4b:s31+s2] =	stream.linear.scatter [tilespmem:s18], [sflag:$0x5], $0x3000, $0x38;
	[tilespmem:$0xC080] =	vst v63  }
0xc5: {  	_ =	swait.ge [sflag:s3], $0x3000  }
0xc6: {  	s17 =	sshrl.u32 s1, $0x3;
	[sflag:s3] =	ssyncset.done $0x0  }
0xc7: {  	s17 =	sadd.s32 s30, s17;
	[sflag:s3] =	ssyncadd.s32 $0xFFFFD000  }
0xc8: {  	[tilespmem:s18], [sflag:$0x1] =	stream.linear.gather [hbm4b:s17+s2], $0x3000, $0x38;
	[tilespmem:$0xC080] =	vst v63  }
0xc9: {  	_ =	swait.ge [sflag:s14], $0x3000  }
0xca: {  	[sflag:s14] =	ssyncset.done $0x0  }
0xcb: {  	s10 =	smul.u32 $0x3000, s25;
	s7 =	rddreg [dreg:$0x11];
	[sflag:s14] =	ssyncadd.s32 $0xFFFFD000  }
0xcc: {  	[hbm4b:s7+s2] =	stream.linear.scatter [tilespmem:s12], [sflag:$0x6], $0x3000, $0x38;
	[tilespmem:$0xC080] =	vst v63  }
0xcd: {  	_ =	swait.ge [sflag:s26], $0x3000  }
0xce: {  	s17 =	sshrl.u32 s10, $0x3;
	[sflag:s26] =	ssyncset.done $0x0  }
0xcf: {  	s17 =	sadd.s32 s30, s17;
	[sflag:s26] =	ssyncadd.s32 $0xFFFFD000  }
0xd0: {  	[tilespmem:s12], [sflag:$0x2] =	stream.linear.gather [hbm4b:s17+s2], $0x3000, $0x38;
	[tilespmem:$0xC080] =	vst v63  }
0xd1: {  	_ =	swait.ge [sflag:s15], $0x3000  }
0xd2: {  	[sflag:s15] =	ssyncset.done $0x0  }
0xd3: {  	s19 =	smul.u32 $0x3000, s24;
	s13 =	rddreg [dreg:$0x12];
	[sflag:s15] =	ssyncadd.s32 $0xFFFFD000  }
0xd4: {  	[hbm4b:s13+s2] =	stream.linear.scatter [tilespmem:s11], [sflag:$0x7], $0x3000, $0x38;
	[tilespmem:$0xC080] =	vst v63  }
0xd5: {  	_ =	swait.ge [sflag:s20], $0x3000  }
0xd6: {  	s17 =	sshrl.u32 s19, $0x3;
	[sflag:s20] =	ssyncset.done $0x0  }
0xd7: {  	s24 =	simm.s32 $0x4;
	s17 =	sadd.s32 s30, s17;
	[sflag:s20] =	ssyncadd.s32 $0xFFFFD000  }
0xd8: {  	[tilespmem:s11], [sflag:$0x3] =	stream.linear.gather [hbm4b:s17+s2], $0x3000, $0x38;
	[tilespmem:$0xC080] =	vst v63  }
0xd9: {  	_ =	swait.ge [sflag:s24], $0x3000  }
0xda: {  	[sflag:s24] =	ssyncset.done $0x0  }
0xdb: {  	s25 =	smul.u32 $0x3000, s23;
	s21 =	rddreg [dreg:$0x13];
	[sflag:s24] =	ssyncadd.s32 $0xFFFFD000  }
0xdc: {  	[hbm4b:s21+s2] =	stream.linear.scatter [tilespmem:s8], [sflag:$0x8], $0x3000, $0x38;
	[tilespmem:$0xC080] =	vst v63  }
0xdd: {  	_ =	swait.ge [sflag:s9], $0x3000  }
0xde: {  	s17 =	sshrl.u32 s25, $0x3;
	[sflag:s9] =	ssyncset.done $0x0  }
0xdf: {  	s17 =	sadd.s32 s30, s17;
	[sflag:s9] =	ssyncadd.s32 $0xFFFFD000  }
0xe0: {  	[tilespmem:s8], [sflag:$0x4] =	stream.linear.gather [hbm4b:s17+s2], $0x3000, $0x38;
	[tilespmem:$0xC080] =	vst v63  }
0xe1: {  	_ =	swait.ge [sflag:s29], $0x3000  }
0xe2: {  	[sflag:s29] =	ssyncset.done $0x0  }
0xe3: {  	s28 =	smul.u32 $0x3000, s22;
	s26 =	rddreg [dreg:$0x14];
	[sflag:s29] =	ssyncadd.s32 $0xFFFFD000  }
0xe4: {  	[hbm4b:s26+s2] =	stream.linear.scatter [tilespmem:s18], [sflag:$0x5], $0x3000, $0x38;
	[tilespmem:$0xC080] =	vst v63  }
0xe5: {  	_ =	swait.ge [sflag:s3], $0x3000  }
0xe6: {  	s17 =	sshrl.u32 s28, $0x3;
	[sflag:s3] =	ssyncset.done $0x0  }
0xe7: {  	s17 =	sadd.s32 s30, s17;
	[sflag:s3] =	ssyncadd.s32 $0xFFFFD000  }
0xe8: {  	[tilespmem:s18], [sflag:$0x1] =	stream.linear.gather [hbm4b:s17+s2], $0x3000, $0x38;
	[tilespmem:$0xC080] =	vst v63  }
0xe9: {  	_ =	swait.ge [sflag:s14], $0x3000  }
0xea: {  	[sflag:s14] =	ssyncset.done $0x0;
	s31 =	sld [smem:$0x7F3]  }
0xeb: {  	s29 =	rddreg [dreg:$0x15];
	[sflag:s14] =	ssyncadd.s32 $0xFFFFD000  }
0xec: {  	[hbm4b:s29+s2] =	stream.linear.scatter [tilespmem:s12], [sflag:$0x6], $0x3000, $0x38;
	[tilespmem:$0xC080] =	vst v63  }
0xed: {  	s15 =	simm.s32 $0x6;
	s7 =	smul.u32 $0x3000, s31  }
0xee: {  	_ =	swait.ge [sflag:s15], $0x3000  }
0xef: {  	[sflag:s15] =	ssyncset.done $0x0;
	s10 =	sshrl.u32 s7, $0x3  }
0xf0: {  	s23 =	simm.s32 $0x3;
	[sflag:s15] =	ssyncadd.s32 $0xFFFFD000;
	s10 =	sadd.s32 s30, s10  }
0xf1: {  	[tilespmem:s12], [sflag:$0x2] =	stream.linear.gather [hbm4b:s10+s2], $0x3000, $0x38;
	[tilespmem:$0xC080] =	vst v63  }
0xf2: {  	_ =	swait.ge [sflag:s23], $0x3000  }
0xf3: {  	[sflag:s23] =	ssyncset.done $0x0;
	s17 =	sld [smem:$0x7F4]  }
0xf4: {  	s13 =	rddreg [dreg:$0x16];
	[sflag:s23] =	ssyncadd.s32 $0xFFFFD000  }
0xf5: {  	[hbm4b:s13+s2] =	stream.linear.scatter [tilespmem:s11], [sflag:$0x7], $0x3000, $0x38;
	[tilespmem:$0xC080] =	vst v63  }
0xf6: {  	s19 =	smul.u32 $0x3000, s17  }
0xf7: {  	_ =	swait.ge [sflag:s20], $0x3000  }
0xf8: {  	[sflag:s20] =	ssyncset.done $0x0;
	s7 =	sshrl.u32 s19, $0x3  }
0xf9: {  	[sflag:s20] =	ssyncadd.s32 $0xFFFFD000;
	s7 =	sadd.s32 s30, s7  }
0xfa: {  	[tilespmem:s11], [sflag:$0x3] =	stream.linear.gather [hbm4b:s7+s2], $0x3000, $0x38;
	[tilespmem:$0xC080] =	vst v63  }
0xfb: {  	_ =	swait.ge [sflag:s24], $0x3000  }
0xfc: {  	[sflag:s24] =	ssyncset.done $0x0  }
0xfd: {  	s5 =	smul.u32 $0x3000, s5;
	s21 =	rddreg [dreg:$0x17];
	[sflag:s24] =	ssyncadd.s32 $0xFFFFD000  }
0xfe: {  	[hbm4b:s21+s2] =	stream.linear.scatter [tilespmem:s8], [sflag:$0x8], $0x3000, $0x38;
	[tilespmem:$0xC080] =	vst v63  }
0xff: {  	_ =	swait.ge [sflag:s9], $0x3000  }
0x100: {  	s5 =	sshrl.u32 s5, $0x3;
	[sflag:s9] =	ssyncset.done $0x0  }
0x101: {  	s5 =	sadd.s32 s30, s5;
	s14 =	simm.s32 $0x1;
	[sflag:s9] =	ssyncadd.s32 $0xFFFFD000  }
0x102: {  	[tilespmem:s8], [sflag:$0x4] =	stream.linear.gather [hbm4b:s5+s2], $0x3000, $0x38;
	[tilespmem:$0xC080] =	vst v63  }
0x103: {  	_ =	swait.ge [sflag:s14], $0x3000  }
0x104: {  	[sflag:s14] =	ssyncset.done $0x0  }
0x105: {  	s4 =	smul.u32 $0x3000, s4;
	s22 =	rddreg [dreg:$0x18];
	[sflag:s14] =	ssyncadd.s32 $0xFFFFD000  }
0x106: {  	[hbm4b:s22+s2] =	stream.linear.scatter [tilespmem:s18], [sflag:$0x5], $0x3000, $0x38;
	[tilespmem:$0xC080] =	vst v63  }
0x107: {  	_ =	swait.ge [sflag:s3], $0x3000  }
0x108: {  	s4 =	sshrl.u32 s4, $0x3;
	[sflag:s3] =	ssyncset.done $0x0  }
0x109: {  	s4 =	sadd.s32 s30, s4;
	s10 =	simm.s32 $0x2;
	[sflag:s3] =	ssyncadd.s32 $0xFFFFD000  }
0x10a: {  	[tilespmem:s18], [sflag:$0x1] =	stream.linear.gather [hbm4b:s4+s2], $0x3000, $0x38;
	[tilespmem:$0xC080] =	vst v63  }
0x10b: {  	_ =	swait.ge [sflag:s10], $0x3000  }
0x10c: {  	[sflag:s10] =	ssyncset.done $0x0  }
0x10d: {  	s26 =	smul.u32 $0x3000, s6;
	s25 =	rddreg [dreg:$0x19];
	[sflag:s10] =	ssyncadd.s32 $0xFFFFD000  }
0x10e: {  	[hbm4b:s25+s2] =	stream.linear.scatter [tilespmem:s12], [sflag:$0x6], $0x3000, $0x38;
	[tilespmem:$0xC080] =	vst v63  }
0x10f: {  	_ =	swait.ge [sflag:s15], $0x3000  }
0x110: {  	s4 =	sshrl.u32 s26, $0x3;
	[sflag:s15] =	ssyncset.done $0x0  }
0x111: {  	s4 =	sadd.s32 s30, s4;
	[sflag:s15] =	ssyncadd.s32 $0xFFFFD000  }
0x112: {  	[tilespmem:s12], [sflag:$0x2] =	stream.linear.gather [hbm4b:s4+s2], $0x3000, $0x38;
	[tilespmem:$0xC080] =	vst v63  }
0x113: {  	_ =	swait.ge [sflag:s23], $0x3000  }
0x114: {  	[sflag:s23] =	ssyncset.done $0x0;
	s29 =	sld [smem:$0x7F5]  }
0x115: {  	s28 =	rddreg [dreg:$0x1a];
	[sflag:s23] =	ssyncadd.s32 $0xFFFFD000  }
0x116: {  	[hbm4b:s28+s2] =	stream.linear.scatter [tilespmem:s11], [sflag:$0x7], $0x3000, $0x38;
	[tilespmem:$0xC080] =	vst v63  }
0x117: {  	s31 =	smul.u32 $0x3000, s29  }
0x118: {  	_ =	swait.ge [sflag:s20], $0x3000  }
0x119: {  	[sflag:s20] =	ssyncset.done $0x0;
	s4 =	sshrl.u32 s31, $0x3  }
0x11a: {  	[sflag:s20] =	ssyncadd.s32 $0xFFFFD000;
	s4 =	sadd.s32 s30, s4  }
0x11b: {  	[tilespmem:s11], [sflag:$0x3] =	stream.linear.gather [hbm4b:s4+s2], $0x3000, $0x38;
	[tilespmem:$0xC080] =	vst v63  }
0x11c: {  	_ =	swait.ge [sflag:s24], $0x3000  }
0x11d: {  	[sflag:s24] =	ssyncset.done $0x0;
	s5 =	sld [smem:$0x7F6]  }
0x11e: {  	s1 =	rddreg [dreg:$0x1b];
	[sflag:s24] =	ssyncadd.s32 $0xFFFFD000  }
0x11f: {  	[hbm4b:s1+s2] =	stream.linear.scatter [tilespmem:s8], [sflag:$0x8], $0x3000, $0x38;
	[tilespmem:$0xC080] =	vst v63  }
0x120: {  	s7 =	smul.u32 $0x3000, s5  }
0x121: {  	_ =	swait.ge [sflag:s9], $0x3000  }
0x122: {  	[sflag:s9] =	ssyncset.done $0x0;
	s4 =	sshrl.u32 s7, $0x3  }
0x123: {  	[sflag:s9] =	ssyncadd.s32 $0xFFFFD000;
	s4 =	sadd.s32 s30, s4  }
0x124: {  	[tilespmem:s8], [sflag:$0x4] =	stream.linear.gather [hbm4b:s4+s2], $0x3000, $0x38;
	[tilespmem:$0xC080] =	vst v63  }
0x125: {  	_ =	swait.ge [sflag:s14], $0x3000  }
0x126: {  	s16 =	smul.u32 $0x3000, s16;
	[sflag:s14] =	ssyncset.done $0x0  }
0x127: {  	s6 =	simm.s32 $0x80;
	s13 =	rddreg [dreg:$0x1c];
	[sflag:s14] =	ssyncadd.s32 $0xFFFFD000  }
0x128: {  	[hbm4b:s13+s2] =	stream.linear.scatter [tilespmem:s6], [sflag:$0x5], $0x3000, $0x38;
	[tilespmem:$0xC080] =	vst v63  }
0x129: {  	_ =	swait.ge [sflag:s3], $0x3000  }
0x12a: {  	s4 =	sshrl.u32 s16, $0x3;
	[sflag:s3] =	ssyncset.done $0x0  }
0x12b: {  	s4 =	sadd.s32 s30, s4;
	[sflag:s3] =	ssyncadd.s32 $0xFFFFD000  }
0x12c: {  	[tilespmem:s6], [sflag:$0x1] =	stream.linear.gather [hbm4b:s4+s2], $0x3000, $0x38;
	[tilespmem:$0xC080] =	vst v63  }
0x12d: {  	_ =	swait.ge [sflag:s10], $0x3000  }
0x12e: {  	[sflag:s10] =	ssyncset.done $0x0;
	s18 =	sld [smem:$0x7F7]  }
0x12f: {  	s17 =	rddreg [dreg:$0x1d];
	[sflag:s10] =	ssyncadd.s32 $0xFFFFD000  }
0x130: {  	[hbm4b:s17+s2] =	stream.linear.scatter [tilespmem:s12], [sflag:$0x6], $0x3000, $0x38;
	[tilespmem:$0xC080] =	vst v63  }
0x131: {  	s1 =	smul.u32 $0x3000, s18  }
0x132: {  	_ =	swait.ge [sflag:s15], $0x3000  }
0x133: {  	[sflag:s15] =	ssyncset.done $0x0;
	s1 =	sshrl.u32 s1, $0x3  }
0x134: {  	[sflag:s15] =	ssyncadd.s32 $0xFFFFD000;
	s1 =	sadd.s32 s30, s1  }
0x135: {  	[tilespmem:s12], [sflag:$0x2] =	stream.linear.gather [hbm4b:s1+s2], $0x3000, $0x38;
	[tilespmem:$0xC080] =	vst v63  }
0x136: {  	_ =	swait.ge [sflag:s23], $0x3000  }
0x137: {  	[sflag:s23] =	ssyncset.done $0x0;
	s21 =	sld [smem:$0x7F8]  }
0x138: {  	s19 =	rddreg [dreg:$0x1e];
	[sflag:s23] =	ssyncadd.s32 $0xFFFFD000  }
0x139: {  	[hbm4b:s19+s2] =	stream.linear.scatter [tilespmem:s11], [sflag:$0x7], $0x3000, $0x38;
	[tilespmem:$0xC080] =	vst v63  }
0x13a: {  	s1 =	smul.u32 $0x3000, s21  }
0x13b: {  	_ =	swait.ge [sflag:s20], $0x3000  }
0x13c: {  	[sflag:s20] =	ssyncset.done $0x0;
	s1 =	sshrl.u32 s1, $0x3  }
0x13d: {  	[sflag:s20] =	ssyncadd.s32 $0xFFFFD000;
	s1 =	sadd.s32 s30, s1  }
0x13e: {  	[tilespmem:s11], [sflag:$0x3] =	stream.linear.gather [hbm4b:s1+s2], $0x3000, $0x38;
	[tilespmem:$0xC080] =	vst v63  }
0x13f: {  	_ =	swait.ge [sflag:s24], $0x3000  }
0x140: {  	[sflag:s24] =	ssyncset.done $0x0  }
0x141: {  	s0 =	smul.u32 $0x3000, s0;
	s22 =	rddreg [dreg:$0x1f];
	[sflag:s24] =	ssyncadd.s32 $0xFFFFD000  }
0x142: {  	[hbm4b:s22+s2] =	stream.linear.scatter [tilespmem:s8], [sflag:$0x8], $0x3000, $0x38;
	[tilespmem:$0xC080] =	vst v63  }
0x143: {  	_ =	swait.ge [sflag:s9], $0x3000  }
0x144: {  	s0 =	sshrl.u32 s0, $0x3;
	[sflag:s9] =	ssyncset.done $0x0  }
0x145: {  	s0 =	sadd.s32 s30, s0;
	[sflag:s9] =	ssyncadd.s32 $0xFFFFD000  }
0x146: {  	[tilespmem:s8], [sflag:$0x4] =	stream.linear.gather [hbm4b:s0+s2], $0x3000, $0x38;
	[tilespmem:$0xC080] =	vst v63  }
0x147: {  	_ =	swait.ge [sflag:s14], $0x3000  }
0x148: {  	s25 =	sld [smem:$0x7FA]  }
0x149: {  	[sflag:s14] =	ssyncset.done $0x0  }
0x14a: {  	[sflag:s14] =	ssyncadd.s32 $0xFFFFD000  }
0x14b: {  	[hbm4b:s25+s2] =	stream.linear.scatter [tilespmem:s6], [sflag:$0x5], $0x3000, $0x38;
	[tilespmem:$0xC080] =	vst v63  }
0x14c: {  	_ =	swait.ge [sflag:s3], $0x3000  }
0x14d: {  	[sflag:s3] =	ssyncset.done $0x0  }
0x14e: {  	[sflag:s3] =	ssyncadd.s32 $0xFFFFD000  }
0x14f: {  	_ =	swait.ge [sflag:s10], $0x3000  }
0x150: {  	s26 =	sld [smem:$0x7FB]  }
0x151: {  	[sflag:s10] =	ssyncset.done $0x0  }
0x152: {  	[sflag:s10] =	ssyncadd.s32 $0xFFFFD000  }
0x153: {  	[hbm4b:s26+s2] =	stream.linear.scatter [tilespmem:s12], [sflag:$0x6], $0x3000, $0x38;
	[tilespmem:$0xC080] =	vst v63  }
0x154: {  	_ =	swait.ge [sflag:s15], $0x3000  }
0x155: {  	[sflag:s15] =	ssyncset.done $0x0  }
0x156: {  	[sflag:s15] =	ssyncadd.s32 $0xFFFFD000  }
0x157: {  	_ =	swait.ge [sflag:s23], $0x3000  }
0x158: {  	s28 =	sld [smem:$0x7FC]  }
0x159: {  	[sflag:s23] =	ssyncset.done $0x0  }
0x15a: {  	[sflag:s23] =	ssyncadd.s32 $0xFFFFD000  }
0x15b: {  	[hbm4b:s28+s2] =	stream.linear.scatter [tilespmem:s11], [sflag:$0x7], $0x3000, $0x38;
	[tilespmem:$0xC080] =	vst v63  }
0x15c: {  	_ =	swait.ge [sflag:s20], $0x3000  }
0x15d: {  	[sflag:s20] =	ssyncset.done $0x0  }
0x15e: {  	[sflag:s20] =	ssyncadd.s32 $0xFFFFD000  }
0x15f: {  	_ =	swait.ge [sflag:s24], $0x3000  }
0x160: {  	s31 =	sld [smem:$0x7F9];
	_ =	sdelay $0x2  }
0x161: {  	s29 =	sld [smem:$0x7FD];
	p1 =	sne.s32 s31, $0x1  }
.Ltmp1:
0x162: {  	[sflag:s24] =	ssyncset.done $0x0;
	(pc) =	sbr.rel @!p1 .LBB2_6-.Ltmp1, $4  }
0x163: {  	[sflag:s24] =	ssyncadd.s32 $0xFFFFD000  }
0x164: {  	[hbm4b:s29+s2] =	stream.linear.scatter [tilespmem:s8], [sflag:$0x8], $0x3000, $0x38;
	[tilespmem:$0xC080] =	vst v63  }
0x165: {  	p0 =	por $0x1, $0x1;
	_ =	swait.ge [sflag:s9], $0x3000  }
0x166: {  	s18 =	sadd.s32 $0xFFFFFFFF, s31;
	s0 =	rddreg [dreg:$0x4];
	[sflag:s9] =	ssyncset.done $0x0  }
0x167: {  	s29 =	simm.s32 $0x1  }
0x168: {  	s28 =	simm.s32 $0x5;
	s26 =	simm.s32 $0x6;
	s13 =	simm.s32 $0x4  }
.LBB2_3:
0x169: {  	[sflag:s9] =	ssyncadd.s32 $0xFFFFD000;
	s5 =	simm.s32 $0x9  }
0x16a: {  	[tilespmem:s2], [sflag:$0x9] =	stream.linear.gather [hbm4b:s0+s2], $0x20, $0x38;
	[tilespmem:$0xC080] =	vst v63  }
0x16b: {  	_ =	swait.ge [sflag:s5], $0x20  }
0x16c: {  	[sflag:s5] =	ssyncset.done $0x0  }
0x16d: {  	[sflag:s5] =	ssyncadd.s32 $0xFFFFFFE0  }
0x16e: {  	v0 =	vld [tilespmem:$0x0];
	_ =	sdelay $0x4  }
0x16f: {  	v2 =	vnsel vm15, $0x0, v0  }
0x170: {  	v3 =	vsel vm14, $0x0, v0;
	v2 =	vxor.u32 $0x80000000, v2  }
0x171: {  	v1 =	vsel vm13, $0x0, v0;
	v3 =	vxor.u32 $0x80000000, v3;
	(xrf0) =	vmax.scan.msk.u32 $0xffff, v2  }
0x172: {  	v1 =	vxor.u32 $0x80000000, v1;
	(xrf0) =	vmax.scan.msk.u32 $0xffff, v3  }
0x173: {  	v4 =	vsel vm12, $0x0, v0;
	(xrf0) =	vmax.scan.msk.u32 $0xffff, v1  }
0x174: {  	v47 =	vxor.u32 $0x80000000, v4  }
0x175: {  	(xrf0) =	vmax.scan.msk.u32 $0xffff, v47;
	_ =	sdelay $0x1  }
0x176: {  	v5 =	vsel vm11, $0x0, v0;
	v61, _, _ =	vpop (xrf0)  }
0x177: {  	v48 =	vxor.u32 $0x80000000, v5;
	(v2sf) =	vpush v61, $0xF;
	v62, _, _ =	vpop (xrf0)  }
0x178: {  	v6 =	vsel vm10, $0x0, v0;
	(xrf0) =	vmax.scan.msk.u32 $0xffff, v48;
	v9, _, _ =	vpop (xrf0);
	(v2sf) =	vpush v62, $0xF  }
0x179: {  	v49 =	vxor.u32 $0x80000000, v6;
	(v2sf) =	vpush v9, $0xF  }
0x17a: {  	(xrf0) =	vmax.scan.msk.u32 $0xffff, v49;
	v9, _, _ =	vpop (xrf0)  }
0x17b: {  	v10 =	vsel vm0, $0x0, v0;
	(v2sf) =	vpush v9, $0xF;
	_ =	sdelay $0x2  }
0x17c: {  	v63 =	vxor.u32 $0x80000000, v10;
	v10, _, _ =	vpop (xrf0)  }
0x17d: {  	v50 =	vsel vm9, $0x0, v0;
	(v2sf) =	vpush v10, $0xF  }
0x17e: {  	v51 =	vsel vm8, $0x0, v0;
	v52 =	vxor.u32 $0x80000000, v50;
	v11, _, _ =	vpop (xrf0)  }
0x17f: {  	v7 =	vsel vm7, $0x0, v0;
	v53 =	vxor.u32 $0x80000000, v51;
	(xrf0) =	vmax.scan.msk.u32 $0xffff, v52;
	(v2sf) =	vpush v11, $0xF  }
0x180: {  	v55 =	vsel vm6, $0x0, v0;
	v54 =	vxor.u32 $0x80000000, v7;
	(xrf0) =	vmax.scan.msk.u32 $0xffff, v53  }
0x181: {  	v56 =	vsel vm5, $0x0, v0;
	v2 =	vxor.u32 $0x80000000, v55;
	(xrf0) =	vmax.scan.msk.u32 $0xffff, v54  }
0x182: {  	v8 =	vsel vm3, $0x0, v0;
	v57 =	vxor.u32 $0x80000000, v56;
	(xrf0) =	vmax.scan.msk.u32 $0xffff, v2  }
0x183: {  	v59 =	vsel vm4, $0x0, v0;
	v58 =	vxor.u32 $0x80000000, v8;
	(xrf0) =	vmax.scan.msk.u32 $0xffff, v57  }
0x184: {  	v60 =	vsel vm2, $0x0, v0;
	v5 =	vxor.u32 $0x80000000, v59;
	(xrf0) =	vmax.scan.msk.u32 $0xffff, v58;
	s7 =	spop (v2sf)  }
0x185: {  	v8 =	vxor.u32 $0x80000000, v60;
	v12, _, _ =	vpop (xrf0);
	(xrf0) =	vmax.scan.msk.u32 $0xffff, v5;
	s0 =	smul.u32 $0x3000, s7;
	s1 =	spop (v2sf)  }
0x186: {  	v0 =	vsel vm1, $0x0, v0;
	v13, _, _ =	vpop (xrf0);
	(xrf0) =	vmax.scan.msk.u32 $0xffff, v8;
	(v2sf) =	vpush v12, $0xF;
	s1 =	smul.u32 $0x3000, s1;
	s4 =	spop (v2sf)  }
0x187: {  	v21 =	vld [tilespmem:$0x10];
	v0 =	vxor.u32 $0x80000000, v0;
	v6, _, _ =	vpop (xrf0);
	(xrf0) =	vmax.scan.msk.u32 $0xffff, v63;
	s0 =	sshrl.u32 s0, $0x3;
	s4 =	smul.u32 $0x3000, s4  }
0x188: {  	v14, _, _ =	vpop (xrf0);
	(xrf0) =	vmax.scan.msk.u32 $0xffff, v0;
	s5 =	spop (v2sf);
	s0 =	sadd.s32 s30, s0;
	s1 =	sshrl.u32 s1, $0x3  }
0x189: {  	v15, _, _ =	vpop (xrf0);
	(v2sf) =	vpush v13, $0xF;
	[tilespmem:s6], [sflag:$0x1] =	stream.linear.gather [hbm4b:s0+s2], $0x3000, $0x38;
	[tilespmem:$0xC080] =	vst v63  }
0x18a: {  	v16, _, _ =	vpop (xrf0);
	(v2sf) =	vpush v6, $0xF;
	s5 =	smul.u32 $0x3000, s5;
	s16 =	sadd.s32 s30, s1;
	s17 =	sshrl.u32 s4, $0x3  }
0x18b: {  	v17, _, _ =	vpop (xrf0);
	[tilespmem:s12], [sflag:$0x2] =	stream.linear.gather [hbm4b:s16+s2], $0x3000, $0x38;
	[tilespmem:$0xC080] =	vst v63  }
0x18c: {  	v22 =	vnsel vm15, $0x0, v21;
	v18, _, _ =	vpop (xrf0);
	(v2sf) =	vpush v14, $0xF;
	s22 =	spop (v2sf);
	s19 =	sshrl.u32 s5, $0x3;
	s21 =	sadd.s32 s30, s17  }
0x18d: {  	v0 =	vxor.u32 $0x80000000, v22;
	v19, _, _ =	vpop (xrf0);
	(v2sf) =	vpush v15, $0xF;
	[tilespmem:s11], [sflag:$0x3] =	stream.linear.gather [hbm4b:s21+s2], $0x3000, $0x38;
	[tilespmem:$0xC080] =	vst v63  }
0x18e: {  	v20, _, _ =	vpop (xrf0);
	(xrf0) =	vmax.scan.msk.u32 $0xffff, v0;
	(v2sf) =	vpush v16, $0xF;
	s31 =	spop (v2sf);
	s25 =	sadd.s32 s30, s19  }
0x18f: {  	v23 =	vsel vm14, $0x0, v21;
	(v2sf) =	vpush v17, $0xF;
	[tilespmem:s8], [sflag:$0x4] =	stream.linear.gather [hbm4b:s25+s2], $0x3000, $0x38;
	[tilespmem:$0xC080] =	vst v63  }
0x190: {  	v24 =	vsel vm13, $0x0, v21;
	v1 =	vxor.u32 $0x80000000, v23;
	_ =	swait.ge [sflag:s14], $0x3000  }
0x191: {  	v25 =	vsel vm12, $0x0, v21;
	v2 =	vxor.u32 $0x80000000, v24;
	(xrf0) =	vmax.scan.msk.u32 $0xffff, v1;
	s16 =	sld [smem:$0x7F2]  }
0x192: {  	v27 =	vxor.u32 $0x80000000, v25;
	[sflag:s14] =	ssyncset.done $0x0;
	(xrf0) =	vmax.scan.msk.u32 $0xffff, v2  }
0x193: {  	v26 =	vsel vm11, $0x0, v21;
	s1 =	smul.u32 $0x3000, s22;
	[sflag:s14] =	ssyncadd.s32 $0xFFFFD000;
	(xrf0) =	vmax.scan.msk.u32 $0xffff, v27  }
0x194: {  	v28 =	vxor.u32 $0x80000000, v26;
	[hbm4b:s16+s2] =	stream.linear.scatter [tilespmem:s6], [sflag:$0x5], $0x3000, $0x38;
	[tilespmem:$0xC080] =	vst v63  }
0x195: {  	v29 =	vsel vm10, $0x0, v21;
	s7 =	spop (v2sf);
	(v2sf) =	vpush v18, $0xF;
	(xrf0) =	vmax.scan.msk.u32 $0xffff, v28  }
0x196: {  	v31 =	vsel vm9, $0x0, v21;
	v30 =	vxor.u32 $0x80000000, v29;
	s1 =	sshrl.u32 s1, $0x3;
	s14 =	smul.u32 $0x3000, s7;
	_ =	swait.ge [sflag:s3], $0x3000  }
0x197: {  	v32 =	vsel vm8, $0x0, v21;
	v33 =	vxor.u32 $0x80000000, v31;
	s1 =	sadd.s32 s30, s1;
	(xrf0) =	vmax.scan.msk.u32 $0xffff, v30  }
0x198: {  	v34 =	vxor.u32 $0x80000000, v32;
	s0 =	sshrl.u32 s14, $0x3;
	s17 =	spop (v2sf);
	[sflag:s3] =	ssyncset.done $0x0;
	v41, _, _ =	vpop (xrf0);
	(xrf0) =	vmax.scan.msk.u32 $0xffff, v33  }
0x199: {  	v35 =	vsel vm7, $0x0, v21;
	s14 =	simm.s32 $0x80;
	(v2sf) =	vpush v19, $0xF;
	s19 =	spop (v2sf);
	[sflag:s3] =	ssyncadd.s32 $0xFFFFD000;
	v45, _, _ =	vpop (xrf0);
	(xrf0) =	vmax.scan.msk.u32 $0xffff, v34  }
0x19a: {  	v36 =	vxor.u32 $0x80000000, v35;
	(v2sf) =	vpush v20, $0xF;
	[tilespmem:s14], [sflag:$0x1] =	stream.linear.gather [hbm4b:s1+s2], $0x3000, $0x38;
	[tilespmem:$0xC080] =	vst v63  }
0x19b: {  	v37 =	vsel vm6, $0x0, v21;
	(v2sf) =	vpush v41, $0xF;
	v47, _, _ =	vpop (xrf0);
	(xrf0) =	vmax.scan.msk.u32 $0xffff, v36  }
0x19c: {  	v38 =	vxor.u32 $0x80000000, v37;
	v11 =	vsel vm5, $0x0, v21;
	_ =	swait.ge [sflag:s10], $0x3000  }
0x19d: {  	v40 =	vsel vm3, $0x0, v21;
	v39 =	vxor.u32 $0x80000000, v11;
	v50, _, _ =	vpop (xrf0);
	(xrf0) =	vmax.scan.msk.u32 $0xffff, v38  }
0x19e: {  	v42 =	vxor.u32 $0x80000000, v40;
	[sflag:s10] =	ssyncset.done $0x0;
	v52, _, _ =	vpop (xrf0);
	(xrf0) =	vmax.scan.msk.u32 $0xffff, v39  }
0x19f: {  	v43 =	vsel vm4, $0x0, v21;
	s21 =	rddreg [dreg:$0x5];
	s25 =	spop (v2sf);
	[sflag:s10] =	ssyncadd.s32 $0xFFFFD000;
	v53, _, _ =	vpop (xrf0);
	(xrf0) =	vmax.scan.msk.u32 $0xffff, v42  }
0x1a0: {  	v44 =	vsel vm2, $0x0, v21;
	v4 =	vxor.u32 $0x80000000, v43;
	(v2sf) =	vpush v45, $0xF;
	[hbm4b:s21+s2] =	stream.linear.scatter [tilespmem:s12], [sflag:$0x6], $0x3000, $0x38;
	[tilespmem:$0xC080] =	vst v63  }
0x1a1: {  	v46 =	vxor.u32 $0x80000000, v44;
	s5 =	smul.u32 $0x3000, s31;
	s7 =	spop (v2sf);
	v54, _, _ =	vpop (xrf0);
	(xrf0) =	vmax.scan.msk.u32 $0xffff, v4  }
0x1a2: {  	s6 =	smul.u32 $0x3000, s19;
	s31 =	spop (v2sf);
	(v2sf) =	vpush v47, $0xF;
	v55, _, _ =	vpop (xrf0);
	(xrf0) =	vmax.scan.msk.u32 $0xffff, v46  }
0x1a3: {  	v48 =	vsel vm0, $0x0, v21;
	_ =	swait.ge [sflag:s15], $0x3000  }
0x1a4: {  	v49 =	vsel vm1, $0x0, v21;
	v0 =	vxor.u32 $0x80000000, v48;
	s4 =	sshrl.u32 s5, $0x3;
	s22 =	sshrl.u32 s6, $0x3;
	s6 =	smul.u32 $0x3000, s25;
	v56, _, _ =	vpop (xrf0)  }
0x1a5: {  	v51 =	vxor.u32 $0x80000000, v49;
	s4 =	sadd.s32 s30, s4;
	(v2sf) =	vpush v50, $0xF;
	(xrf0) =	vmax.scan.msk.u32 $0xffff, v0;
	[sflag:s15] =	ssyncset.done $0x0;
	s10 =	spop (v2sf);
	v57, _, _ =	vpop (xrf0)  }
0x1a6: {  	s21 =	sshrl.u32 s6, $0x3;
	(v2sf) =	vpush v52, $0xF;
	(xrf0) =	vmax.scan.msk.u32 $0xffff, v51;
	[sflag:s15] =	ssyncadd.s32 $0xFFFFD000;
	s6 =	smul.u32 $0x3000, s10;
	v58, _, _ =	vpop (xrf0)  }
0x1a7: {  	[tilespmem:s12], [sflag:$0x2] =	stream.linear.gather [hbm4b:s4+s2], $0x3000, $0x38;
	v59, _, _ =	vpop (xrf0);
	[tilespmem:$0xC080] =	vst v63  }
0x1a8: {  	s5 =	smul.u32 $0x3000, s17;
	_ =	swait.ge [sflag:s23], $0x3000  }
0x1a9: {  	s7 =	smul.u32 $0x3000, s7;
	s4 =	sshrl.u32 s6, $0x3;
	v60, _, _ =	vpop (xrf0);
	s16 =	spop (v2sf)  }
0x1aa: {  	(v2sf) =	vpush v53, $0xF;
	s15 =	rddreg [dreg:$0x6];
	[sflag:s23] =	ssyncset.done $0x0;
	v61, _, _ =	vpop (xrf0);
	s17 =	spop (v2sf)  }
0x1ab: {  	s6 =	smul.u32 $0x3000, s16;
	[sflag:s23] =	ssyncadd.s32 $0xFFFFD000;
	v62, _, _ =	vpop (xrf0);
	s16 =	spop (v2sf)  }
0x1ac: {  	[hbm4b:s15+s2] =	stream.linear.scatter [tilespmem:s11], [sflag:$0x7], $0x3000, $0x38;
	v63, _, _ =	vpop (xrf0);
	[tilespmem:$0xC080] =	vst v63  }
0x1ad: {  	_ =	swait.ge [sflag:s20], $0x3000  }
0x1ae: {  	s19 =	sshrl.u32 s7, $0x3;
	s7 =	smul.u32 $0x3000, s31;
	s25 =	spop (v2sf)  }
0x1af: {  	s10 =	smul.u32 $0x3000, s17;
	[sflag:s20] =	ssyncset.done $0x0;
	s17 =	spop (v2sf)  }
0x1b0: {  	s0 =	sadd.s32 s30, s0;
	(v2sf) =	vpush v54, $0xF;
	[sflag:s20] =	ssyncadd.s32 $0xFFFFD000;
	s31 =	smul.u32 $0x3000, s17  }
0x1b1: {  	(v2sf) =	vpush v55, $0xF;
	[tilespmem:s11], [sflag:$0x3] =	stream.linear.gather [hbm4b:s0+s2], $0x3000, $0x38;
	[tilespmem:$0xC080] =	vst v63  }
0x1b2: {  	s1 =	sshrl.u32 s5, $0x3;
	_ =	swait.ge [sflag:s24], $0x3000  }
0x1b3: {  	s5 =	smul.u32 $0x3000, s25;
	s0 =	sshrl.u32 s31, $0x3;
	(v2sf) =	vpush v56, $0xF;
	s25 =	spop (v2sf)  }
0x1b4: {  	s20 =	rddreg [dreg:$0x7];
	[sflag:s24] =	ssyncset.done $0x0;
	s31 =	spop (v2sf)  }
0x1b5: {  	s23 =	smul.u32 $0x3000, s25;
	[sflag:s13] =	ssyncadd.s32 $0xFFFFD000;
	s25 =	spop (v2sf)  }
0x1b6: {  	[hbm4b:s20+s2] =	stream.linear.scatter [tilespmem:s8], [sflag:$0x8], $0x3000, $0x38;
	(v2sf) =	vpush v57, $0xF;
	[tilespmem:$0xC080] =	vst v63  }
0x1b7: {  	s1 =	sadd.s32 s30, s1;
	_ =	swait.ge [sflag:s9], $0x3000  }
0x1b8: {  	s16 =	smul.u32 $0x3000, s16;
	s17 =	sshrl.u32 s5, $0x3;
	(v2sf) =	vpush v58, $0xF;
	[sflag:s9] =	ssyncset.done $0x0  }
0x1b9: {  	s11 =	smul.u32 $0x3000, s31;
	[sflag:s9] =	ssyncadd.s32 $0xFFFFD000;
	s20 =	spop (v2sf)  }
0x1ba: {  	(v2sf) =	vpush v59, $0xF;
	[tilespmem:s8], [sflag:$0x4] =	stream.linear.gather [hbm4b:s1+s2], $0x3000, $0x38;
	[tilespmem:$0xC080] =	vst v63  }
0x1bb: {  	s5 =	sshrl.u32 s16, $0x3;
	_ =	swait.ge [sflag:s29], $0x3000;
	s24 =	smul.u32 $0x3000, s20  }
0x1bc: {  	s16 =	sshrl.u32 s23, $0x3;
	s1 =	sshrl.u32 s11, $0x3;
	[sflag:s29] =	ssyncset.done $0x0  }
0x1bd: {  	(v2sf) =	vpush v60, $0xF;
	s23 =	rddreg [dreg:$0x8];
	[sflag:s29] =	ssyncadd.s32 $0xFFFFD000;
	s11 =	sshrl.u32 s24, $0x3  }
0x1be: {  	[hbm4b:s23+s2] =	stream.linear.scatter [tilespmem:s14], [sflag:$0x5], $0x3000, $0x38;
	[tilespmem:$0xC080] =	vst v63  }
0x1bf: {  	s3 =	simm.s32 $0x2;
	[smem:$0x7ED] =	sst s11;
	s9 =	spop (v2sf);
	(v2sf) =	vpush v61, $0xF  }
0x1c0: {  	s22 =	sadd.s32 s30, s22;
	s25 =	smul.u32 $0x3000, s25;
	_ =	swait.ge [sflag:s28], $0x3000  }
0x1c1: {  	s20 =	smul.u32 $0x3000, s9;
	s24 =	spop (v2sf);
	[sflag:s28] =	ssyncset.done $0x0  }
0x1c2: {  	(v2sf) =	vpush v62, $0xF;
	s23 =	smul.u32 $0x3000, s24;
	[sflag:s28] =	ssyncadd.s32 $0xFFFFD000;
	s8 =	spop (v2sf)  }
0x1c3: {  	(v2sf) =	vpush v63, $0xF;
	[tilespmem:s14], [sflag:$0x1] =	stream.linear.gather [hbm4b:s22+s2], $0x3000, $0x38;
	[tilespmem:$0xC080] =	vst v63  }
0x1c4: {  	s24 =	smul.u32 $0x3000, s8;
	_ =	swait.ge [sflag:s3], $0x3000;
	s9 =	sshrl.u32 s23, $0x3  }
0x1c5: {  	s31 =	sshrl.u32 s25, $0x3;
	s25 =	sshrl.u32 s20, $0x3;
	[smem:$0x7EE] =	sst s9  }
0x1c6: {  	[sflag:s3] =	ssyncset.done $0x0;
	s11 =	sshrl.u32 s24, $0x3;
	s24 =	spop (v2sf)  }
0x1c7: {  	s20 =	rddreg [dreg:$0x9];
	[sflag:s3] =	ssyncadd.s32 $0xFFFFD000;
	s8 =	spop (v2sf)  }
0x1c8: {  	[hbm4b:s20+s2] =	stream.linear.scatter [tilespmem:s12], [sflag:$0x6], $0x3000, $0x38;
	[tilespmem:$0xC080] =	vst v63  }
0x1c9: {  	[smem:$0x7EF] =	sst s11;
	s9 =	spop (v2sf)  }
0x1ca: {  	_ =	swait.ge [sflag:s26], $0x3000  }
0x1cb: {  	s21 =	sadd.s32 s30, s21;
	s15 =	simm.s32 $0x3;
	[sflag:s26] =	ssyncset.done $0x0  }
0x1cc: {  	s20 =	smul.u32 $0x3000, s9;
	s11 =	spop (v2sf);
	[sflag:s26] =	ssyncadd.s32 $0xFFFFD000  }
0x1cd: {  	[tilespmem:s12], [sflag:$0x2] =	stream.linear.gather [hbm4b:s21+s2], $0x3000, $0x38;
	[tilespmem:$0xC080] =	vst v63  }
0x1ce: {  	s23 =	smul.u32 $0x3000, s24;
	s21 =	sshrl.u32 s20, $0x3;
	_ =	swait.ge [sflag:s15], $0x3000  }
0x1cf: {  	s24 =	smul.u32 $0x3000, s8;
	s12 =	simm.s32 $0x6080;
	[smem:$0x7F0] =	sst s21  }
0x1d0: {  	s20 =	rddreg [dreg:$0xa];
	s8 =	spop (v2sf);
	[sflag:s15] =	ssyncset.done $0x0  }
0x1d1: {  	s21 =	smul.u32 $0x3000, s8;
	s9 =	spop (v2sf);
	[sflag:s15] =	ssyncadd.s32 $0xFFFFD000  }
0x1d2: {  	[hbm4b:s20+s2] =	stream.linear.scatter [tilespmem:s12], [sflag:$0x7], $0x3000, $0x38;
	[tilespmem:$0xC080] =	vst v63  }
0x1d3: {  	s8 =	smul.u32 $0x3000, s9;
	s20 =	simm.s32 $0x7;
	s9 =	spop (v2sf)  }
0x1d4: {  	_ =	swait.ge [sflag:s20], $0x3000  }
0x1d5: {  	s19 =	sadd.s32 s30, s19;
	s8 =	sshrl.u32 s8, $0x3;
	[sflag:s20] =	ssyncset.done $0x0  }
0x1d6: {  	s22 =	smul.u32 $0x3000, s11;
	[smem:$0x7F1] =	sst s8;
	[sflag:s20] =	ssyncadd.s32 $0xFFFFD000  }
0x1d7: {  	[tilespmem:s12], [sflag:$0x3] =	stream.linear.gather [hbm4b:s19+s2], $0x3000, $0x38;
	[tilespmem:$0xC080] =	vst v63  }
0x1d8: {  	s8 =	smul.u32 $0x3000, s9;
	_ =	swait.ge [sflag:s13], $0x3000  }
0x1d9: {  	s11 =	simm.s32 $0x9080;
	s9 =	simm.s32 $0x8;
	[sflag:s13] =	ssyncset.done $0x0  }
0x1da: {  	s19 =	sshrl.u32 s8, $0x3;
	s8 =	rddreg [dreg:$0xb];
	[sflag:s13] =	ssyncadd.s32 $0xFFFFD000  }
0x1db: {  	[hbm4b:s8+s2] =	stream.linear.scatter [tilespmem:s11], [sflag:$0x8], $0x3000, $0x38;
	[tilespmem:$0xC080] =	vst v63  }
0x1dc: {  	_ =	swait.ge [sflag:s9], $0x3000  }
0x1dd: {  	s7 =	sshrl.u32 s7, $0x3;
	[sflag:s9] =	ssyncset.done $0x0  }
0x1de: {  	s7 =	sadd.s32 s30, s7;
	s8 =	simm.s32 $0x9080;
	[sflag:s9] =	ssyncadd.s32 $0xFFFFD000  }
0x1df: {  	[tilespmem:s8], [sflag:$0x4] =	stream.linear.gather [hbm4b:s7+s2], $0x3000, $0x38;
	[tilespmem:$0xC080] =	vst v63  }
0x1e0: {  	_ =	swait.ge [sflag:s29], $0x3000  }
0x1e1: {  	[sflag:s29] =	ssyncset.done $0x0  }
0x1e2: {  	s7 =	rddreg [dreg:$0xc];
	[sflag:s29] =	ssyncadd.s32 $0xFFFFD000  }
0x1e3: {  	[hbm4b:s7+s2] =	stream.linear.scatter [tilespmem:s14], [sflag:$0x5], $0x3000, $0x38;
	[tilespmem:$0xC080] =	vst v63  }
0x1e4: {  	_ =	swait.ge [sflag:s28], $0x3000  }
0x1e5: {  	[sflag:s28] =	ssyncset.done $0x0  }
0x1e6: {  	s4 =	sadd.s32 s30, s4;
	[sflag:s28] =	ssyncadd.s32 $0xFFFFD000  }
0x1e7: {  	[tilespmem:s14], [sflag:$0x1] =	stream.linear.gather [hbm4b:s4+s2], $0x3000, $0x38;
	[tilespmem:$0xC080] =	vst v63  }
0x1e8: {  	_ =	swait.ge [sflag:s3], $0x3000  }
0x1e9: {  	[sflag:s3] =	ssyncset.done $0x0  }
0x1ea: {  	s12 =	simm.s32 $0x3080;
	s7 =	rddreg [dreg:$0xd];
	[sflag:s3] =	ssyncadd.s32 $0xFFFFD000  }
0x1eb: {  	[hbm4b:s7+s2] =	stream.linear.scatter [tilespmem:s12], [sflag:$0x6], $0x3000, $0x38;
	[tilespmem:$0xC080] =	vst v63  }
0x1ec: {  	_ =	swait.ge [sflag:s26], $0x3000  }
0x1ed: {  	s6 =	sshrl.u32 s6, $0x3;
	[sflag:s26] =	ssyncset.done $0x0  }
0x1ee: {  	s7 =	sadd.s32 s30, s6;
	[sflag:s26] =	ssyncadd.s32 $0xFFFFD000  }
0x1ef: {  	[tilespmem:s12], [sflag:$0x2] =	stream.linear.gather [hbm4b:s7+s2], $0x3000, $0x38;
	[tilespmem:$0xC080] =	vst v63  }
0x1f0: {  	_ =	swait.ge [sflag:s15], $0x3000  }
0x1f1: {  	[sflag:s15] =	ssyncset.done $0x0  }
0x1f2: {  	s11 =	simm.s32 $0x6080;
	s7 =	rddreg [dreg:$0xe];
	[sflag:s15] =	ssyncadd.s32 $0xFFFFD000  }
0x1f3: {  	[hbm4b:s7+s2] =	stream.linear.scatter [tilespmem:s11], [sflag:$0x7], $0x3000, $0x38;
	[tilespmem:$0xC080] =	vst v63  }
0x1f4: {  	_ =	swait.ge [sflag:s20], $0x3000  }
0x1f5: {  	s10 =	sshrl.u32 s10, $0x3;
	[sflag:s20] =	ssyncset.done $0x0  }
0x1f6: {  	s7 =	sadd.s32 s30, s10;
	[sflag:s20] =	ssyncadd.s32 $0xFFFFD000  }
0x1f7: {  	[tilespmem:s11], [sflag:$0x3] =	stream.linear.gather [hbm4b:s7+s2], $0x3000, $0x38;
	[tilespmem:$0xC080] =	vst v63  }
0x1f8: {  	_ =	swait.ge [sflag:s13], $0x3000  }
0x1f9: {  	[sflag:s13] =	ssyncset.done $0x0  }
0x1fa: {  	s7 =	rddreg [dreg:$0xf];
	[sflag:s13] =	ssyncadd.s32 $0xFFFFD000  }
0x1fb: {  	[hbm4b:s7+s2] =	stream.linear.scatter [tilespmem:s8], [sflag:$0x8], $0x3000, $0x38;
	[tilespmem:$0xC080] =	vst v63  }
0x1fc: {  	_ =	swait.ge [sflag:s9], $0x3000  }
0x1fd: {  	[sflag:s9] =	ssyncset.done $0x0  }
0x1fe: {  	s14 =	simm.s32 $0x1;
	s7 =	sadd.s32 s30, s5;
	[sflag:s9] =	ssyncadd.s32 $0xFFFFD000  }
0x1ff: {  	[tilespmem:s8], [sflag:$0x4] =	stream.linear.gather [hbm4b:s7+s2], $0x3000, $0x38;
	[tilespmem:$0xC080] =	vst v63  }
0x200: {  	_ =	swait.ge [sflag:s14], $0x3000  }
0x201: {  	s3 =	simm.s32 $0x5;
	[sflag:s14] =	ssyncset.done $0x0  }
0x202: {  	s6 =	simm.s32 $0x80;
	s5 =	rddreg [dreg:$0x10];
	[sflag:s14] =	ssyncadd.s32 $0xFFFFD000  }
0x203: {  	[hbm4b:s5+s2] =	stream.linear.scatter [tilespmem:s6], [sflag:$0x5], $0x3000, $0x38;
	[tilespmem:$0xC080] =	vst v63  }
0x204: {  	_ =	swait.ge [sflag:s3], $0x3000  }
0x205: {  	[sflag:s3] =	ssyncset.done $0x0  }
0x206: {  	s10 =	simm.s32 $0x2;
	s7 =	sadd.s32 s30, s17;
	[sflag:s3] =	ssyncadd.s32 $0xFFFFD000  }
0x207: {  	[tilespmem:s6], [sflag:$0x1] =	stream.linear.gather [hbm4b:s7+s2], $0x3000, $0x38;
	[tilespmem:$0xC080] =	vst v63  }
0x208: {  	_ =	swait.ge [sflag:s10], $0x3000  }
0x209: {  	[sflag:s10] =	ssyncset.done $0x0  }
0x20a: {  	s17 =	rddreg [dreg:$0x11];
	[sflag:s10] =	ssyncadd.s32 $0xFFFFD000  }
0x20b: {  	[hbm4b:s17+s2] =	stream.linear.scatter [tilespmem:s12], [sflag:$0x6], $0x3000, $0x38;
	[tilespmem:$0xC080] =	vst v63  }
0x20c: {  	_ =	swait.ge [sflag:s26], $0x3000  }
0x20d: {  	[sflag:s26] =	ssyncset.done $0x0  }
0x20e: {  	s0 =	sadd.s32 s30, s0;
	[sflag:s26] =	ssyncadd.s32 $0xFFFFD000  }
0x20f: {  	[tilespmem:s12], [sflag:$0x2] =	stream.linear.gather [hbm4b:s0+s2], $0x3000, $0x38;
	[tilespmem:$0xC080] =	vst v63  }
0x210: {  	_ =	swait.ge [sflag:s15], $0x3000  }
0x211: {  	[sflag:s15] =	ssyncset.done $0x0  }
0x212: {  	s5 =	rddreg [dreg:$0x12];
	[sflag:s15] =	ssyncadd.s32 $0xFFFFD000  }
0x213: {  	[hbm4b:s5+s2] =	stream.linear.scatter [tilespmem:s11], [sflag:$0x7], $0x3000, $0x38;
	[tilespmem:$0xC080] =	vst v63  }
0x214: {  	_ =	swait.ge [sflag:s20], $0x3000  }
0x215: {  	[sflag:s20] =	ssyncset.done $0x0  }
0x216: {  	s7 =	sadd.s32 s30, s16;
	[sflag:s20] =	ssyncadd.s32 $0xFFFFD000  }
0x217: {  	[tilespmem:s11], [sflag:$0x3] =	stream.linear.gather [hbm4b:s7+s2], $0x3000, $0x38;
	[tilespmem:$0xC080] =	vst v63  }
0x218: {  	_ =	swait.ge [sflag:s13], $0x3000  }
0x219: {  	[sflag:s13] =	ssyncset.done $0x0  }
0x21a: {  	s16 =	rddreg [dreg:$0x13];
	[sflag:s13] =	ssyncadd.s32 $0xFFFFD000  }
0x21b: {  	[hbm4b:s16+s2] =	stream.linear.scatter [tilespmem:s8], [sflag:$0x8], $0x3000, $0x38;
	[tilespmem:$0xC080] =	vst v63  }
0x21c: {  	_ =	swait.ge [sflag:s9], $0x3000  }
0x21d: {  	[sflag:s9] =	ssyncset.done $0x0  }
0x21e: {  	s17 =	sadd.s32 s30, s1;
	[sflag:s9] =	ssyncadd.s32 $0xFFFFD000  }
0x21f: {  	[tilespmem:s8], [sflag:$0x4] =	stream.linear.gather [hbm4b:s17+s2], $0x3000, $0x38;
	[tilespmem:$0xC080] =	vst v63  }
0x220: {  	_ =	swait.ge [sflag:s14], $0x3000  }
0x221: {  	[sflag:s14] =	ssyncset.done $0x0  }
0x222: {  	s1 =	rddreg [dreg:$0x14];
	[sflag:s14] =	ssyncadd.s32 $0xFFFFD000  }
0x223: {  	[hbm4b:s1+s2] =	stream.linear.scatter [tilespmem:s6], [sflag:$0x5], $0x3000, $0x38;
	[tilespmem:$0xC080] =	vst v63  }
0x224: {  	_ =	swait.ge [sflag:s3], $0x3000  }
0x225: {  	[sflag:s3] =	ssyncset.done $0x0  }
0x226: {  	s4 =	sadd.s32 s30, s31;
	[sflag:s3] =	ssyncadd.s32 $0xFFFFD000  }
0x227: {  	[tilespmem:s6], [sflag:$0x1] =	stream.linear.gather [hbm4b:s4+s2], $0x3000, $0x38;
	[tilespmem:$0xC080] =	vst v63  }
0x228: {  	_ =	swait.ge [sflag:s10], $0x3000  }
0x229: {  	[sflag:s10] =	ssyncset.done $0x0  }
0x22a: {  	s5 =	rddreg [dreg:$0x15];
	[sflag:s10] =	ssyncadd.s32 $0xFFFFD000  }
0x22b: {  	[hbm4b:s5+s2] =	stream.linear.scatter [tilespmem:s12], [sflag:$0x6], $0x3000, $0x38;
	[tilespmem:$0xC080] =	vst v63  }
0x22c: {  	_ =	swait.ge [sflag:s26], $0x3000  }
0x22d: {  	s7 =	sld [smem:$0x7ED];
	_ =	sdelay $0x1  }
0x22e: {  	[sflag:s26] =	ssyncset.done $0x0  }
0x22f: {  	[sflag:s26] =	ssyncadd.s32 $0xFFFFD000;
	s0 =	sadd.s32 s30, s7  }
0x230: {  	[tilespmem:s12], [sflag:$0x2] =	stream.linear.gather [hbm4b:s0+s2], $0x3000, $0x38;
	[tilespmem:$0xC080] =	vst v63  }
0x231: {  	_ =	swait.ge [sflag:s15], $0x3000  }
0x232: {  	[sflag:s15] =	ssyncset.done $0x0  }
0x233: {  	s16 =	rddreg [dreg:$0x16];
	[sflag:s15] =	ssyncadd.s32 $0xFFFFD000  }
0x234: {  	[hbm4b:s16+s2] =	stream.linear.scatter [tilespmem:s11], [sflag:$0x7], $0x3000, $0x38;
	[tilespmem:$0xC080] =	vst v63  }
0x235: {  	_ =	swait.ge [sflag:s20], $0x3000  }
0x236: {  	[sflag:s20] =	ssyncset.done $0x0  }
0x237: {  	s17 =	sadd.s32 s30, s25;
	[sflag:s20] =	ssyncadd.s32 $0xFFFFD000  }
0x238: {  	[tilespmem:s11], [sflag:$0x3] =	stream.linear.gather [hbm4b:s17+s2], $0x3000, $0x38;
	[tilespmem:$0xC080] =	vst v63  }
0x239: {  	_ =	swait.ge [sflag:s13], $0x3000  }
0x23a: {  	[sflag:s13] =	ssyncset.done $0x0  }
0x23b: {  	s25 =	rddreg [dreg:$0x17];
	[sflag:s13] =	ssyncadd.s32 $0xFFFFD000  }
0x23c: {  	[hbm4b:s25+s2] =	stream.linear.scatter [tilespmem:s8], [sflag:$0x8], $0x3000, $0x38;
	[tilespmem:$0xC080] =	vst v63  }
0x23d: {  	_ =	swait.ge [sflag:s9], $0x3000  }
0x23e: {  	s31 =	sld [smem:$0x7EE];
	_ =	sdelay $0x1  }
0x23f: {  	[sflag:s9] =	ssyncset.done $0x0  }
0x240: {  	[sflag:s9] =	ssyncadd.s32 $0xFFFFD000;
	s0 =	sadd.s32 s30, s31  }
0x241: {  	[tilespmem:s8], [sflag:$0x4] =	stream.linear.gather [hbm4b:s0+s2], $0x3000, $0x38;
	[tilespmem:$0xC080] =	vst v63  }
0x242: {  	_ =	swait.ge [sflag:s14], $0x3000  }
0x243: {  	[sflag:s14] =	ssyncset.done $0x0  }
0x244: {  	s1 =	rddreg [dreg:$0x18];
	[sflag:s14] =	ssyncadd.s32 $0xFFFFD000  }
0x245: {  	[hbm4b:s1+s2] =	stream.linear.scatter [tilespmem:s6], [sflag:$0x5], $0x3000, $0x38;
	[tilespmem:$0xC080] =	vst v63  }
0x246: {  	_ =	swait.ge [sflag:s3], $0x3000  }
0x247: {  	s4 =	sld [smem:$0x7EF];
	_ =	sdelay $0x1  }
0x248: {  	[sflag:s3] =	ssyncset.done $0x0  }
0x249: {  	[sflag:s3] =	ssyncadd.s32 $0xFFFFD000;
	s0 =	sadd.s32 s30, s4  }
0x24a: {  	[tilespmem:s6], [sflag:$0x1] =	stream.linear.gather [hbm4b:s0+s2], $0x3000, $0x38;
	[tilespmem:$0xC080] =	vst v63  }
0x24b: {  	_ =	swait.ge [sflag:s10], $0x3000  }
0x24c: {  	[sflag:s10] =	ssyncset.done $0x0  }
0x24d: {  	s5 =	rddreg [dreg:$0x19];
	[sflag:s10] =	ssyncadd.s32 $0xFFFFD000  }
0x24e: {  	[hbm4b:s5+s2] =	stream.linear.scatter [tilespmem:s12], [sflag:$0x6], $0x3000, $0x38;
	[tilespmem:$0xC080] =	vst v63  }
0x24f: {  	_ =	swait.ge [sflag:s26], $0x3000  }
0x250: {  	s23 =	sshrl.u32 s23, $0x3;
	[sflag:s26] =	ssyncset.done $0x0  }
0x251: {  	s7 =	sadd.s32 s30, s23;
	[sflag:s26] =	ssyncadd.s32 $0xFFFFD000  }
0x252: {  	[tilespmem:s12], [sflag:$0x2] =	stream.linear.gather [hbm4b:s7+s2], $0x3000, $0x38;
	[tilespmem:$0xC080] =	vst v63  }
0x253: {  	_ =	swait.ge [sflag:s15], $0x3000  }
0x254: {  	[sflag:s15] =	ssyncset.done $0x0  }
0x255: {  	s16 =	rddreg [dreg:$0x1a];
	[sflag:s15] =	ssyncadd.s32 $0xFFFFD000  }
0x256: {  	[hbm4b:s16+s2] =	stream.linear.scatter [tilespmem:s11], [sflag:$0x7], $0x3000, $0x38;
	[tilespmem:$0xC080] =	vst v63  }
0x257: {  	_ =	swait.ge [sflag:s20], $0x3000  }
0x258: {  	s24 =	sshrl.u32 s24, $0x3;
	[sflag:s20] =	ssyncset.done $0x0  }
0x259: {  	s17 =	sadd.s32 s30, s24;
	s24 =	simm.s32 $0x4;
	[sflag:s20] =	ssyncadd.s32 $0xFFFFD000  }
0x25a: {  	[tilespmem:s11], [sflag:$0x3] =	stream.linear.gather [hbm4b:s17+s2], $0x3000, $0x38;
	[tilespmem:$0xC080] =	vst v63  }
0x25b: {  	_ =	swait.ge [sflag:s24], $0x3000  }
0x25c: {  	[sflag:s24] =	ssyncset.done $0x0  }
0x25d: {  	s23 =	rddreg [dreg:$0x1b];
	[sflag:s24] =	ssyncadd.s32 $0xFFFFD000  }
0x25e: {  	[hbm4b:s23+s2] =	stream.linear.scatter [tilespmem:s8], [sflag:$0x8], $0x3000, $0x38;
	[tilespmem:$0xC080] =	vst v63  }
0x25f: {  	_ =	swait.ge [sflag:s9], $0x3000  }
0x260: {  	s25 =	sld [smem:$0x7F0];
	_ =	sdelay $0x1  }
0x261: {  	[sflag:s9] =	ssyncset.done $0x0  }
0x262: {  	[sflag:s9] =	ssyncadd.s32 $0xFFFFD000;
	s0 =	sadd.s32 s30, s25  }
0x263: {  	[tilespmem:s8], [sflag:$0x4] =	stream.linear.gather [hbm4b:s0+s2], $0x3000, $0x38;
	[tilespmem:$0xC080] =	vst v63  }
0x264: {  	_ =	swait.ge [sflag:s14], $0x3000  }
0x265: {  	[sflag:s14] =	ssyncset.done $0x0  }
0x266: {  	s31 =	rddreg [dreg:$0x1c];
	[sflag:s14] =	ssyncadd.s32 $0xFFFFD000  }
0x267: {  	[hbm4b:s31+s2] =	stream.linear.scatter [tilespmem:s6], [sflag:$0x5], $0x3000, $0x38;
	[tilespmem:$0xC080] =	vst v63  }
0x268: {  	_ =	swait.ge [sflag:s3], $0x3000  }
0x269: {  	s22 =	sshrl.u32 s22, $0x3;
	[sflag:s3] =	ssyncset.done $0x0  }
0x26a: {  	s1 =	sadd.s32 s30, s22;
	[sflag:s3] =	ssyncadd.s32 $0xFFFFD000  }
0x26b: {  	[tilespmem:s6], [sflag:$0x1] =	stream.linear.gather [hbm4b:s1+s2], $0x3000, $0x38;
	[tilespmem:$0xC080] =	vst v63  }
0x26c: {  	_ =	swait.ge [sflag:s10], $0x3000  }
0x26d: {  	[sflag:s10] =	ssyncset.done $0x0  }
0x26e: {  	s15 =	simm.s32 $0x6;
	s4 =	rddreg [dreg:$0x1d];
	[sflag:s10] =	ssyncadd.s32 $0xFFFFD000  }
0x26f: {  	[hbm4b:s4+s2] =	stream.linear.scatter [tilespmem:s12], [sflag:$0x6], $0x3000, $0x38;
	[tilespmem:$0xC080] =	vst v63  }
0x270: {  	_ =	swait.ge [sflag:s15], $0x3000  }
0x271: {  	s21 =	sshrl.u32 s21, $0x3;
	[sflag:s15] =	ssyncset.done $0x0  }
0x272: {  	s5 =	sadd.s32 s30, s21;
	s23 =	simm.s32 $0x3;
	[sflag:s15] =	ssyncadd.s32 $0xFFFFD000  }
0x273: {  	[tilespmem:s12], [sflag:$0x2] =	stream.linear.gather [hbm4b:s5+s2], $0x3000, $0x38;
	[tilespmem:$0xC080] =	vst v63  }
0x274: {  	_ =	swait.ge [sflag:s23], $0x3000  }
0x275: {  	[sflag:s23] =	ssyncset.done $0x0  }
0x276: {  	s7 =	rddreg [dreg:$0x1e];
	[sflag:s23] =	ssyncadd.s32 $0xFFFFD000  }
0x277: {  	[hbm4b:s7+s2] =	stream.linear.scatter [tilespmem:s11], [sflag:$0x7], $0x3000, $0x38;
	[tilespmem:$0xC080] =	vst v63  }
0x278: {  	_ =	swait.ge [sflag:s20], $0x3000  }
0x279: {  	s16 =	sld [smem:$0x7F1];
	_ =	sdelay $0x1  }
0x27a: {  	[sflag:s20] =	ssyncset.done $0x0  }
0x27b: {  	[sflag:s20] =	ssyncadd.s32 $0xFFFFD000;
	s0 =	sadd.s32 s30, s16  }
0x27c: {  	[tilespmem:s11], [sflag:$0x3] =	stream.linear.gather [hbm4b:s0+s2], $0x3000, $0x38;
	[tilespmem:$0xC080] =	vst v63  }
0x27d: {  	_ =	swait.ge [sflag:s24], $0x3000  }
0x27e: {  	[sflag:s24] =	ssyncset.done $0x0  }
0x27f: {  	s17 =	rddreg [dreg:$0x1f];
	[sflag:s24] =	ssyncadd.s32 $0xFFFFD000  }
0x280: {  	[hbm4b:s17+s2] =	stream.linear.scatter [tilespmem:s8], [sflag:$0x8], $0x3000, $0x38;
	[tilespmem:$0xC080] =	vst v63  }
0x281: {  	_ =	swait.ge [sflag:s9], $0x3000  }
0x282: {  	[sflag:s9] =	ssyncset.done $0x0  }
0x283: {  	s19 =	sadd.s32 s30, s19;
	[sflag:s9] =	ssyncadd.s32 $0xFFFFD000  }
0x284: {  	[tilespmem:s8], [sflag:$0x4] =	stream.linear.gather [hbm4b:s19+s2], $0x3000, $0x38;
	[tilespmem:$0xC080] =	vst v63  }
0x285: {  	_ =	swait.ge [sflag:s14], $0x3000  }
0x286: {  	s21 =	sld [smem:$0x7FA]  }
0x287: {  	[sflag:s14] =	ssyncset.done $0x0  }
0x288: {  	[sflag:s14] =	ssyncadd.s32 $0xFFFFD000  }
0x289: {  	[hbm4b:s21+s2] =	stream.linear.scatter [tilespmem:s6], [sflag:$0x5], $0x3000, $0x38;
	[tilespmem:$0xC080] =	vst v63  }
0x28a: {  	_ =	swait.ge [sflag:s3], $0x3000  }
0x28b: {  	[sflag:s3] =	ssyncset.done $0x0  }
0x28c: {  	[sflag:s3] =	ssyncadd.s32 $0xFFFFD000  }
0x28d: {  	_ =	swait.ge [sflag:s10], $0x3000  }
0x28e: {  	s22 =	sld [smem:$0x7FB]  }
0x28f: {  	[sflag:s10] =	ssyncset.done $0x0  }
0x290: {  	[sflag:s10] =	ssyncadd.s32 $0xFFFFD000  }
0x291: {  	[hbm4b:s22+s2] =	stream.linear.scatter [tilespmem:s12], [sflag:$0x6], $0x3000, $0x38;
	[tilespmem:$0xC080] =	vst v63  }
0x292: {  	_ =	swait.ge [sflag:s15], $0x3000  }
0x293: {  	[sflag:s15] =	ssyncset.done $0x0  }
0x294: {  	[sflag:s15] =	ssyncadd.s32 $0xFFFFD000  }
0x295: {  	_ =	swait.ge [sflag:s23], $0x3000  }
0x296: {  	s25 =	sld [smem:$0x7FC]  }
0x297: {  	[sflag:s23] =	ssyncset.done $0x0  }
0x298: {  	[sflag:s23] =	ssyncadd.s32 $0xFFFFD000  }
0x299: {  	[hbm4b:s25+s2] =	stream.linear.scatter [tilespmem:s11], [sflag:$0x7], $0x3000, $0x38;
	[tilespmem:$0xC080] =	vst v63  }
0x29a: {  	_ =	swait.ge [sflag:s20], $0x3000  }
0x29b: {  	[sflag:s20] =	ssyncset.done $0x0  }
0x29c: {  	[sflag:s20] =	ssyncadd.s32 $0xFFFFD000  }
0x29d: {  	_ =	swait.ge [sflag:s24], $0x3000  }
0x29e: {  	p1 =	sne.s32 s18, $0x1;
	s31 =	sld [smem:$0x7FD]  }
.Ltmp2:
0x29f: {  	[sflag:s24] =	ssyncset.done $0x0;
	(pc) =	sbr.rel @p1 .LBB2_3-.Ltmp2, $4  }
0x2a0: {  	[sflag:s24] =	ssyncadd.s32 $0xFFFFD000  }
0x2a1: {  	[hbm4b:s31+s2] =	stream.linear.scatter [tilespmem:s8], [sflag:$0x8], $0x3000, $0x38;
	[tilespmem:$0xC080] =	vst v63  }
0x2a2: {  	_ =	swait.ge [sflag:s9], $0x3000  }
0x2a3: {  	s18 =	sadd.s32 $0xFFFFFFFF, s18;
	s0 =	rddreg [dreg:$0x4];
	[sflag:s9] =	ssyncset.done $0x0  }
0x2a4: {  	s16 =	sld [smem:$0x7F2];
	s1 =	simm.s32 $0x9  }
.LBB2_5:
0x2a5: {  	[sflag:s9] =	ssyncadd.s32 @p0 $0xFFFFD000  }
0x2a6: {  	[tilespmem:s2], [sflag:$0x9] =	stream.linear.gather [hbm4b:s0+s2], $0x20, $0x38;
	[tilespmem:$0xC080] =	vst v63  }
0x2a7: {  	_ =	swait.ge [sflag:s1], $0x20  }
0x2a8: {  	[sflag:s1] =	ssyncset.done $0x0  }
0x2a9: {  	[sflag:s1] =	ssyncadd.s32 $0xFFFFFFE0  }
0x2aa: {  	v0 =	vld [tilespmem:$0x0];
	_ =	sdelay $0x4  }
0x2ab: {  	v1 =	vnsel vm15, $0x0, v0  }
0x2ac: {  	v2 =	vsel vm14, $0x0, v0;
	v1 =	vxor.u32 $0x80000000, v1  }
0x2ad: {  	v3 =	vsel vm13, $0x0, v0;
	v2 =	vxor.u32 $0x80000000, v2;
	(xrf0) =	vmax.scan.msk.u32 $0xffff, v1  }
0x2ae: {  	v57 =	vxor.u32 $0x80000000, v3;
	(xrf0) =	vmax.scan.msk.u32 $0xffff, v2  }
0x2af: {  	v58 =	vsel vm12, $0x0, v0;
	(xrf0) =	vmax.scan.msk.u32 $0xffff, v57  }
0x2b0: {  	v59 =	vxor.u32 $0x80000000, v58  }
0x2b1: {  	(xrf0) =	vmax.scan.msk.u32 $0xffff, v59;
	_ =	sdelay $0x1  }
0x2b2: {  	v62 =	vsel vm11, $0x0, v0;
	v60, _, _ =	vpop (xrf0)  }
0x2b3: {  	v5 =	vxor.u32 $0x80000000, v62;
	(v2sf) =	vpush v60, $0xF;
	v61, _, _ =	vpop (xrf0)  }
0x2b4: {  	v6 =	vsel vm10, $0x0, v0;
	(xrf0) =	vmax.scan.msk.u32 $0xffff, v5;
	v63, _, _ =	vpop (xrf0);
	(v2sf) =	vpush v61, $0xF  }
0x2b5: {  	v2 =	vxor.u32 $0x80000000, v6;
	(v2sf) =	vpush v63, $0xF  }
0x2b6: {  	(xrf0) =	vmax.scan.msk.u32 $0xffff, v2;
	v7, _, _ =	vpop (xrf0)  }
0x2b7: {  	(v2sf) =	vpush v7, $0xF;
	_ =	sdelay $0x2  }
0x2b8: {  	v9, _, _ =	vpop (xrf0)  }
0x2b9: {  	v8 =	vsel vm9, $0x0, v0;
	(v2sf) =	vpush v9, $0xF  }
0x2ba: {  	v10 =	vsel vm8, $0x0, v0;
	v1 =	vxor.u32 $0x80000000, v8;
	v12, _, _ =	vpop (xrf0)  }
0x2bb: {  	v11 =	vsel vm7, $0x0, v0;
	v3 =	vxor.u32 $0x80000000, v10;
	(xrf0) =	vmax.scan.msk.u32 $0xffff, v1;
	(v2sf) =	vpush v12, $0xF  }
0x2bc: {  	v4 =	vsel vm6, $0x0, v0;
	v2 =	vxor.u32 $0x80000000, v11;
	(xrf0) =	vmax.scan.msk.u32 $0xffff, v3  }
0x2bd: {  	v13 =	vsel vm5, $0x0, v0;
	v14 =	vxor.u32 $0x80000000, v4;
	(xrf0) =	vmax.scan.msk.u32 $0xffff, v2  }
0x2be: {  	v15 =	vsel vm3, $0x0, v0;
	v1 =	vxor.u32 $0x80000000, v13;
	(xrf0) =	vmax.scan.msk.u32 $0xffff, v14  }
0x2bf: {  	v16 =	vsel vm4, $0x0, v0;
	v2 =	vxor.u32 $0x80000000, v15;
	(xrf0) =	vmax.scan.msk.u32 $0xffff, v1  }
0x2c0: {  	v17 =	vsel vm2, $0x0, v0;
	v3 =	vxor.u32 $0x80000000, v16;
	(xrf0) =	vmax.scan.msk.u32 $0xffff, v2;
	s7 =	spop (v2sf)  }
0x2c1: {  	v18 =	vsel vm0, $0x0, v0;
	v1 =	vxor.u32 $0x80000000, v17;
	v19, _, _ =	vpop (xrf0);
	(xrf0) =	vmax.scan.msk.u32 $0xffff, v3;
	s0 =	smul.u32 $0x3000, s7;
	s9 =	spop (v2sf)  }
0x2c2: {  	v0 =	vsel vm1, $0x0, v0;
	v2 =	vxor.u32 $0x80000000, v18;
	(xrf0) =	vmax.scan.msk.u32 $0xffff, v1;
	v20, _, _ =	vpop (xrf0);
	(v2sf) =	vpush v19, $0xF;
	s1 =	smul.u32 $0x3000, s9;
	s4 =	spop (v2sf)  }
0x2c3: {  	v21 =	vld [tilespmem:$0x10];
	v0 =	vxor.u32 $0x80000000, v0;
	(xrf0) =	vmax.scan.msk.u32 $0xffff, v2;
	v22, _, _ =	vpop (xrf0);
	s0 =	sshrl.u32 s0, $0x3;
	s4 =	smul.u32 $0x3000, s4  }
0x2c4: {  	v23, _, _ =	vpop (xrf0);
	(xrf0) =	vmax.scan.msk.u32 $0xffff, v0;
	s5 =	spop (v2sf);
	s0 =	sadd.s32 s30, s0;
	s1 =	sshrl.u32 s1, $0x3  }
0x2c5: {  	[tilespmem:s6], [sflag:$0x1] =	stream.linear.gather [hbm4b:s0+s2], $0x3000, $0x38;
	[tilespmem:$0xC080] =	vst v63  }
0x2c6: {  	v24, _, _ =	vpop (xrf0);
	(v2sf) =	vpush v20, $0xF;
	s13 =	smul.u32 $0x3000, s5;
	s1 =	sadd.s32 s30, s1;
	s4 =	sshrl.u32 s4, $0x3  }
0x2c7: {  	v25, _, _ =	vpop (xrf0);
	(v2sf) =	vpush v22, $0xF;
	[tilespmem:s12], [sflag:$0x2] =	stream.linear.gather [hbm4b:s1+s2], $0x3000, $0x38;
	[tilespmem:$0xC080] =	vst v63  }
0x2c8: {  	v28 =	vnsel vm15, $0x0, v21;
	v26, _, _ =	vpop (xrf0);
	(v2sf) =	vpush v23, $0xF;
	s18 =	spop (v2sf);
	s0 =	sshrl.u32 s13, $0x3;
	s17 =	sadd.s32 s30, s4  }
0x2c9: {  	v0 =	vxor.u32 $0x80000000, v28;
	v27, _, _ =	vpop (xrf0);
	(v2sf) =	vpush v24, $0xF;
	[tilespmem:s11], [sflag:$0x3] =	stream.linear.gather [hbm4b:s17+s2], $0x3000, $0x38;
	[tilespmem:$0xC080] =	vst v63  }
0x2ca: {  	(xrf0) =	vmax.scan.msk.u32 $0xffff, v0;
	v5, _, _ =	vpop (xrf0);
	s7 =	spop (v2sf);
	(v2sf) =	vpush v25, $0xF;
	s0 =	sadd.s32 s30, s0  }
0x2cb: {  	v6 =	vsel vm14, $0x0, v21;
	v29, _, _ =	vpop (xrf0);
	(v2sf) =	vpush v26, $0xF;
	[tilespmem:s8], [sflag:$0x4] =	stream.linear.gather [hbm4b:s0+s2], $0x3000, $0x38;
	[tilespmem:$0xC080] =	vst v63  }
0x2cc: {  	v30 =	vsel vm13, $0x0, v21;
	v31 =	vxor.u32 $0x80000000, v6;
	_ =	swait.ge [sflag:s14], $0x3000  }
0x2cd: {  	v32 =	vsel vm12, $0x0, v21;
	v0 =	vxor.u32 $0x80000000, v30;
	(xrf0) =	vmax.scan.msk.u32 $0xffff, v31  }
0x2ce: {  	v33 =	vxor.u32 $0x80000000, v32;
	[sflag:s14] =	ssyncset.done $0x0;
	(xrf0) =	vmax.scan.msk.u32 $0xffff, v0  }
0x2cf: {  	v34 =	vsel vm11, $0x0, v21;
	[sflag:s14] =	ssyncadd.s32 $0xFFFFD000;
	(xrf0) =	vmax.scan.msk.u32 $0xffff, v33  }
0x2d0: {  	v0 =	vxor.u32 $0x80000000, v34;
	[hbm4b:s16+s2] =	stream.linear.scatter [tilespmem:s6], [sflag:$0x5], $0x3000, $0x38;
	[tilespmem:$0xC080] =	vst v63  }
0x2d1: {  	v35 =	vsel vm10, $0x0, v21;
	s19 =	spop (v2sf);
	(v2sf) =	vpush v27, $0xF;
	(xrf0) =	vmax.scan.msk.u32 $0xffff, v0  }
0x2d2: {  	v37 =	vsel vm9, $0x0, v21;
	v36 =	vxor.u32 $0x80000000, v35;
	s20 =	smul.u32 $0x3000, s18;
	_ =	swait.ge [sflag:s3], $0x3000  }
0x2d3: {  	v38 =	vsel vm8, $0x0, v21;
	v3 =	vxor.u32 $0x80000000, v37;
	(xrf0) =	vmax.scan.msk.u32 $0xffff, v36  }
0x2d4: {  	v39 =	vxor.u32 $0x80000000, v38;
	s17 =	simm.s32 $0x80;
	s0 =	sshrl.u32 s20, $0x3;
	[sflag:s3] =	ssyncset.done $0x0;
	(xrf0) =	vmax.scan.msk.u32 $0xffff, v3  }
0x2d5: {  	v40 =	vsel vm7, $0x0, v21;
	s0 =	sadd.s32 s30, s0;
	s21 =	spop (v2sf);
	(v2sf) =	vpush v5, $0xF;
	v41, _, _ =	vpop (xrf0);
	[sflag:s3] =	ssyncadd.s32 $0xFFFFD000;
	(xrf0) =	vmax.scan.msk.u32 $0xffff, v39  }
0x2d6: {  	v42 =	vxor.u32 $0x80000000, v40;
	(v2sf) =	vpush v29, $0xF;
	v43, _, _ =	vpop (xrf0);
	[tilespmem:s17], [sflag:$0x1] =	stream.linear.gather [hbm4b:s0+s2], $0x3000, $0x38;
	[tilespmem:$0xC080] =	vst v63  }
0x2d7: {  	v44 =	vsel vm6, $0x0, v21;
	s4 =	spop (v2sf);
	(v2sf) =	vpush v41, $0xF;
	v45, _, _ =	vpop (xrf0);
	(xrf0) =	vmax.scan.msk.u32 $0xffff, v42  }
0x2d8: {  	v47 =	vsel vm5, $0x0, v21;
	v46 =	vxor.u32 $0x80000000, v44;
	_ =	swait.ge [sflag:s10], $0x3000  }
0x2d9: {  	v48 =	vsel vm3, $0x0, v21;
	v3 =	vxor.u32 $0x80000000, v47;
	s10 =	simm.s32 $0x2;
	(xrf0) =	vmax.scan.msk.u32 $0xffff, v46  }
0x2da: {  	v49 =	vxor.u32 $0x80000000, v48;
	v51, _, _ =	vpop (xrf0);
	[sflag:s10] =	ssyncset.done $0x0;
	(xrf0) =	vmax.scan.msk.u32 $0xffff, v3  }
0x2db: {  	v50 =	vsel vm4, $0x0, v21;
	s9 =	rddreg [dreg:$0x5];
	s1 =	spop (v2sf);
	v53, _, _ =	vpop (xrf0);
	[sflag:s10] =	ssyncadd.s32 $0xFFFFD000;
	(xrf0) =	vmax.scan.msk.u32 $0xffff, v49  }
0x2dc: {  	v54 =	vsel vm2, $0x0, v21;
	v52 =	vxor.u32 $0x80000000, v50;
	(v2sf) =	vpush v43, $0xF;
	v7, _, _ =	vpop (xrf0);
	[hbm4b:s9+s2] =	stream.linear.scatter [tilespmem:s12], [sflag:$0x6], $0x3000, $0x38;
	[tilespmem:$0xC080] =	vst v63  }
0x2dd: {  	v0 =	vxor.u32 $0x80000000, v54;
	s0 =	spop (v2sf);
	(xrf0) =	vmax.scan.msk.u32 $0xffff, v52;
	v55, _, _ =	vpop (xrf0)  }
0x2de: {  	s29 =	spop (v2sf);
	(v2sf) =	vpush v45, $0xF;
	v56, _, _ =	vpop (xrf0);
	(xrf0) =	vmax.scan.msk.u32 $0xffff, v0  }
0x2df: {  	v57 =	vsel vm0, $0x0, v21;
	s7 =	smul.u32 $0x3000, s7;
	_ =	swait.ge [sflag:s15], $0x3000  }
0x2e0: {  	v2 =	vsel vm1, $0x0, v21;
	v0 =	vxor.u32 $0x80000000, v57;
	v58, _, _ =	vpop (xrf0);
	(v2sf) =	vpush v51, $0xF  }
0x2e1: {  	v2 =	vxor.u32 $0x80000000, v2;
	s7 =	sshrl.u32 s7, $0x3;
	(xrf0) =	vmax.scan.msk.u32 $0xffff, v0;
	[sflag:s15] =	ssyncset.done $0x0;
	v59, _, _ =	vpop (xrf0)  }
0x2e2: {  	s7 =	sadd.s32 s30, s7;
	s31 =	spop (v2sf);
	(xrf0) =	vmax.scan.msk.u32 $0xffff, v2;
	[sflag:s15] =	ssyncadd.s32 $0xFFFFD000;
	(v2sf) =	vpush v53, $0xF;
	v60, _, _ =	vpop (xrf0)  }
0x2e3: {  	[tilespmem:s12], [sflag:$0x2] =	stream.linear.gather [hbm4b:s7+s2], $0x3000, $0x38;
	v61, _, _ =	vpop (xrf0);
	[tilespmem:$0xC080] =	vst v63  }
0x2e4: {  	_ =	swait.ge [sflag:s23], $0x3000  }
0x2e5: {  	s6 =	smul.u32 $0x3000, s19;
	v62, _, _ =	vpop (xrf0);
	s18 =	spop (v2sf);
	[sflag:s23] =	ssyncset.done $0x0  }
0x2e6: {  	s13 =	rddreg [dreg:$0x6];
	v8, _, _ =	vpop (xrf0);
	s28 =	spop (v2sf);
	[sflag:s23] =	ssyncadd.s32 $0xFFFFD000  }
0x2e7: {  	(v2sf) =	vpush v7, $0xF;
	v9, _, _ =	vpop (xrf0);
	[hbm4b:s13+s2] =	stream.linear.scatter [tilespmem:s11], [sflag:$0x7], $0x3000, $0x38;
	[tilespmem:$0xC080] =	vst v63  }
0x2e8: {  	s9 =	simm.s32 $0x7;
	s7 =	spop (v2sf);
	v63, _, _ =	vpop (xrf0)  }
0x2e9: {  	s6 =	sshrl.u32 s6, $0x3;
	_ =	swait.ge [sflag:s9], $0x3000  }
0x2ea: {  	s6 =	sadd.s32 s30, s6;
	[sflag:s9] =	ssyncset.done $0x0;
	s25 =	spop (v2sf)  }
0x2eb: {  	s13 =	simm.s32 $0x4;
	(v2sf) =	vpush v55, $0xF;
	[sflag:s9] =	ssyncadd.s32 $0xFFFFD000;
	s24 =	spop (v2sf)  }
0x2ec: {  	(v2sf) =	vpush v56, $0xF;
	[tilespmem:s11], [sflag:$0x3] =	stream.linear.gather [hbm4b:s6+s2], $0x3000, $0x38;
	[tilespmem:$0xC080] =	vst v63  }
0x2ed: {  	_ =	swait.ge [sflag:s13], $0x3000  }
0x2ee: {  	s16 =	simm.s32 $0x9080;
	[sflag:s13] =	ssyncset.done $0x0;
	s23 =	spop (v2sf)  }
0x2ef: {  	s15 =	rddreg [dreg:$0x7];
	[sflag:s13] =	ssyncadd.s32 $0xFFFFD000;
	s22 =	spop (v2sf)  }
0x2f0: {  	(v2sf) =	vpush v58, $0xF;
	[hbm4b:s15+s2] =	stream.linear.scatter [tilespmem:s16], [sflag:$0x8], $0x3000, $0x38;
	[tilespmem:$0xC080] =	vst v63  }
0x2f1: {  	s20 =	simm.s32 $0x8;
	s5 =	smul.u32 $0x3000, s21;
	(v2sf) =	vpush v59, $0xF;
	s21 =	spop (v2sf)  }
0x2f2: {  	_ =	swait.ge [sflag:s20], $0x3000  }
0x2f3: {  	s5 =	sshrl.u32 s5, $0x3;
	[sflag:s20] =	ssyncset.done $0x0  }
0x2f4: {  	s5 =	sadd.s32 s30, s5;
	[sflag:s20] =	ssyncadd.s32 $0xFFFFD000  }
0x2f5: {  	(v2sf) =	vpush v60, $0xF;
	[tilespmem:s16], [sflag:$0x4] =	stream.linear.gather [hbm4b:s5+s2], $0x3000, $0x38;
	[tilespmem:$0xC080] =	vst v63  }
0x2f6: {  	s14 =	simm.s32 $0x1;
	(v2sf) =	vpush v61, $0xF;
	s6 =	spop (v2sf)  }
0x2f7: {  	_ =	swait.ge [sflag:s14], $0x3000  }
0x2f8: {  	[sflag:s14] =	ssyncset.done $0x0  }
0x2f9: {  	s19 =	rddreg [dreg:$0x8];
	[sflag:s14] =	ssyncadd.s32 $0xFFFFD000  }
0x2fa: {  	(v2sf) =	vpush v62, $0xF;
	[hbm4b:s19+s2] =	stream.linear.scatter [tilespmem:s17], [sflag:$0x5], $0x3000, $0x38;
	[tilespmem:$0xC080] =	vst v63  }
0x2fb: {  	s3 =	simm.s32 $0x5;
	s4 =	smul.u32 $0x3000, s4;
	(v2sf) =	vpush v8, $0xF;
	s5 =	spop (v2sf)  }
0x2fc: {  	_ =	swait.ge [sflag:s3], $0x3000  }
0x2fd: {  	s4 =	sshrl.u32 s4, $0x3;
	[sflag:s3] =	ssyncset.done $0x0  }
0x2fe: {  	s4 =	sadd.s32 s30, s4;
	s19 =	spop (v2sf);
	[sflag:s3] =	ssyncadd.s32 $0xFFFFD000  }
0x2ff: {  	[tilespmem:s17], [sflag:$0x1] =	stream.linear.gather [hbm4b:s4+s2], $0x3000, $0x38;
	[tilespmem:$0xC080] =	vst v63  }
0x300: {  	(v2sf) =	vpush v9, $0xF;
	s8 =	spop (v2sf)  }
0x301: {  	(v2sf) =	vpush v63, $0xF;
	[smem:$0x7E8] =	sst s8  }
0x302: {  	_ =	swait.ge [sflag:s10], $0x3000  }
0x303: {  	[sflag:s10] =	ssyncset.done $0x0  }
0x304: {  	s8 =	rddreg [dreg:$0x9];
	s4 =	spop (v2sf);
	[sflag:s10] =	ssyncadd.s32 $0xFFFFD000  }
0x305: {  	[hbm4b:s8+s2] =	stream.linear.scatter [tilespmem:s12], [sflag:$0x6], $0x3000, $0x38;
	[tilespmem:$0xC080] =	vst v63  }
0x306: {  	s1 =	smul.u32 $0x3000, s1;
	s8 =	spop (v2sf)  }
0x307: {  	[smem:$0x7E9] =	sst s8;
	s8 =	spop (v2sf)  }
0x308: {  	s26 =	simm.s32 $0x6;
	[smem:$0x7EA] =	sst s8  }
0x309: {  	s1 =	sshrl.u32 s1, $0x3;
	_ =	swait.ge [sflag:s26], $0x3000  }
0x30a: {  	s1 =	sadd.s32 s30, s1;
	[sflag:s26] =	ssyncset.done $0x0;
	s8 =	spop (v2sf)  }
0x30b: {  	s15 =	simm.s32 $0x3;
	[sflag:s26] =	ssyncadd.s32 $0xFFFFD000;
	[smem:$0x7EB] =	sst s8  }
0x30c: {  	[tilespmem:s12], [sflag:$0x2] =	stream.linear.gather [hbm4b:s1+s2], $0x3000, $0x38;
	[tilespmem:$0xC080] =	vst v63  }
0x30d: {  	_ =	swait.ge [sflag:s15], $0x3000  }
0x30e: {  	[sflag:s15] =	ssyncset.done $0x0  }
0x30f: {  	s8 =	rddreg [dreg:$0xa];
	s1 =	spop (v2sf);
	[sflag:s15] =	ssyncadd.s32 $0xFFFFD000  }
0x310: {  	[hbm4b:s8+s2] =	stream.linear.scatter [tilespmem:s11], [sflag:$0x7], $0x3000, $0x38;
	[tilespmem:$0xC080] =	vst v63  }
0x311: {  	s8 =	spop (v2sf)  }
0x312: {  	[smem:$0x7EC] =	sst s8  }
0x313: {  	s8 =	smul.u32 $0x3000, s0;
	s0 =	spop (v2sf)  }
0x314: {  	_ =	swait.ge [sflag:s9], $0x3000  }
0x315: {  	s8 =	sshrl.u32 s8, $0x3;
	[sflag:s9] =	ssyncset.done $0x0  }
0x316: {  	[sflag:s9] =	ssyncadd.s32 $0xFFFFD000;
	s8 =	sadd.s32 s30, s8  }
0x317: {  	[tilespmem:s11], [sflag:$0x3] =	stream.linear.gather [hbm4b:s8+s2], $0x3000, $0x38;
	[tilespmem:$0xC080] =	vst v63  }
0x318: {  	_ =	swait.ge [sflag:s13], $0x3000  }
0x319: {  	[sflag:s13] =	ssyncset.done $0x0  }
0x31a: {  	s29 =	smul.u32 $0x3000, s29;
	s8 =	rddreg [dreg:$0xb];
	[sflag:s13] =	ssyncadd.s32 $0xFFFFD000  }
0x31b: {  	[hbm4b:s8+s2] =	stream.linear.scatter [tilespmem:s16], [sflag:$0x8], $0x3000, $0x38;
	[tilespmem:$0xC080] =	vst v63  }
0x31c: {  	_ =	swait.ge [sflag:s20], $0x3000  }
0x31d: {  	s8 =	sshrl.u32 s29, $0x3;
	[sflag:s20] =	ssyncset.done $0x0  }
0x31e: {  	s8 =	sadd.s32 s30, s8;
	[sflag:s20] =	ssyncadd.s32 $0xFFFFD000  }
0x31f: {  	[tilespmem:s16], [sflag:$0x4] =	stream.linear.gather [hbm4b:s8+s2], $0x3000, $0x38;
	[tilespmem:$0xC080] =	vst v63  }
0x320: {  	_ =	swait.ge [sflag:s14], $0x3000  }
0x321: {  	[sflag:s14] =	ssyncset.done $0x0  }
0x322: {  	s31 =	smul.u32 $0x3000, s31;
	s29 =	rddreg [dreg:$0xc];
	[sflag:s14] =	ssyncadd.s32 $0xFFFFD000  }
0x323: {  	[hbm4b:s29+s2] =	stream.linear.scatter [tilespmem:s17], [sflag:$0x5], $0x3000, $0x38;
	[tilespmem:$0xC080] =	vst v63  }
0x324: {  	_ =	swait.ge [sflag:s3], $0x3000  }
0x325: {  	s8 =	sshrl.u32 s31, $0x3;
	[sflag:s3] =	ssyncset.done $0x0  }
0x326: {  	s8 =	sadd.s32 s30, s8;
	[sflag:s3] =	ssyncadd.s32 $0xFFFFD000  }
0x327: {  	[tilespmem:s17], [sflag:$0x1] =	stream.linear.gather [hbm4b:s8+s2], $0x3000, $0x38;
	[tilespmem:$0xC080] =	vst v63  }
0x328: {  	_ =	swait.ge [sflag:s10], $0x3000  }
0x329: {  	[sflag:s10] =	ssyncset.done $0x0  }
0x32a: {  	s31 =	smul.u32 $0x3000, s18;
	s29 =	rddreg [dreg:$0xd];
	[sflag:s10] =	ssyncadd.s32 $0xFFFFD000  }
0x32b: {  	[hbm4b:s29+s2] =	stream.linear.scatter [tilespmem:s12], [sflag:$0x6], $0x3000, $0x38;
	[tilespmem:$0xC080] =	vst v63  }
0x32c: {  	_ =	swait.ge [sflag:s26], $0x3000  }
0x32d: {  	s8 =	sshrl.u32 s31, $0x3;
	[sflag:s26] =	ssyncset.done $0x0  }
0x32e: {  	s8 =	sadd.s32 s30, s8;
	[sflag:s26] =	ssyncadd.s32 $0xFFFFD000  }
0x32f: {  	[tilespmem:s12], [sflag:$0x2] =	stream.linear.gather [hbm4b:s8+s2], $0x3000, $0x38;
	[tilespmem:$0xC080] =	vst v63  }
0x330: {  	_ =	swait.ge [sflag:s15], $0x3000  }
0x331: {  	[sflag:s15] =	ssyncset.done $0x0  }
0x332: {  	s29 =	smul.u32 $0x3000, s28;
	s18 =	rddreg [dreg:$0xe];
	[sflag:s15] =	ssyncadd.s32 $0xFFFFD000  }
0x333: {  	[hbm4b:s18+s2] =	stream.linear.scatter [tilespmem:s11], [sflag:$0x7], $0x3000, $0x38;
	[tilespmem:$0xC080] =	vst v63  }
0x334: {  	_ =	swait.ge [sflag:s9], $0x3000  }
0x335: {  	s8 =	sshrl.u32 s29, $0x3;
	[sflag:s9] =	ssyncset.done $0x0  }
0x336: {  	s8 =	sadd.s32 s30, s8;
	[sflag:s9] =	ssyncadd.s32 $0xFFFFD000  }
0x337: {  	[tilespmem:s11], [sflag:$0x3] =	stream.linear.gather [hbm4b:s8+s2], $0x3000, $0x38;
	[tilespmem:$0xC080] =	vst v63  }
0x338: {  	_ =	swait.ge [sflag:s13], $0x3000  }
0x339: {  	[sflag:s13] =	ssyncset.done $0x0  }
0x33a: {  	s18 =	smul.u32 $0x3000, s7;
	s31 =	rddreg [dreg:$0xf];
	[sflag:s13] =	ssyncadd.s32 $0xFFFFD000  }
0x33b: {  	[hbm4b:s31+s2] =	stream.linear.scatter [tilespmem:s16], [sflag:$0x8], $0x3000, $0x38;
	[tilespmem:$0xC080] =	vst v63  }
0x33c: {  	_ =	swait.ge [sflag:s20], $0x3000  }
0x33d: {  	s8 =	sshrl.u32 s18, $0x3;
	[sflag:s20] =	ssyncset.done $0x0  }
0x33e: {  	s8 =	sadd.s32 s30, s8;
	[sflag:s20] =	ssyncadd.s32 $0xFFFFD000  }
0x33f: {  	[tilespmem:s16], [sflag:$0x4] =	stream.linear.gather [hbm4b:s8+s2], $0x3000, $0x38;
	[tilespmem:$0xC080] =	vst v63  }
0x340: {  	_ =	swait.ge [sflag:s14], $0x3000  }
0x341: {  	[sflag:s14] =	ssyncset.done $0x0  }
0x342: {  	s29 =	smul.u32 $0x3000, s25;
	s28 =	rddreg [dreg:$0x10];
	[sflag:s14] =	ssyncadd.s32 $0xFFFFD000  }
0x343: {  	[hbm4b:s28+s2] =	stream.linear.scatter [tilespmem:s17], [sflag:$0x5], $0x3000, $0x38;
	[tilespmem:$0xC080] =	vst v63  }
0x344: {  	_ =	swait.ge [sflag:s3], $0x3000  }
0x345: {  	s8 =	sshrl.u32 s29, $0x3;
	[sflag:s3] =	ssyncset.done $0x0  }
0x346: {  	s8 =	sadd.s32 s30, s8;
	[sflag:s3] =	ssyncadd.s32 $0xFFFFD000  }
0x347: {  	[tilespmem:s17], [sflag:$0x1] =	stream.linear.gather [hbm4b:s8+s2], $0x3000, $0x38;
	[tilespmem:$0xC080] =	vst v63  }
0x348: {  	_ =	swait.ge [sflag:s10], $0x3000  }
0x349: {  	[sflag:s10] =	ssyncset.done $0x0  }
0x34a: {  	s7 =	smul.u32 $0x3000, s24;
	s31 =	rddreg [dreg:$0x11];
	[sflag:s10] =	ssyncadd.s32 $0xFFFFD000  }
0x34b: {  	[hbm4b:s31+s2] =	stream.linear.scatter [tilespmem:s12], [sflag:$0x6], $0x3000, $0x38;
	[tilespmem:$0xC080] =	vst v63  }
0x34c: {  	_ =	swait.ge [sflag:s26], $0x3000  }
0x34d: {  	s8 =	sshrl.u32 s7, $0x3;
	[sflag:s26] =	ssyncset.done $0x0  }
0x34e: {  	s8 =	sadd.s32 s30, s8;
	[sflag:s26] =	ssyncadd.s32 $0xFFFFD000  }
0x34f: {  	[tilespmem:s12], [sflag:$0x2] =	stream.linear.gather [hbm4b:s8+s2], $0x3000, $0x38;
	[tilespmem:$0xC080] =	vst v63  }
0x350: {  	_ =	swait.ge [sflag:s15], $0x3000  }
0x351: {  	[sflag:s15] =	ssyncset.done $0x0  }
0x352: {  	s24 =	smul.u32 $0x3000, s23;
	s18 =	rddreg [dreg:$0x12];
	[sflag:s15] =	ssyncadd.s32 $0xFFFFD000  }
0x353: {  	[hbm4b:s18+s2] =	stream.linear.scatter [tilespmem:s11], [sflag:$0x7], $0x3000, $0x38;
	[tilespmem:$0xC080] =	vst v63  }
0x354: {  	_ =	swait.ge [sflag:s9], $0x3000  }
0x355: {  	s8 =	sshrl.u32 s24, $0x3;
	[sflag:s9] =	ssyncset.done $0x0  }
0x356: {  	s8 =	sadd.s32 s30, s8;
	[sflag:s9] =	ssyncadd.s32 $0xFFFFD000  }
0x357: {  	[tilespmem:s11], [sflag:$0x3] =	stream.linear.gather [hbm4b:s8+s2], $0x3000, $0x38;
	[tilespmem:$0xC080] =	vst v63  }
0x358: {  	_ =	swait.ge [sflag:s13], $0x3000  }
0x359: {  	[sflag:s13] =	ssyncset.done $0x0  }
0x35a: {  	s28 =	smul.u32 $0x3000, s22;
	s25 =	rddreg [dreg:$0x13];
	[sflag:s13] =	ssyncadd.s32 $0xFFFFD000  }
0x35b: {  	[hbm4b:s25+s2] =	stream.linear.scatter [tilespmem:s16], [sflag:$0x8], $0x3000, $0x38;
	[tilespmem:$0xC080] =	vst v63  }
0x35c: {  	_ =	swait.ge [sflag:s20], $0x3000  }
0x35d: {  	s8 =	sshrl.u32 s28, $0x3;
	[sflag:s20] =	ssyncset.done $0x0  }
0x35e: {  	s8 =	sadd.s32 s30, s8;
	[sflag:s20] =	ssyncadd.s32 $0xFFFFD000  }
0x35f: {  	[tilespmem:s16], [sflag:$0x4] =	stream.linear.gather [hbm4b:s8+s2], $0x3000, $0x38;
	[tilespmem:$0xC080] =	vst v63  }
0x360: {  	_ =	swait.ge [sflag:s14], $0x3000  }
0x361: {  	[sflag:s14] =	ssyncset.done $0x0  }
0x362: {  	s31 =	smul.u32 $0x3000, s21;
	s29 =	rddreg [dreg:$0x14];
	[sflag:s14] =	ssyncadd.s32 $0xFFFFD000  }
0x363: {  	[hbm4b:s29+s2] =	stream.linear.scatter [tilespmem:s17], [sflag:$0x5], $0x3000, $0x38;
	[tilespmem:$0xC080] =	vst v63  }
0x364: {  	_ =	swait.ge [sflag:s3], $0x3000  }
0x365: {  	s8 =	sshrl.u32 s31, $0x3;
	[sflag:s3] =	ssyncset.done $0x0  }
0x366: {  	s8 =	sadd.s32 s30, s8;
	[sflag:s3] =	ssyncadd.s32 $0xFFFFD000  }
0x367: {  	[tilespmem:s17], [sflag:$0x1] =	stream.linear.gather [hbm4b:s8+s2], $0x3000, $0x38;
	[tilespmem:$0xC080] =	vst v63  }
0x368: {  	_ =	swait.ge [sflag:s10], $0x3000  }
0x369: {  	[sflag:s10] =	ssyncset.done $0x0  }
0x36a: {  	s18 =	smul.u32 $0x3000, s6;
	s7 =	rddreg [dreg:$0x15];
	[sflag:s10] =	ssyncadd.s32 $0xFFFFD000  }
0x36b: {  	[hbm4b:s7+s2] =	stream.linear.scatter [tilespmem:s12], [sflag:$0x6], $0x3000, $0x38;
	[tilespmem:$0xC080] =	vst v63  }
0x36c: {  	_ =	swait.ge [sflag:s26], $0x3000  }
0x36d: {  	s8 =	sshrl.u32 s18, $0x3;
	[sflag:s26] =	ssyncset.done $0x0  }
0x36e: {  	s8 =	sadd.s32 s30, s8;
	[sflag:s26] =	ssyncadd.s32 $0xFFFFD000  }
0x36f: {  	[tilespmem:s12], [sflag:$0x2] =	stream.linear.gather [hbm4b:s8+s2], $0x3000, $0x38;
	[tilespmem:$0xC080] =	vst v63  }
0x370: {  	_ =	swait.ge [sflag:s15], $0x3000  }
0x371: {  	[sflag:s15] =	ssyncset.done $0x0  }
0x372: {  	s22 =	smul.u32 $0x3000, s5;
	s21 =	rddreg [dreg:$0x16];
	[sflag:s15] =	ssyncadd.s32 $0xFFFFD000  }
0x373: {  	[hbm4b:s21+s2] =	stream.linear.scatter [tilespmem:s11], [sflag:$0x7], $0x3000, $0x38;
	[tilespmem:$0xC080] =	vst v63  }
0x374: {  	_ =	swait.ge [sflag:s9], $0x3000  }
0x375: {  	s7 =	sshrl.u32 s22, $0x3;
	[sflag:s9] =	ssyncset.done $0x0  }
0x376: {  	s7 =	sadd.s32 s30, s7;
	[sflag:s9] =	ssyncadd.s32 $0xFFFFD000  }
0x377: {  	[tilespmem:s11], [sflag:$0x3] =	stream.linear.gather [hbm4b:s7+s2], $0x3000, $0x38;
	[tilespmem:$0xC080] =	vst v63  }
0x378: {  	_ =	swait.ge [sflag:s13], $0x3000  }
0x379: {  	[sflag:s13] =	ssyncset.done $0x0  }
0x37a: {  	s24 =	smul.u32 $0x3000, s19;
	s23 =	rddreg [dreg:$0x17];
	[sflag:s13] =	ssyncadd.s32 $0xFFFFD000  }
0x37b: {  	[hbm4b:s23+s2] =	stream.linear.scatter [tilespmem:s16], [sflag:$0x8], $0x3000, $0x38;
	[tilespmem:$0xC080] =	vst v63  }
0x37c: {  	_ =	swait.ge [sflag:s20], $0x3000  }
0x37d: {  	s6 =	sshrl.u32 s24, $0x3;
	[sflag:s20] =	ssyncset.done $0x0  }
0x37e: {  	s6 =	sadd.s32 s30, s6;
	[sflag:s20] =	ssyncadd.s32 $0xFFFFD000  }
0x37f: {  	[tilespmem:s16], [sflag:$0x4] =	stream.linear.gather [hbm4b:s6+s2], $0x3000, $0x38;
	[tilespmem:$0xC080] =	vst v63  }
0x380: {  	_ =	swait.ge [sflag:s14], $0x3000  }
0x381: {  	[sflag:s14] =	ssyncset.done $0x0;
	s28 =	sld [smem:$0x7E8]  }
0x382: {  	s25 =	rddreg [dreg:$0x18];
	[sflag:s14] =	ssyncadd.s32 $0xFFFFD000  }
0x383: {  	[hbm4b:s25+s2] =	stream.linear.scatter [tilespmem:s17], [sflag:$0x5], $0x3000, $0x38;
	[tilespmem:$0xC080] =	vst v63  }
0x384: {  	s5 =	smul.u32 $0x3000, s28  }
0x385: {  	_ =	swait.ge [sflag:s3], $0x3000  }
0x386: {  	[sflag:s3] =	ssyncset.done $0x0;
	s5 =	sshrl.u32 s5, $0x3  }
0x387: {  	[sflag:s3] =	ssyncadd.s32 $0xFFFFD000;
	s5 =	sadd.s32 s30, s5  }
0x388: {  	[tilespmem:s17], [sflag:$0x1] =	stream.linear.gather [hbm4b:s5+s2], $0x3000, $0x38;
	[tilespmem:$0xC080] =	vst v63  }
0x389: {  	_ =	swait.ge [sflag:s10], $0x3000  }
0x38a: {  	[sflag:s10] =	ssyncset.done $0x0  }
0x38b: {  	s4 =	smul.u32 $0x3000, s4;
	s29 =	rddreg [dreg:$0x19];
	[sflag:s10] =	ssyncadd.s32 $0xFFFFD000  }
0x38c: {  	[hbm4b:s29+s2] =	stream.linear.scatter [tilespmem:s12], [sflag:$0x6], $0x3000, $0x38;
	[tilespmem:$0xC080] =	vst v63  }
0x38d: {  	_ =	swait.ge [sflag:s26], $0x3000  }
0x38e: {  	s4 =	sshrl.u32 s4, $0x3;
	[sflag:s26] =	ssyncset.done $0x0  }
0x38f: {  	s4 =	sadd.s32 s30, s4;
	[sflag:s26] =	ssyncadd.s32 $0xFFFFD000  }
0x390: {  	[tilespmem:s12], [sflag:$0x2] =	stream.linear.gather [hbm4b:s4+s2], $0x3000, $0x38;
	[tilespmem:$0xC080] =	vst v63  }
0x391: {  	_ =	swait.ge [sflag:s15], $0x3000  }
0x392: {  	[sflag:s15] =	ssyncset.done $0x0;
	s5 =	sld [smem:$0x7E9]  }
0x393: {  	s31 =	rddreg [dreg:$0x1a];
	[sflag:s15] =	ssyncadd.s32 $0xFFFFD000  }
0x394: {  	[hbm4b:s31+s2] =	stream.linear.scatter [tilespmem:s11], [sflag:$0x7], $0x3000, $0x38;
	[tilespmem:$0xC080] =	vst v63  }
0x395: {  	s4 =	smul.u32 $0x3000, s5  }
0x396: {  	_ =	swait.ge [sflag:s9], $0x3000  }
0x397: {  	[sflag:s9] =	ssyncset.done $0x0;
	s4 =	sshrl.u32 s4, $0x3  }
0x398: {  	[sflag:s9] =	ssyncadd.s32 $0xFFFFD000;
	s4 =	sadd.s32 s30, s4  }
0x399: {  	[tilespmem:s11], [sflag:$0x3] =	stream.linear.gather [hbm4b:s4+s2], $0x3000, $0x38;
	[tilespmem:$0xC080] =	vst v63  }
0x39a: {  	_ =	swait.ge [sflag:s13], $0x3000  }
0x39b: {  	[sflag:s13] =	ssyncset.done $0x0;
	s7 =	sld [smem:$0x7EA]  }
0x39c: {  	s6 =	rddreg [dreg:$0x1b];
	[sflag:s13] =	ssyncadd.s32 $0xFFFFD000  }
0x39d: {  	[hbm4b:s6+s2] =	stream.linear.scatter [tilespmem:s16], [sflag:$0x8], $0x3000, $0x38;
	[tilespmem:$0xC080] =	vst v63  }
0x39e: {  	s4 =	smul.u32 $0x3000, s7  }
0x39f: {  	_ =	swait.ge [sflag:s20], $0x3000  }
0x3a0: {  	[sflag:s20] =	ssyncset.done $0x0;
	s4 =	sshrl.u32 s4, $0x3  }
0x3a1: {  	[sflag:s20] =	ssyncadd.s32 $0xFFFFD000;
	s4 =	sadd.s32 s30, s4  }
0x3a2: {  	[tilespmem:s16], [sflag:$0x4] =	stream.linear.gather [hbm4b:s4+s2], $0x3000, $0x38;
	[tilespmem:$0xC080] =	vst v63  }
0x3a3: {  	_ =	swait.ge [sflag:s14], $0x3000  }
0x3a4: {  	[sflag:s14] =	ssyncset.done $0x0;
	s18 =	sld [smem:$0x7EB]  }
0x3a5: {  	s8 =	rddreg [dreg:$0x1c];
	[sflag:s14] =	ssyncadd.s32 $0xFFFFD000  }
0x3a6: {  	[hbm4b:s8+s2] =	stream.linear.scatter [tilespmem:s17], [sflag:$0x5], $0x3000, $0x38;
	[tilespmem:$0xC080] =	vst v63  }
0x3a7: {  	s4 =	smul.u32 $0x3000, s18  }
0x3a8: {  	_ =	swait.ge [sflag:s3], $0x3000  }
0x3a9: {  	[sflag:s3] =	ssyncset.done $0x0;
	s4 =	sshrl.u32 s4, $0x3  }
0x3aa: {  	[sflag:s3] =	ssyncadd.s32 $0xFFFFD000;
	s4 =	sadd.s32 s30, s4  }
0x3ab: {  	[tilespmem:s17], [sflag:$0x1] =	stream.linear.gather [hbm4b:s4+s2], $0x3000, $0x38;
	[tilespmem:$0xC080] =	vst v63  }
0x3ac: {  	_ =	swait.ge [sflag:s10], $0x3000  }
0x3ad: {  	[sflag:s10] =	ssyncset.done $0x0  }
0x3ae: {  	s21 =	smul.u32 $0x3000, s1;
	s19 =	rddreg [dreg:$0x1d];
	[sflag:s10] =	ssyncadd.s32 $0xFFFFD000  }
0x3af: {  	[hbm4b:s19+s2] =	stream.linear.scatter [tilespmem:s12], [sflag:$0x6], $0x3000, $0x38;
	[tilespmem:$0xC080] =	vst v63  }
0x3b0: {  	_ =	swait.ge [sflag:s26], $0x3000  }
0x3b1: {  	s4 =	sshrl.u32 s21, $0x3;
	[sflag:s26] =	ssyncset.done $0x0  }
0x3b2: {  	s4 =	sadd.s32 s30, s4;
	[sflag:s26] =	ssyncadd.s32 $0xFFFFD000  }
0x3b3: {  	[tilespmem:s12], [sflag:$0x2] =	stream.linear.gather [hbm4b:s4+s2], $0x3000, $0x38;
	[tilespmem:$0xC080] =	vst v63  }
0x3b4: {  	_ =	swait.ge [sflag:s15], $0x3000  }
0x3b5: {  	[sflag:s15] =	ssyncset.done $0x0;
	s23 =	sld [smem:$0x7EC]  }
0x3b6: {  	s22 =	rddreg [dreg:$0x1e];
	[sflag:s15] =	ssyncadd.s32 $0xFFFFD000  }
0x3b7: {  	[hbm4b:s22+s2] =	stream.linear.scatter [tilespmem:s11], [sflag:$0x7], $0x3000, $0x38;
	[tilespmem:$0xC080] =	vst v63  }
0x3b8: {  	s1 =	smul.u32 $0x3000, s23  }
0x3b9: {  	_ =	swait.ge [sflag:s9], $0x3000  }
0x3ba: {  	[sflag:s9] =	ssyncset.done $0x0;
	s1 =	sshrl.u32 s1, $0x3  }
0x3bb: {  	[sflag:s9] =	ssyncadd.s32 $0xFFFFD000;
	s1 =	sadd.s32 s30, s1  }
0x3bc: {  	[tilespmem:s11], [sflag:$0x3] =	stream.linear.gather [hbm4b:s1+s2], $0x3000, $0x38;
	[tilespmem:$0xC080] =	vst v63  }
0x3bd: {  	_ =	swait.ge [sflag:s13], $0x3000  }
0x3be: {  	[sflag:s13] =	ssyncset.done $0x0  }
0x3bf: {  	s0 =	smul.u32 $0x3000, s0;
	s24 =	rddreg [dreg:$0x1f];
	[sflag:s13] =	ssyncadd.s32 $0xFFFFD000  }
0x3c0: {  	[hbm4b:s24+s2] =	stream.linear.scatter [tilespmem:s16], [sflag:$0x8], $0x3000, $0x38;
	[tilespmem:$0xC080] =	vst v63  }
0x3c1: {  	_ =	swait.ge [sflag:s20], $0x3000  }
0x3c2: {  	s0 =	sshrl.u32 s0, $0x3;
	[sflag:s20] =	ssyncset.done $0x0  }
0x3c3: {  	s0 =	sadd.s32 s30, s0;
	[sflag:s20] =	ssyncadd.s32 $0xFFFFD000  }
0x3c4: {  	[tilespmem:s16], [sflag:$0x4] =	stream.linear.gather [hbm4b:s0+s2], $0x3000, $0x38;
	[tilespmem:$0xC080] =	vst v63  }
0x3c5: {  	_ =	swait.ge [sflag:s14], $0x3000  }
0x3c6: {  	s25 =	sld [smem:$0x7FA]  }
0x3c7: {  	[sflag:s14] =	ssyncset.done $0x0  }
0x3c8: {  	[sflag:s14] =	ssyncadd.s32 $0xFFFFD000  }
0x3c9: {  	[hbm4b:s25+s2] =	stream.linear.scatter [tilespmem:s17], [sflag:$0x5], $0x3000, $0x38;
	[tilespmem:$0xC080] =	vst v63  }
0x3ca: {  	_ =	swait.ge [sflag:s3], $0x3000  }
0x3cb: {  	[sflag:s3] =	ssyncset.done $0x0  }
0x3cc: {  	[sflag:s3] =	ssyncadd.s32 $0xFFFFD000  }
0x3cd: {  	_ =	swait.ge [sflag:s10], $0x3000  }
0x3ce: {  	s28 =	sld [smem:$0x7FB]  }
0x3cf: {  	[sflag:s10] =	ssyncset.done $0x0  }
0x3d0: {  	[sflag:s10] =	ssyncadd.s32 $0xFFFFD000  }
0x3d1: {  	[hbm4b:s28+s2] =	stream.linear.scatter [tilespmem:s12], [sflag:$0x6], $0x3000, $0x38;
	[tilespmem:$0xC080] =	vst v63  }
0x3d2: {  	_ =	swait.ge [sflag:s26], $0x3000  }
0x3d3: {  	[sflag:s26] =	ssyncset.done $0x0  }
0x3d4: {  	[sflag:s26] =	ssyncadd.s32 $0xFFFFD000  }
0x3d5: {  	_ =	swait.ge [sflag:s15], $0x3000  }
0x3d6: {  	s29 =	sld [smem:$0x7FC]  }
0x3d7: {  	[sflag:s15] =	ssyncset.done $0x0  }
0x3d8: {  	[sflag:s15] =	ssyncadd.s32 $0xFFFFD000  }
0x3d9: {  	[hbm4b:s29+s2] =	stream.linear.scatter [tilespmem:s11], [sflag:$0x7], $0x3000, $0x38;
	[tilespmem:$0xC080] =	vst v63  }
0x3da: {  	_ =	swait.ge [sflag:s9], $0x3000  }
0x3db: {  	[sflag:s9] =	ssyncset.done $0x0  }
0x3dc: {  	[sflag:s9] =	ssyncadd.s32 $0xFFFFD000  }
0x3dd: {  	_ =	swait.ge [sflag:s13], $0x3000  }
0x3de: {  	s30 =	sld [smem:$0x7FD]  }
0x3df: {  	[sflag:s13] =	ssyncset.done $0x0  }
0x3e0: {  	[sflag:s13] =	ssyncadd.s32 $0xFFFFD000  }
0x3e1: {  	[hbm4b:s30+s2] =	stream.linear.scatter [tilespmem:s16], [sflag:$0x8], $0x3000, $0x38;
	[tilespmem:$0xC080] =	vst v63  }
0x3e2: {  	_ =	swait.ge [sflag:s20], $0x3000  }
0x3e3: {  	[sflag:s20] =	ssyncset.done $0x0  }
0x3e4: {  	[sflag:s20] =	ssyncadd.s32 $0xFFFFD000  }
0x3e5: {  	_ =	sfence.sel $0x180000  }
0x3e6: {  	[bflag:$0x0] =	sbarrier.arrive $0xFFFF  }
0x3e7: {  	_ =	strace $0x90000047  }
0x3e8: {  	s31 =	stileid.u32;
	[bflag:$0x2] =	sbarrier.arrive $0xFFFF  }
0x3e9: {  	p0 =	sne.s32 s31, $0x0;
	s0 =	rddreg [dreg:$0x3]  }
0x3ea: {  	s0 =	sadd.s32 @!p0 $0x100000, s0  }
0x3eb: {  	[sflag:s0] =	ssyncadd.tile.s32 @!p0 $0x1;
	_ =	shalt  }
.LBB2_6:
.Ltmp3:
0x3ec: {  	(pc) =	sbr.rel .LBB2_5-.Ltmp3, $2  }
0x3ed: {  	_ =	sdelay $0x2  }
0x3ee: {  	s16 =	sld [smem:$0x7F2];
	s1 =	simm.s32 $0x9  }
.Lfunc_end2:
_tile_overlayer_lowered:
.L_overlay_start_2:
0x3ef: {  	(tag) =	ssettag $0x2  }
0x3f0: {  	s0 =	rddreg [dreg:$0x0];
	s2 =	stileid.u32  }
0x3f1: {  	s1 =	rddreg [dreg:$0x1];
	p0 =	sne.s32 s2, $0x0  }
0x3f2: {  	s3 =	rddreg [dreg:$0x2];
	[bflag:$0x3] =	sbarrier.arrive $0xFFFF;
	s2 =	simm.s32 @!p0 $0x1C09  }
0x3f3: {  	[timem:s3], [sflag:s2] =	dma.local @!p0 [hbm:s0], s1  }
0x3f4: {  	s0 =	simm.s32 @!p0 $0x9  }
0x3f5: {  	_ =	swait.ge @!p0 [sflag:s0], s1  }
0x3f6: {  	s1 =	ssub.s32 @!p0 $0x0, s1;
	[sflag:s0] =	ssyncset.done @!p0 $0x0  }
0x3f7: {  	[sflag:s0] =	ssyncadd.s32 @!p0 s1  }
0x3f8: {  	[bflag:$0x3] =	sbarrier.arrive $0xFFFF  }
0x3f9: {  	_ =	shalt  }

</sc_bundles>
